<compile_context>
chip_gen: v7x
topology: tpu7x:2x2x1
jax: 0.10.2.dev20260603
libtpu: 0.0.44.dev20260713+nightly
codegen_flags: <defaults>
</compile_context>

<pallas_src>
import functools

import jax
import jax.numpy as jnp
from jax import lax
from jax.experimental import pallas as pl
from jax.experimental.pallas import tpu as pltpu
from jax.experimental.pallas import tpu_sc as plsc

_NC = 2
_NS = 16
_F = 128
_EC = 120
_RPC = 80
_DUMP = 8

_BM = 1000


def _sc_mesh():
    return plsc.VectorSubcoreMesh(
        core_axis_name="c", subcore_axis_name="s",
        num_cores=_NC, num_subcores=_NS)


@functools.lru_cache(maxsize=None)
def _make_spmm(nf, n, ep):
    ew = ep // _NS
    nch = ew // _EC
    nrow_chunks = n // _RPC
    rounds = -(-nrow_chunks // _NS)

    @functools.partial(
        pl.kernel,
        out_type=[jax.ShapeDtypeStruct((n, _F), jnp.float32)
                  for _ in range(nf)],
        mesh=_sc_mesh(),
        scratch_types=[
            pltpu.VMEM((2, _EC), jnp.int32),
            pltpu.VMEM((2, _EC), jnp.int32),
            pltpu.VMEM((_EC, _F), jnp.float32),
            pltpu.VMEM((_EC, _F), jnp.float32),
            pltpu.VMEM((_RPC, _F), jnp.float32),
            pltpu.VMEM_SHARED((n + _DUMP, _F), jnp.float32),
            pltpu.SemaphoreType.DMA,
            pltpu.SemaphoreType.DMA,
            pltpu.SemaphoreType.DMA,
            pltpu.SemaphoreType.DMA,
        ],
    )
    def spmm(*refs):
        tables = refs[:nf]
        ei_hbm = refs[nf]
        outs = refs[nf + 1:2 * nf + 1]
        (ibufa, ibufb, rowsa, rowsb, stage, acc,
         gsa, gsb, ssa, ssb) = refs[2 * nf + 1:]
        cid = lax.axis_index("c")
        sid = lax.axis_index("s")
        cbase = sid * nch

        for fc in range(nf):
            tab = tables[fc]
            out = outs[fc]

            @pl.when(cid == (fc % _NC))
            def _(tab=tab, out=out):
                def init_body(r, carry):
                    c = r * _NS + sid

                    @pl.when(c < nrow_chunks)
                    def _():
                        off = c * _RPC
                        pltpu.sync_copy(tab.at[pl.ds(off, _RPC)], stage)
                        pltpu.sync_copy(stage, acc.at[pl.ds(off, _RPC)])
                    return carry
                lax.fori_loop(0, rounds, init_body, 0)
                plsc.subcore_barrier()

                pltpu.sync_copy(ei_hbm.at[cbase], ibufa)
                pltpu.async_copy(tab.at[ibufa.at[0]], rowsa, gsa)

                def chunk_body(k2, carry):
                    @pl.when(k2 > 0)
                    def _():
                        pltpu.make_async_copy(
                            rowsb, acc.at[ibufb.at[1]], ssb).wait()
                    pltpu.sync_copy(ei_hbm.at[cbase + 2 * k2 + 1], ibufb)
                    pltpu.async_copy(tab.at[ibufb.at[0]], rowsb, gsb)

                    pltpu.make_async_copy(tab.at[ibufa.at[0]], rowsa,
                                          gsa).wait()
                    pltpu.async_copy(rowsa, acc.at[ibufa.at[1]], ssa,
                                     add=True)

                    @pl.when(k2 + 1 < nch // 2)
                    def _():
                        pltpu.make_async_copy(
                            rowsa, acc.at[ibufa.at[1]], ssa).wait()
                        pltpu.sync_copy(ei_hbm.at[cbase + 2 * k2 + 2], ibufa)
                        pltpu.async_copy(tab.at[ibufa.at[0]], rowsa, gsa)

                    pltpu.make_async_copy(tab.at[ibufb.at[0]], rowsb,
                                          gsb).wait()
                    pltpu.async_copy(rowsb, acc.at[ibufb.at[1]], ssb,
                                     add=True)
                    return carry
                lax.fori_loop(0, nch // 2, chunk_body, 0)
                pltpu.make_async_copy(rowsa, acc.at[ibufa.at[1]], ssa).wait()
                pltpu.make_async_copy(rowsb, acc.at[ibufb.at[1]], ssb).wait()
                plsc.subcore_barrier()

                def out_body(r, carry):
                    c = r * _NS + sid

                    @pl.when(c < nrow_chunks)
                    def _():
                        off = c * _RPC
                        pltpu.sync_copy(acc.at[pl.ds(off, _RPC)], stage)
                        pltpu.sync_copy(stage, out.at[pl.ds(off, _RPC)])
                    return carry
                lax.fori_loop(0, rounds, out_body, 0)
                plsc.subcore_barrier()

    return spmm


@functools.lru_cache(maxsize=None)
def _make_deg(n, ep):
    ew = ep // (_NC * _NS)
    nch = ew // _EC
    nrow_chunks = n // _RPC
    rounds = -(-nrow_chunks // _NS)

    @functools.partial(
        pl.kernel,
        out_type=[jax.ShapeDtypeStruct((n, _F), jnp.float32)
                  for _ in range(_NC)],
        mesh=_sc_mesh(),
        scratch_types=[
            pltpu.VMEM((_EC,), jnp.int32),
            pltpu.VMEM((_EC, _F), jnp.float32),
            pltpu.VMEM((_RPC, _F), jnp.float32),
            pltpu.VMEM_SHARED((n + _DUMP, _F), jnp.float32),
        ],
    )
    def deg(tab, dst_hbm, out0, out1, idst, ones_v, stage, acc):
        cid = lax.axis_index("c")
        sid = lax.axis_index("s")
        ebase = (cid * _NS + sid) * ew
        pltpu.sync_copy(tab.at[pl.ds(0, _EC)], ones_v)

        def init_body(r, carry):
            c = r * _NS + sid

            @pl.when(c < nrow_chunks)
            def _():
                off = c * _RPC
                pltpu.sync_copy(tab.at[pl.ds(off, _RPC)], stage)
                pltpu.sync_copy(stage, acc.at[pl.ds(off, _RPC)])
            return carry
        lax.fori_loop(0, rounds, init_body, 0)
        plsc.subcore_barrier()

        def chunk_body(k, carry):
            e0 = ebase + k * _EC
            pltpu.sync_copy(dst_hbm.at[pl.ds(e0, _EC)], idst)
            pltpu.sync_copy(ones_v, acc.at[idst], add=True)
            return carry
        lax.fori_loop(0, nch, chunk_body, 0)
        plsc.subcore_barrier()

        def out_body(r, carry):
            c = r * _NS + sid

            @pl.when(c < nrow_chunks)
            def _():
                off = c * _RPC
                pltpu.sync_copy(acc.at[pl.ds(off, _RPC)], stage)

                @pl.when(cid == 0)
                def _():
                    pltpu.sync_copy(stage, out0.at[pl.ds(off, _RPC)])

                @pl.when(cid == 1)
                def _():
                    pltpu.sync_copy(stage, out1.at[pl.ds(off, _RPC)])
            return carry
        lax.fori_loop(0, rounds, out_body, 0)
        plsc.subcore_barrier()

    return deg


@functools.lru_cache(maxsize=None)
def _make_prep(n):
    def body(dega_ref, degb_ref, x_ref, dinv_ref, p0a_ref, p0b_ref):
        deg = dega_ref[:, 0:1] + degb_ref[:, 0:1] - 1.0
        dinv = lax.rsqrt(deg)
        dinv_ref[...] = dinv
        p0a_ref[...] = x_ref[:, :_F] * dinv
        p0b_ref[...] = x_ref[:, _F:] * dinv

    return pl.pallas_call(
        body,
        grid=(n // _BM,),
        in_specs=[
            pl.BlockSpec((_BM, _F), lambda i: (i, 0)),
            pl.BlockSpec((_BM, _F), lambda i: (i, 0)),
            pl.BlockSpec((_BM, 2 * _F), lambda i: (i, 0)),
        ],
        out_specs=[
            pl.BlockSpec((_BM, 1), lambda i: (i, 0)),
            pl.BlockSpec((_BM, _F), lambda i: (i, 0)),
            pl.BlockSpec((_BM, _F), lambda i: (i, 0)),
        ],
        out_shape=[
            jax.ShapeDtypeStruct((n, 1), jnp.float32),
            jax.ShapeDtypeStruct((n, _F), jnp.float32),
            jax.ShapeDtypeStruct((n, _F), jnp.float32),
        ],
    )


@functools.lru_cache(maxsize=None)
def _make_mm(n, nf_in, nf_out, scaled, use_tanh):
    k_dim = nf_in * _F
    n_dim = nf_out * _F

    def body(*refs):
        parts = refs[:nf_in]
        i = nf_in
        if scaled:
            dinv_ref = refs[i]; i += 1
            b_ref = refs[i]; i += 1
        w_ref = refs[i]; i += 1
        outs = refs[i:]
        lhs = jnp.concatenate([p[...] for p in parts], axis=1)
        res = jnp.dot(lhs, w_ref[...],
                      preferred_element_type=jnp.float32,
                      precision=lax.Precision.HIGHEST)
        if scaled:
            dinv = dinv_ref[...]
            res = res * dinv + b_ref[...]
            if use_tanh:
                res = jnp.tanh(res) * dinv
        for j in range(nf_out):
            outs[j][...] = res[:, j * _F:(j + 1) * _F]

    in_specs = [pl.BlockSpec((_BM, _F), lambda i: (i, 0))
                for _ in range(nf_in)]
    if scaled:
        in_specs.append(pl.BlockSpec((_BM, 1), lambda i: (i, 0)))
        in_specs.append(pl.BlockSpec((1, n_dim), lambda i: (0, 0)))
    in_specs.append(pl.BlockSpec((k_dim, n_dim), lambda i: (0, 0)))

    return pl.pallas_call(
        body,
        grid=(n // _BM,),
        in_specs=in_specs,
        out_specs=[pl.BlockSpec((_BM, _F), lambda i: (i, 0))
                   for _ in range(nf_out)],
        out_shape=[jax.ShapeDtypeStruct((n, _F), jnp.float32)
                   for _ in range(nf_out)],
    )


@functools.lru_cache(maxsize=None)
def _make_final(n):
    def body(sa_ref, sb_ref, dinv_ref, b_ref, out_ref):
        s = jnp.concatenate([sa_ref[...], sb_ref[...]], axis=1)
        out_ref[...] = s * dinv_ref[...] + b_ref[...]

    return pl.pallas_call(
        body,
        grid=(n // _BM,),
        in_specs=[
            pl.BlockSpec((_BM, _F), lambda i: (i, 0)),
            pl.BlockSpec((_BM, _F), lambda i: (i, 0)),
            pl.BlockSpec((_BM, 1), lambda i: (i, 0)),
            pl.BlockSpec((1, 2 * _F), lambda i: (0, 0)),
        ],
        out_specs=pl.BlockSpec((_BM, 2 * _F), lambda i: (i, 0)),
        out_shape=jax.ShapeDtypeStruct((n, 2 * _F), jnp.float32),
    )


def kernel(x, edge_index, W1, b1, W2, b2, W3, b3):
    n = x.shape[0]
    e = edge_index.shape[1]

    ep = -(-e // (_NC * _NS * _EC)) * (_NC * _NS * _EC)
    ei = edge_index.astype(jnp.int32)
    pad = jnp.concatenate([
        jnp.zeros((1, ep - e), jnp.int32),
        jnp.full((1, ep - e), n, jnp.int32),
    ], axis=0)
    ei = jnp.concatenate([ei, pad], axis=1)
    dst = ei[1]
    ei = jnp.stack([ei[0].reshape(-1, _EC), ei[1].reshape(-1, _EC)], axis=1)

    ones_tab = jnp.ones((n, _F), dtype=jnp.float32)
    dega, degb = _make_deg(n, ep)(ones_tab, dst)

    dinv, p0a, p0b = _make_prep(n)(dega, degb, x)

    s0 = _make_spmm(2, n, ep)(p0a, p0b, ei)
    p1 = _make_mm(n, 2, 4, True, True)(*s0, dinv, b1.reshape(1, -1), W1)
    s1 = _make_spmm(4, n, ep)(*p1, ei)
    p2 = _make_mm(n, 4, 4, True, True)(*s1, dinv, b2.reshape(1, -1), W2)
    g = _make_mm(n, 4, 2, False, False)(*p2, W3)
    s2 = _make_spmm(2, n, ep)(*g, ei)
    out = _make_final(n)(*s2, dinv, b3.reshape(1, -1))
    return out

# --- scband reference (transcript-rebuilt; emitter-appended) ---
"""Pipeline reference for scband-combined-hidden-gcvaedecoder-16286515987221 (READ-ONLY COPY).

The authoritative reference and input builder live on the scoring server;
editing this copy changes nothing except your own understanding.
"""

import jax, jax.numpy as jnp
import numpy as np

N = 10000
E = 160000
DIN = 256
DH = 512
DOUT = 256


def setup_inputs(seed: int = 0) -> dict:
    key = jax.random.key(seed)
    ks = jax.random.split(key, 8)
    x = jax.random.normal(ks[0], (N, DIN), dtype=jnp.float32)
    edge_index = jax.random.randint(ks[1], (2, E), 0, N)
    W1 = jax.random.normal(ks[2], (DIN, DH), dtype=jnp.float32) * (1.0 / np.sqrt(DIN))
    b1 = jnp.zeros((DH,), dtype=jnp.float32)
    W2 = jax.random.normal(ks[3], (DH, DH), dtype=jnp.float32) * (1.0 / np.sqrt(DH))
    b2 = jnp.zeros((DH,), dtype=jnp.float32)
    W3 = jax.random.normal(ks[4], (DH, DOUT), dtype=jnp.float32) * (1.0 / np.sqrt(DH))
    b3 = jnp.zeros((DOUT,), dtype=jnp.float32)
    return {"x": x, "edge_index": edge_index, "W1": W1, "b1": b1, "W2": W2, "b2": b2, "W3": W3, "b3": b3}


def _gcn_conv(x, edge_index, W, b, n_nodes):
    # PyG GCNConv with add_self_loops=True, symmetric normalization, bias
    src = edge_index[0]
    dst = edge_index[1]
    loop = jnp.arange(n_nodes, dtype=src.dtype)
    src = jnp.concatenate([src, loop])
    dst = jnp.concatenate([dst, loop])
    xw = x @ W
    deg = jnp.zeros((n_nodes,), dtype=xw.dtype).at[dst].add(1.0)
    dinv = jax.lax.rsqrt(deg)
    dinv = jnp.where(jnp.isfinite(dinv), dinv, 0.0)
    norm = dinv[src] * dinv[dst]
    msg = xw[src] * norm[:, None]
    out = jnp.zeros((n_nodes, W.shape[1]), dtype=xw.dtype).at[dst].add(msg)
    return out + b


def reference(x, edge_index, W1, b1, W2, b2, W3, b3):
    n = x.shape[0]
    h = jnp.tanh(_gcn_conv(x, edge_index, W1, b1, n))
    h = jnp.tanh(_gcn_conv(h, edge_index, W2, b2, n))
    out = _gcn_conv(h, edge_index, W3, b3, n)
    return out

if __name__ == "__main__":
    import jax
    _d = setup_inputs()
    print(jax.jit(kernel)(*tuple(_d.values())))

</pallas_src>

<mosaic_0001>
#map = affine_map<(d0, d1) -> (0, 0)>
#map1 = affine_map<(d0, d1) -> (0, 0, 0)>
module attributes {stable_mosaic.version = 14 : i64} {
  func.func @spmm(%arg0: i32, %arg1: i32, %arg2: memref<10000x128xf32, #tpu.memory_space<hbm>>, %arg3: memref<10000x128xf32, #tpu.memory_space<hbm>>, %arg4: memref<10000x128xf32, #tpu.memory_space<hbm>>, %arg5: memref<10000x128xf32, #tpu.memory_space<hbm>>, %arg6: memref<1344x2x120xi32, #tpu.memory_space<hbm>>, %arg7: memref<10000x128xf32, #tpu.memory_space<hbm>>, %arg8: memref<10000x128xf32, #tpu.memory_space<hbm>>, %arg9: memref<10000x128xf32, #tpu.memory_space<hbm>>, %arg10: memref<10000x128xf32, #tpu.memory_space<hbm>>, %arg11: memref<2x120xi32, #tpu.memory_space<vmem>>, %arg12: memref<2x120xi32, #tpu.memory_space<vmem>>, %arg13: memref<120x128xf32, #tpu.memory_space<vmem>>, %arg14: memref<120x128xf32, #tpu.memory_space<vmem>>, %arg15: memref<80x128xf32, #tpu.memory_space<vmem>>, %arg16: memref<10008x128xf32, #tpu.memory_space<vmem_shared>>, %arg17: memref<!tpu.dma_semaphore, #tpu.memory_space<semaphore_mem>>, %arg18: memref<!tpu.dma_semaphore, #tpu.memory_space<semaphore_mem>>, %arg19: memref<!tpu.dma_semaphore, #tpu.memory_space<semaphore_mem>>, %arg20: memref<!tpu.dma_semaphore, #tpu.memory_space<semaphore_mem>>) attributes {dimension_semantics = [#tpu.dimension_semantics<core_parallel>, #tpu.dimension_semantics<subcore_parallel>], iteration_bounds = array<i64: 2, 16>, scalar_prefetch = 0 : i64, scratch_operands = 10 : i64, tpu.core_type = #tpu.core_type<sc_vector_subcore>, window_params = [{transform_indices = #map}, {transform_indices = #map}, {transform_indices = #map}, {transform_indices = #map}, {transform_indices = #map1}, {transform_indices = #map}, {transform_indices = #map}, {transform_indices = #map}, {transform_indices = #map}]} {
    %mul3A = arith.constant 84 : i32
    %mul3A_0 = arith.muli %arg1, %mul3A : i32
    %eq3A = arith.constant 0 : i32
    %eq3A_1 = arith.cmpi eq, %arg0, %eq3A : i32
    %convert_element_type3A = arith.extui %eq3A_1 : i1 to i32
    %cond3A = arith.constant 0 : i32
    %cond3A_2 = arith.cmpi ne, %convert_element_type3A, %cond3A : i32
    scf.if %cond3A_2 {
      %scan3A = arith.constant 0 : i32
      %scan3A_18 = arith.constant 0 : i32
      %scan3A_19 = arith.constant 8 : i32
      %scan3A_20 = arith.addi %scan3A_18, %scan3A_19 : i32
      %scan3A_21 = arith.constant 1 : i32
      scf.for %scan3A_56 = %scan3A_18 to %scan3A_20 step %scan3A_21  : i32 {
        %mul3A_57 = arith.constant 16 : i32
        %mul3A_58 = arith.muli %scan3A_56, %mul3A_57 : i32
        %add3A = arith.addi %mul3A_58, %arg1 : i32
        %lt3A = arith.constant 125 : i32
        %lt3A_59 = arith.cmpi slt, %add3A, %lt3A : i32
        %convert_element_type3A_60 = arith.extui %lt3A_59 : i1 to i32
        %cond3A_61 = arith.constant 0 : i32
        %cond3A_62 = arith.cmpi ne, %convert_element_type3A_60, %cond3A_61 : i32
        scf.if %cond3A_62 {
          %mul3A_63 = arith.constant 80 : i32
          %mul3A_64 = arith.muli %add3A, %mul3A_63 : i32
          "tpu.region"() ({
            %run_scoped3A = tpu.sem_alloc : memref<!tpu.dma_semaphore, #tpu.memory_space<semaphore_mem>>
            %dma_start3A_65 = arith.constant 0 : i32
            %dma_start3A_66 = tpu.memref_slice %arg2[%mul3A_64, %dma_start3A_65] : memref<10000x128xf32, #tpu.memory_space<hbm>> -> memref<80x128xf32, #tpu.memory_space<hbm>>
            %dma_start3A_67 = arith.constant 0 : i32
            %dma_start3A_68 = tpu.memref_slice %arg2[%mul3A_64, %dma_start3A_67] : memref<10000x128xf32, #tpu.memory_space<hbm>> -> memref<80x128xf32, #tpu.memory_space<hbm>>
            tpu.enqueue_dma source(%dma_start3A_68 : memref<80x128xf32, #tpu.memory_space<hbm>>) target(%arg15 : memref<80x128xf32, #tpu.memory_space<vmem>>) target_semaphore(%run_scoped3A : memref<!tpu.dma_semaphore, #tpu.memory_space<semaphore_mem>>)
            %dma_wait3A_69 = arith.constant 0 : i32
            %dma_wait3A_70 = tpu.memref_slice %arg2[%mul3A_64, %dma_wait3A_69] : memref<10000x128xf32, #tpu.memory_space<hbm>> -> memref<80x128xf32, #tpu.memory_space<hbm>>
            %dma_wait3A_71 = arith.constant 0 : i32
            %dma_wait3A_72 = tpu.memref_slice %arg2[%mul3A_64, %dma_wait3A_71] : memref<10000x128xf32, #tpu.memory_space<hbm>> -> memref<80x128xf32, #tpu.memory_space<hbm>>
            tpu.wait_dma2 semaphore(%run_scoped3A : memref<!tpu.dma_semaphore, #tpu.memory_space<semaphore_mem>>) src(%dma_wait3A_72 : memref<80x128xf32, #tpu.memory_space<hbm>>) dst(%arg15 : memref<80x128xf32, #tpu.memory_space<vmem>>)
            tpu.yield
          }) : () -> ()
          "tpu.region"() ({
            %run_scoped3A = tpu.sem_alloc : memref<!tpu.dma_semaphore, #tpu.memory_space<semaphore_mem>>
            %dma_start3A_65 = arith.constant 0 : i32
            %dma_start3A_66 = tpu.memref_slice %arg16[%mul3A_64, %dma_start3A_65] : memref<10008x128xf32, #tpu.memory_space<vmem_shared>> -> memref<80x128xf32, #tpu.memory_space<vmem_shared>>
            %dma_start3A_67 = arith.constant 0 : i32
            %dma_start3A_68 = tpu.memref_slice %arg16[%mul3A_64, %dma_start3A_67] : memref<10008x128xf32, #tpu.memory_space<vmem_shared>> -> memref<80x128xf32, #tpu.memory_space<vmem_shared>>
            tpu.enqueue_dma source(%arg15 : memref<80x128xf32, #tpu.memory_space<vmem>>) target(%dma_start3A_68 : memref<80x128xf32, #tpu.memory_space<vmem_shared>>) target_semaphore(%run_scoped3A : memref<!tpu.dma_semaphore, #tpu.memory_space<semaphore_mem>>)
            %dma_wait3A_69 = arith.constant 0 : i32
            %dma_wait3A_70 = tpu.memref_slice %arg16[%mul3A_64, %dma_wait3A_69] : memref<10008x128xf32, #tpu.memory_space<vmem_shared>> -> memref<80x128xf32, #tpu.memory_space<vmem_shared>>
            %dma_wait3A_71 = arith.constant 0 : i32
            %dma_wait3A_72 = tpu.memref_slice %arg16[%mul3A_64, %dma_wait3A_71] : memref<10008x128xf32, #tpu.memory_space<vmem_shared>> -> memref<80x128xf32, #tpu.memory_space<vmem_shared>>
            tpu.wait_dma2 semaphore(%run_scoped3A : memref<!tpu.dma_semaphore, #tpu.memory_space<semaphore_mem>>) src(%arg15 : memref<80x128xf32, #tpu.memory_space<vmem>>) dst(%dma_wait3A_72 : memref<80x128xf32, #tpu.memory_space<vmem_shared>>)
            tpu.yield
          }) : () -> ()
        } else {
        }
      }
      %scan3A_22 = arith.constant 8 : i32
      %barrier3A = arith.constant 0 : index
      tpu.barrier barrier_id(%barrier3A)
      "tpu.region"() ({
        %run_scoped3A = tpu.sem_alloc : memref<!tpu.dma_semaphore, #tpu.memory_space<semaphore_mem>>
        %dma_start3A_56 = arith.constant 0 : i32
        %dma_start3A_57 = arith.constant 0 : i32
        %dma_start3A_58 = tpu.memref_slice %arg6[%mul3A_0, %dma_start3A_56, %dma_start3A_57] : memref<1344x2x120xi32, #tpu.memory_space<hbm>> -> memref<1x2x120xi32, #tpu.memory_space<hbm>>
        %dma_start3A_59 = tpu.memref_squeeze %dma_start3A_58 : memref<1x2x120xi32, #tpu.memory_space<hbm>> -> memref<2x120xi32, #tpu.memory_space<hbm>>
        %dma_start3A_60 = arith.constant 0 : i32
        %dma_start3A_61 = arith.constant 0 : i32
        %dma_start3A_62 = tpu.memref_slice %arg6[%mul3A_0, %dma_start3A_60, %dma_start3A_61] : memref<1344x2x120xi32, #tpu.memory_space<hbm>> -> memref<1x2x120xi32, #tpu.memory_space<hbm>>
        %dma_start3A_63 = tpu.memref_squeeze %dma_start3A_62 : memref<1x2x120xi32, #tpu.memory_space<hbm>> -> memref<2x120xi32, #tpu.memory_space<hbm>>
        tpu.enqueue_dma source(%dma_start3A_63 : memref<2x120xi32, #tpu.memory_space<hbm>>) target(%arg11 : memref<2x120xi32, #tpu.memory_space<vmem>>) target_semaphore(%run_scoped3A : memref<!tpu.dma_semaphore, #tpu.memory_space<semaphore_mem>>)
        %dma_wait3A_64 = arith.constant 0 : i32
        %dma_wait3A_65 = arith.constant 0 : i32
        %dma_wait3A_66 = tpu.memref_slice %arg6[%mul3A_0, %dma_wait3A_64, %dma_wait3A_65] : memref<1344x2x120xi32, #tpu.memory_space<hbm>> -> memref<1x2x120xi32, #tpu.memory_space<hbm>>
        %dma_wait3A_67 = tpu.memref_squeeze %dma_wait3A_66 : memref<1x2x120xi32, #tpu.memory_space<hbm>> -> memref<2x120xi32, #tpu.memory_space<hbm>>
        %dma_wait3A_68 = arith.constant 0 : i32
        %dma_wait3A_69 = arith.constant 0 : i32
        %dma_wait3A_70 = tpu.memref_slice %arg6[%mul3A_0, %dma_wait3A_68, %dma_wait3A_69] : memref<1344x2x120xi32, #tpu.memory_space<hbm>> -> memref<1x2x120xi32, #tpu.memory_space<hbm>>
        %dma_wait3A_71 = tpu.memref_squeeze %dma_wait3A_70 : memref<1x2x120xi32, #tpu.memory_space<hbm>> -> memref<2x120xi32, #tpu.memory_space<hbm>>
        tpu.wait_dma2 semaphore(%run_scoped3A : memref<!tpu.dma_semaphore, #tpu.memory_space<semaphore_mem>>) src(%dma_wait3A_71 : memref<2x120xi32, #tpu.memory_space<hbm>>) dst(%arg11 : memref<2x120xi32, #tpu.memory_space<vmem>>)
        tpu.yield
      }) : () -> ()
      %dma_start3A = arith.constant 0 : i32
      %dma_start3A_23 = arith.constant 0 : i32
      %dma_start3A_24 = tpu.memref_slice %arg11[%dma_start3A, %dma_start3A_23] : memref<2x120xi32, #tpu.memory_space<vmem>> -> memref<1x120xi32, #tpu.memory_space<vmem>>
      %dma_start3A_25 = tpu.memref_squeeze %dma_start3A_24 : memref<1x120xi32, #tpu.memory_space<vmem>> -> memref<120xi32, #tpu.memory_space<vmem>>
      %dma_start3A_26 = arith.constant 0 : i32
      %dma_start3A_27 = arith.constant 0 : i32
      %dma_start3A_28 = tpu.memref_slice %arg2[%dma_start3A_26, %dma_start3A_27] : memref<10000x128xf32, #tpu.memory_space<hbm>> -> memref<10000x128xf32, #tpu.memory_space<hbm>>
      tpu.enqueue_indirect_dma source(%dma_start3A_28 : memref<10000x128xf32, #tpu.memory_space<hbm>>) target(%arg13 : memref<120x128xf32, #tpu.memory_space<vmem>>) offsets(%dma_start3A_25 : memref<120xi32, #tpu.memory_space<vmem>>) semaphore(%arg17 : memref<!tpu.dma_semaphore, #tpu.memory_space<semaphore_mem>>)
      %scan3A_29 = arith.constant 0 : i32
      %scan3A_30 = arith.constant 0 : i32
      %scan3A_31 = arith.constant 42 : i32
      %scan3A_32 = arith.addi %scan3A_30, %scan3A_31 : i32
      %scan3A_33 = arith.constant 1 : i32
      scf.for %scan3A_56 = %scan3A_30 to %scan3A_32 step %scan3A_33  : i32 {
        %gt3A = arith.constant 0 : i32
        %gt3A_57 = arith.cmpi sgt, %scan3A_56, %gt3A : i32
        %convert_element_type3A_58 = arith.extui %gt3A_57 : i1 to i32
        %cond3A_59 = arith.constant 0 : i32
        %cond3A_60 = arith.cmpi ne, %convert_element_type3A_58, %cond3A_59 : i32
        scf.if %cond3A_60 {
          %dma_wait3A_106 = arith.constant 1 : i32
          %dma_wait3A_107 = arith.constant 0 : i32
          %dma_wait3A_108 = tpu.memref_slice %arg12[%dma_wait3A_106, %dma_wait3A_107] : memref<2x120xi32, #tpu.memory_space<vmem>> -> memref<1x120xi32, #tpu.memory_space<vmem>>
          %dma_wait3A_109 = tpu.memref_squeeze %dma_wait3A_108 : memref<1x120xi32, #tpu.memory_space<vmem>> -> memref<120xi32, #tpu.memory_space<vmem>>
          %dma_wait3A_110 = arith.constant 0 : i32
          %dma_wait3A_111 = arith.constant 0 : i32
          %dma_wait3A_112 = tpu.memref_slice %arg16[%dma_wait3A_110, %dma_wait3A_111] : memref<10008x128xf32, #tpu.memory_space<vmem_shared>> -> memref<10008x128xf32, #tpu.memory_space<vmem_shared>>
          tpu.wait_indirect_dma semaphore(%arg20 : memref<!tpu.dma_semaphore, #tpu.memory_space<semaphore_mem>>) src(%arg14 : memref<120x128xf32, #tpu.memory_space<vmem>>) dst(%dma_wait3A_112 : memref<10008x128xf32, #tpu.memory_space<vmem_shared>>)
        } else {
        }
        %mul3A_61 = arith.constant 2 : i32
        %mul3A_62 = arith.muli %mul3A_61, %scan3A_56 : i32
        %add3A = arith.addi %mul3A_0, %mul3A_62 : i32
        %add3A_63 = arith.constant 1 : i32
        %add3A_64 = arith.addi %add3A, %add3A_63 : i32
        "tpu.region"() ({
          %run_scoped3A = tpu.sem_alloc : memref<!tpu.dma_semaphore, #tpu.memory_space<semaphore_mem>>
          %dma_start3A_106 = arith.constant 0 : i32
          %dma_start3A_107 = arith.constant 0 : i32
          %dma_start3A_108 = tpu.memref_slice %arg6[%add3A_64, %dma_start3A_106, %dma_start3A_107] : memref<1344x2x120xi32, #tpu.memory_space<hbm>> -> memref<1x2x120xi32, #tpu.memory_space<hbm>>
          %dma_start3A_109 = tpu.memref_squeeze %dma_start3A_108 : memref<1x2x120xi32, #tpu.memory_space<hbm>> -> memref<2x120xi32, #tpu.memory_space<hbm>>
          %dma_start3A_110 = arith.constant 0 : i32
          %dma_start3A_111 = arith.constant 0 : i32
          %dma_start3A_112 = tpu.memref_slice %arg6[%add3A_64, %dma_start3A_110, %dma_start3A_111] : memref<1344x2x120xi32, #tpu.memory_space<hbm>> -> memref<1x2x120xi32, #tpu.memory_space<hbm>>
          %dma_start3A_113 = tpu.memref_squeeze %dma_start3A_112 : memref<1x2x120xi32, #tpu.memory_space<hbm>> -> memref<2x120xi32, #tpu.memory_space<hbm>>
          tpu.enqueue_dma source(%dma_start3A_113 : memref<2x120xi32, #tpu.memory_space<hbm>>) target(%arg12 : memref<2x120xi32, #tpu.memory_space<vmem>>) target_semaphore(%run_scoped3A : memref<!tpu.dma_semaphore, #tpu.memory_space<semaphore_mem>>)
          %dma_wait3A_114 = arith.constant 0 : i32
          %dma_wait3A_115 = arith.constant 0 : i32
          %dma_wait3A_116 = tpu.memref_slice %arg6[%add3A_64, %dma_wait3A_114, %dma_wait3A_115] : memref<1344x2x120xi32, #tpu.memory_space<hbm>> -> memref<1x2x120xi32, #tpu.memory_space<hbm>>
          %dma_wait3A_117 = tpu.memref_squeeze %dma_wait3A_116 : memref<1x2x120xi32, #tpu.memory_space<hbm>> -> memref<2x120xi32, #tpu.memory_space<hbm>>
          %dma_wait3A_118 = arith.constant 0 : i32
          %dma_wait3A_119 = arith.constant 0 : i32
          %dma_wait3A_120 = tpu.memref_slice %arg6[%add3A_64, %dma_wait3A_118, %dma_wait3A_119] : memref<1344x2x120xi32, #tpu.memory_space<hbm>> -> memref<1x2x120xi32, #tpu.memory_space<hbm>>
          %dma_wait3A_121 = tpu.memref_squeeze %dma_wait3A_120 : memref<1x2x120xi32, #tpu.memory_space<hbm>> -> memref<2x120xi32, #tpu.memory_space<hbm>>
          tpu.wait_dma2 semaphore(%run_scoped3A : memref<!tpu.dma_semaphore, #tpu.memory_space<semaphore_mem>>) src(%dma_wait3A_121 : memref<2x120xi32, #tpu.memory_space<hbm>>) dst(%arg12 : memref<2x120xi32, #tpu.memory_space<vmem>>)
          tpu.yield
        }) : () -> ()
        %dma_start3A_65 = arith.constant 0 : i32
        %dma_start3A_66 = arith.constant 0 : i32
        %dma_start3A_67 = tpu.memref_slice %arg12[%dma_start3A_65, %dma_start3A_66] : memref<2x120xi32, #tpu.memory_space<vmem>> -> memref<1x120xi32, #tpu.memory_space<vmem>>
        %dma_start3A_68 = tpu.memref_squeeze %dma_start3A_67 : memref<1x120xi32, #tpu.memory_space<vmem>> -> memref<120xi32, #tpu.memory_space<vmem>>
        %dma_start3A_69 = arith.constant 0 : i32
        %dma_start3A_70 = arith.constant 0 : i32
        %dma_start3A_71 = tpu.memref_slice %arg2[%dma_start3A_69, %dma_start3A_70] : memref<10000x128xf32, #tpu.memory_space<hbm>> -> memref<10000x128xf32, #tpu.memory_space<hbm>>
        tpu.enqueue_indirect_dma source(%dma_start3A_71 : memref<10000x128xf32, #tpu.memory_space<hbm>>) target(%arg14 : memref<120x128xf32, #tpu.memory_space<vmem>>) offsets(%dma_start3A_68 : memref<120xi32, #tpu.memory_space<vmem>>) semaphore(%arg18 : memref<!tpu.dma_semaphore, #tpu.memory_space<semaphore_mem>>)
        %dma_wait3A_72 = arith.constant 0 : i32
        %dma_wait3A_73 = arith.constant 0 : i32
        %dma_wait3A_74 = tpu.memref_slice %arg11[%dma_wait3A_72, %dma_wait3A_73] : memref<2x120xi32, #tpu.memory_space<vmem>> -> memref<1x120xi32, #tpu.memory_space<vmem>>
        %dma_wait3A_75 = tpu.memref_squeeze %dma_wait3A_74 : memref<1x120xi32, #tpu.memory_space<vmem>> -> memref<120xi32, #tpu.memory_space<vmem>>
        %dma_wait3A_76 = arith.constant 0 : i32
        %dma_wait3A_77 = arith.constant 0 : i32
        %dma_wait3A_78 = tpu.memref_slice %arg2[%dma_wait3A_76, %dma_wait3A_77] : memref<10000x128xf32, #tpu.memory_space<hbm>> -> memref<10000x128xf32, #tpu.memory_space<hbm>>
        tpu.wait_indirect_dma semaphore(%arg17 : memref<!tpu.dma_semaphore, #tpu.memory_space<semaphore_mem>>) src(%dma_wait3A_78 : memref<10000x128xf32, #tpu.memory_space<hbm>>) dst(%arg13 : memref<120x128xf32, #tpu.memory_space<vmem>>)
        %dma_start3A_79 = arith.constant 1 : i32
        %dma_start3A_80 = arith.constant 0 : i32
        %dma_start3A_81 = tpu.memref_slice %arg11[%dma_start3A_79, %dma_start3A_80] : memref<2x120xi32, #tpu.memory_space<vmem>> -> memref<1x120xi32, #tpu.memory_space<vmem>>
        %dma_start3A_82 = tpu.memref_squeeze %dma_start3A_81 : memref<1x120xi32, #tpu.memory_space<vmem>> -> memref<120xi32, #tpu.memory_space<vmem>>
        %dma_start3A_83 = arith.constant 0 : i32
        %dma_start3A_84 = arith.constant 0 : i32
        %dma_start3A_85 = tpu.memref_slice %arg16[%dma_start3A_83, %dma_start3A_84] : memref<10008x128xf32, #tpu.memory_space<vmem_shared>> -> memref<10008x128xf32, #tpu.memory_space<vmem_shared>>
        tpu.enqueue_indirect_dma source(%arg13 : memref<120x128xf32, #tpu.memory_space<vmem>>) target(%dma_start3A_85 : memref<10008x128xf32, #tpu.memory_space<vmem_shared>>) offsets(%dma_start3A_82 : memref<120xi32, #tpu.memory_space<vmem>>) semaphore(%arg19 : memref<!tpu.dma_semaphore, #tpu.memory_space<semaphore_mem>>) {add = true}
        %add3A_86 = arith.constant 1 : i32
        %add3A_87 = arith.addi %scan3A_56, %add3A_86 : i32
        %lt3A = arith.constant 42 : i32
        %lt3A_88 = arith.cmpi slt, %add3A_87, %lt3A : i32
        %convert_element_type3A_89 = arith.extui %lt3A_88 : i1 to i32
        %cond3A_90 = arith.constant 0 : i32
        %cond3A_91 = arith.cmpi ne, %convert_element_type3A_89, %cond3A_90 : i32
        scf.if %cond3A_91 {
          %dma_wait3A_106 = arith.constant 1 : i32
          %dma_wait3A_107 = arith.constant 0 : i32
          %dma_wait3A_108 = tpu.memref_slice %arg11[%dma_wait3A_106, %dma_wait3A_107] : memref<2x120xi32, #tpu.memory_space<vmem>> -> memref<1x120xi32, #tpu.memory_space<vmem>>
          %dma_wait3A_109 = tpu.memref_squeeze %dma_wait3A_108 : memref<1x120xi32, #tpu.memory_space<vmem>> -> memref<120xi32, #tpu.memory_space<vmem>>
          %dma_wait3A_110 = arith.constant 0 : i32
          %dma_wait3A_111 = arith.constant 0 : i32
          %dma_wait3A_112 = tpu.memref_slice %arg16[%dma_wait3A_110, %dma_wait3A_111] : memref<10008x128xf32, #tpu.memory_space<vmem_shared>> -> memref<10008x128xf32, #tpu.memory_space<vmem_shared>>
          tpu.wait_indirect_dma semaphore(%arg19 : memref<!tpu.dma_semaphore, #tpu.memory_space<semaphore_mem>>) src(%arg13 : memref<120x128xf32, #tpu.memory_space<vmem>>) dst(%dma_wait3A_112 : memref<10008x128xf32, #tpu.memory_space<vmem_shared>>)
          %mul3A_113 = arith.constant 2 : i32
          %mul3A_114 = arith.muli %mul3A_113, %scan3A_56 : i32
          %add3A_115 = arith.addi %mul3A_0, %mul3A_114 : i32
          %add3A_116 = arith.constant 2 : i32
          %add3A_117 = arith.addi %add3A_115, %add3A_116 : i32
          "tpu.region"() ({
            %run_scoped3A = tpu.sem_alloc : memref<!tpu.dma_semaphore, #tpu.memory_space<semaphore_mem>>
            %dma_start3A_125 = arith.constant 0 : i32
            %dma_start3A_126 = arith.constant 0 : i32
            %dma_start3A_127 = tpu.memref_slice %arg6[%add3A_117, %dma_start3A_125, %dma_start3A_126] : memref<1344x2x120xi32, #tpu.memory_space<hbm>> -> memref<1x2x120xi32, #tpu.memory_space<hbm>>
            %dma_start3A_128 = tpu.memref_squeeze %dma_start3A_127 : memref<1x2x120xi32, #tpu.memory_space<hbm>> -> memref<2x120xi32, #tpu.memory_space<hbm>>
            %dma_start3A_129 = arith.constant 0 : i32
            %dma_start3A_130 = arith.constant 0 : i32
            %dma_start3A_131 = tpu.memref_slice %arg6[%add3A_117, %dma_start3A_129, %dma_start3A_130] : memref<1344x2x120xi32, #tpu.memory_space<hbm>> -> memref<1x2x120xi32, #tpu.memory_space<hbm>>
            %dma_start3A_132 = tpu.memref_squeeze %dma_start3A_131 : memref<1x2x120xi32, #tpu.memory_space<hbm>> -> memref<2x120xi32, #tpu.memory_space<hbm>>
            tpu.enqueue_dma source(%dma_start3A_132 : memref<2x120xi32, #tpu.memory_space<hbm>>) target(%arg11 : memref<2x120xi32, #tpu.memory_space<vmem>>) target_semaphore(%run_scoped3A : memref<!tpu.dma_semaphore, #tpu.memory_space<semaphore_mem>>)
            %dma_wait3A_133 = arith.constant 0 : i32
            %dma_wait3A_134 = arith.constant 0 : i32
            %dma_wait3A_135 = tpu.memref_slice %arg6[%add3A_117, %dma_wait3A_133, %dma_wait3A_134] : memref<1344x2x120xi32, #tpu.memory_space<hbm>> -> memref<1x2x120xi32, #tpu.memory_space<hbm>>
            %dma_wait3A_136 = tpu.memref_squeeze %dma_wait3A_135 : memref<1x2x120xi32, #tpu.memory_space<hbm>> -> memref<2x120xi32, #tpu.memory_space<hbm>>
            %dma_wait3A_137 = arith.constant 0 : i32
            %dma_wait3A_138 = arith.constant 0 : i32
            %dma_wait3A_139 = tpu.memref_slice %arg6[%add3A_117, %dma_wait3A_137, %dma_wait3A_138] : memref<1344x2x120xi32, #tpu.memory_space<hbm>> -> memref<1x2x120xi32, #tpu.memory_space<hbm>>
            %dma_wait3A_140 = tpu.memref_squeeze %dma_wait3A_139 : memref<1x2x120xi32, #tpu.memory_space<hbm>> -> memref<2x120xi32, #tpu.memory_space<hbm>>
            tpu.wait_dma2 semaphore(%run_scoped3A : memref<!tpu.dma_semaphore, #tpu.memory_space<semaphore_mem>>) src(%dma_wait3A_140 : memref<2x120xi32, #tpu.memory_space<hbm>>) dst(%arg11 : memref<2x120xi32, #tpu.memory_space<vmem>>)
            tpu.yield
          }) : () -> ()
          %dma_start3A_118 = arith.constant 0 : i32
          %dma_start3A_119 = arith.constant 0 : i32
          %dma_start3A_120 = tpu.memref_slice %arg11[%dma_start3A_118, %dma_start3A_119] : memref<2x120xi32, #tpu.memory_space<vmem>> -> memref<1x120xi32, #tpu.memory_space<vmem>>
          %dma_start3A_121 = tpu.memref_squeeze %dma_start3A_120 : memref<1x120xi32, #tpu.memory_space<vmem>> -> memref<120xi32, #tpu.memory_space<vmem>>
          %dma_start3A_122 = arith.constant 0 : i32
          %dma_start3A_123 = arith.constant 0 : i32
          %dma_start3A_124 = tpu.memref_slice %arg2[%dma_start3A_122, %dma_start3A_123] : memref<10000x128xf32, #tpu.memory_space<hbm>> -> memref<10000x128xf32, #tpu.memory_space<hbm>>
          tpu.enqueue_indirect_dma source(%dma_start3A_124 : memref<10000x128xf32, #tpu.memory_space<hbm>>) target(%arg13 : memref<120x128xf32, #tpu.memory_space<vmem>>) offsets(%dma_start3A_121 : memref<120xi32, #tpu.memory_space<vmem>>) semaphore(%arg17 : memref<!tpu.dma_semaphore, #tpu.memory_space<semaphore_mem>>)
        } else {
        }
        %dma_wait3A_92 = arith.constant 0 : i32
        %dma_wait3A_93 = arith.constant 0 : i32
        %dma_wait3A_94 = tpu.memref_slice %arg12[%dma_wait3A_92, %dma_wait3A_93] : memref<2x120xi32, #tpu.memory_space<vmem>> -> memref<1x120xi32, #tpu.memory_space<vmem>>
        %dma_wait3A_95 = tpu.memref_squeeze %dma_wait3A_94 : memref<1x120xi32, #tpu.memory_space<vmem>> -> memref<120xi32, #tpu.memory_space<vmem>>
        %dma_wait3A_96 = arith.constant 0 : i32
        %dma_wait3A_97 = arith.constant 0 : i32
        %dma_wait3A_98 = tpu.memref_slice %arg2[%dma_wait3A_96, %dma_wait3A_97] : memref<10000x128xf32, #tpu.memory_space<hbm>> -> memref<10000x128xf32, #tpu.memory_space<hbm>>
        tpu.wait_indirect_dma semaphore(%arg18 : memref<!tpu.dma_semaphore, #tpu.memory_space<semaphore_mem>>) src(%dma_wait3A_98 : memref<10000x128xf32, #tpu.memory_space<hbm>>) dst(%arg14 : memref<120x128xf32, #tpu.memory_space<vmem>>)
        %dma_start3A_99 = arith.constant 1 : i32
        %dma_start3A_100 = arith.constant 0 : i32
        %dma_start3A_101 = tpu.memref_slice %arg12[%dma_start3A_99, %dma_start3A_100] : memref<2x120xi32, #tpu.memory_space<vmem>> -> memref<1x120xi32, #tpu.memory_space<vmem>>
        %dma_start3A_102 = tpu.memref_squeeze %dma_start3A_101 : memref<1x120xi32, #tpu.memory_space<vmem>> -> memref<120xi32, #tpu.memory_space<vmem>>
        %dma_start3A_103 = arith.constant 0 : i32
        %dma_start3A_104 = arith.constant 0 : i32
        %dma_start3A_105 = tpu.memref_slice %arg16[%dma_start3A_103, %dma_start3A_104] : memref<10008x128xf32, #tpu.memory_space<vmem_shared>> -> memref<10008x128xf32, #tpu.memory_space<vmem_shared>>
        tpu.enqueue_indirect_dma source(%arg14 : memref<120x128xf32, #tpu.memory_space<vmem>>) target(%dma_start3A_105 : memref<10008x128xf32, #tpu.memory_space<vmem_shared>>) offsets(%dma_start3A_102 : memref<120xi32, #tpu.memory_space<vmem>>) semaphore(%arg20 : memref<!tpu.dma_semaphore, #tpu.memory_space<semaphore_mem>>) {add = true}
      }
      %scan3A_34 = arith.constant 42 : i32
      %dma_wait3A = arith.constant 1 : i32
      %dma_wait3A_35 = arith.constant 0 : i32
      %dma_wait3A_36 = tpu.memref_slice %arg11[%dma_wait3A, %dma_wait3A_35] : memref<2x120xi32, #tpu.memory_space<vmem>> -> memref<1x120xi32, #tpu.memory_space<vmem>>
      %dma_wait3A_37 = tpu.memref_squeeze %dma_wait3A_36 : memref<1x120xi32, #tpu.memory_space<vmem>> -> memref<120xi32, #tpu.memory_space<vmem>>
      %dma_wait3A_38 = arith.constant 0 : i32
      %dma_wait3A_39 = arith.constant 0 : i32
      %dma_wait3A_40 = tpu.memref_slice %arg16[%dma_wait3A_38, %dma_wait3A_39] : memref<10008x128xf32, #tpu.memory_space<vmem_shared>> -> memref<10008x128xf32, #tpu.memory_space<vmem_shared>>
      tpu.wait_indirect_dma semaphore(%arg19 : memref<!tpu.dma_semaphore, #tpu.memory_space<semaphore_mem>>) src(%arg13 : memref<120x128xf32, #tpu.memory_space<vmem>>) dst(%dma_wait3A_40 : memref<10008x128xf32, #tpu.memory_space<vmem_shared>>)
      %dma_wait3A_41 = arith.constant 1 : i32
      %dma_wait3A_42 = arith.constant 0 : i32
      %dma_wait3A_43 = tpu.memref_slice %arg12[%dma_wait3A_41, %dma_wait3A_42] : memref<2x120xi32, #tpu.memory_space<vmem>> -> memref<1x120xi32, #tpu.memory_space<vmem>>
      %dma_wait3A_44 = tpu.memref_squeeze %dma_wait3A_43 : memref<1x120xi32, #tpu.memory_space<vmem>> -> memref<120xi32, #tpu.memory_space<vmem>>
      %dma_wait3A_45 = arith.constant 0 : i32
      %dma_wait3A_46 = arith.constant 0 : i32
      %dma_wait3A_47 = tpu.memref_slice %arg16[%dma_wait3A_45, %dma_wait3A_46] : memref<10008x128xf32, #tpu.memory_space<vmem_shared>> -> memref<10008x128xf32, #tpu.memory_space<vmem_shared>>
      tpu.wait_indirect_dma semaphore(%arg20 : memref<!tpu.dma_semaphore, #tpu.memory_space<semaphore_mem>>) src(%arg14 : memref<120x128xf32, #tpu.memory_space<vmem>>) dst(%dma_wait3A_47 : memref<10008x128xf32, #tpu.memory_space<vmem_shared>>)
      %barrier3A_48 = arith.constant 0 : index
      tpu.barrier barrier_id(%barrier3A_48)
      %scan3A_49 = arith.constant 0 : i32
      %scan3A_50 = arith.constant 0 : i32
      %scan3A_51 = arith.constant 8 : i32
      %scan3A_52 = arith.addi %scan3A_50, %scan3A_51 : i32
      %scan3A_53 = arith.constant 1 : i32
      scf.for %scan3A_56 = %scan3A_50 to %scan3A_52 step %scan3A_53  : i32 {
        %mul3A_57 = arith.constant 16 : i32
        %mul3A_58 = arith.muli %scan3A_56, %mul3A_57 : i32
        %add3A = arith.addi %mul3A_58, %arg1 : i32
        %lt3A = arith.constant 125 : i32
        %lt3A_59 = arith.cmpi slt, %add3A, %lt3A : i32
        %convert_element_type3A_60 = arith.extui %lt3A_59 : i1 to i32
        %cond3A_61 = arith.constant 0 : i32
        %cond3A_62 = arith.cmpi ne, %convert_element_type3A_60, %cond3A_61 : i32
        scf.if %cond3A_62 {
          %mul3A_63 = arith.constant 80 : i32
          %mul3A_64 = arith.muli %add3A, %mul3A_63 : i32
          "tpu.region"() ({
            %run_scoped3A = tpu.sem_alloc : memref<!tpu.dma_semaphore, #tpu.memory_space<semaphore_mem>>
            %dma_start3A_65 = arith.constant 0 : i32
            %dma_start3A_66 = tpu.memref_slice %arg16[%mul3A_64, %dma_start3A_65] : memref<10008x128xf32, #tpu.memory_space<vmem_shared>> -> memref<80x128xf32, #tpu.memory_space<vmem_shared>>
            %dma_start3A_67 = arith.constant 0 : i32
            %dma_start3A_68 = tpu.memref_slice %arg16[%mul3A_64, %dma_start3A_67] : memref<10008x128xf32, #tpu.memory_space<vmem_shared>> -> memref<80x128xf32, #tpu.memory_space<vmem_shared>>
            tpu.enqueue_dma source(%dma_start3A_68 : memref<80x128xf32, #tpu.memory_space<vmem_shared>>) target(%arg15 : memref<80x128xf32, #tpu.memory_space<vmem>>) target_semaphore(%run_scoped3A : memref<!tpu.dma_semaphore, #tpu.memory_space<semaphore_mem>>)
            %dma_wait3A_69 = arith.constant 0 : i32
            %dma_wait3A_70 = tpu.memref_slice %arg16[%mul3A_64, %dma_wait3A_69] : memref<10008x128xf32, #tpu.memory_space<vmem_shared>> -> memref<80x128xf32, #tpu.memory_space<vmem_shared>>
            %dma_wait3A_71 = arith.constant 0 : i32
            %dma_wait3A_72 = tpu.memref_slice %arg16[%mul3A_64, %dma_wait3A_71] : memref<10008x128xf32, #tpu.memory_space<vmem_shared>> -> memref<80x128xf32, #tpu.memory_space<vmem_shared>>
            tpu.wait_dma2 semaphore(%run_scoped3A : memref<!tpu.dma_semaphore, #tpu.memory_space<semaphore_mem>>) src(%dma_wait3A_72 : memref<80x128xf32, #tpu.memory_space<vmem_shared>>) dst(%arg15 : memref<80x128xf32, #tpu.memory_space<vmem>>)
            tpu.yield
          }) : () -> ()
          "tpu.region"() ({
            %run_scoped3A = tpu.sem_alloc : memref<!tpu.dma_semaphore, #tpu.memory_space<semaphore_mem>>
            %dma_start3A_65 = arith.constant 0 : i32
            %dma_start3A_66 = tpu.memref_slice %arg7[%mul3A_64, %dma_start3A_65] : memref<10000x128xf32, #tpu.memory_space<hbm>> -> memref<80x128xf32, #tpu.memory_space<hbm>>
            %dma_start3A_67 = arith.constant 0 : i32
            %dma_start3A_68 = tpu.memref_slice %arg7[%mul3A_64, %dma_start3A_67] : memref<10000x128xf32, #tpu.memory_space<hbm>> -> memref<80x128xf32, #tpu.memory_space<hbm>>
            tpu.enqueue_dma source(%arg15 : memref<80x128xf32, #tpu.memory_space<vmem>>) target(%dma_start3A_68 : memref<80x128xf32, #tpu.memory_space<hbm>>) target_semaphore(%run_scoped3A : memref<!tpu.dma_semaphore, #tpu.memory_space<semaphore_mem>>)
            %dma_wait3A_69 = arith.constant 0 : i32
            %dma_wait3A_70 = tpu.memref_slice %arg7[%mul3A_64, %dma_wait3A_69] : memref<10000x128xf32, #tpu.memory_space<hbm>> -> memref<80x128xf32, #tpu.memory_space<hbm>>
            %dma_wait3A_71 = arith.constant 0 : i32
            %dma_wait3A_72 = tpu.memref_slice %arg7[%mul3A_64, %dma_wait3A_71] : memref<10000x128xf32, #tpu.memory_space<hbm>> -> memref<80x128xf32, #tpu.memory_space<hbm>>
            tpu.wait_dma2 semaphore(%run_scoped3A : memref<!tpu.dma_semaphore, #tpu.memory_space<semaphore_mem>>) src(%arg15 : memref<80x128xf32, #tpu.memory_space<vmem>>) dst(%dma_wait3A_72 : memref<80x128xf32, #tpu.memory_space<hbm>>)
            tpu.yield
          }) : () -> ()
        } else {
        }
      }
      %scan3A_54 = arith.constant 8 : i32
      %barrier3A_55 = arith.constant 0 : index
      tpu.barrier barrier_id(%barrier3A_55)
    } else {
    }
    %eq3A_3 = arith.constant 1 : i32
    %eq3A_4 = arith.cmpi eq, %arg0, %eq3A_3 : i32
    %convert_element_type3A_5 = arith.extui %eq3A_4 : i1 to i32
    %cond3A_6 = arith.constant 0 : i32
    %cond3A_7 = arith.cmpi ne, %convert_element_type3A_5, %cond3A_6 : i32
    scf.if %cond3A_7 {
      %scan3A = arith.constant 0 : i32
      %scan3A_18 = arith.constant 0 : i32
      %scan3A_19 = arith.constant 8 : i32
      %scan3A_20 = arith.addi %scan3A_18, %scan3A_19 : i32
      %scan3A_21 = arith.constant 1 : i32
      scf.for %scan3A_56 = %scan3A_18 to %scan3A_20 step %scan3A_21  : i32 {
        %mul3A_57 = arith.constant 16 : i32
        %mul3A_58 = arith.muli %scan3A_56, %mul3A_57 : i32
        %add3A = arith.addi %mul3A_58, %arg1 : i32
        %lt3A = arith.constant 125 : i32
        %lt3A_59 = arith.cmpi slt, %add3A, %lt3A : i32
        %convert_element_type3A_60 = arith.extui %lt3A_59 : i1 to i32
        %cond3A_61 = arith.constant 0 : i32
        %cond3A_62 = arith.cmpi ne, %convert_element_type3A_60, %cond3A_61 : i32
        scf.if %cond3A_62 {
          %mul3A_63 = arith.constant 80 : i32
          %mul3A_64 = arith.muli %add3A, %mul3A_63 : i32
          "tpu.region"() ({
            %run_scoped3A = tpu.sem_alloc : memref<!tpu.dma_semaphore, #tpu.memory_space<semaphore_mem>>
            %dma_start3A_65 = arith.constant 0 : i32
            %dma_start3A_66 = tpu.memref_slice %arg3[%mul3A_64, %dma_start3A_65] : memref<10000x128xf32, #tpu.memory_space<hbm>> -> memref<80x128xf32, #tpu.memory_space<hbm>>
            %dma_start3A_67 = arith.constant 0 : i32
            %dma_start3A_68 = tpu.memref_slice %arg3[%mul3A_64, %dma_start3A_67] : memref<10000x128xf32, #tpu.memory_space<hbm>> -> memref<80x128xf32, #tpu.memory_space<hbm>>
            tpu.enqueue_dma source(%dma_start3A_68 : memref<80x128xf32, #tpu.memory_space<hbm>>) target(%arg15 : memref<80x128xf32, #tpu.memory_space<vmem>>) target_semaphore(%run_scoped3A : memref<!tpu.dma_semaphore, #tpu.memory_space<semaphore_mem>>)
            %dma_wait3A_69 = arith.constant 0 : i32
            %dma_wait3A_70 = tpu.memref_slice %arg3[%mul3A_64, %dma_wait3A_69] : memref<10000x128xf32, #tpu.memory_space<hbm>> -> memref<80x128xf32, #tpu.memory_space<hbm>>
            %dma_wait3A_71 = arith.constant 0 : i32
            %dma_wait3A_72 = tpu.memref_slice %arg3[%mul3A_64, %dma_wait3A_71] : memref<10000x128xf32, #tpu.memory_space<hbm>> -> memref<80x128xf32, #tpu.memory_space<hbm>>
            tpu.wait_dma2 semaphore(%run_scoped3A : memref<!tpu.dma_semaphore, #tpu.memory_space<semaphore_mem>>) src(%dma_wait3A_72 : memref<80x128xf32, #tpu.memory_space<hbm>>) dst(%arg15 : memref<80x128xf32, #tpu.memory_space<vmem>>)
            tpu.yield
          }) : () -> ()
          "tpu.region"() ({
            %run_scoped3A = tpu.sem_alloc : memref<!tpu.dma_semaphore, #tpu.memory_space<semaphore_mem>>
            %dma_start3A_65 = arith.constant 0 : i32
            %dma_start3A_66 = tpu.memref_slice %arg16[%mul3A_64, %dma_start3A_65] : memref<10008x128xf32, #tpu.memory_space<vmem_shared>> -> memref<80x128xf32, #tpu.memory_space<vmem_shared>>
            %dma_start3A_67 = arith.constant 0 : i32
            %dma_start3A_68 = tpu.memref_slice %arg16[%mul3A_64, %dma_start3A_67] : memref<10008x128xf32, #tpu.memory_space<vmem_shared>> -> memref<80x128xf32, #tpu.memory_space<vmem_shared>>
            tpu.enqueue_dma source(%arg15 : memref<80x128xf32, #tpu.memory_space<vmem>>) target(%dma_start3A_68 : memref<80x128xf32, #tpu.memory_space<vmem_shared>>) target_semaphore(%run_scoped3A : memref<!tpu.dma_semaphore, #tpu.memory_space<semaphore_mem>>)
            %dma_wait3A_69 = arith.constant 0 : i32
            %dma_wait3A_70 = tpu.memref_slice %arg16[%mul3A_64, %dma_wait3A_69] : memref<10008x128xf32, #tpu.memory_space<vmem_shared>> -> memref<80x128xf32, #tpu.memory_space<vmem_shared>>
            %dma_wait3A_71 = arith.constant 0 : i32
            %dma_wait3A_72 = tpu.memref_slice %arg16[%mul3A_64, %dma_wait3A_71] : memref<10008x128xf32, #tpu.memory_space<vmem_shared>> -> memref<80x128xf32, #tpu.memory_space<vmem_shared>>
            tpu.wait_dma2 semaphore(%run_scoped3A : memref<!tpu.dma_semaphore, #tpu.memory_space<semaphore_mem>>) src(%arg15 : memref<80x128xf32, #tpu.memory_space<vmem>>) dst(%dma_wait3A_72 : memref<80x128xf32, #tpu.memory_space<vmem_shared>>)
            tpu.yield
          }) : () -> ()
        } else {
        }
      }
      %scan3A_22 = arith.constant 8 : i32
      %barrier3A = arith.constant 0 : index
      tpu.barrier barrier_id(%barrier3A)
      "tpu.region"() ({
        %run_scoped3A = tpu.sem_alloc : memref<!tpu.dma_semaphore, #tpu.memory_space<semaphore_mem>>
        %dma_start3A_56 = arith.constant 0 : i32
        %dma_start3A_57 = arith.constant 0 : i32
        %dma_start3A_58 = tpu.memref_slice %arg6[%mul3A_0, %dma_start3A_56, %dma_start3A_57] : memref<1344x2x120xi32, #tpu.memory_space<hbm>> -> memref<1x2x120xi32, #tpu.memory_space<hbm>>
        %dma_start3A_59 = tpu.memref_squeeze %dma_start3A_58 : memref<1x2x120xi32, #tpu.memory_space<hbm>> -> memref<2x120xi32, #tpu.memory_space<hbm>>
        %dma_start3A_60 = arith.constant 0 : i32
        %dma_start3A_61 = arith.constant 0 : i32
        %dma_start3A_62 = tpu.memref_slice %arg6[%mul3A_0, %dma_start3A_60, %dma_start3A_61] : memref<1344x2x120xi32, #tpu.memory_space<hbm>> -> memref<1x2x120xi32, #tpu.memory_space<hbm>>
        %dma_start3A_63 = tpu.memref_squeeze %dma_start3A_62 : memref<1x2x120xi32, #tpu.memory_space<hbm>> -> memref<2x120xi32, #tpu.memory_space<hbm>>
        tpu.enqueue_dma source(%dma_start3A_63 : memref<2x120xi32, #tpu.memory_space<hbm>>) target(%arg11 : memref<2x120xi32, #tpu.memory_space<vmem>>) target_semaphore(%run_scoped3A : memref<!tpu.dma_semaphore, #tpu.memory_space<semaphore_mem>>)
        %dma_wait3A_64 = arith.constant 0 : i32
        %dma_wait3A_65 = arith.constant 0 : i32
        %dma_wait3A_66 = tpu.memref_slice %arg6[%mul3A_0, %dma_wait3A_64, %dma_wait3A_65] : memref<1344x2x120xi32, #tpu.memory_space<hbm>> -> memref<1x2x120xi32, #tpu.memory_space<hbm>>
        %dma_wait3A_67 = tpu.memref_squeeze %dma_wait3A_66 : memref<1x2x120xi32, #tpu.memory_space<hbm>> -> memref<2x120xi32, #tpu.memory_space<hbm>>
        %dma_wait3A_68 = arith.constant 0 : i32
        %dma_wait3A_69 = arith.constant 0 : i32
        %dma_wait3A_70 = tpu.memref_slice %arg6[%mul3A_0, %dma_wait3A_68, %dma_wait3A_69] : memref<1344x2x120xi32, #tpu.memory_space<hbm>> -> memref<1x2x120xi32, #tpu.memory_space<hbm>>
        %dma_wait3A_71 = tpu.memref_squeeze %dma_wait3A_70 : memref<1x2x120xi32, #tpu.memory_space<hbm>> -> memref<2x120xi32, #tpu.memory_space<hbm>>
        tpu.wait_dma2 semaphore(%run_scoped3A : memref<!tpu.dma_semaphore, #tpu.memory_space<semaphore_mem>>) src(%dma_wait3A_71 : memref<2x120xi32, #tpu.memory_space<hbm>>) dst(%arg11 : memref<2x120xi32, #tpu.memory_space<vmem>>)
        tpu.yield
      }) : () -> ()
      %dma_start3A = arith.constant 0 : i32
      %dma_start3A_23 = arith.constant 0 : i32
      %dma_start3A_24 = tpu.memref_slice %arg11[%dma_start3A, %dma_start3A_23] : memref<2x120xi32, #tpu.memory_space<vmem>> -> memref<1x120xi32, #tpu.memory_space<vmem>>
      %dma_start3A_25 = tpu.memref_squeeze %dma_start3A_24 : memref<1x120xi32, #tpu.memory_space<vmem>> -> memref<120xi32, #tpu.memory_space<vmem>>
      %dma_start3A_26 = arith.constant 0 : i32
      %dma_start3A_27 = arith.constant 0 : i32
      %dma_start3A_28 = tpu.memref_slice %arg3[%dma_start3A_26, %dma_start3A_27] : memref<10000x128xf32, #tpu.memory_space<hbm>> -> memref<10000x128xf32, #tpu.memory_space<hbm>>
      tpu.enqueue_indirect_dma source(%dma_start3A_28 : memref<10000x128xf32, #tpu.memory_space<hbm>>) target(%arg13 : memref<120x128xf32, #tpu.memory_space<vmem>>) offsets(%dma_start3A_25 : memref<120xi32, #tpu.memory_space<vmem>>) semaphore(%arg17 : memref<!tpu.dma_semaphore, #tpu.memory_space<semaphore_mem>>)
      %scan3A_29 = arith.constant 0 : i32
      %scan3A_30 = arith.constant 0 : i32
      %scan3A_31 = arith.constant 42 : i32
      %scan3A_32 = arith.addi %scan3A_30, %scan3A_31 : i32
      %scan3A_33 = arith.constant 1 : i32
      scf.for %scan3A_56 = %scan3A_30 to %scan3A_32 step %scan3A_33  : i32 {
        %gt3A = arith.constant 0 : i32
        %gt3A_57 = arith.cmpi sgt, %scan3A_56, %gt3A : i32
        %convert_element_type3A_58 = arith.extui %gt3A_57 : i1 to i32
        %cond3A_59 = arith.constant 0 : i32
        %cond3A_60 = arith.cmpi ne, %convert_element_type3A_58, %cond3A_59 : i32
        scf.if %cond3A_60 {
          %dma_wait3A_106 = arith.constant 1 : i32
          %dma_wait3A_107 = arith.constant 0 : i32
          %dma_wait3A_108 = tpu.memref_slice %arg12[%dma_wait3A_106, %dma_wait3A_107] : memref<2x120xi32, #tpu.memory_space<vmem>> -> memref<1x120xi32, #tpu.memory_space<vmem>>
          %dma_wait3A_109 = tpu.memref_squeeze %dma_wait3A_108 : memref<1x120xi32, #tpu.memory_space<vmem>> -> memref<120xi32, #tpu.memory_space<vmem>>
          %dma_wait3A_110 = arith.constant 0 : i32
          %dma_wait3A_111 = arith.constant 0 : i32
          %dma_wait3A_112 = tpu.memref_slice %arg16[%dma_wait3A_110, %dma_wait3A_111] : memref<10008x128xf32, #tpu.memory_space<vmem_shared>> -> memref<10008x128xf32, #tpu.memory_space<vmem_shared>>
          tpu.wait_indirect_dma semaphore(%arg20 : memref<!tpu.dma_semaphore, #tpu.memory_space<semaphore_mem>>) src(%arg14 : memref<120x128xf32, #tpu.memory_space<vmem>>) dst(%dma_wait3A_112 : memref<10008x128xf32, #tpu.memory_space<vmem_shared>>)
        } else {
        }
        %mul3A_61 = arith.constant 2 : i32
        %mul3A_62 = arith.muli %mul3A_61, %scan3A_56 : i32
        %add3A = arith.addi %mul3A_0, %mul3A_62 : i32
        %add3A_63 = arith.constant 1 : i32
        %add3A_64 = arith.addi %add3A, %add3A_63 : i32
        "tpu.region"() ({
          %run_scoped3A = tpu.sem_alloc : memref<!tpu.dma_semaphore, #tpu.memory_space<semaphore_mem>>
          %dma_start3A_106 = arith.constant 0 : i32
          %dma_start3A_107 = arith.constant 0 : i32
          %dma_start3A_108 = tpu.memref_slice %arg6[%add3A_64, %dma_start3A_106, %dma_start3A_107] : memref<1344x2x120xi32, #tpu.memory_space<hbm>> -> memref<1x2x120xi32, #tpu.memory_space<hbm>>
          %dma_start3A_109 = tpu.memref_squeeze %dma_start3A_108 : memref<1x2x120xi32, #tpu.memory_space<hbm>> -> memref<2x120xi32, #tpu.memory_space<hbm>>
          %dma_start3A_110 = arith.constant 0 : i32
          %dma_start3A_111 = arith.constant 0 : i32
          %dma_start3A_112 = tpu.memref_slice %arg6[%add3A_64, %dma_start3A_110, %dma_start3A_111] : memref<1344x2x120xi32, #tpu.memory_space<hbm>> -> memref<1x2x120xi32, #tpu.memory_space<hbm>>
          %dma_start3A_113 = tpu.memref_squeeze %dma_start3A_112 : memref<1x2x120xi32, #tpu.memory_space<hbm>> -> memref<2x120xi32, #tpu.memory_space<hbm>>
          tpu.enqueue_dma source(%dma_start3A_113 : memref<2x120xi32, #tpu.memory_space<hbm>>) target(%arg12 : memref<2x120xi32, #tpu.memory_space<vmem>>) target_semaphore(%run_scoped3A : memref<!tpu.dma_semaphore, #tpu.memory_space<semaphore_mem>>)
          %dma_wait3A_114 = arith.constant 0 : i32
          %dma_wait3A_115 = arith.constant 0 : i32
          %dma_wait3A_116 = tpu.memref_slice %arg6[%add3A_64, %dma_wait3A_114, %dma_wait3A_115] : memref<1344x2x120xi32, #tpu.memory_space<hbm>> -> memref<1x2x120xi32, #tpu.memory_space<hbm>>
          %dma_wait3A_117 = tpu.memref_squeeze %dma_wait3A_116 : memref<1x2x120xi32, #tpu.memory_space<hbm>> -> memref<2x120xi32, #tpu.memory_space<hbm>>
          %dma_wait3A_118 = arith.constant 0 : i32
          %dma_wait3A_119 = arith.constant 0 : i32
          %dma_wait3A_120 = tpu.memref_slice %arg6[%add3A_64, %dma_wait3A_118, %dma_wait3A_119] : memref<1344x2x120xi32, #tpu.memory_space<hbm>> -> memref<1x2x120xi32, #tpu.memory_space<hbm>>
          %dma_wait3A_121 = tpu.memref_squeeze %dma_wait3A_120 : memref<1x2x120xi32, #tpu.memory_space<hbm>> -> memref<2x120xi32, #tpu.memory_space<hbm>>
          tpu.wait_dma2 semaphore(%run_scoped3A : memref<!tpu.dma_semaphore, #tpu.memory_space<semaphore_mem>>) src(%dma_wait3A_121 : memref<2x120xi32, #tpu.memory_space<hbm>>) dst(%arg12 : memref<2x120xi32, #tpu.memory_space<vmem>>)
          tpu.yield
        }) : () -> ()
        %dma_start3A_65 = arith.constant 0 : i32
        %dma_start3A_66 = arith.constant 0 : i32
        %dma_start3A_67 = tpu.memref_slice %arg12[%dma_start3A_65, %dma_start3A_66] : memref<2x120xi32, #tpu.memory_space<vmem>> -> memref<1x120xi32, #tpu.memory_space<vmem>>
        %dma_start3A_68 = tpu.memref_squeeze %dma_start3A_67 : memref<1x120xi32, #tpu.memory_space<vmem>> -> memref<120xi32, #tpu.memory_space<vmem>>
        %dma_start3A_69 = arith.constant 0 : i32
        %dma_start3A_70 = arith.constant 0 : i32
        %dma_start3A_71 = tpu.memref_slice %arg3[%dma_start3A_69, %dma_start3A_70] : memref<10000x128xf32, #tpu.memory_space<hbm>> -> memref<10000x128xf32, #tpu.memory_space<hbm>>
        tpu.enqueue_indirect_dma source(%dma_start3A_71 : memref<10000x128xf32, #tpu.memory_space<hbm>>) target(%arg14 : memref<120x128xf32, #tpu.memory_space<vmem>>) offsets(%dma_start3A_68 : memref<120xi32, #tpu.memory_space<vmem>>) semaphore(%arg18 : memref<!tpu.dma_semaphore, #tpu.memory_space<semaphore_mem>>)
        %dma_wait3A_72 = arith.constant 0 : i32
        %dma_wait3A_73 = arith.constant 0 : i32
        %dma_wait3A_74 = tpu.memref_slice %arg11[%dma_wait3A_72, %dma_wait3A_73] : memref<2x120xi32, #tpu.memory_space<vmem>> -> memref<1x120xi32, #tpu.memory_space<vmem>>
        %dma_wait3A_75 = tpu.memref_squeeze %dma_wait3A_74 : memref<1x120xi32, #tpu.memory_space<vmem>> -> memref<120xi32, #tpu.memory_space<vmem>>
        %dma_wait3A_76 = arith.constant 0 : i32
        %dma_wait3A_77 = arith.constant 0 : i32
        %dma_wait3A_78 = tpu.memref_slice %arg3[%dma_wait3A_76, %dma_wait3A_77] : memref<10000x128xf32, #tpu.memory_space<hbm>> -> memref<10000x128xf32, #tpu.memory_space<hbm>>
        tpu.wait_indirect_dma semaphore(%arg17 : memref<!tpu.dma_semaphore, #tpu.memory_space<semaphore_mem>>) src(%dma_wait3A_78 : memref<10000x128xf32, #tpu.memory_space<hbm>>) dst(%arg13 : memref<120x128xf32, #tpu.memory_space<vmem>>)
        %dma_start3A_79 = arith.constant 1 : i32
        %dma_start3A_80 = arith.constant 0 : i32
        %dma_start3A_81 = tpu.memref_slice %arg11[%dma_start3A_79, %dma_start3A_80] : memref<2x120xi32, #tpu.memory_space<vmem>> -> memref<1x120xi32, #tpu.memory_space<vmem>>
        %dma_start3A_82 = tpu.memref_squeeze %dma_start3A_81 : memref<1x120xi32, #tpu.memory_space<vmem>> -> memref<120xi32, #tpu.memory_space<vmem>>
        %dma_start3A_83 = arith.constant 0 : i32
        %dma_start3A_84 = arith.constant 0 : i32
        %dma_start3A_85 = tpu.memref_slice %arg16[%dma_start3A_83, %dma_start3A_84] : memref<10008x128xf32, #tpu.memory_space<vmem_shared>> -> memref<10008x128xf32, #tpu.memory_space<vmem_shared>>
        tpu.enqueue_indirect_dma source(%arg13 : memref<120x128xf32, #tpu.memory_space<vmem>>) target(%dma_start3A_85 : memref<10008x128xf32, #tpu.memory_space<vmem_shared>>) offsets(%dma_start3A_82 : memref<120xi32, #tpu.memory_space<vmem>>) semaphore(%arg19 : memref<!tpu.dma_semaphore, #tpu.memory_space<semaphore_mem>>) {add = true}
        %add3A_86 = arith.constant 1 : i32
        %add3A_87 = arith.addi %scan3A_56, %add3A_86 : i32
        %lt3A = arith.constant 42 : i32
        %lt3A_88 = arith.cmpi slt, %add3A_87, %lt3A : i32
        %convert_element_type3A_89 = arith.extui %lt3A_88 : i1 to i32
        %cond3A_90 = arith.constant 0 : i32
        %cond3A_91 = arith.cmpi ne, %convert_element_type3A_89, %cond3A_90 : i32
        scf.if %cond3A_91 {
          %dma_wait3A_106 = arith.constant 1 : i32
          %dma_wait3A_107 = arith.constant 0 : i32
          %dma_wait3A_108 = tpu.memref_slice %arg11[%dma_wait3A_106, %dma_wait3A_107] : memref<2x120xi32, #tpu.memory_space<vmem>> -> memref<1x120xi32, #tpu.memory_space<vmem>>
          %dma_wait3A_109 = tpu.memref_squeeze %dma_wait3A_108 : memref<1x120xi32, #tpu.memory_space<vmem>> -> memref<120xi32, #tpu.memory_space<vmem>>
          %dma_wait3A_110 = arith.constant 0 : i32
          %dma_wait3A_111 = arith.constant 0 : i32
          %dma_wait3A_112 = tpu.memref_slice %arg16[%dma_wait3A_110, %dma_wait3A_111] : memref<10008x128xf32, #tpu.memory_space<vmem_shared>> -> memref<10008x128xf32, #tpu.memory_space<vmem_shared>>
          tpu.wait_indirect_dma semaphore(%arg19 : memref<!tpu.dma_semaphore, #tpu.memory_space<semaphore_mem>>) src(%arg13 : memref<120x128xf32, #tpu.memory_space<vmem>>) dst(%dma_wait3A_112 : memref<10008x128xf32, #tpu.memory_space<vmem_shared>>)
          %mul3A_113 = arith.constant 2 : i32
          %mul3A_114 = arith.muli %mul3A_113, %scan3A_56 : i32
          %add3A_115 = arith.addi %mul3A_0, %mul3A_114 : i32
          %add3A_116 = arith.constant 2 : i32
          %add3A_117 = arith.addi %add3A_115, %add3A_116 : i32
          "tpu.region"() ({
            %run_scoped3A = tpu.sem_alloc : memref<!tpu.dma_semaphore, #tpu.memory_space<semaphore_mem>>
            %dma_start3A_125 = arith.constant 0 : i32
            %dma_start3A_126 = arith.constant 0 : i32
            %dma_start3A_127 = tpu.memref_slice %arg6[%add3A_117, %dma_start3A_125, %dma_start3A_126] : memref<1344x2x120xi32, #tpu.memory_space<hbm>> -> memref<1x2x120xi32, #tpu.memory_space<hbm>>
            %dma_start3A_128 = tpu.memref_squeeze %dma_start3A_127 : memref<1x2x120xi32, #tpu.memory_space<hbm>> -> memref<2x120xi32, #tpu.memory_space<hbm>>
            %dma_start3A_129 = arith.constant 0 : i32
            %dma_start3A_130 = arith.constant 0 : i32
            %dma_start3A_131 = tpu.memref_slice %arg6[%add3A_117, %dma_start3A_129, %dma_start3A_130] : memref<1344x2x120xi32, #tpu.memory_space<hbm>> -> memref<1x2x120xi32, #tpu.memory_space<hbm>>
            %dma_start3A_132 = tpu.memref_squeeze %dma_start3A_131 : memref<1x2x120xi32, #tpu.memory_space<hbm>> -> memref<2x120xi32, #tpu.memory_space<hbm>>
            tpu.enqueue_dma source(%dma_start3A_132 : memref<2x120xi32, #tpu.memory_space<hbm>>) target(%arg11 : memref<2x120xi32, #tpu.memory_space<vmem>>) target_semaphore(%run_scoped3A : memref<!tpu.dma_semaphore, #tpu.memory_space<semaphore_mem>>)
            %dma_wait3A_133 = arith.constant 0 : i32
            %dma_wait3A_134 = arith.constant 0 : i32
            %dma_wait3A_135 = tpu.memref_slice %arg6[%add3A_117, %dma_wait3A_133, %dma_wait3A_134] : memref<1344x2x120xi32, #tpu.memory_space<hbm>> -> memref<1x2x120xi32, #tpu.memory_space<hbm>>
            %dma_wait3A_136 = tpu.memref_squeeze %dma_wait3A_135 : memref<1x2x120xi32, #tpu.memory_space<hbm>> -> memref<2x120xi32, #tpu.memory_space<hbm>>
            %dma_wait3A_137 = arith.constant 0 : i32
            %dma_wait3A_138 = arith.constant 0 : i32
            %dma_wait3A_139 = tpu.memref_slice %arg6[%add3A_117, %dma_wait3A_137, %dma_wait3A_138] : memref<1344x2x120xi32, #tpu.memory_space<hbm>> -> memref<1x2x120xi32, #tpu.memory_space<hbm>>
            %dma_wait3A_140 = tpu.memref_squeeze %dma_wait3A_139 : memref<1x2x120xi32, #tpu.memory_space<hbm>> -> memref<2x120xi32, #tpu.memory_space<hbm>>
            tpu.wait_dma2 semaphore(%run_scoped3A : memref<!tpu.dma_semaphore, #tpu.memory_space<semaphore_mem>>) src(%dma_wait3A_140 : memref<2x120xi32, #tpu.memory_space<hbm>>) dst(%arg11 : memref<2x120xi32, #tpu.memory_space<vmem>>)
            tpu.yield
          }) : () -> ()
          %dma_start3A_118 = arith.constant 0 : i32
          %dma_start3A_119 = arith.constant 0 : i32
          %dma_start3A_120 = tpu.memref_slice %arg11[%dma_start3A_118, %dma_start3A_119] : memref<2x120xi32, #tpu.memory_space<vmem>> -> memref<1x120xi32, #tpu.memory_space<vmem>>
          %dma_start3A_121 = tpu.memref_squeeze %dma_start3A_120 : memref<1x120xi32, #tpu.memory_space<vmem>> -> memref<120xi32, #tpu.memory_space<vmem>>
          %dma_start3A_122 = arith.constant 0 : i32
          %dma_start3A_123 = arith.constant 0 : i32
          %dma_start3A_124 = tpu.memref_slice %arg3[%dma_start3A_122, %dma_start3A_123] : memref<10000x128xf32, #tpu.memory_space<hbm>> -> memref<10000x128xf32, #tpu.memory_space<hbm>>
          tpu.enqueue_indirect_dma source(%dma_start3A_124 : memref<10000x128xf32, #tpu.memory_space<hbm>>) target(%arg13 : memref<120x128xf32, #tpu.memory_space<vmem>>) offsets(%dma_start3A_121 : memref<120xi32, #tpu.memory_space<vmem>>) semaphore(%arg17 : memref<!tpu.dma_semaphore, #tpu.memory_space<semaphore_mem>>)
        } else {
        }
        %dma_wait3A_92 = arith.constant 0 : i32
        %dma_wait3A_93 = arith.constant 0 : i32
        %dma_wait3A_94 = tpu.memref_slice %arg12[%dma_wait3A_92, %dma_wait3A_93] : memref<2x120xi32, #tpu.memory_space<vmem>> -> memref<1x120xi32, #tpu.memory_space<vmem>>
        %dma_wait3A_95 = tpu.memref_squeeze %dma_wait3A_94 : memref<1x120xi32, #tpu.memory_space<vmem>> -> memref<120xi32, #tpu.memory_space<vmem>>
        %dma_wait3A_96 = arith.constant 0 : i32
        %dma_wait3A_97 = arith.constant 0 : i32
        %dma_wait3A_98 = tpu.memref_slice %arg3[%dma_wait3A_96, %dma_wait3A_97] : memref<10000x128xf32, #tpu.memory_space<hbm>> -> memref<10000x128xf32, #tpu.memory_space<hbm>>
        tpu.wait_indirect_dma semaphore(%arg18 : memref<!tpu.dma_semaphore, #tpu.memory_space<semaphore_mem>>) src(%dma_wait3A_98 : memref<10000x128xf32, #tpu.memory_space<hbm>>) dst(%arg14 : memref<120x128xf32, #tpu.memory_space<vmem>>)
        %dma_start3A_99 = arith.constant 1 : i32
        %dma_start3A_100 = arith.constant 0 : i32
        %dma_start3A_101 = tpu.memref_slice %arg12[%dma_start3A_99, %dma_start3A_100] : memref<2x120xi32, #tpu.memory_space<vmem>> -> memref<1x120xi32, #tpu.memory_space<vmem>>
        %dma_start3A_102 = tpu.memref_squeeze %dma_start3A_101 : memref<1x120xi32, #tpu.memory_space<vmem>> -> memref<120xi32, #tpu.memory_space<vmem>>
        %dma_start3A_103 = arith.constant 0 : i32
        %dma_start3A_104 = arith.constant 0 : i32
        %dma_start3A_105 = tpu.memref_slice %arg16[%dma_start3A_103, %dma_start3A_104] : memref<10008x128xf32, #tpu.memory_space<vmem_shared>> -> memref<10008x128xf32, #tpu.memory_space<vmem_shared>>
        tpu.enqueue_indirect_dma source(%arg14 : memref<120x128xf32, #tpu.memory_space<vmem>>) target(%dma_start3A_105 : memref<10008x128xf32, #tpu.memory_space<vmem_shared>>) offsets(%dma_start3A_102 : memref<120xi32, #tpu.memory_space<vmem>>) semaphore(%arg20 : memref<!tpu.dma_semaphore, #tpu.memory_space<semaphore_mem>>) {add = true}
      }
      %scan3A_34 = arith.constant 42 : i32
      %dma_wait3A = arith.constant 1 : i32
      %dma_wait3A_35 = arith.constant 0 : i32
      %dma_wait3A_36 = tpu.memref_slice %arg11[%dma_wait3A, %dma_wait3A_35] : memref<2x120xi32, #tpu.memory_space<vmem>> -> memref<1x120xi32, #tpu.memory_space<vmem>>
      %dma_wait3A_37 = tpu.memref_squeeze %dma_wait3A_36 : memref<1x120xi32, #tpu.memory_space<vmem>> -> memref<120xi32, #tpu.memory_space<vmem>>
      %dma_wait3A_38 = arith.constant 0 : i32
      %dma_wait3A_39 = arith.constant 0 : i32
      %dma_wait3A_40 = tpu.memref_slice %arg16[%dma_wait3A_38, %dma_wait3A_39] : memref<10008x128xf32, #tpu.memory_space<vmem_shared>> -> memref<10008x128xf32, #tpu.memory_space<vmem_shared>>
      tpu.wait_indirect_dma semaphore(%arg19 : memref<!tpu.dma_semaphore, #tpu.memory_space<semaphore_mem>>) src(%arg13 : memref<120x128xf32, #tpu.memory_space<vmem>>) dst(%dma_wait3A_40 : memref<10008x128xf32, #tpu.memory_space<vmem_shared>>)
      %dma_wait3A_41 = arith.constant 1 : i32
      %dma_wait3A_42 = arith.constant 0 : i32
      %dma_wait3A_43 = tpu.memref_slice %arg12[%dma_wait3A_41, %dma_wait3A_42] : memref<2x120xi32, #tpu.memory_space<vmem>> -> memref<1x120xi32, #tpu.memory_space<vmem>>
      %dma_wait3A_44 = tpu.memref_squeeze %dma_wait3A_43 : memref<1x120xi32, #tpu.memory_space<vmem>> -> memref<120xi32, #tpu.memory_space<vmem>>
      %dma_wait3A_45 = arith.constant 0 : i32
      %dma_wait3A_46 = arith.constant 0 : i32
      %dma_wait3A_47 = tpu.memref_slice %arg16[%dma_wait3A_45, %dma_wait3A_46] : memref<10008x128xf32, #tpu.memory_space<vmem_shared>> -> memref<10008x128xf32, #tpu.memory_space<vmem_shared>>
      tpu.wait_indirect_dma semaphore(%arg20 : memref<!tpu.dma_semaphore, #tpu.memory_space<semaphore_mem>>) src(%arg14 : memref<120x128xf32, #tpu.memory_space<vmem>>) dst(%dma_wait3A_47 : memref<10008x128xf32, #tpu.memory_space<vmem_shared>>)
      %barrier3A_48 = arith.constant 0 : index
      tpu.barrier barrier_id(%barrier3A_48)
      %scan3A_49 = arith.constant 0 : i32
      %scan3A_50 = arith.constant 0 : i32
      %scan3A_51 = arith.constant 8 : i32
      %scan3A_52 = arith.addi %scan3A_50, %scan3A_51 : i32
      %scan3A_53 = arith.constant 1 : i32
      scf.for %scan3A_56 = %scan3A_50 to %scan3A_52 step %scan3A_53  : i32 {
        %mul3A_57 = arith.constant 16 : i32
        %mul3A_58 = arith.muli %scan3A_56, %mul3A_57 : i32
        %add3A = arith.addi %mul3A_58, %arg1 : i32
        %lt3A = arith.constant 125 : i32
        %lt3A_59 = arith.cmpi slt, %add3A, %lt3A : i32
        %convert_element_type3A_60 = arith.extui %lt3A_59 : i1 to i32
        %cond3A_61 = arith.constant 0 : i32
        %cond3A_62 = arith.cmpi ne, %convert_element_type3A_60, %cond3A_61 : i32
        scf.if %cond3A_62 {
          %mul3A_63 = arith.constant 80 : i32
          %mul3A_64 = arith.muli %add3A, %mul3A_63 : i32
          "tpu.region"() ({
            %run_scoped3A = tpu.sem_alloc : memref<!tpu.dma_semaphore, #tpu.memory_space<semaphore_mem>>
            %dma_start3A_65 = arith.constant 0 : i32
            %dma_start3A_66 = tpu.memref_slice %arg16[%mul3A_64, %dma_start3A_65] : memref<10008x128xf32, #tpu.memory_space<vmem_shared>> -> memref<80x128xf32, #tpu.memory_space<vmem_shared>>
            %dma_start3A_67 = arith.constant 0 : i32
            %dma_start3A_68 = tpu.memref_slice %arg16[%mul3A_64, %dma_start3A_67] : memref<10008x128xf32, #tpu.memory_space<vmem_shared>> -> memref<80x128xf32, #tpu.memory_space<vmem_shared>>
            tpu.enqueue_dma source(%dma_start3A_68 : memref<80x128xf32, #tpu.memory_space<vmem_shared>>) target(%arg15 : memref<80x128xf32, #tpu.memory_space<vmem>>) target_semaphore(%run_scoped3A : memref<!tpu.dma_semaphore, #tpu.memory_space<semaphore_mem>>)
            %dma_wait3A_69 = arith.constant 0 : i32
            %dma_wait3A_70 = tpu.memref_slice %arg16[%mul3A_64, %dma_wait3A_69] : memref<10008x128xf32, #tpu.memory_space<vmem_shared>> -> memref<80x128xf32, #tpu.memory_space<vmem_shared>>
            %dma_wait3A_71 = arith.constant 0 : i32
            %dma_wait3A_72 = tpu.memref_slice %arg16[%mul3A_64, %dma_wait3A_71] : memref<10008x128xf32, #tpu.memory_space<vmem_shared>> -> memref<80x128xf32, #tpu.memory_space<vmem_shared>>
            tpu.wait_dma2 semaphore(%run_scoped3A : memref<!tpu.dma_semaphore, #tpu.memory_space<semaphore_mem>>) src(%dma_wait3A_72 : memref<80x128xf32, #tpu.memory_space<vmem_shared>>) dst(%arg15 : memref<80x128xf32, #tpu.memory_space<vmem>>)
            tpu.yield
          }) : () -> ()
          "tpu.region"() ({
            %run_scoped3A = tpu.sem_alloc : memref<!tpu.dma_semaphore, #tpu.memory_space<semaphore_mem>>
            %dma_start3A_65 = arith.constant 0 : i32
            %dma_start3A_66 = tpu.memref_slice %arg8[%mul3A_64, %dma_start3A_65] : memref<10000x128xf32, #tpu.memory_space<hbm>> -> memref<80x128xf32, #tpu.memory_space<hbm>>
            %dma_start3A_67 = arith.constant 0 : i32
            %dma_start3A_68 = tpu.memref_slice %arg8[%mul3A_64, %dma_start3A_67] : memref<10000x128xf32, #tpu.memory_space<hbm>> -> memref<80x128xf32, #tpu.memory_space<hbm>>
            tpu.enqueue_dma source(%arg15 : memref<80x128xf32, #tpu.memory_space<vmem>>) target(%dma_start3A_68 : memref<80x128xf32, #tpu.memory_space<hbm>>) target_semaphore(%run_scoped3A : memref<!tpu.dma_semaphore, #tpu.memory_space<semaphore_mem>>)
            %dma_wait3A_69 = arith.constant 0 : i32
            %dma_wait3A_70 = tpu.memref_slice %arg8[%mul3A_64, %dma_wait3A_69] : memref<10000x128xf32, #tpu.memory_space<hbm>> -> memref<80x128xf32, #tpu.memory_space<hbm>>
            %dma_wait3A_71 = arith.constant 0 : i32
            %dma_wait3A_72 = tpu.memref_slice %arg8[%mul3A_64, %dma_wait3A_71] : memref<10000x128xf32, #tpu.memory_space<hbm>> -> memref<80x128xf32, #tpu.memory_space<hbm>>
            tpu.wait_dma2 semaphore(%run_scoped3A : memref<!tpu.dma_semaphore, #tpu.memory_space<semaphore_mem>>) src(%arg15 : memref<80x128xf32, #tpu.memory_space<vmem>>) dst(%dma_wait3A_72 : memref<80x128xf32, #tpu.memory_space<hbm>>)
            tpu.yield
          }) : () -> ()
        } else {
        }
      }
      %scan3A_54 = arith.constant 8 : i32
      %barrier3A_55 = arith.constant 0 : index
      tpu.barrier barrier_id(%barrier3A_55)
    } else {
    }
    %eq3A_8 = arith.constant 0 : i32
    %eq3A_9 = arith.cmpi eq, %arg0, %eq3A_8 : i32
    %convert_element_type3A_10 = arith.extui %eq3A_9 : i1 to i32
    %cond3A_11 = arith.constant 0 : i32
    %cond3A_12 = arith.cmpi ne, %convert_element_type3A_10, %cond3A_11 : i32
    scf.if %cond3A_12 {
      %scan3A = arith.constant 0 : i32
      %scan3A_18 = arith.constant 0 : i32
      %scan3A_19 = arith.constant 8 : i32
      %scan3A_20 = arith.addi %scan3A_18, %scan3A_19 : i32
      %scan3A_21 = arith.constant 1 : i32
      scf.for %scan3A_56 = %scan3A_18 to %scan3A_20 step %scan3A_21  : i32 {
        %mul3A_57 = arith.constant 16 : i32
        %mul3A_58 = arith.muli %scan3A_56, %mul3A_57 : i32
        %add3A = arith.addi %mul3A_58, %arg1 : i32
        %lt3A = arith.constant 125 : i32
        %lt3A_59 = arith.cmpi slt, %add3A, %lt3A : i32
        %convert_element_type3A_60 = arith.extui %lt3A_59 : i1 to i32
        %cond3A_61 = arith.constant 0 : i32
        %cond3A_62 = arith.cmpi ne, %convert_element_type3A_60, %cond3A_61 : i32
        scf.if %cond3A_62 {
          %mul3A_63 = arith.constant 80 : i32
          %mul3A_64 = arith.muli %add3A, %mul3A_63 : i32
          "tpu.region"() ({
            %run_scoped3A = tpu.sem_alloc : memref<!tpu.dma_semaphore, #tpu.memory_space<semaphore_mem>>
            %dma_start3A_65 = arith.constant 0 : i32
            %dma_start3A_66 = tpu.memref_slice %arg4[%mul3A_64, %dma_start3A_65] : memref<10000x128xf32, #tpu.memory_space<hbm>> -> memref<80x128xf32, #tpu.memory_space<hbm>>
            %dma_start3A_67 = arith.constant 0 : i32
            %dma_start3A_68 = tpu.memref_slice %arg4[%mul3A_64, %dma_start3A_67] : memref<10000x128xf32, #tpu.memory_space<hbm>> -> memref<80x128xf32, #tpu.memory_space<hbm>>
            tpu.enqueue_dma source(%dma_start3A_68 : memref<80x128xf32, #tpu.memory_space<hbm>>) target(%arg15 : memref<80x128xf32, #tpu.memory_space<vmem>>) target_semaphore(%run_scoped3A : memref<!tpu.dma_semaphore, #tpu.memory_space<semaphore_mem>>)
            %dma_wait3A_69 = arith.constant 0 : i32
            %dma_wait3A_70 = tpu.memref_slice %arg4[%mul3A_64, %dma_wait3A_69] : memref<10000x128xf32, #tpu.memory_space<hbm>> -> memref<80x128xf32, #tpu.memory_space<hbm>>
            %dma_wait3A_71 = arith.constant 0 : i32
            %dma_wait3A_72 = tpu.memref_slice %arg4[%mul3A_64, %dma_wait3A_71] : memref<10000x128xf32, #tpu.memory_space<hbm>> -> memref<80x128xf32, #tpu.memory_space<hbm>>
            tpu.wait_dma2 semaphore(%run_scoped3A : memref<!tpu.dma_semaphore, #tpu.memory_space<semaphore_mem>>) src(%dma_wait3A_72 : memref<80x128xf32, #tpu.memory_space<hbm>>) dst(%arg15 : memref<80x128xf32, #tpu.memory_space<vmem>>)
            tpu.yield
          }) : () -> ()
          "tpu.region"() ({
            %run_scoped3A = tpu.sem_alloc : memref<!tpu.dma_semaphore, #tpu.memory_space<semaphore_mem>>
            %dma_start3A_65 = arith.constant 0 : i32
            %dma_start3A_66 = tpu.memref_slice %arg16[%mul3A_64, %dma_start3A_65] : memref<10008x128xf32, #tpu.memory_space<vmem_shared>> -> memref<80x128xf32, #tpu.memory_space<vmem_shared>>
            %dma_start3A_67 = arith.constant 0 : i32
            %dma_start3A_68 = tpu.memref_slice %arg16[%mul3A_64, %dma_start3A_67] : memref<10008x128xf32, #tpu.memory_space<vmem_shared>> -> memref<80x128xf32, #tpu.memory_space<vmem_shared>>
            tpu.enqueue_dma source(%arg15 : memref<80x128xf32, #tpu.memory_space<vmem>>) target(%dma_start3A_68 : memref<80x128xf32, #tpu.memory_space<vmem_shared>>) target_semaphore(%run_scoped3A : memref<!tpu.dma_semaphore, #tpu.memory_space<semaphore_mem>>)
            %dma_wait3A_69 = arith.constant 0 : i32
            %dma_wait3A_70 = tpu.memref_slice %arg16[%mul3A_64, %dma_wait3A_69] : memref<10008x128xf32, #tpu.memory_space<vmem_shared>> -> memref<80x128xf32, #tpu.memory_space<vmem_shared>>
            %dma_wait3A_71 = arith.constant 0 : i32
            %dma_wait3A_72 = tpu.memref_slice %arg16[%mul3A_64, %dma_wait3A_71] : memref<10008x128xf32, #tpu.memory_space<vmem_shared>> -> memref<80x128xf32, #tpu.memory_space<vmem_shared>>
            tpu.wait_dma2 semaphore(%run_scoped3A : memref<!tpu.dma_semaphore, #tpu.memory_space<semaphore_mem>>) src(%arg15 : memref<80x128xf32, #tpu.memory_space<vmem>>) dst(%dma_wait3A_72 : memref<80x128xf32, #tpu.memory_space<vmem_shared>>)
            tpu.yield
          }) : () -> ()
        } else {
        }
      }
      %scan3A_22 = arith.constant 8 : i32
      %barrier3A = arith.constant 0 : index
      tpu.barrier barrier_id(%barrier3A)
      "tpu.region"() ({
        %run_scoped3A = tpu.sem_alloc : memref<!tpu.dma_semaphore, #tpu.memory_space<semaphore_mem>>
        %dma_start3A_56 = arith.constant 0 : i32
        %dma_start3A_57 = arith.constant 0 : i32
        %dma_start3A_58 = tpu.memref_slice %arg6[%mul3A_0, %dma_start3A_56, %dma_start3A_57] : memref<1344x2x120xi32, #tpu.memory_space<hbm>> -> memref<1x2x120xi32, #tpu.memory_space<hbm>>
        %dma_start3A_59 = tpu.memref_squeeze %dma_start3A_58 : memref<1x2x120xi32, #tpu.memory_space<hbm>> -> memref<2x120xi32, #tpu.memory_space<hbm>>
        %dma_start3A_60 = arith.constant 0 : i32
        %dma_start3A_61 = arith.constant 0 : i32
        %dma_start3A_62 = tpu.memref_slice %arg6[%mul3A_0, %dma_start3A_60, %dma_start3A_61] : memref<1344x2x120xi32, #tpu.memory_space<hbm>> -> memref<1x2x120xi32, #tpu.memory_space<hbm>>
        %dma_start3A_63 = tpu.memref_squeeze %dma_start3A_62 : memref<1x2x120xi32, #tpu.memory_space<hbm>> -> memref<2x120xi32, #tpu.memory_space<hbm>>
        tpu.enqueue_dma source(%dma_start3A_63 : memref<2x120xi32, #tpu.memory_space<hbm>>) target(%arg11 : memref<2x120xi32, #tpu.memory_space<vmem>>) target_semaphore(%run_scoped3A : memref<!tpu.dma_semaphore, #tpu.memory_space<semaphore_mem>>)
        %dma_wait3A_64 = arith.constant 0 : i32
        %dma_wait3A_65 = arith.constant 0 : i32
        %dma_wait3A_66 = tpu.memref_slice %arg6[%mul3A_0, %dma_wait3A_64, %dma_wait3A_65] : memref<1344x2x120xi32, #tpu.memory_space<hbm>> -> memref<1x2x120xi32, #tpu.memory_space<hbm>>
        %dma_wait3A_67 = tpu.memref_squeeze %dma_wait3A_66 : memref<1x2x120xi32, #tpu.memory_space<hbm>> -> memref<2x120xi32, #tpu.memory_space<hbm>>
        %dma_wait3A_68 = arith.constant 0 : i32
        %dma_wait3A_69 = arith.constant 0 : i32
        %dma_wait3A_70 = tpu.memref_slice %arg6[%mul3A_0, %dma_wait3A_68, %dma_wait3A_69] : memref<1344x2x120xi32, #tpu.memory_space<hbm>> -> memref<1x2x120xi32, #tpu.memory_space<hbm>>
        %dma_wait3A_71 = tpu.memref_squeeze %dma_wait3A_70 : memref<1x2x120xi32, #tpu.memory_space<hbm>> -> memref<2x120xi32, #tpu.memory_space<hbm>>
        tpu.wait_dma2 semaphore(%run_scoped3A : memref<!tpu.dma_semaphore, #tpu.memory_space<semaphore_mem>>) src(%dma_wait3A_71 : memref<2x120xi32, #tpu.memory_space<hbm>>) dst(%arg11 : memref<2x120xi32, #tpu.memory_space<vmem>>)
        tpu.yield
      }) : () -> ()
      %dma_start3A = arith.constant 0 : i32
      %dma_start3A_23 = arith.constant 0 : i32
      %dma_start3A_24 = tpu.memref_slice %arg11[%dma_start3A, %dma_start3A_23] : memref<2x120xi32, #tpu.memory_space<vmem>> -> memref<1x120xi32, #tpu.memory_space<vmem>>
      %dma_start3A_25 = tpu.memref_squeeze %dma_start3A_24 : memref<1x120xi32, #tpu.memory_space<vmem>> -> memref<120xi32, #tpu.memory_space<vmem>>
      %dma_start3A_26 = arith.constant 0 : i32
      %dma_start3A_27 = arith.constant 0 : i32
      %dma_start3A_28 = tpu.memref_slice %arg4[%dma_start3A_26, %dma_start3A_27] : memref<10000x128xf32, #tpu.memory_space<hbm>> -> memref<10000x128xf32, #tpu.memory_space<hbm>>
      tpu.enqueue_indirect_dma source(%dma_start3A_28 : memref<10000x128xf32, #tpu.memory_space<hbm>>) target(%arg13 : memref<120x128xf32, #tpu.memory_space<vmem>>) offsets(%dma_start3A_25 : memref<120xi32, #tpu.memory_space<vmem>>) semaphore(%arg17 : memref<!tpu.dma_semaphore, #tpu.memory_space<semaphore_mem>>)
      %scan3A_29 = arith.constant 0 : i32
      %scan3A_30 = arith.constant 0 : i32
      %scan3A_31 = arith.constant 42 : i32
      %scan3A_32 = arith.addi %scan3A_30, %scan3A_31 : i32
      %scan3A_33 = arith.constant 1 : i32
      scf.for %scan3A_56 = %scan3A_30 to %scan3A_32 step %scan3A_33  : i32 {
        %gt3A = arith.constant 0 : i32
        %gt3A_57 = arith.cmpi sgt, %scan3A_56, %gt3A : i32
        %convert_element_type3A_58 = arith.extui %gt3A_57 : i1 to i32
        %cond3A_59 = arith.constant 0 : i32
        %cond3A_60 = arith.cmpi ne, %convert_element_type3A_58, %cond3A_59 : i32
        scf.if %cond3A_60 {
          %dma_wait3A_106 = arith.constant 1 : i32
          %dma_wait3A_107 = arith.constant 0 : i32
          %dma_wait3A_108 = tpu.memref_slice %arg12[%dma_wait3A_106, %dma_wait3A_107] : memref<2x120xi32, #tpu.memory_space<vmem>> -> memref<1x120xi32, #tpu.memory_space<vmem>>
          %dma_wait3A_109 = tpu.memref_squeeze %dma_wait3A_108 : memref<1x120xi32, #tpu.memory_space<vmem>> -> memref<120xi32, #tpu.memory_space<vmem>>
          %dma_wait3A_110 = arith.constant 0 : i32
          %dma_wait3A_111 = arith.constant 0 : i32
          %dma_wait3A_112 = tpu.memref_slice %arg16[%dma_wait3A_110, %dma_wait3A_111] : memref<10008x128xf32, #tpu.memory_space<vmem_shared>> -> memref<10008x128xf32, #tpu.memory_space<vmem_shared>>
          tpu.wait_indirect_dma semaphore(%arg20 : memref<!tpu.dma_semaphore, #tpu.memory_space<semaphore_mem>>) src(%arg14 : memref<120x128xf32, #tpu.memory_space<vmem>>) dst(%dma_wait3A_112 : memref<10008x128xf32, #tpu.memory_space<vmem_shared>>)
        } else {
        }
        %mul3A_61 = arith.constant 2 : i32
        %mul3A_62 = arith.muli %mul3A_61, %scan3A_56 : i32
        %add3A = arith.addi %mul3A_0, %mul3A_62 : i32
        %add3A_63 = arith.constant 1 : i32
        %add3A_64 = arith.addi %add3A, %add3A_63 : i32
        "tpu.region"() ({
          %run_scoped3A = tpu.sem_alloc : memref<!tpu.dma_semaphore, #tpu.memory_space<semaphore_mem>>
          %dma_start3A_106 = arith.constant 0 : i32
          %dma_start3A_107 = arith.constant 0 : i32
          %dma_start3A_108 = tpu.memref_slice %arg6[%add3A_64, %dma_start3A_106, %dma_start3A_107] : memref<1344x2x120xi32, #tpu.memory_space<hbm>> -> memref<1x2x120xi32, #tpu.memory_space<hbm>>
          %dma_start3A_109 = tpu.memref_squeeze %dma_start3A_108 : memref<1x2x120xi32, #tpu.memory_space<hbm>> -> memref<2x120xi32, #tpu.memory_space<hbm>>
          %dma_start3A_110 = arith.constant 0 : i32
          %dma_start3A_111 = arith.constant 0 : i32
          %dma_start3A_112 = tpu.memref_slice %arg6[%add3A_64, %dma_start3A_110, %dma_start3A_111] : memref<1344x2x120xi32, #tpu.memory_space<hbm>> -> memref<1x2x120xi32, #tpu.memory_space<hbm>>
          %dma_start3A_113 = tpu.memref_squeeze %dma_start3A_112 : memref<1x2x120xi32, #tpu.memory_space<hbm>> -> memref<2x120xi32, #tpu.memory_space<hbm>>
          tpu.enqueue_dma source(%dma_start3A_113 : memref<2x120xi32, #tpu.memory_space<hbm>>) target(%arg12 : memref<2x120xi32, #tpu.memory_space<vmem>>) target_semaphore(%run_scoped3A : memref<!tpu.dma_semaphore, #tpu.memory_space<semaphore_mem>>)
          %dma_wait3A_114 = arith.constant 0 : i32
          %dma_wait3A_115 = arith.constant 0 : i32
          %dma_wait3A_116 = tpu.memref_slice %arg6[%add3A_64, %dma_wait3A_114, %dma_wait3A_115] : memref<1344x2x120xi32, #tpu.memory_space<hbm>> -> memref<1x2x120xi32, #tpu.memory_space<hbm>>
          %dma_wait3A_117 = tpu.memref_squeeze %dma_wait3A_116 : memref<1x2x120xi32, #tpu.memory_space<hbm>> -> memref<2x120xi32, #tpu.memory_space<hbm>>
          %dma_wait3A_118 = arith.constant 0 : i32
          %dma_wait3A_119 = arith.constant 0 : i32
          %dma_wait3A_120 = tpu.memref_slice %arg6[%add3A_64, %dma_wait3A_118, %dma_wait3A_119] : memref<1344x2x120xi32, #tpu.memory_space<hbm>> -> memref<1x2x120xi32, #tpu.memory_space<hbm>>
          %dma_wait3A_121 = tpu.memref_squeeze %dma_wait3A_120 : memref<1x2x120xi32, #tpu.memory_space<hbm>> -> memref<2x120xi32, #tpu.memory_space<hbm>>
          tpu.wait_dma2 semaphore(%run_scoped3A : memref<!tpu.dma_semaphore, #tpu.memory_space<semaphore_mem>>) src(%dma_wait3A_121 : memref<2x120xi32, #tpu.memory_space<hbm>>) dst(%arg12 : memref<2x120xi32, #tpu.memory_space<vmem>>)
          tpu.yield
        }) : () -> ()
        %dma_start3A_65 = arith.constant 0 : i32
        %dma_start3A_66 = arith.constant 0 : i32
        %dma_start3A_67 = tpu.memref_slice %arg12[%dma_start3A_65, %dma_start3A_66] : memref<2x120xi32, #tpu.memory_space<vmem>> -> memref<1x120xi32, #tpu.memory_space<vmem>>
        %dma_start3A_68 = tpu.memref_squeeze %dma_start3A_67 : memref<1x120xi32, #tpu.memory_space<vmem>> -> memref<120xi32, #tpu.memory_space<vmem>>
        %dma_start3A_69 = arith.constant 0 : i32
        %dma_start3A_70 = arith.constant 0 : i32
        %dma_start3A_71 = tpu.memref_slice %arg4[%dma_start3A_69, %dma_start3A_70] : memref<10000x128xf32, #tpu.memory_space<hbm>> -> memref<10000x128xf32, #tpu.memory_space<hbm>>
        tpu.enqueue_indirect_dma source(%dma_start3A_71 : memref<10000x128xf32, #tpu.memory_space<hbm>>) target(%arg14 : memref<120x128xf32, #tpu.memory_space<vmem>>) offsets(%dma_start3A_68 : memref<120xi32, #tpu.memory_space<vmem>>) semaphore(%arg18 : memref<!tpu.dma_semaphore, #tpu.memory_space<semaphore_mem>>)
        %dma_wait3A_72 = arith.constant 0 : i32
        %dma_wait3A_73 = arith.constant 0 : i32
        %dma_wait3A_74 = tpu.memref_slice %arg11[%dma_wait3A_72, %dma_wait3A_73] : memref<2x120xi32, #tpu.memory_space<vmem>> -> memref<1x120xi32, #tpu.memory_space<vmem>>
        %dma_wait3A_75 = tpu.memref_squeeze %dma_wait3A_74 : memref<1x120xi32, #tpu.memory_space<vmem>> -> memref<120xi32, #tpu.memory_space<vmem>>
        %dma_wait3A_76 = arith.constant 0 : i32
        %dma_wait3A_77 = arith.constant 0 : i32
        %dma_wait3A_78 = tpu.memref_slice %arg4[%dma_wait3A_76, %dma_wait3A_77] : memref<10000x128xf32, #tpu.memory_space<hbm>> -> memref<10000x128xf32, #tpu.memory_space<hbm>>
        tpu.wait_indirect_dma semaphore(%arg17 : memref<!tpu.dma_semaphore, #tpu.memory_space<semaphore_mem>>) src(%dma_wait3A_78 : memref<10000x128xf32, #tpu.memory_space<hbm>>) dst(%arg13 : memref<120x128xf32, #tpu.memory_space<vmem>>)
        %dma_start3A_79 = arith.constant 1 : i32
        %dma_start3A_80 = arith.constant 0 : i32
        %dma_start3A_81 = tpu.memref_slice %arg11[%dma_start3A_79, %dma_start3A_80] : memref<2x120xi32, #tpu.memory_space<vmem>> -> memref<1x120xi32, #tpu.memory_space<vmem>>
        %dma_start3A_82 = tpu.memref_squeeze %dma_start3A_81 : memref<1x120xi32, #tpu.memory_space<vmem>> -> memref<120xi32, #tpu.memory_space<vmem>>
        %dma_start3A_83 = arith.constant 0 : i32
        %dma_start3A_84 = arith.constant 0 : i32
        %dma_start3A_85 = tpu.memref_slice %arg16[%dma_start3A_83, %dma_start3A_84] : memref<10008x128xf32, #tpu.memory_space<vmem_shared>> -> memref<10008x128xf32, #tpu.memory_space<vmem_shared>>
        tpu.enqueue_indirect_dma source(%arg13 : memref<120x128xf32, #tpu.memory_space<vmem>>) target(%dma_start3A_85 : memref<10008x128xf32, #tpu.memory_space<vmem_shared>>) offsets(%dma_start3A_82 : memref<120xi32, #tpu.memory_space<vmem>>) semaphore(%arg19 : memref<!tpu.dma_semaphore, #tpu.memory_space<semaphore_mem>>) {add = true}
        %add3A_86 = arith.constant 1 : i32
        %add3A_87 = arith.addi %scan3A_56, %add3A_86 : i32
        %lt3A = arith.constant 42 : i32
        %lt3A_88 = arith.cmpi slt, %add3A_87, %lt3A : i32
        %convert_element_type3A_89 = arith.extui %lt3A_88 : i1 to i32
        %cond3A_90 = arith.constant 0 : i32
        %cond3A_91 = arith.cmpi ne, %convert_element_type3A_89, %cond3A_90 : i32
        scf.if %cond3A_91 {
          %dma_wait3A_106 = arith.constant 1 : i32
          %dma_wait3A_107 = arith.constant 0 : i32
          %dma_wait3A_108 = tpu.memref_slice %arg11[%dma_wait3A_106, %dma_wait3A_107] : memref<2x120xi32, #tpu.memory_space<vmem>> -> memref<1x120xi32, #tpu.memory_space<vmem>>
          %dma_wait3A_109 = tpu.memref_squeeze %dma_wait3A_108 : memref<1x120xi32, #tpu.memory_space<vmem>> -> memref<120xi32, #tpu.memory_space<vmem>>
          %dma_wait3A_110 = arith.constant 0 : i32
          %dma_wait3A_111 = arith.constant 0 : i32
          %dma_wait3A_112 = tpu.memref_slice %arg16[%dma_wait3A_110, %dma_wait3A_111] : memref<10008x128xf32, #tpu.memory_space<vmem_shared>> -> memref<10008x128xf32, #tpu.memory_space<vmem_shared>>
          tpu.wait_indirect_dma semaphore(%arg19 : memref<!tpu.dma_semaphore, #tpu.memory_space<semaphore_mem>>) src(%arg13 : memref<120x128xf32, #tpu.memory_space<vmem>>) dst(%dma_wait3A_112 : memref<10008x128xf32, #tpu.memory_space<vmem_shared>>)
          %mul3A_113 = arith.constant 2 : i32
          %mul3A_114 = arith.muli %mul3A_113, %scan3A_56 : i32
          %add3A_115 = arith.addi %mul3A_0, %mul3A_114 : i32
          %add3A_116 = arith.constant 2 : i32
          %add3A_117 = arith.addi %add3A_115, %add3A_116 : i32
          "tpu.region"() ({
            %run_scoped3A = tpu.sem_alloc : memref<!tpu.dma_semaphore, #tpu.memory_space<semaphore_mem>>
            %dma_start3A_125 = arith.constant 0 : i32
            %dma_start3A_126 = arith.constant 0 : i32
            %dma_start3A_127 = tpu.memref_slice %arg6[%add3A_117, %dma_start3A_125, %dma_start3A_126] : memref<1344x2x120xi32, #tpu.memory_space<hbm>> -> memref<1x2x120xi32, #tpu.memory_space<hbm>>
            %dma_start3A_128 = tpu.memref_squeeze %dma_start3A_127 : memref<1x2x120xi32, #tpu.memory_space<hbm>> -> memref<2x120xi32, #tpu.memory_space<hbm>>
            %dma_start3A_129 = arith.constant 0 : i32
            %dma_start3A_130 = arith.constant 0 : i32
            %dma_start3A_131 = tpu.memref_slice %arg6[%add3A_117, %dma_start3A_129, %dma_start3A_130] : memref<1344x2x120xi32, #tpu.memory_space<hbm>> -> memref<1x2x120xi32, #tpu.memory_space<hbm>>
            %dma_start3A_132 = tpu.memref_squeeze %dma_start3A_131 : memref<1x2x120xi32, #tpu.memory_space<hbm>> -> memref<2x120xi32, #tpu.memory_space<hbm>>
            tpu.enqueue_dma source(%dma_start3A_132 : memref<2x120xi32, #tpu.memory_space<hbm>>) target(%arg11 : memref<2x120xi32, #tpu.memory_space<vmem>>) target_semaphore(%run_scoped3A : memref<!tpu.dma_semaphore, #tpu.memory_space<semaphore_mem>>)
            %dma_wait3A_133 = arith.constant 0 : i32
            %dma_wait3A_134 = arith.constant 0 : i32
            %dma_wait3A_135 = tpu.memref_slice %arg6[%add3A_117, %dma_wait3A_133, %dma_wait3A_134] : memref<1344x2x120xi32, #tpu.memory_space<hbm>> -> memref<1x2x120xi32, #tpu.memory_space<hbm>>
            %dma_wait3A_136 = tpu.memref_squeeze %dma_wait3A_135 : memref<1x2x120xi32, #tpu.memory_space<hbm>> -> memref<2x120xi32, #tpu.memory_space<hbm>>
            %dma_wait3A_137 = arith.constant 0 : i32
            %dma_wait3A_138 = arith.constant 0 : i32
            %dma_wait3A_139 = tpu.memref_slice %arg6[%add3A_117, %dma_wait3A_137, %dma_wait3A_138] : memref<1344x2x120xi32, #tpu.memory_space<hbm>> -> memref<1x2x120xi32, #tpu.memory_space<hbm>>
            %dma_wait3A_140 = tpu.memref_squeeze %dma_wait3A_139 : memref<1x2x120xi32, #tpu.memory_space<hbm>> -> memref<2x120xi32, #tpu.memory_space<hbm>>
            tpu.wait_dma2 semaphore(%run_scoped3A : memref<!tpu.dma_semaphore, #tpu.memory_space<semaphore_mem>>) src(%dma_wait3A_140 : memref<2x120xi32, #tpu.memory_space<hbm>>) dst(%arg11 : memref<2x120xi32, #tpu.memory_space<vmem>>)
            tpu.yield
          }) : () -> ()
          %dma_start3A_118 = arith.constant 0 : i32
          %dma_start3A_119 = arith.constant 0 : i32
          %dma_start3A_120 = tpu.memref_slice %arg11[%dma_start3A_118, %dma_start3A_119] : memref<2x120xi32, #tpu.memory_space<vmem>> -> memref<1x120xi32, #tpu.memory_space<vmem>>
          %dma_start3A_121 = tpu.memref_squeeze %dma_start3A_120 : memref<1x120xi32, #tpu.memory_space<vmem>> -> memref<120xi32, #tpu.memory_space<vmem>>
          %dma_start3A_122 = arith.constant 0 : i32
          %dma_start3A_123 = arith.constant 0 : i32
          %dma_start3A_124 = tpu.memref_slice %arg4[%dma_start3A_122, %dma_start3A_123] : memref<10000x128xf32, #tpu.memory_space<hbm>> -> memref<10000x128xf32, #tpu.memory_space<hbm>>
          tpu.enqueue_indirect_dma source(%dma_start3A_124 : memref<10000x128xf32, #tpu.memory_space<hbm>>) target(%arg13 : memref<120x128xf32, #tpu.memory_space<vmem>>) offsets(%dma_start3A_121 : memref<120xi32, #tpu.memory_space<vmem>>) semaphore(%arg17 : memref<!tpu.dma_semaphore, #tpu.memory_space<semaphore_mem>>)
        } else {
        }
        %dma_wait3A_92 = arith.constant 0 : i32
        %dma_wait3A_93 = arith.constant 0 : i32
        %dma_wait3A_94 = tpu.memref_slice %arg12[%dma_wait3A_92, %dma_wait3A_93] : memref<2x120xi32, #tpu.memory_space<vmem>> -> memref<1x120xi32, #tpu.memory_space<vmem>>
        %dma_wait3A_95 = tpu.memref_squeeze %dma_wait3A_94 : memref<1x120xi32, #tpu.memory_space<vmem>> -> memref<120xi32, #tpu.memory_space<vmem>>
        %dma_wait3A_96 = arith.constant 0 : i32
        %dma_wait3A_97 = arith.constant 0 : i32
        %dma_wait3A_98 = tpu.memref_slice %arg4[%dma_wait3A_96, %dma_wait3A_97] : memref<10000x128xf32, #tpu.memory_space<hbm>> -> memref<10000x128xf32, #tpu.memory_space<hbm>>
        tpu.wait_indirect_dma semaphore(%arg18 : memref<!tpu.dma_semaphore, #tpu.memory_space<semaphore_mem>>) src(%dma_wait3A_98 : memref<10000x128xf32, #tpu.memory_space<hbm>>) dst(%arg14 : memref<120x128xf32, #tpu.memory_space<vmem>>)
        %dma_start3A_99 = arith.constant 1 : i32
        %dma_start3A_100 = arith.constant 0 : i32
        %dma_start3A_101 = tpu.memref_slice %arg12[%dma_start3A_99, %dma_start3A_100] : memref<2x120xi32, #tpu.memory_space<vmem>> -> memref<1x120xi32, #tpu.memory_space<vmem>>
        %dma_start3A_102 = tpu.memref_squeeze %dma_start3A_101 : memref<1x120xi32, #tpu.memory_space<vmem>> -> memref<120xi32, #tpu.memory_space<vmem>>
        %dma_start3A_103 = arith.constant 0 : i32
        %dma_start3A_104 = arith.constant 0 : i32
        %dma_start3A_105 = tpu.memref_slice %arg16[%dma_start3A_103, %dma_start3A_104] : memref<10008x128xf32, #tpu.memory_space<vmem_shared>> -> memref<10008x128xf32, #tpu.memory_space<vmem_shared>>
        tpu.enqueue_indirect_dma source(%arg14 : memref<120x128xf32, #tpu.memory_space<vmem>>) target(%dma_start3A_105 : memref<10008x128xf32, #tpu.memory_space<vmem_shared>>) offsets(%dma_start3A_102 : memref<120xi32, #tpu.memory_space<vmem>>) semaphore(%arg20 : memref<!tpu.dma_semaphore, #tpu.memory_space<semaphore_mem>>) {add = true}
      }
      %scan3A_34 = arith.constant 42 : i32
      %dma_wait3A = arith.constant 1 : i32
      %dma_wait3A_35 = arith.constant 0 : i32
      %dma_wait3A_36 = tpu.memref_slice %arg11[%dma_wait3A, %dma_wait3A_35] : memref<2x120xi32, #tpu.memory_space<vmem>> -> memref<1x120xi32, #tpu.memory_space<vmem>>
      %dma_wait3A_37 = tpu.memref_squeeze %dma_wait3A_36 : memref<1x120xi32, #tpu.memory_space<vmem>> -> memref<120xi32, #tpu.memory_space<vmem>>
      %dma_wait3A_38 = arith.constant 0 : i32
      %dma_wait3A_39 = arith.constant 0 : i32
      %dma_wait3A_40 = tpu.memref_slice %arg16[%dma_wait3A_38, %dma_wait3A_39] : memref<10008x128xf32, #tpu.memory_space<vmem_shared>> -> memref<10008x128xf32, #tpu.memory_space<vmem_shared>>
      tpu.wait_indirect_dma semaphore(%arg19 : memref<!tpu.dma_semaphore, #tpu.memory_space<semaphore_mem>>) src(%arg13 : memref<120x128xf32, #tpu.memory_space<vmem>>) dst(%dma_wait3A_40 : memref<10008x128xf32, #tpu.memory_space<vmem_shared>>)
      %dma_wait3A_41 = arith.constant 1 : i32
      %dma_wait3A_42 = arith.constant 0 : i32
      %dma_wait3A_43 = tpu.memref_slice %arg12[%dma_wait3A_41, %dma_wait3A_42] : memref<2x120xi32, #tpu.memory_space<vmem>> -> memref<1x120xi32, #tpu.memory_space<vmem>>
      %dma_wait3A_44 = tpu.memref_squeeze %dma_wait3A_43 : memref<1x120xi32, #tpu.memory_space<vmem>> -> memref<120xi32, #tpu.memory_space<vmem>>
      %dma_wait3A_45 = arith.constant 0 : i32
      %dma_wait3A_46 = arith.constant 0 : i32
      %dma_wait3A_47 = tpu.memref_slice %arg16[%dma_wait3A_45, %dma_wait3A_46] : memref<10008x128xf32, #tpu.memory_space<vmem_shared>> -> memref<10008x128xf32, #tpu.memory_space<vmem_shared>>
      tpu.wait_indirect_dma semaphore(%arg20 : memref<!tpu.dma_semaphore, #tpu.memory_space<semaphore_mem>>) src(%arg14 : memref<120x128xf32, #tpu.memory_space<vmem>>) dst(%dma_wait3A_47 : memref<10008x128xf32, #tpu.memory_space<vmem_shared>>)
      %barrier3A_48 = arith.constant 0 : index
      tpu.barrier barrier_id(%barrier3A_48)
      %scan3A_49 = arith.constant 0 : i32
      %scan3A_50 = arith.constant 0 : i32
      %scan3A_51 = arith.constant 8 : i32
      %scan3A_52 = arith.addi %scan3A_50, %scan3A_51 : i32
      %scan3A_53 = arith.constant 1 : i32
      scf.for %scan3A_56 = %scan3A_50 to %scan3A_52 step %scan3A_53  : i32 {
        %mul3A_57 = arith.constant 16 : i32
        %mul3A_58 = arith.muli %scan3A_56, %mul3A_57 : i32
        %add3A = arith.addi %mul3A_58, %arg1 : i32
        %lt3A = arith.constant 125 : i32
        %lt3A_59 = arith.cmpi slt, %add3A, %lt3A : i32
        %convert_element_type3A_60 = arith.extui %lt3A_59 : i1 to i32
        %cond3A_61 = arith.constant 0 : i32
        %cond3A_62 = arith.cmpi ne, %convert_element_type3A_60, %cond3A_61 : i32
        scf.if %cond3A_62 {
          %mul3A_63 = arith.constant 80 : i32
          %mul3A_64 = arith.muli %add3A, %mul3A_63 : i32
          "tpu.region"() ({
            %run_scoped3A = tpu.sem_alloc : memref<!tpu.dma_semaphore, #tpu.memory_space<semaphore_mem>>
            %dma_start3A_65 = arith.constant 0 : i32
            %dma_start3A_66 = tpu.memref_slice %arg16[%mul3A_64, %dma_start3A_65] : memref<10008x128xf32, #tpu.memory_space<vmem_shared>> -> memref<80x128xf32, #tpu.memory_space<vmem_shared>>
            %dma_start3A_67 = arith.constant 0 : i32
            %dma_start3A_68 = tpu.memref_slice %arg16[%mul3A_64, %dma_start3A_67] : memref<10008x128xf32, #tpu.memory_space<vmem_shared>> -> memref<80x128xf32, #tpu.memory_space<vmem_shared>>
            tpu.enqueue_dma source(%dma_start3A_68 : memref<80x128xf32, #tpu.memory_space<vmem_shared>>) target(%arg15 : memref<80x128xf32, #tpu.memory_space<vmem>>) target_semaphore(%run_scoped3A : memref<!tpu.dma_semaphore, #tpu.memory_space<semaphore_mem>>)
            %dma_wait3A_69 = arith.constant 0 : i32
            %dma_wait3A_70 = tpu.memref_slice %arg16[%mul3A_64, %dma_wait3A_69] : memref<10008x128xf32, #tpu.memory_space<vmem_shared>> -> memref<80x128xf32, #tpu.memory_space<vmem_shared>>
            %dma_wait3A_71 = arith.constant 0 : i32
            %dma_wait3A_72 = tpu.memref_slice %arg16[%mul3A_64, %dma_wait3A_71] : memref<10008x128xf32, #tpu.memory_space<vmem_shared>> -> memref<80x128xf32, #tpu.memory_space<vmem_shared>>
            tpu.wait_dma2 semaphore(%run_scoped3A : memref<!tpu.dma_semaphore, #tpu.memory_space<semaphore_mem>>) src(%dma_wait3A_72 : memref<80x128xf32, #tpu.memory_space<vmem_shared>>) dst(%arg15 : memref<80x128xf32, #tpu.memory_space<vmem>>)
            tpu.yield
          }) : () -> ()
          "tpu.region"() ({
            %run_scoped3A = tpu.sem_alloc : memref<!tpu.dma_semaphore, #tpu.memory_space<semaphore_mem>>
            %dma_start3A_65 = arith.constant 0 : i32
            %dma_start3A_66 = tpu.memref_slice %arg9[%mul3A_64, %dma_start3A_65] : memref<10000x128xf32, #tpu.memory_space<hbm>> -> memref<80x128xf32, #tpu.memory_space<hbm>>
            %dma_start3A_67 = arith.constant 0 : i32
            %dma_start3A_68 = tpu.memref_slice %arg9[%mul3A_64, %dma_start3A_67] : memref<10000x128xf32, #tpu.memory_space<hbm>> -> memref<80x128xf32, #tpu.memory_space<hbm>>
            tpu.enqueue_dma source(%arg15 : memref<80x128xf32, #tpu.memory_space<vmem>>) target(%dma_start3A_68 : memref<80x128xf32, #tpu.memory_space<hbm>>) target_semaphore(%run_scoped3A : memref<!tpu.dma_semaphore, #tpu.memory_space<semaphore_mem>>)
            %dma_wait3A_69 = arith.constant 0 : i32
            %dma_wait3A_70 = tpu.memref_slice %arg9[%mul3A_64, %dma_wait3A_69] : memref<10000x128xf32, #tpu.memory_space<hbm>> -> memref<80x128xf32, #tpu.memory_space<hbm>>
            %dma_wait3A_71 = arith.constant 0 : i32
            %dma_wait3A_72 = tpu.memref_slice %arg9[%mul3A_64, %dma_wait3A_71] : memref<10000x128xf32, #tpu.memory_space<hbm>> -> memref<80x128xf32, #tpu.memory_space<hbm>>
            tpu.wait_dma2 semaphore(%run_scoped3A : memref<!tpu.dma_semaphore, #tpu.memory_space<semaphore_mem>>) src(%arg15 : memref<80x128xf32, #tpu.memory_space<vmem>>) dst(%dma_wait3A_72 : memref<80x128xf32, #tpu.memory_space<hbm>>)
            tpu.yield
          }) : () -> ()
        } else {
        }
      }
      %scan3A_54 = arith.constant 8 : i32
      %barrier3A_55 = arith.constant 0 : index
      tpu.barrier barrier_id(%barrier3A_55)
    } else {
    }
    %eq3A_13 = arith.constant 1 : i32
    %eq3A_14 = arith.cmpi eq, %arg0, %eq3A_13 : i32
    %convert_element_type3A_15 = arith.extui %eq3A_14 : i1 to i32
    %cond3A_16 = arith.constant 0 : i32
    %cond3A_17 = arith.cmpi ne, %convert_element_type3A_15, %cond3A_16 : i32
    scf.if %cond3A_17 {
      %scan3A = arith.constant 0 : i32
      %scan3A_18 = arith.constant 0 : i32
      %scan3A_19 = arith.constant 8 : i32
      %scan3A_20 = arith.addi %scan3A_18, %scan3A_19 : i32
      %scan3A_21 = arith.constant 1 : i32
      scf.for %scan3A_56 = %scan3A_18 to %scan3A_20 step %scan3A_21  : i32 {
        %mul3A_57 = arith.constant 16 : i32
        %mul3A_58 = arith.muli %scan3A_56, %mul3A_57 : i32
        %add3A = arith.addi %mul3A_58, %arg1 : i32
        %lt3A = arith.constant 125 : i32
        %lt3A_59 = arith.cmpi slt, %add3A, %lt3A : i32
        %convert_element_type3A_60 = arith.extui %lt3A_59 : i1 to i32
        %cond3A_61 = arith.constant 0 : i32
        %cond3A_62 = arith.cmpi ne, %convert_element_type3A_60, %cond3A_61 : i32
        scf.if %cond3A_62 {
          %mul3A_63 = arith.constant 80 : i32
          %mul3A_64 = arith.muli %add3A, %mul3A_63 : i32
          "tpu.region"() ({
            %run_scoped3A = tpu.sem_alloc : memref<!tpu.dma_semaphore, #tpu.memory_space<semaphore_mem>>
            %dma_start3A_65 = arith.constant 0 : i32
            %dma_start3A_66 = tpu.memref_slice %arg5[%mul3A_64, %dma_start3A_65] : memref<10000x128xf32, #tpu.memory_space<hbm>> -> memref<80x128xf32, #tpu.memory_space<hbm>>
            %dma_start3A_67 = arith.constant 0 : i32
            %dma_start3A_68 = tpu.memref_slice %arg5[%mul3A_64, %dma_start3A_67] : memref<10000x128xf32, #tpu.memory_space<hbm>> -> memref<80x128xf32, #tpu.memory_space<hbm>>
            tpu.enqueue_dma source(%dma_start3A_68 : memref<80x128xf32, #tpu.memory_space<hbm>>) target(%arg15 : memref<80x128xf32, #tpu.memory_space<vmem>>) target_semaphore(%run_scoped3A : memref<!tpu.dma_semaphore, #tpu.memory_space<semaphore_mem>>)
            %dma_wait3A_69 = arith.constant 0 : i32
            %dma_wait3A_70 = tpu.memref_slice %arg5[%mul3A_64, %dma_wait3A_69] : memref<10000x128xf32, #tpu.memory_space<hbm>> -> memref<80x128xf32, #tpu.memory_space<hbm>>
            %dma_wait3A_71 = arith.constant 0 : i32
            %dma_wait3A_72 = tpu.memref_slice %arg5[%mul3A_64, %dma_wait3A_71] : memref<10000x128xf32, #tpu.memory_space<hbm>> -> memref<80x128xf32, #tpu.memory_space<hbm>>
            tpu.wait_dma2 semaphore(%run_scoped3A : memref<!tpu.dma_semaphore, #tpu.memory_space<semaphore_mem>>) src(%dma_wait3A_72 : memref<80x128xf32, #tpu.memory_space<hbm>>) dst(%arg15 : memref<80x128xf32, #tpu.memory_space<vmem>>)
            tpu.yield
          }) : () -> ()
          "tpu.region"() ({
            %run_scoped3A = tpu.sem_alloc : memref<!tpu.dma_semaphore, #tpu.memory_space<semaphore_mem>>
            %dma_start3A_65 = arith.constant 0 : i32
            %dma_start3A_66 = tpu.memref_slice %arg16[%mul3A_64, %dma_start3A_65] : memref<10008x128xf32, #tpu.memory_space<vmem_shared>> -> memref<80x128xf32, #tpu.memory_space<vmem_shared>>
            %dma_start3A_67 = arith.constant 0 : i32
            %dma_start3A_68 = tpu.memref_slice %arg16[%mul3A_64, %dma_start3A_67] : memref<10008x128xf32, #tpu.memory_space<vmem_shared>> -> memref<80x128xf32, #tpu.memory_space<vmem_shared>>
            tpu.enqueue_dma source(%arg15 : memref<80x128xf32, #tpu.memory_space<vmem>>) target(%dma_start3A_68 : memref<80x128xf32, #tpu.memory_space<vmem_shared>>) target_semaphore(%run_scoped3A : memref<!tpu.dma_semaphore, #tpu.memory_space<semaphore_mem>>)
            %dma_wait3A_69 = arith.constant 0 : i32
            %dma_wait3A_70 = tpu.memref_slice %arg16[%mul3A_64, %dma_wait3A_69] : memref<10008x128xf32, #tpu.memory_space<vmem_shared>> -> memref<80x128xf32, #tpu.memory_space<vmem_shared>>
            %dma_wait3A_71 = arith.constant 0 : i32
            %dma_wait3A_72 = tpu.memref_slice %arg16[%mul3A_64, %dma_wait3A_71] : memref<10008x128xf32, #tpu.memory_space<vmem_shared>> -> memref<80x128xf32, #tpu.memory_space<vmem_shared>>
            tpu.wait_dma2 semaphore(%run_scoped3A : memref<!tpu.dma_semaphore, #tpu.memory_space<semaphore_mem>>) src(%arg15 : memref<80x128xf32, #tpu.memory_space<vmem>>) dst(%dma_wait3A_72 : memref<80x128xf32, #tpu.memory_space<vmem_shared>>)
            tpu.yield
          }) : () -> ()
        } else {
        }
      }
      %scan3A_22 = arith.constant 8 : i32
      %barrier3A = arith.constant 0 : index
      tpu.barrier barrier_id(%barrier3A)
      "tpu.region"() ({
        %run_scoped3A = tpu.sem_alloc : memref<!tpu.dma_semaphore, #tpu.memory_space<semaphore_mem>>
        %dma_start3A_56 = arith.constant 0 : i32
        %dma_start3A_57 = arith.constant 0 : i32
        %dma_start3A_58 = tpu.memref_slice %arg6[%mul3A_0, %dma_start3A_56, %dma_start3A_57] : memref<1344x2x120xi32, #tpu.memory_space<hbm>> -> memref<1x2x120xi32, #tpu.memory_space<hbm>>
        %dma_start3A_59 = tpu.memref_squeeze %dma_start3A_58 : memref<1x2x120xi32, #tpu.memory_space<hbm>> -> memref<2x120xi32, #tpu.memory_space<hbm>>
        %dma_start3A_60 = arith.constant 0 : i32
        %dma_start3A_61 = arith.constant 0 : i32
        %dma_start3A_62 = tpu.memref_slice %arg6[%mul3A_0, %dma_start3A_60, %dma_start3A_61] : memref<1344x2x120xi32, #tpu.memory_space<hbm>> -> memref<1x2x120xi32, #tpu.memory_space<hbm>>
        %dma_start3A_63 = tpu.memref_squeeze %dma_start3A_62 : memref<1x2x120xi32, #tpu.memory_space<hbm>> -> memref<2x120xi32, #tpu.memory_space<hbm>>
        tpu.enqueue_dma source(%dma_start3A_63 : memref<2x120xi32, #tpu.memory_space<hbm>>) target(%arg11 : memref<2x120xi32, #tpu.memory_space<vmem>>) target_semaphore(%run_scoped3A : memref<!tpu.dma_semaphore, #tpu.memory_space<semaphore_mem>>)
        %dma_wait3A_64 = arith.constant 0 : i32
        %dma_wait3A_65 = arith.constant 0 : i32
        %dma_wait3A_66 = tpu.memref_slice %arg6[%mul3A_0, %dma_wait3A_64, %dma_wait3A_65] : memref<1344x2x120xi32, #tpu.memory_space<hbm>> -> memref<1x2x120xi32, #tpu.memory_space<hbm>>
        %dma_wait3A_67 = tpu.memref_squeeze %dma_wait3A_66 : memref<1x2x120xi32, #tpu.memory_space<hbm>> -> memref<2x120xi32, #tpu.memory_space<hbm>>
        %dma_wait3A_68 = arith.constant 0 : i32
        %dma_wait3A_69 = arith.constant 0 : i32
        %dma_wait3A_70 = tpu.memref_slice %arg6[%mul3A_0, %dma_wait3A_68, %dma_wait3A_69] : memref<1344x2x120xi32, #tpu.memory_space<hbm>> -> memref<1x2x120xi32, #tpu.memory_space<hbm>>
        %dma_wait3A_71 = tpu.memref_squeeze %dma_wait3A_70 : memref<1x2x120xi32, #tpu.memory_space<hbm>> -> memref<2x120xi32, #tpu.memory_space<hbm>>
        tpu.wait_dma2 semaphore(%run_scoped3A : memref<!tpu.dma_semaphore, #tpu.memory_space<semaphore_mem>>) src(%dma_wait3A_71 : memref<2x120xi32, #tpu.memory_space<hbm>>) dst(%arg11 : memref<2x120xi32, #tpu.memory_space<vmem>>)
        tpu.yield
      }) : () -> ()
      %dma_start3A = arith.constant 0 : i32
      %dma_start3A_23 = arith.constant 0 : i32
      %dma_start3A_24 = tpu.memref_slice %arg11[%dma_start3A, %dma_start3A_23] : memref<2x120xi32, #tpu.memory_space<vmem>> -> memref<1x120xi32, #tpu.memory_space<vmem>>
      %dma_start3A_25 = tpu.memref_squeeze %dma_start3A_24 : memref<1x120xi32, #tpu.memory_space<vmem>> -> memref<120xi32, #tpu.memory_space<vmem>>
      %dma_start3A_26 = arith.constant 0 : i32
      %dma_start3A_27 = arith.constant 0 : i32
      %dma_start3A_28 = tpu.memref_slice %arg5[%dma_start3A_26, %dma_start3A_27] : memref<10000x128xf32, #tpu.memory_space<hbm>> -> memref<10000x128xf32, #tpu.memory_space<hbm>>
      tpu.enqueue_indirect_dma source(%dma_start3A_28 : memref<10000x128xf32, #tpu.memory_space<hbm>>) target(%arg13 : memref<120x128xf32, #tpu.memory_space<vmem>>) offsets(%dma_start3A_25 : memref<120xi32, #tpu.memory_space<vmem>>) semaphore(%arg17 : memref<!tpu.dma_semaphore, #tpu.memory_space<semaphore_mem>>)
      %scan3A_29 = arith.constant 0 : i32
      %scan3A_30 = arith.constant 0 : i32
      %scan3A_31 = arith.constant 42 : i32
      %scan3A_32 = arith.addi %scan3A_30, %scan3A_31 : i32
      %scan3A_33 = arith.constant 1 : i32
      scf.for %scan3A_56 = %scan3A_30 to %scan3A_32 step %scan3A_33  : i32 {
        %gt3A = arith.constant 0 : i32
        %gt3A_57 = arith.cmpi sgt, %scan3A_56, %gt3A : i32
        %convert_element_type3A_58 = arith.extui %gt3A_57 : i1 to i32
        %cond3A_59 = arith.constant 0 : i32
        %cond3A_60 = arith.cmpi ne, %convert_element_type3A_58, %cond3A_59 : i32
        scf.if %cond3A_60 {
          %dma_wait3A_106 = arith.constant 1 : i32
          %dma_wait3A_107 = arith.constant 0 : i32
          %dma_wait3A_108 = tpu.memref_slice %arg12[%dma_wait3A_106, %dma_wait3A_107] : memref<2x120xi32, #tpu.memory_space<vmem>> -> memref<1x120xi32, #tpu.memory_space<vmem>>
          %dma_wait3A_109 = tpu.memref_squeeze %dma_wait3A_108 : memref<1x120xi32, #tpu.memory_space<vmem>> -> memref<120xi32, #tpu.memory_space<vmem>>
          %dma_wait3A_110 = arith.constant 0 : i32
          %dma_wait3A_111 = arith.constant 0 : i32
          %dma_wait3A_112 = tpu.memref_slice %arg16[%dma_wait3A_110, %dma_wait3A_111] : memref<10008x128xf32, #tpu.memory_space<vmem_shared>> -> memref<10008x128xf32, #tpu.memory_space<vmem_shared>>
          tpu.wait_indirect_dma semaphore(%arg20 : memref<!tpu.dma_semaphore, #tpu.memory_space<semaphore_mem>>) src(%arg14 : memref<120x128xf32, #tpu.memory_space<vmem>>) dst(%dma_wait3A_112 : memref<10008x128xf32, #tpu.memory_space<vmem_shared>>)
        } else {
        }
        %mul3A_61 = arith.constant 2 : i32
        %mul3A_62 = arith.muli %mul3A_61, %scan3A_56 : i32
        %add3A = arith.addi %mul3A_0, %mul3A_62 : i32
        %add3A_63 = arith.constant 1 : i32
        %add3A_64 = arith.addi %add3A, %add3A_63 : i32
        "tpu.region"() ({
          %run_scoped3A = tpu.sem_alloc : memref<!tpu.dma_semaphore, #tpu.memory_space<semaphore_mem>>
          %dma_start3A_106 = arith.constant 0 : i32
          %dma_start3A_107 = arith.constant 0 : i32
          %dma_start3A_108 = tpu.memref_slice %arg6[%add3A_64, %dma_start3A_106, %dma_start3A_107] : memref<1344x2x120xi32, #tpu.memory_space<hbm>> -> memref<1x2x120xi32, #tpu.memory_space<hbm>>
          %dma_start3A_109 = tpu.memref_squeeze %dma_start3A_108 : memref<1x2x120xi32, #tpu.memory_space<hbm>> -> memref<2x120xi32, #tpu.memory_space<hbm>>
          %dma_start3A_110 = arith.constant 0 : i32
          %dma_start3A_111 = arith.constant 0 : i32
          %dma_start3A_112 = tpu.memref_slice %arg6[%add3A_64, %dma_start3A_110, %dma_start3A_111] : memref<1344x2x120xi32, #tpu.memory_space<hbm>> -> memref<1x2x120xi32, #tpu.memory_space<hbm>>
          %dma_start3A_113 = tpu.memref_squeeze %dma_start3A_112 : memref<1x2x120xi32, #tpu.memory_space<hbm>> -> memref<2x120xi32, #tpu.memory_space<hbm>>
          tpu.enqueue_dma source(%dma_start3A_113 : memref<2x120xi32, #tpu.memory_space<hbm>>) target(%arg12 : memref<2x120xi32, #tpu.memory_space<vmem>>) target_semaphore(%run_scoped3A : memref<!tpu.dma_semaphore, #tpu.memory_space<semaphore_mem>>)
          %dma_wait3A_114 = arith.constant 0 : i32
          %dma_wait3A_115 = arith.constant 0 : i32
          %dma_wait3A_116 = tpu.memref_slice %arg6[%add3A_64, %dma_wait3A_114, %dma_wait3A_115] : memref<1344x2x120xi32, #tpu.memory_space<hbm>> -> memref<1x2x120xi32, #tpu.memory_space<hbm>>
          %dma_wait3A_117 = tpu.memref_squeeze %dma_wait3A_116 : memref<1x2x120xi32, #tpu.memory_space<hbm>> -> memref<2x120xi32, #tpu.memory_space<hbm>>
          %dma_wait3A_118 = arith.constant 0 : i32
          %dma_wait3A_119 = arith.constant 0 : i32
          %dma_wait3A_120 = tpu.memref_slice %arg6[%add3A_64, %dma_wait3A_118, %dma_wait3A_119] : memref<1344x2x120xi32, #tpu.memory_space<hbm>> -> memref<1x2x120xi32, #tpu.memory_space<hbm>>
          %dma_wait3A_121 = tpu.memref_squeeze %dma_wait3A_120 : memref<1x2x120xi32, #tpu.memory_space<hbm>> -> memref<2x120xi32, #tpu.memory_space<hbm>>
          tpu.wait_dma2 semaphore(%run_scoped3A : memref<!tpu.dma_semaphore, #tpu.memory_space<semaphore_mem>>) src(%dma_wait3A_121 : memref<2x120xi32, #tpu.memory_space<hbm>>) dst(%arg12 : memref<2x120xi32, #tpu.memory_space<vmem>>)
          tpu.yield
        }) : () -> ()
        %dma_start3A_65 = arith.constant 0 : i32
        %dma_start3A_66 = arith.constant 0 : i32
        %dma_start3A_67 = tpu.memref_slice %arg12[%dma_start3A_65, %dma_start3A_66] : memref<2x120xi32, #tpu.memory_space<vmem>> -> memref<1x120xi32, #tpu.memory_space<vmem>>
        %dma_start3A_68 = tpu.memref_squeeze %dma_start3A_67 : memref<1x120xi32, #tpu.memory_space<vmem>> -> memref<120xi32, #tpu.memory_space<vmem>>
        %dma_start3A_69 = arith.constant 0 : i32
        %dma_start3A_70 = arith.constant 0 : i32
        %dma_start3A_71 = tpu.memref_slice %arg5[%dma_start3A_69, %dma_start3A_70] : memref<10000x128xf32, #tpu.memory_space<hbm>> -> memref<10000x128xf32, #tpu.memory_space<hbm>>
        tpu.enqueue_indirect_dma source(%dma_start3A_71 : memref<10000x128xf32, #tpu.memory_space<hbm>>) target(%arg14 : memref<120x128xf32, #tpu.memory_space<vmem>>) offsets(%dma_start3A_68 : memref<120xi32, #tpu.memory_space<vmem>>) semaphore(%arg18 : memref<!tpu.dma_semaphore, #tpu.memory_space<semaphore_mem>>)
        %dma_wait3A_72 = arith.constant 0 : i32
        %dma_wait3A_73 = arith.constant 0 : i32
        %dma_wait3A_74 = tpu.memref_slice %arg11[%dma_wait3A_72, %dma_wait3A_73] : memref<2x120xi32, #tpu.memory_space<vmem>> -> memref<1x120xi32, #tpu.memory_space<vmem>>
        %dma_wait3A_75 = tpu.memref_squeeze %dma_wait3A_74 : memref<1x120xi32, #tpu.memory_space<vmem>> -> memref<120xi32, #tpu.memory_space<vmem>>
        %dma_wait3A_76 = arith.constant 0 : i32
        %dma_wait3A_77 = arith.constant 0 : i32
        %dma_wait3A_78 = tpu.memref_slice %arg5[%dma_wait3A_76, %dma_wait3A_77] : memref<10000x128xf32, #tpu.memory_space<hbm>> -> memref<10000x128xf32, #tpu.memory_space<hbm>>
        tpu.wait_indirect_dma semaphore(%arg17 : memref<!tpu.dma_semaphore, #tpu.memory_space<semaphore_mem>>) src(%dma_wait3A_78 : memref<10000x128xf32, #tpu.memory_space<hbm>>) dst(%arg13 : memref<120x128xf32, #tpu.memory_space<vmem>>)
        %dma_start3A_79 = arith.constant 1 : i32
        %dma_start3A_80 = arith.constant 0 : i32
        %dma_start3A_81 = tpu.memref_slice %arg11[%dma_start3A_79, %dma_start3A_80] : memref<2x120xi32, #tpu.memory_space<vmem>> -> memref<1x120xi32, #tpu.memory_space<vmem>>
        %dma_start3A_82 = tpu.memref_squeeze %dma_start3A_81 : memref<1x120xi32, #tpu.memory_space<vmem>> -> memref<120xi32, #tpu.memory_space<vmem>>
        %dma_start3A_83 = arith.constant 0 : i32
        %dma_start3A_84 = arith.constant 0 : i32
        %dma_start3A_85 = tpu.memref_slice %arg16[%dma_start3A_83, %dma_start3A_84] : memref<10008x128xf32, #tpu.memory_space<vmem_shared>> -> memref<10008x128xf32, #tpu.memory_space<vmem_shared>>
        tpu.enqueue_indirect_dma source(%arg13 : memref<120x128xf32, #tpu.memory_space<vmem>>) target(%dma_start3A_85 : memref<10008x128xf32, #tpu.memory_space<vmem_shared>>) offsets(%dma_start3A_82 : memref<120xi32, #tpu.memory_space<vmem>>) semaphore(%arg19 : memref<!tpu.dma_semaphore, #tpu.memory_space<semaphore_mem>>) {add = true}
        %add3A_86 = arith.constant 1 : i32
        %add3A_87 = arith.addi %scan3A_56, %add3A_86 : i32
        %lt3A = arith.constant 42 : i32
        %lt3A_88 = arith.cmpi slt, %add3A_87, %lt3A : i32
        %convert_element_type3A_89 = arith.extui %lt3A_88 : i1 to i32
        %cond3A_90 = arith.constant 0 : i32
        %cond3A_91 = arith.cmpi ne, %convert_element_type3A_89, %cond3A_90 : i32
        scf.if %cond3A_91 {
          %dma_wait3A_106 = arith.constant 1 : i32
          %dma_wait3A_107 = arith.constant 0 : i32
          %dma_wait3A_108 = tpu.memref_slice %arg11[%dma_wait3A_106, %dma_wait3A_107] : memref<2x120xi32, #tpu.memory_space<vmem>> -> memref<1x120xi32, #tpu.memory_space<vmem>>
          %dma_wait3A_109 = tpu.memref_squeeze %dma_wait3A_108 : memref<1x120xi32, #tpu.memory_space<vmem>> -> memref<120xi32, #tpu.memory_space<vmem>>
          %dma_wait3A_110 = arith.constant 0 : i32
          %dma_wait3A_111 = arith.constant 0 : i32
          %dma_wait3A_112 = tpu.memref_slice %arg16[%dma_wait3A_110, %dma_wait3A_111] : memref<10008x128xf32, #tpu.memory_space<vmem_shared>> -> memref<10008x128xf32, #tpu.memory_space<vmem_shared>>
          tpu.wait_indirect_dma semaphore(%arg19 : memref<!tpu.dma_semaphore, #tpu.memory_space<semaphore_mem>>) src(%arg13 : memref<120x128xf32, #tpu.memory_space<vmem>>) dst(%dma_wait3A_112 : memref<10008x128xf32, #tpu.memory_space<vmem_shared>>)
          %mul3A_113 = arith.constant 2 : i32
          %mul3A_114 = arith.muli %mul3A_113, %scan3A_56 : i32
          %add3A_115 = arith.addi %mul3A_0, %mul3A_114 : i32
          %add3A_116 = arith.constant 2 : i32
          %add3A_117 = arith.addi %add3A_115, %add3A_116 : i32
          "tpu.region"() ({
            %run_scoped3A = tpu.sem_alloc : memref<!tpu.dma_semaphore, #tpu.memory_space<semaphore_mem>>
            %dma_start3A_125 = arith.constant 0 : i32
            %dma_start3A_126 = arith.constant 0 : i32
            %dma_start3A_127 = tpu.memref_slice %arg6[%add3A_117, %dma_start3A_125, %dma_start3A_126] : memref<1344x2x120xi32, #tpu.memory_space<hbm>> -> memref<1x2x120xi32, #tpu.memory_space<hbm>>
            %dma_start3A_128 = tpu.memref_squeeze %dma_start3A_127 : memref<1x2x120xi32, #tpu.memory_space<hbm>> -> memref<2x120xi32, #tpu.memory_space<hbm>>
            %dma_start3A_129 = arith.constant 0 : i32
            %dma_start3A_130 = arith.constant 0 : i32
            %dma_start3A_131 = tpu.memref_slice %arg6[%add3A_117, %dma_start3A_129, %dma_start3A_130] : memref<1344x2x120xi32, #tpu.memory_space<hbm>> -> memref<1x2x120xi32, #tpu.memory_space<hbm>>
            %dma_start3A_132 = tpu.memref_squeeze %dma_start3A_131 : memref<1x2x120xi32, #tpu.memory_space<hbm>> -> memref<2x120xi32, #tpu.memory_space<hbm>>
            tpu.enqueue_dma source(%dma_start3A_132 : memref<2x120xi32, #tpu.memory_space<hbm>>) target(%arg11 : memref<2x120xi32, #tpu.memory_space<vmem>>) target_semaphore(%run_scoped3A : memref<!tpu.dma_semaphore, #tpu.memory_space<semaphore_mem>>)
            %dma_wait3A_133 = arith.constant 0 : i32
            %dma_wait3A_134 = arith.constant 0 : i32
            %dma_wait3A_135 = tpu.memref_slice %arg6[%add3A_117, %dma_wait3A_133, %dma_wait3A_134] : memref<1344x2x120xi32, #tpu.memory_space<hbm>> -> memref<1x2x120xi32, #tpu.memory_space<hbm>>
            %dma_wait3A_136 = tpu.memref_squeeze %dma_wait3A_135 : memref<1x2x120xi32, #tpu.memory_space<hbm>> -> memref<2x120xi32, #tpu.memory_space<hbm>>
            %dma_wait3A_137 = arith.constant 0 : i32
            %dma_wait3A_138 = arith.constant 0 : i32
            %dma_wait3A_139 = tpu.memref_slice %arg6[%add3A_117, %dma_wait3A_137, %dma_wait3A_138] : memref<1344x2x120xi32, #tpu.memory_space<hbm>> -> memref<1x2x120xi32, #tpu.memory_space<hbm>>
            %dma_wait3A_140 = tpu.memref_squeeze %dma_wait3A_139 : memref<1x2x120xi32, #tpu.memory_space<hbm>> -> memref<2x120xi32, #tpu.memory_space<hbm>>
            tpu.wait_dma2 semaphore(%run_scoped3A : memref<!tpu.dma_semaphore, #tpu.memory_space<semaphore_mem>>) src(%dma_wait3A_140 : memref<2x120xi32, #tpu.memory_space<hbm>>) dst(%arg11 : memref<2x120xi32, #tpu.memory_space<vmem>>)
            tpu.yield
          }) : () -> ()
          %dma_start3A_118 = arith.constant 0 : i32
          %dma_start3A_119 = arith.constant 0 : i32
          %dma_start3A_120 = tpu.memref_slice %arg11[%dma_start3A_118, %dma_start3A_119] : memref<2x120xi32, #tpu.memory_space<vmem>> -> memref<1x120xi32, #tpu.memory_space<vmem>>
          %dma_start3A_121 = tpu.memref_squeeze %dma_start3A_120 : memref<1x120xi32, #tpu.memory_space<vmem>> -> memref<120xi32, #tpu.memory_space<vmem>>
          %dma_start3A_122 = arith.constant 0 : i32
          %dma_start3A_123 = arith.constant 0 : i32
          %dma_start3A_124 = tpu.memref_slice %arg5[%dma_start3A_122, %dma_start3A_123] : memref<10000x128xf32, #tpu.memory_space<hbm>> -> memref<10000x128xf32, #tpu.memory_space<hbm>>
          tpu.enqueue_indirect_dma source(%dma_start3A_124 : memref<10000x128xf32, #tpu.memory_space<hbm>>) target(%arg13 : memref<120x128xf32, #tpu.memory_space<vmem>>) offsets(%dma_start3A_121 : memref<120xi32, #tpu.memory_space<vmem>>) semaphore(%arg17 : memref<!tpu.dma_semaphore, #tpu.memory_space<semaphore_mem>>)
        } else {
        }
        %dma_wait3A_92 = arith.constant 0 : i32
        %dma_wait3A_93 = arith.constant 0 : i32
        %dma_wait3A_94 = tpu.memref_slice %arg12[%dma_wait3A_92, %dma_wait3A_93] : memref<2x120xi32, #tpu.memory_space<vmem>> -> memref<1x120xi32, #tpu.memory_space<vmem>>
        %dma_wait3A_95 = tpu.memref_squeeze %dma_wait3A_94 : memref<1x120xi32, #tpu.memory_space<vmem>> -> memref<120xi32, #tpu.memory_space<vmem>>
        %dma_wait3A_96 = arith.constant 0 : i32
        %dma_wait3A_97 = arith.constant 0 : i32
        %dma_wait3A_98 = tpu.memref_slice %arg5[%dma_wait3A_96, %dma_wait3A_97] : memref<10000x128xf32, #tpu.memory_space<hbm>> -> memref<10000x128xf32, #tpu.memory_space<hbm>>
        tpu.wait_indirect_dma semaphore(%arg18 : memref<!tpu.dma_semaphore, #tpu.memory_space<semaphore_mem>>) src(%dma_wait3A_98 : memref<10000x128xf32, #tpu.memory_space<hbm>>) dst(%arg14 : memref<120x128xf32, #tpu.memory_space<vmem>>)
        %dma_start3A_99 = arith.constant 1 : i32
        %dma_start3A_100 = arith.constant 0 : i32
        %dma_start3A_101 = tpu.memref_slice %arg12[%dma_start3A_99, %dma_start3A_100] : memref<2x120xi32, #tpu.memory_space<vmem>> -> memref<1x120xi32, #tpu.memory_space<vmem>>
        %dma_start3A_102 = tpu.memref_squeeze %dma_start3A_101 : memref<1x120xi32, #tpu.memory_space<vmem>> -> memref<120xi32, #tpu.memory_space<vmem>>
        %dma_start3A_103 = arith.constant 0 : i32
        %dma_start3A_104 = arith.constant 0 : i32
        %dma_start3A_105 = tpu.memref_slice %arg16[%dma_start3A_103, %dma_start3A_104] : memref<10008x128xf32, #tpu.memory_space<vmem_shared>> -> memref<10008x128xf32, #tpu.memory_space<vmem_shared>>
        tpu.enqueue_indirect_dma source(%arg14 : memref<120x128xf32, #tpu.memory_space<vmem>>) target(%dma_start3A_105 : memref<10008x128xf32, #tpu.memory_space<vmem_shared>>) offsets(%dma_start3A_102 : memref<120xi32, #tpu.memory_space<vmem>>) semaphore(%arg20 : memref<!tpu.dma_semaphore, #tpu.memory_space<semaphore_mem>>) {add = true}
      }
      %scan3A_34 = arith.constant 42 : i32
      %dma_wait3A = arith.constant 1 : i32
      %dma_wait3A_35 = arith.constant 0 : i32
      %dma_wait3A_36 = tpu.memref_slice %arg11[%dma_wait3A, %dma_wait3A_35] : memref<2x120xi32, #tpu.memory_space<vmem>> -> memref<1x120xi32, #tpu.memory_space<vmem>>
      %dma_wait3A_37 = tpu.memref_squeeze %dma_wait3A_36 : memref<1x120xi32, #tpu.memory_space<vmem>> -> memref<120xi32, #tpu.memory_space<vmem>>
      %dma_wait3A_38 = arith.constant 0 : i32
      %dma_wait3A_39 = arith.constant 0 : i32
      %dma_wait3A_40 = tpu.memref_slice %arg16[%dma_wait3A_38, %dma_wait3A_39] : memref<10008x128xf32, #tpu.memory_space<vmem_shared>> -> memref<10008x128xf32, #tpu.memory_space<vmem_shared>>
      tpu.wait_indirect_dma semaphore(%arg19 : memref<!tpu.dma_semaphore, #tpu.memory_space<semaphore_mem>>) src(%arg13 : memref<120x128xf32, #tpu.memory_space<vmem>>) dst(%dma_wait3A_40 : memref<10008x128xf32, #tpu.memory_space<vmem_shared>>)
      %dma_wait3A_41 = arith.constant 1 : i32
      %dma_wait3A_42 = arith.constant 0 : i32
      %dma_wait3A_43 = tpu.memref_slice %arg12[%dma_wait3A_41, %dma_wait3A_42] : memref<2x120xi32, #tpu.memory_space<vmem>> -> memref<1x120xi32, #tpu.memory_space<vmem>>
      %dma_wait3A_44 = tpu.memref_squeeze %dma_wait3A_43 : memref<1x120xi32, #tpu.memory_space<vmem>> -> memref<120xi32, #tpu.memory_space<vmem>>
      %dma_wait3A_45 = arith.constant 0 : i32
      %dma_wait3A_46 = arith.constant 0 : i32
      %dma_wait3A_47 = tpu.memref_slice %arg16[%dma_wait3A_45, %dma_wait3A_46] : memref<10008x128xf32, #tpu.memory_space<vmem_shared>> -> memref<10008x128xf32, #tpu.memory_space<vmem_shared>>
      tpu.wait_indirect_dma semaphore(%arg20 : memref<!tpu.dma_semaphore, #tpu.memory_space<semaphore_mem>>) src(%arg14 : memref<120x128xf32, #tpu.memory_space<vmem>>) dst(%dma_wait3A_47 : memref<10008x128xf32, #tpu.memory_space<vmem_shared>>)
      %barrier3A_48 = arith.constant 0 : index
      tpu.barrier barrier_id(%barrier3A_48)
      %scan3A_49 = arith.constant 0 : i32
      %scan3A_50 = arith.constant 0 : i32
      %scan3A_51 = arith.constant 8 : i32
      %scan3A_52 = arith.addi %scan3A_50, %scan3A_51 : i32
      %scan3A_53 = arith.constant 1 : i32
      scf.for %scan3A_56 = %scan3A_50 to %scan3A_52 step %scan3A_53  : i32 {
        %mul3A_57 = arith.constant 16 : i32
        %mul3A_58 = arith.muli %scan3A_56, %mul3A_57 : i32
        %add3A = arith.addi %mul3A_58, %arg1 : i32
        %lt3A = arith.constant 125 : i32
        %lt3A_59 = arith.cmpi slt, %add3A, %lt3A : i32
        %convert_element_type3A_60 = arith.extui %lt3A_59 : i1 to i32
        %cond3A_61 = arith.constant 0 : i32
        %cond3A_62 = arith.cmpi ne, %convert_element_type3A_60, %cond3A_61 : i32
        scf.if %cond3A_62 {
          %mul3A_63 = arith.constant 80 : i32
          %mul3A_64 = arith.muli %add3A, %mul3A_63 : i32
          "tpu.region"() ({
            %run_scoped3A = tpu.sem_alloc : memref<!tpu.dma_semaphore, #tpu.memory_space<semaphore_mem>>
            %dma_start3A_65 = arith.constant 0 : i32
            %dma_start3A_66 = tpu.memref_slice %arg16[%mul3A_64, %dma_start3A_65] : memref<10008x128xf32, #tpu.memory_space<vmem_shared>> -> memref<80x128xf32, #tpu.memory_space<vmem_shared>>
            %dma_start3A_67 = arith.constant 0 : i32
            %dma_start3A_68 = tpu.memref_slice %arg16[%mul3A_64, %dma_start3A_67] : memref<10008x128xf32, #tpu.memory_space<vmem_shared>> -> memref<80x128xf32, #tpu.memory_space<vmem_shared>>
            tpu.enqueue_dma source(%dma_start3A_68 : memref<80x128xf32, #tpu.memory_space<vmem_shared>>) target(%arg15 : memref<80x128xf32, #tpu.memory_space<vmem>>) target_semaphore(%run_scoped3A : memref<!tpu.dma_semaphore, #tpu.memory_space<semaphore_mem>>)
            %dma_wait3A_69 = arith.constant 0 : i32
            %dma_wait3A_70 = tpu.memref_slice %arg16[%mul3A_64, %dma_wait3A_69] : memref<10008x128xf32, #tpu.memory_space<vmem_shared>> -> memref<80x128xf32, #tpu.memory_space<vmem_shared>>
            %dma_wait3A_71 = arith.constant 0 : i32
            %dma_wait3A_72 = tpu.memref_slice %arg16[%mul3A_64, %dma_wait3A_71] : memref<10008x128xf32, #tpu.memory_space<vmem_shared>> -> memref<80x128xf32, #tpu.memory_space<vmem_shared>>
            tpu.wait_dma2 semaphore(%run_scoped3A : memref<!tpu.dma_semaphore, #tpu.memory_space<semaphore_mem>>) src(%dma_wait3A_72 : memref<80x128xf32, #tpu.memory_space<vmem_shared>>) dst(%arg15 : memref<80x128xf32, #tpu.memory_space<vmem>>)
            tpu.yield
          }) : () -> ()
          "tpu.region"() ({
            %run_scoped3A = tpu.sem_alloc : memref<!tpu.dma_semaphore, #tpu.memory_space<semaphore_mem>>
            %dma_start3A_65 = arith.constant 0 : i32
            %dma_start3A_66 = tpu.memref_slice %arg10[%mul3A_64, %dma_start3A_65] : memref<10000x128xf32, #tpu.memory_space<hbm>> -> memref<80x128xf32, #tpu.memory_space<hbm>>
            %dma_start3A_67 = arith.constant 0 : i32
            %dma_start3A_68 = tpu.memref_slice %arg10[%mul3A_64, %dma_start3A_67] : memref<10000x128xf32, #tpu.memory_space<hbm>> -> memref<80x128xf32, #tpu.memory_space<hbm>>
            tpu.enqueue_dma source(%arg15 : memref<80x128xf32, #tpu.memory_space<vmem>>) target(%dma_start3A_68 : memref<80x128xf32, #tpu.memory_space<hbm>>) target_semaphore(%run_scoped3A : memref<!tpu.dma_semaphore, #tpu.memory_space<semaphore_mem>>)
            %dma_wait3A_69 = arith.constant 0 : i32
            %dma_wait3A_70 = tpu.memref_slice %arg10[%mul3A_64, %dma_wait3A_69] : memref<10000x128xf32, #tpu.memory_space<hbm>> -> memref<80x128xf32, #tpu.memory_space<hbm>>
            %dma_wait3A_71 = arith.constant 0 : i32
            %dma_wait3A_72 = tpu.memref_slice %arg10[%mul3A_64, %dma_wait3A_71] : memref<10000x128xf32, #tpu.memory_space<hbm>> -> memref<80x128xf32, #tpu.memory_space<hbm>>
            tpu.wait_dma2 semaphore(%run_scoped3A : memref<!tpu.dma_semaphore, #tpu.memory_space<semaphore_mem>>) src(%arg15 : memref<80x128xf32, #tpu.memory_space<vmem>>) dst(%dma_wait3A_72 : memref<80x128xf32, #tpu.memory_space<hbm>>)
            tpu.yield
          }) : () -> ()
        } else {
        }
      }
      %scan3A_54 = arith.constant 8 : i32
      %barrier3A_55 = arith.constant 0 : index
      tpu.barrier barrier_id(%barrier3A_55)
    } else {
    }
    return
  }
}

#map = affine_map<(d0, d1) -> (0, 0)>
#map1 = affine_map<(d0, d1) -> (0)>
module attributes {stable_mosaic.version = 14 : i64} {
  func.func @deg(%arg0: i32, %arg1: i32, %arg2: memref<10000x128xf32, #tpu.memory_space<hbm>>, %arg3: memref<161280xi32, #tpu.memory_space<hbm>>, %arg4: memref<10000x128xf32, #tpu.memory_space<hbm>>, %arg5: memref<10000x128xf32, #tpu.memory_space<hbm>>, %arg6: memref<120xi32, #tpu.memory_space<vmem>>, %arg7: memref<120x128xf32, #tpu.memory_space<vmem>>, %arg8: memref<80x128xf32, #tpu.memory_space<vmem>>, %arg9: memref<10008x128xf32, #tpu.memory_space<vmem_shared>>) attributes {dimension_semantics = [#tpu.dimension_semantics<core_parallel>, #tpu.dimension_semantics<subcore_parallel>], iteration_bounds = array<i64: 2, 16>, scalar_prefetch = 0 : i64, scratch_operands = 4 : i64, tpu.core_type = #tpu.core_type<sc_vector_subcore>, window_params = [{transform_indices = #map}, {transform_indices = #map1}, {transform_indices = #map}, {transform_indices = #map}]} {
    %mul3A = arith.constant 16 : i32
    %mul3A_0 = arith.muli %arg0, %mul3A : i32
    %add3A = arith.addi %mul3A_0, %arg1 : i32
    %mul3A_1 = arith.constant 5040 : i32
    %mul3A_2 = arith.muli %add3A, %mul3A_1 : i32
    "tpu.region"() ({
      %run_scoped3A = tpu.sem_alloc : memref<!tpu.dma_semaphore, #tpu.memory_space<semaphore_mem>>
      %dma_start3A = arith.constant 0 : i32
      %dma_start3A_22 = arith.constant 0 : i32
      %dma_start3A_23 = tpu.memref_slice %arg2[%dma_start3A, %dma_start3A_22] : memref<10000x128xf32, #tpu.memory_space<hbm>> -> memref<120x128xf32, #tpu.memory_space<hbm>>
      %dma_start3A_24 = arith.constant 0 : i32
      %dma_start3A_25 = arith.constant 0 : i32
      %dma_start3A_26 = tpu.memref_slice %arg2[%dma_start3A_24, %dma_start3A_25] : memref<10000x128xf32, #tpu.memory_space<hbm>> -> memref<120x128xf32, #tpu.memory_space<hbm>>
      tpu.enqueue_dma source(%dma_start3A_26 : memref<120x128xf32, #tpu.memory_space<hbm>>) target(%arg7 : memref<120x128xf32, #tpu.memory_space<vmem>>) target_semaphore(%run_scoped3A : memref<!tpu.dma_semaphore, #tpu.memory_space<semaphore_mem>>)
      %dma_wait3A = arith.constant 0 : i32
      %dma_wait3A_27 = arith.constant 0 : i32
      %dma_wait3A_28 = tpu.memref_slice %arg2[%dma_wait3A, %dma_wait3A_27] : memref<10000x128xf32, #tpu.memory_space<hbm>> -> memref<120x128xf32, #tpu.memory_space<hbm>>
      %dma_wait3A_29 = arith.constant 0 : i32
      %dma_wait3A_30 = arith.constant 0 : i32
      %dma_wait3A_31 = tpu.memref_slice %arg2[%dma_wait3A_29, %dma_wait3A_30] : memref<10000x128xf32, #tpu.memory_space<hbm>> -> memref<120x128xf32, #tpu.memory_space<hbm>>
      tpu.wait_dma2 semaphore(%run_scoped3A : memref<!tpu.dma_semaphore, #tpu.memory_space<semaphore_mem>>) src(%dma_wait3A_31 : memref<120x128xf32, #tpu.memory_space<hbm>>) dst(%arg7 : memref<120x128xf32, #tpu.memory_space<vmem>>)
      tpu.yield
    }) : () -> ()
    %scan3A = arith.constant 0 : i32
    %scan3A_3 = arith.constant 0 : i32
    %scan3A_4 = arith.constant 8 : i32
    %scan3A_5 = arith.addi %scan3A_3, %scan3A_4 : i32
    %scan3A_6 = arith.constant 1 : i32
    scf.for %scan3A_22 = %scan3A_3 to %scan3A_5 step %scan3A_6  : i32 {
      %mul3A_23 = arith.constant 16 : i32
      %mul3A_24 = arith.muli %scan3A_22, %mul3A_23 : i32
      %add3A_25 = arith.addi %mul3A_24, %arg1 : i32
      %lt3A = arith.constant 125 : i32
      %lt3A_26 = arith.cmpi slt, %add3A_25, %lt3A : i32
      %convert_element_type3A = arith.extui %lt3A_26 : i1 to i32
      %cond3A = arith.constant 0 : i32
      %cond3A_27 = arith.cmpi ne, %convert_element_type3A, %cond3A : i32
      scf.if %cond3A_27 {
        %mul3A_28 = arith.constant 80 : i32
        %mul3A_29 = arith.muli %add3A_25, %mul3A_28 : i32
        "tpu.region"() ({
          %run_scoped3A = tpu.sem_alloc : memref<!tpu.dma_semaphore, #tpu.memory_space<semaphore_mem>>
          %dma_start3A = arith.constant 0 : i32
          %dma_start3A_30 = tpu.memref_slice %arg2[%mul3A_29, %dma_start3A] : memref<10000x128xf32, #tpu.memory_space<hbm>> -> memref<80x128xf32, #tpu.memory_space<hbm>>
          %dma_start3A_31 = arith.constant 0 : i32
          %dma_start3A_32 = tpu.memref_slice %arg2[%mul3A_29, %dma_start3A_31] : memref<10000x128xf32, #tpu.memory_space<hbm>> -> memref<80x128xf32, #tpu.memory_space<hbm>>
          tpu.enqueue_dma source(%dma_start3A_32 : memref<80x128xf32, #tpu.memory_space<hbm>>) target(%arg8 : memref<80x128xf32, #tpu.memory_space<vmem>>) target_semaphore(%run_scoped3A : memref<!tpu.dma_semaphore, #tpu.memory_space<semaphore_mem>>)
          %dma_wait3A = arith.constant 0 : i32
          %dma_wait3A_33 = tpu.memref_slice %arg2[%mul3A_29, %dma_wait3A] : memref<10000x128xf32, #tpu.memory_space<hbm>> -> memref<80x128xf32, #tpu.memory_space<hbm>>
          %dma_wait3A_34 = arith.constant 0 : i32
          %dma_wait3A_35 = tpu.memref_slice %arg2[%mul3A_29, %dma_wait3A_34] : memref<10000x128xf32, #tpu.memory_space<hbm>> -> memref<80x128xf32, #tpu.memory_space<hbm>>
          tpu.wait_dma2 semaphore(%run_scoped3A : memref<!tpu.dma_semaphore, #tpu.memory_space<semaphore_mem>>) src(%dma_wait3A_35 : memref<80x128xf32, #tpu.memory_space<hbm>>) dst(%arg8 : memref<80x128xf32, #tpu.memory_space<vmem>>)
          tpu.yield
        }) : () -> ()
        "tpu.region"() ({
          %run_scoped3A = tpu.sem_alloc : memref<!tpu.dma_semaphore, #tpu.memory_space<semaphore_mem>>
          %dma_start3A = arith.constant 0 : i32
          %dma_start3A_30 = tpu.memref_slice %arg9[%mul3A_29, %dma_start3A] : memref<10008x128xf32, #tpu.memory_space<vmem_shared>> -> memref<80x128xf32, #tpu.memory_space<vmem_shared>>
          %dma_start3A_31 = arith.constant 0 : i32
          %dma_start3A_32 = tpu.memref_slice %arg9[%mul3A_29, %dma_start3A_31] : memref<10008x128xf32, #tpu.memory_space<vmem_shared>> -> memref<80x128xf32, #tpu.memory_space<vmem_shared>>
          tpu.enqueue_dma source(%arg8 : memref<80x128xf32, #tpu.memory_space<vmem>>) target(%dma_start3A_32 : memref<80x128xf32, #tpu.memory_space<vmem_shared>>) target_semaphore(%run_scoped3A : memref<!tpu.dma_semaphore, #tpu.memory_space<semaphore_mem>>)
          %dma_wait3A = arith.constant 0 : i32
          %dma_wait3A_33 = tpu.memref_slice %arg9[%mul3A_29, %dma_wait3A] : memref<10008x128xf32, #tpu.memory_space<vmem_shared>> -> memref<80x128xf32, #tpu.memory_space<vmem_shared>>
          %dma_wait3A_34 = arith.constant 0 : i32
          %dma_wait3A_35 = tpu.memref_slice %arg9[%mul3A_29, %dma_wait3A_34] : memref<10008x128xf32, #tpu.memory_space<vmem_shared>> -> memref<80x128xf32, #tpu.memory_space<vmem_shared>>
          tpu.wait_dma2 semaphore(%run_scoped3A : memref<!tpu.dma_semaphore, #tpu.memory_space<semaphore_mem>>) src(%arg8 : memref<80x128xf32, #tpu.memory_space<vmem>>) dst(%dma_wait3A_35 : memref<80x128xf32, #tpu.memory_space<vmem_shared>>)
          tpu.yield
        }) : () -> ()
      } else {
      }
    }
    %scan3A_7 = arith.constant 8 : i32
    %barrier3A = arith.constant 0 : index
    tpu.barrier barrier_id(%barrier3A)
    %scan3A_8 = arith.constant 0 : i32
    %scan3A_9 = arith.constant 0 : i32
    %scan3A_10 = arith.constant 42 : i32
    %scan3A_11 = arith.addi %scan3A_9, %scan3A_10 : i32
    %scan3A_12 = arith.constant 1 : i32
    scf.for %scan3A_22 = %scan3A_9 to %scan3A_11 step %scan3A_12  : i32 {
      %mul3A_23 = arith.constant 120 : i32
      %mul3A_24 = arith.muli %scan3A_22, %mul3A_23 : i32
      %add3A_25 = arith.addi %mul3A_2, %mul3A_24 : i32
      "tpu.region"() ({
        %run_scoped3A = tpu.sem_alloc : memref<!tpu.dma_semaphore, #tpu.memory_space<semaphore_mem>>
        %dma_start3A = tpu.memref_slice %arg3[%add3A_25] : memref<161280xi32, #tpu.memory_space<hbm>> -> memref<120xi32, #tpu.memory_space<hbm>>
        %dma_start3A_26 = tpu.memref_slice %arg3[%add3A_25] : memref<161280xi32, #tpu.memory_space<hbm>> -> memref<120xi32, #tpu.memory_space<hbm>>
        tpu.enqueue_dma source(%dma_start3A_26 : memref<120xi32, #tpu.memory_space<hbm>>) target(%arg6 : memref<120xi32, #tpu.memory_space<vmem>>) target_semaphore(%run_scoped3A : memref<!tpu.dma_semaphore, #tpu.memory_space<semaphore_mem>>)
        %dma_wait3A = tpu.memref_slice %arg3[%add3A_25] : memref<161280xi32, #tpu.memory_space<hbm>> -> memref<120xi32, #tpu.memory_space<hbm>>
        %dma_wait3A_27 = tpu.memref_slice %arg3[%add3A_25] : memref<161280xi32, #tpu.memory_space<hbm>> -> memref<120xi32, #tpu.memory_space<hbm>>
        tpu.wait_dma2 semaphore(%run_scoped3A : memref<!tpu.dma_semaphore, #tpu.memory_space<semaphore_mem>>) src(%dma_wait3A_27 : memref<120xi32, #tpu.memory_space<hbm>>) dst(%arg6 : memref<120xi32, #tpu.memory_space<vmem>>)
        tpu.yield
      }) : () -> ()
      "tpu.region"() ({
        %run_scoped3A = tpu.sem_alloc : memref<!tpu.dma_semaphore, #tpu.memory_space<semaphore_mem>>
        %dma_start3A = arith.constant 0 : i32
        %dma_start3A_26 = arith.constant 0 : i32
        %dma_start3A_27 = tpu.memref_slice %arg9[%dma_start3A, %dma_start3A_26] : memref<10008x128xf32, #tpu.memory_space<vmem_shared>> -> memref<10008x128xf32, #tpu.memory_space<vmem_shared>>
        tpu.enqueue_indirect_dma source(%arg7 : memref<120x128xf32, #tpu.memory_space<vmem>>) target(%dma_start3A_27 : memref<10008x128xf32, #tpu.memory_space<vmem_shared>>) offsets(%arg6 : memref<120xi32, #tpu.memory_space<vmem>>) semaphore(%run_scoped3A : memref<!tpu.dma_semaphore, #tpu.memory_space<semaphore_mem>>) {add = true}
        %dma_wait3A = arith.constant 0 : i32
        %dma_wait3A_28 = arith.constant 0 : i32
        %dma_wait3A_29 = tpu.memref_slice %arg9[%dma_wait3A, %dma_wait3A_28] : memref<10008x128xf32, #tpu.memory_space<vmem_shared>> -> memref<10008x128xf32, #tpu.memory_space<vmem_shared>>
        tpu.wait_indirect_dma semaphore(%run_scoped3A : memref<!tpu.dma_semaphore, #tpu.memory_space<semaphore_mem>>) src(%arg7 : memref<120x128xf32, #tpu.memory_space<vmem>>) dst(%dma_wait3A_29 : memref<10008x128xf32, #tpu.memory_space<vmem_shared>>)
        tpu.yield
      }) : () -> ()
    }
    %scan3A_13 = arith.constant 42 : i32
    %barrier3A_14 = arith.constant 0 : index
    tpu.barrier barrier_id(%barrier3A_14)
    %scan3A_15 = arith.constant 0 : i32
    %scan3A_16 = arith.constant 0 : i32
    %scan3A_17 = arith.constant 8 : i32
    %scan3A_18 = arith.addi %scan3A_16, %scan3A_17 : i32
    %scan3A_19 = arith.constant 1 : i32
    scf.for %scan3A_22 = %scan3A_16 to %scan3A_18 step %scan3A_19  : i32 {
      %mul3A_23 = arith.constant 16 : i32
      %mul3A_24 = arith.muli %scan3A_22, %mul3A_23 : i32
      %add3A_25 = arith.addi %mul3A_24, %arg1 : i32
      %lt3A = arith.constant 125 : i32
      %lt3A_26 = arith.cmpi slt, %add3A_25, %lt3A : i32
      %convert_element_type3A = arith.extui %lt3A_26 : i1 to i32
      %cond3A = arith.constant 0 : i32
      %cond3A_27 = arith.cmpi ne, %convert_element_type3A, %cond3A : i32
      scf.if %cond3A_27 {
        %mul3A_28 = arith.constant 80 : i32
        %mul3A_29 = arith.muli %add3A_25, %mul3A_28 : i32
        "tpu.region"() ({
          %run_scoped3A = tpu.sem_alloc : memref<!tpu.dma_semaphore, #tpu.memory_space<semaphore_mem>>
          %dma_start3A = arith.constant 0 : i32
          %dma_start3A_39 = tpu.memref_slice %arg9[%mul3A_29, %dma_start3A] : memref<10008x128xf32, #tpu.memory_space<vmem_shared>> -> memref<80x128xf32, #tpu.memory_space<vmem_shared>>
          %dma_start3A_40 = arith.constant 0 : i32
          %dma_start3A_41 = tpu.memref_slice %arg9[%mul3A_29, %dma_start3A_40] : memref<10008x128xf32, #tpu.memory_space<vmem_shared>> -> memref<80x128xf32, #tpu.memory_space<vmem_shared>>
          tpu.enqueue_dma source(%dma_start3A_41 : memref<80x128xf32, #tpu.memory_space<vmem_shared>>) target(%arg8 : memref<80x128xf32, #tpu.memory_space<vmem>>) target_semaphore(%run_scoped3A : memref<!tpu.dma_semaphore, #tpu.memory_space<semaphore_mem>>)
          %dma_wait3A = arith.constant 0 : i32
          %dma_wait3A_42 = tpu.memref_slice %arg9[%mul3A_29, %dma_wait3A] : memref<10008x128xf32, #tpu.memory_space<vmem_shared>> -> memref<80x128xf32, #tpu.memory_space<vmem_shared>>
          %dma_wait3A_43 = arith.constant 0 : i32
          %dma_wait3A_44 = tpu.memref_slice %arg9[%mul3A_29, %dma_wait3A_43] : memref<10008x128xf32, #tpu.memory_space<vmem_shared>> -> memref<80x128xf32, #tpu.memory_space<vmem_shared>>
          tpu.wait_dma2 semaphore(%run_scoped3A : memref<!tpu.dma_semaphore, #tpu.memory_space<semaphore_mem>>) src(%dma_wait3A_44 : memref<80x128xf32, #tpu.memory_space<vmem_shared>>) dst(%arg8 : memref<80x128xf32, #tpu.memory_space<vmem>>)
          tpu.yield
        }) : () -> ()
        %eq3A = arith.constant 0 : i32
        %eq3A_30 = arith.cmpi eq, %arg0, %eq3A : i32
        %convert_element_type3A_31 = arith.extui %eq3A_30 : i1 to i32
        %cond3A_32 = arith.constant 0 : i32
        %cond3A_33 = arith.cmpi ne, %convert_element_type3A_31, %cond3A_32 : i32
        scf.if %cond3A_33 {
          "tpu.region"() ({
            %run_scoped3A = tpu.sem_alloc : memref<!tpu.dma_semaphore, #tpu.memory_space<semaphore_mem>>
            %dma_start3A = arith.constant 0 : i32
            %dma_start3A_39 = tpu.memref_slice %arg4[%mul3A_29, %dma_start3A] : memref<10000x128xf32, #tpu.memory_space<hbm>> -> memref<80x128xf32, #tpu.memory_space<hbm>>
            %dma_start3A_40 = arith.constant 0 : i32
            %dma_start3A_41 = tpu.memref_slice %arg4[%mul3A_29, %dma_start3A_40] : memref<10000x128xf32, #tpu.memory_space<hbm>> -> memref<80x128xf32, #tpu.memory_space<hbm>>
            tpu.enqueue_dma source(%arg8 : memref<80x128xf32, #tpu.memory_space<vmem>>) target(%dma_start3A_41 : memref<80x128xf32, #tpu.memory_space<hbm>>) target_semaphore(%run_scoped3A : memref<!tpu.dma_semaphore, #tpu.memory_space<semaphore_mem>>)
            %dma_wait3A = arith.constant 0 : i32
            %dma_wait3A_42 = tpu.memref_slice %arg4[%mul3A_29, %dma_wait3A] : memref<10000x128xf32, #tpu.memory_space<hbm>> -> memref<80x128xf32, #tpu.memory_space<hbm>>
            %dma_wait3A_43 = arith.constant 0 : i32
            %dma_wait3A_44 = tpu.memref_slice %arg4[%mul3A_29, %dma_wait3A_43] : memref<10000x128xf32, #tpu.memory_space<hbm>> -> memref<80x128xf32, #tpu.memory_space<hbm>>
            tpu.wait_dma2 semaphore(%run_scoped3A : memref<!tpu.dma_semaphore, #tpu.memory_space<semaphore_mem>>) src(%arg8 : memref<80x128xf32, #tpu.memory_space<vmem>>) dst(%dma_wait3A_44 : memref<80x128xf32, #tpu.memory_space<hbm>>)
            tpu.yield
          }) : () -> ()
        } else {
        }
        %eq3A_34 = arith.constant 1 : i32
        %eq3A_35 = arith.cmpi eq, %arg0, %eq3A_34 : i32
        %convert_element_type3A_36 = arith.extui %eq3A_35 : i1 to i32
        %cond3A_37 = arith.constant 0 : i32
        %cond3A_38 = arith.cmpi ne, %convert_element_type3A_36, %cond3A_37 : i32
        scf.if %cond3A_38 {
          "tpu.region"() ({
            %run_scoped3A = tpu.sem_alloc : memref<!tpu.dma_semaphore, #tpu.memory_space<semaphore_mem>>
            %dma_start3A = arith.constant 0 : i32
            %dma_start3A_39 = tpu.memref_slice %arg5[%mul3A_29, %dma_start3A] : memref<10000x128xf32, #tpu.memory_space<hbm>> -> memref<80x128xf32, #tpu.memory_space<hbm>>
            %dma_start3A_40 = arith.constant 0 : i32
            %dma_start3A_41 = tpu.memref_slice %arg5[%mul3A_29, %dma_start3A_40] : memref<10000x128xf32, #tpu.memory_space<hbm>> -> memref<80x128xf32, #tpu.memory_space<hbm>>
            tpu.enqueue_dma source(%arg8 : memref<80x128xf32, #tpu.memory_space<vmem>>) target(%dma_start3A_41 : memref<80x128xf32, #tpu.memory_space<hbm>>) target_semaphore(%run_scoped3A : memref<!tpu.dma_semaphore, #tpu.memory_space<semaphore_mem>>)
            %dma_wait3A = arith.constant 0 : i32
            %dma_wait3A_42 = tpu.memref_slice %arg5[%mul3A_29, %dma_wait3A] : memref<10000x128xf32, #tpu.memory_space<hbm>> -> memref<80x128xf32, #tpu.memory_space<hbm>>
            %dma_wait3A_43 = arith.constant 0 : i32
            %dma_wait3A_44 = tpu.memref_slice %arg5[%mul3A_29, %dma_wait3A_43] : memref<10000x128xf32, #tpu.memory_space<hbm>> -> memref<80x128xf32, #tpu.memory_space<hbm>>
            tpu.wait_dma2 semaphore(%run_scoped3A : memref<!tpu.dma_semaphore, #tpu.memory_space<semaphore_mem>>) src(%arg8 : memref<80x128xf32, #tpu.memory_space<vmem>>) dst(%dma_wait3A_44 : memref<80x128xf32, #tpu.memory_space<hbm>>)
            tpu.yield
          }) : () -> ()
        } else {
        }
      } else {
      }
    }
    %scan3A_20 = arith.constant 8 : i32
    %barrier3A_21 = arith.constant 0 : index
    tpu.barrier barrier_id(%barrier3A_21)
    return
  }
}

#map = affine_map<(d0, d1) -> (0, 0)>
#map1 = affine_map<(d0, d1) -> (0, 0, 0)>
module attributes {stable_mosaic.version = 14 : i64} {
  func.func @spmm(%arg0: i32, %arg1: i32, %arg2: memref<10000x128xf32, #tpu.memory_space<hbm>>, %arg3: memref<10000x128xf32, #tpu.memory_space<hbm>>, %arg4: memref<1344x2x120xi32, #tpu.memory_space<hbm>>, %arg5: memref<10000x128xf32, #tpu.memory_space<hbm>>, %arg6: memref<10000x128xf32, #tpu.memory_space<hbm>>, %arg7: memref<2x120xi32, #tpu.memory_space<vmem>>, %arg8: memref<2x120xi32, #tpu.memory_space<vmem>>, %arg9: memref<120x128xf32, #tpu.memory_space<vmem>>, %arg10: memref<120x128xf32, #tpu.memory_space<vmem>>, %arg11: memref<80x128xf32, #tpu.memory_space<vmem>>, %arg12: memref<10008x128xf32, #tpu.memory_space<vmem_shared>>, %arg13: memref<!tpu.dma_semaphore, #tpu.memory_space<semaphore_mem>>, %arg14: memref<!tpu.dma_semaphore, #tpu.memory_space<semaphore_mem>>, %arg15: memref<!tpu.dma_semaphore, #tpu.memory_space<semaphore_mem>>, %arg16: memref<!tpu.dma_semaphore, #tpu.memory_space<semaphore_mem>>) attributes {dimension_semantics = [#tpu.dimension_semantics<core_parallel>, #tpu.dimension_semantics<subcore_parallel>], iteration_bounds = array<i64: 2, 16>, scalar_prefetch = 0 : i64, scratch_operands = 10 : i64, tpu.core_type = #tpu.core_type<sc_vector_subcore>, window_params = [{transform_indices = #map}, {transform_indices = #map}, {transform_indices = #map1}, {transform_indices = #map}, {transform_indices = #map}]} {
    %mul3A = arith.constant 84 : i32
    %mul3A_0 = arith.muli %arg1, %mul3A : i32
    %eq3A = arith.constant 0 : i32
    %eq3A_1 = arith.cmpi eq, %arg0, %eq3A : i32
    %convert_element_type3A = arith.extui %eq3A_1 : i1 to i32
    %cond3A = arith.constant 0 : i32
    %cond3A_2 = arith.cmpi ne, %convert_element_type3A, %cond3A : i32
    scf.if %cond3A_2 {
      %scan3A = arith.constant 0 : i32
      %scan3A_8 = arith.constant 0 : i32
      %scan3A_9 = arith.constant 8 : i32
      %scan3A_10 = arith.addi %scan3A_8, %scan3A_9 : i32
      %scan3A_11 = arith.constant 1 : i32
      scf.for %scan3A_46 = %scan3A_8 to %scan3A_10 step %scan3A_11  : i32 {
        %mul3A_47 = arith.constant 16 : i32
        %mul3A_48 = arith.muli %scan3A_46, %mul3A_47 : i32
        %add3A = arith.addi %mul3A_48, %arg1 : i32
        %lt3A = arith.constant 125 : i32
        %lt3A_49 = arith.cmpi slt, %add3A, %lt3A : i32
        %convert_element_type3A_50 = arith.extui %lt3A_49 : i1 to i32
        %cond3A_51 = arith.constant 0 : i32
        %cond3A_52 = arith.cmpi ne, %convert_element_type3A_50, %cond3A_51 : i32
        scf.if %cond3A_52 {
          %mul3A_53 = arith.constant 80 : i32
          %mul3A_54 = arith.muli %add3A, %mul3A_53 : i32
          "tpu.region"() ({
            %run_scoped3A = tpu.sem_alloc : memref<!tpu.dma_semaphore, #tpu.memory_space<semaphore_mem>>
            %dma_start3A_55 = arith.constant 0 : i32
            %dma_start3A_56 = tpu.memref_slice %arg2[%mul3A_54, %dma_start3A_55] : memref<10000x128xf32, #tpu.memory_space<hbm>> -> memref<80x128xf32, #tpu.memory_space<hbm>>
            %dma_start3A_57 = arith.constant 0 : i32
            %dma_start3A_58 = tpu.memref_slice %arg2[%mul3A_54, %dma_start3A_57] : memref<10000x128xf32, #tpu.memory_space<hbm>> -> memref<80x128xf32, #tpu.memory_space<hbm>>
            tpu.enqueue_dma source(%dma_start3A_58 : memref<80x128xf32, #tpu.memory_space<hbm>>) target(%arg11 : memref<80x128xf32, #tpu.memory_space<vmem>>) target_semaphore(%run_scoped3A : memref<!tpu.dma_semaphore, #tpu.memory_space<semaphore_mem>>)
            %dma_wait3A_59 = arith.constant 0 : i32
            %dma_wait3A_60 = tpu.memref_slice %arg2[%mul3A_54, %dma_wait3A_59] : memref<10000x128xf32, #tpu.memory_space<hbm>> -> memref<80x128xf32, #tpu.memory_space<hbm>>
            %dma_wait3A_61 = arith.constant 0 : i32
            %dma_wait3A_62 = tpu.memref_slice %arg2[%mul3A_54, %dma_wait3A_61] : memref<10000x128xf32, #tpu.memory_space<hbm>> -> memref<80x128xf32, #tpu.memory_space<hbm>>
            tpu.wait_dma2 semaphore(%run_scoped3A : memref<!tpu.dma_semaphore, #tpu.memory_space<semaphore_mem>>) src(%dma_wait3A_62 : memref<80x128xf32, #tpu.memory_space<hbm>>) dst(%arg11 : memref<80x128xf32, #tpu.memory_space<vmem>>)
            tpu.yield
          }) : () -> ()
          "tpu.region"() ({
            %run_scoped3A = tpu.sem_alloc : memref<!tpu.dma_semaphore, #tpu.memory_space<semaphore_mem>>
            %dma_start3A_55 = arith.constant 0 : i32
            %dma_start3A_56 = tpu.memref_slice %arg12[%mul3A_54, %dma_start3A_55] : memref<10008x128xf32, #tpu.memory_space<vmem_shared>> -> memref<80x128xf32, #tpu.memory_space<vmem_shared>>
            %dma_start3A_57 = arith.constant 0 : i32
            %dma_start3A_58 = tpu.memref_slice %arg12[%mul3A_54, %dma_start3A_57] : memref<10008x128xf32, #tpu.memory_space<vmem_shared>> -> memref<80x128xf32, #tpu.memory_space<vmem_shared>>
            tpu.enqueue_dma source(%arg11 : memref<80x128xf32, #tpu.memory_space<vmem>>) target(%dma_start3A_58 : memref<80x128xf32, #tpu.memory_space<vmem_shared>>) target_semaphore(%run_scoped3A : memref<!tpu.dma_semaphore, #tpu.memory_space<semaphore_mem>>)
            %dma_wait3A_59 = arith.constant 0 : i32
            %dma_wait3A_60 = tpu.memref_slice %arg12[%mul3A_54, %dma_wait3A_59] : memref<10008x128xf32, #tpu.memory_space<vmem_shared>> -> memref<80x128xf32, #tpu.memory_space<vmem_shared>>
            %dma_wait3A_61 = arith.constant 0 : i32
            %dma_wait3A_62 = tpu.memref_slice %arg12[%mul3A_54, %dma_wait3A_61] : memref<10008x128xf32, #tpu.memory_space<vmem_shared>> -> memref<80x128xf32, #tpu.memory_space<vmem_shared>>
            tpu.wait_dma2 semaphore(%run_scoped3A : memref<!tpu.dma_semaphore, #tpu.memory_space<semaphore_mem>>) src(%arg11 : memref<80x128xf32, #tpu.memory_space<vmem>>) dst(%dma_wait3A_62 : memref<80x128xf32, #tpu.memory_space<vmem_shared>>)
            tpu.yield
          }) : () -> ()
        } else {
        }
      }
      %scan3A_12 = arith.constant 8 : i32
      %barrier3A = arith.constant 0 : index
      tpu.barrier barrier_id(%barrier3A)
      "tpu.region"() ({
        %run_scoped3A = tpu.sem_alloc : memref<!tpu.dma_semaphore, #tpu.memory_space<semaphore_mem>>
        %dma_start3A_46 = arith.constant 0 : i32
        %dma_start3A_47 = arith.constant 0 : i32
        %dma_start3A_48 = tpu.memref_slice %arg4[%mul3A_0, %dma_start3A_46, %dma_start3A_47] : memref<1344x2x120xi32, #tpu.memory_space<hbm>> -> memref<1x2x120xi32, #tpu.memory_space<hbm>>
        %dma_start3A_49 = tpu.memref_squeeze %dma_start3A_48 : memref<1x2x120xi32, #tpu.memory_space<hbm>> -> memref<2x120xi32, #tpu.memory_space<hbm>>
        %dma_start3A_50 = arith.constant 0 : i32
        %dma_start3A_51 = arith.constant 0 : i32
        %dma_start3A_52 = tpu.memref_slice %arg4[%mul3A_0, %dma_start3A_50, %dma_start3A_51] : memref<1344x2x120xi32, #tpu.memory_space<hbm>> -> memref<1x2x120xi32, #tpu.memory_space<hbm>>
        %dma_start3A_53 = tpu.memref_squeeze %dma_start3A_52 : memref<1x2x120xi32, #tpu.memory_space<hbm>> -> memref<2x120xi32, #tpu.memory_space<hbm>>
        tpu.enqueue_dma source(%dma_start3A_53 : memref<2x120xi32, #tpu.memory_space<hbm>>) target(%arg7 : memref<2x120xi32, #tpu.memory_space<vmem>>) target_semaphore(%run_scoped3A : memref<!tpu.dma_semaphore, #tpu.memory_space<semaphore_mem>>)
        %dma_wait3A_54 = arith.constant 0 : i32
        %dma_wait3A_55 = arith.constant 0 : i32
        %dma_wait3A_56 = tpu.memref_slice %arg4[%mul3A_0, %dma_wait3A_54, %dma_wait3A_55] : memref<1344x2x120xi32, #tpu.memory_space<hbm>> -> memref<1x2x120xi32, #tpu.memory_space<hbm>>
        %dma_wait3A_57 = tpu.memref_squeeze %dma_wait3A_56 : memref<1x2x120xi32, #tpu.memory_space<hbm>> -> memref<2x120xi32, #tpu.memory_space<hbm>>
        %dma_wait3A_58 = arith.constant 0 : i32
        %dma_wait3A_59 = arith.constant 0 : i32
        %dma_wait3A_60 = tpu.memref_slice %arg4[%mul3A_0, %dma_wait3A_58, %dma_wait3A_59] : memref<1344x2x120xi32, #tpu.memory_space<hbm>> -> memref<1x2x120xi32, #tpu.memory_space<hbm>>
        %dma_wait3A_61 = tpu.memref_squeeze %dma_wait3A_60 : memref<1x2x120xi32, #tpu.memory_space<hbm>> -> memref<2x120xi32, #tpu.memory_space<hbm>>
        tpu.wait_dma2 semaphore(%run_scoped3A : memref<!tpu.dma_semaphore, #tpu.memory_space<semaphore_mem>>) src(%dma_wait3A_61 : memref<2x120xi32, #tpu.memory_space<hbm>>) dst(%arg7 : memref<2x120xi32, #tpu.memory_space<vmem>>)
        tpu.yield
      }) : () -> ()
      %dma_start3A = arith.constant 0 : i32
      %dma_start3A_13 = arith.constant 0 : i32
      %dma_start3A_14 = tpu.memref_slice %arg7[%dma_start3A, %dma_start3A_13] : memref<2x120xi32, #tpu.memory_space<vmem>> -> memref<1x120xi32, #tpu.memory_space<vmem>>
      %dma_start3A_15 = tpu.memref_squeeze %dma_start3A_14 : memref<1x120xi32, #tpu.memory_space<vmem>> -> memref<120xi32, #tpu.memory_space<vmem>>
      %dma_start3A_16 = arith.constant 0 : i32
      %dma_start3A_17 = arith.constant 0 : i32
      %dma_start3A_18 = tpu.memref_slice %arg2[%dma_start3A_16, %dma_start3A_17] : memref<10000x128xf32, #tpu.memory_space<hbm>> -> memref<10000x128xf32, #tpu.memory_space<hbm>>
      tpu.enqueue_indirect_dma source(%dma_start3A_18 : memref<10000x128xf32, #tpu.memory_space<hbm>>) target(%arg9 : memref<120x128xf32, #tpu.memory_space<vmem>>) offsets(%dma_start3A_15 : memref<120xi32, #tpu.memory_space<vmem>>) semaphore(%arg13 : memref<!tpu.dma_semaphore, #tpu.memory_space<semaphore_mem>>)
      %scan3A_19 = arith.constant 0 : i32
      %scan3A_20 = arith.constant 0 : i32
      %scan3A_21 = arith.constant 42 : i32
      %scan3A_22 = arith.addi %scan3A_20, %scan3A_21 : i32
      %scan3A_23 = arith.constant 1 : i32
      scf.for %scan3A_46 = %scan3A_20 to %scan3A_22 step %scan3A_23  : i32 {
        %gt3A = arith.constant 0 : i32
        %gt3A_47 = arith.cmpi sgt, %scan3A_46, %gt3A : i32
        %convert_element_type3A_48 = arith.extui %gt3A_47 : i1 to i32
        %cond3A_49 = arith.constant 0 : i32
        %cond3A_50 = arith.cmpi ne, %convert_element_type3A_48, %cond3A_49 : i32
        scf.if %cond3A_50 {
          %dma_wait3A_96 = arith.constant 1 : i32
          %dma_wait3A_97 = arith.constant 0 : i32
          %dma_wait3A_98 = tpu.memref_slice %arg8[%dma_wait3A_96, %dma_wait3A_97] : memref<2x120xi32, #tpu.memory_space<vmem>> -> memref<1x120xi32, #tpu.memory_space<vmem>>
          %dma_wait3A_99 = tpu.memref_squeeze %dma_wait3A_98 : memref<1x120xi32, #tpu.memory_space<vmem>> -> memref<120xi32, #tpu.memory_space<vmem>>
          %dma_wait3A_100 = arith.constant 0 : i32
          %dma_wait3A_101 = arith.constant 0 : i32
          %dma_wait3A_102 = tpu.memref_slice %arg12[%dma_wait3A_100, %dma_wait3A_101] : memref<10008x128xf32, #tpu.memory_space<vmem_shared>> -> memref<10008x128xf32, #tpu.memory_space<vmem_shared>>
          tpu.wait_indirect_dma semaphore(%arg16 : memref<!tpu.dma_semaphore, #tpu.memory_space<semaphore_mem>>) src(%arg10 : memref<120x128xf32, #tpu.memory_space<vmem>>) dst(%dma_wait3A_102 : memref<10008x128xf32, #tpu.memory_space<vmem_shared>>)
        } else {
        }
        %mul3A_51 = arith.constant 2 : i32
        %mul3A_52 = arith.muli %mul3A_51, %scan3A_46 : i32
        %add3A = arith.addi %mul3A_0, %mul3A_52 : i32
        %add3A_53 = arith.constant 1 : i32
        %add3A_54 = arith.addi %add3A, %add3A_53 : i32
        "tpu.region"() ({
          %run_scoped3A = tpu.sem_alloc : memref<!tpu.dma_semaphore, #tpu.memory_space<semaphore_mem>>
          %dma_start3A_96 = arith.constant 0 : i32
          %dma_start3A_97 = arith.constant 0 : i32
          %dma_start3A_98 = tpu.memref_slice %arg4[%add3A_54, %dma_start3A_96, %dma_start3A_97] : memref<1344x2x120xi32, #tpu.memory_space<hbm>> -> memref<1x2x120xi32, #tpu.memory_space<hbm>>
          %dma_start3A_99 = tpu.memref_squeeze %dma_start3A_98 : memref<1x2x120xi32, #tpu.memory_space<hbm>> -> memref<2x120xi32, #tpu.memory_space<hbm>>
          %dma_start3A_100 = arith.constant 0 : i32
          %dma_start3A_101 = arith.constant 0 : i32
          %dma_start3A_102 = tpu.memref_slice %arg4[%add3A_54, %dma_start3A_100, %dma_start3A_101] : memref<1344x2x120xi32, #tpu.memory_space<hbm>> -> memref<1x2x120xi32, #tpu.memory_space<hbm>>
          %dma_start3A_103 = tpu.memref_squeeze %dma_start3A_102 : memref<1x2x120xi32, #tpu.memory_space<hbm>> -> memref<2x120xi32, #tpu.memory_space<hbm>>
          tpu.enqueue_dma source(%dma_start3A_103 : memref<2x120xi32, #tpu.memory_space<hbm>>) target(%arg8 : memref<2x120xi32, #tpu.memory_space<vmem>>) target_semaphore(%run_scoped3A : memref<!tpu.dma_semaphore, #tpu.memory_space<semaphore_mem>>)
          %dma_wait3A_104 = arith.constant 0 : i32
          %dma_wait3A_105 = arith.constant 0 : i32
          %dma_wait3A_106 = tpu.memref_slice %arg4[%add3A_54, %dma_wait3A_104, %dma_wait3A_105] : memref<1344x2x120xi32, #tpu.memory_space<hbm>> -> memref<1x2x120xi32, #tpu.memory_space<hbm>>
          %dma_wait3A_107 = tpu.memref_squeeze %dma_wait3A_106 : memref<1x2x120xi32, #tpu.memory_space<hbm>> -> memref<2x120xi32, #tpu.memory_space<hbm>>
          %dma_wait3A_108 = arith.constant 0 : i32
          %dma_wait3A_109 = arith.constant 0 : i32
          %dma_wait3A_110 = tpu.memref_slice %arg4[%add3A_54, %dma_wait3A_108, %dma_wait3A_109] : memref<1344x2x120xi32, #tpu.memory_space<hbm>> -> memref<1x2x120xi32, #tpu.memory_space<hbm>>
          %dma_wait3A_111 = tpu.memref_squeeze %dma_wait3A_110 : memref<1x2x120xi32, #tpu.memory_space<hbm>> -> memref<2x120xi32, #tpu.memory_space<hbm>>
          tpu.wait_dma2 semaphore(%run_scoped3A : memref<!tpu.dma_semaphore, #tpu.memory_space<semaphore_mem>>) src(%dma_wait3A_111 : memref<2x120xi32, #tpu.memory_space<hbm>>) dst(%arg8 : memref<2x120xi32, #tpu.memory_space<vmem>>)
          tpu.yield
        }) : () -> ()
        %dma_start3A_55 = arith.constant 0 : i32
        %dma_start3A_56 = arith.constant 0 : i32
        %dma_start3A_57 = tpu.memref_slice %arg8[%dma_start3A_55, %dma_start3A_56] : memref<2x120xi32, #tpu.memory_space<vmem>> -> memref<1x120xi32, #tpu.memory_space<vmem>>
        %dma_start3A_58 = tpu.memref_squeeze %dma_start3A_57 : memref<1x120xi32, #tpu.memory_space<vmem>> -> memref<120xi32, #tpu.memory_space<vmem>>
        %dma_start3A_59 = arith.constant 0 : i32
        %dma_start3A_60 = arith.constant 0 : i32
        %dma_start3A_61 = tpu.memref_slice %arg2[%dma_start3A_59, %dma_start3A_60] : memref<10000x128xf32, #tpu.memory_space<hbm>> -> memref<10000x128xf32, #tpu.memory_space<hbm>>
        tpu.enqueue_indirect_dma source(%dma_start3A_61 : memref<10000x128xf32, #tpu.memory_space<hbm>>) target(%arg10 : memref<120x128xf32, #tpu.memory_space<vmem>>) offsets(%dma_start3A_58 : memref<120xi32, #tpu.memory_space<vmem>>) semaphore(%arg14 : memref<!tpu.dma_semaphore, #tpu.memory_space<semaphore_mem>>)
        %dma_wait3A_62 = arith.constant 0 : i32
        %dma_wait3A_63 = arith.constant 0 : i32
        %dma_wait3A_64 = tpu.memref_slice %arg7[%dma_wait3A_62, %dma_wait3A_63] : memref<2x120xi32, #tpu.memory_space<vmem>> -> memref<1x120xi32, #tpu.memory_space<vmem>>
        %dma_wait3A_65 = tpu.memref_squeeze %dma_wait3A_64 : memref<1x120xi32, #tpu.memory_space<vmem>> -> memref<120xi32, #tpu.memory_space<vmem>>
        %dma_wait3A_66 = arith.constant 0 : i32
        %dma_wait3A_67 = arith.constant 0 : i32
        %dma_wait3A_68 = tpu.memref_slice %arg2[%dma_wait3A_66, %dma_wait3A_67] : memref<10000x128xf32, #tpu.memory_space<hbm>> -> memref<10000x128xf32, #tpu.memory_space<hbm>>
        tpu.wait_indirect_dma semaphore(%arg13 : memref<!tpu.dma_semaphore, #tpu.memory_space<semaphore_mem>>) src(%dma_wait3A_68 : memref<10000x128xf32, #tpu.memory_space<hbm>>) dst(%arg9 : memref<120x128xf32, #tpu.memory_space<vmem>>)
        %dma_start3A_69 = arith.constant 1 : i32
        %dma_start3A_70 = arith.constant 0 : i32
        %dma_start3A_71 = tpu.memref_slice %arg7[%dma_start3A_69, %dma_start3A_70] : memref<2x120xi32, #tpu.memory_space<vmem>> -> memref<1x120xi32, #tpu.memory_space<vmem>>
        %dma_start3A_72 = tpu.memref_squeeze %dma_start3A_71 : memref<1x120xi32, #tpu.memory_space<vmem>> -> memref<120xi32, #tpu.memory_space<vmem>>
        %dma_start3A_73 = arith.constant 0 : i32
        %dma_start3A_74 = arith.constant 0 : i32
        %dma_start3A_75 = tpu.memref_slice %arg12[%dma_start3A_73, %dma_start3A_74] : memref<10008x128xf32, #tpu.memory_space<vmem_shared>> -> memref<10008x128xf32, #tpu.memory_space<vmem_shared>>
        tpu.enqueue_indirect_dma source(%arg9 : memref<120x128xf32, #tpu.memory_space<vmem>>) target(%dma_start3A_75 : memref<10008x128xf32, #tpu.memory_space<vmem_shared>>) offsets(%dma_start3A_72 : memref<120xi32, #tpu.memory_space<vmem>>) semaphore(%arg15 : memref<!tpu.dma_semaphore, #tpu.memory_space<semaphore_mem>>) {add = true}
        %add3A_76 = arith.constant 1 : i32
        %add3A_77 = arith.addi %scan3A_46, %add3A_76 : i32
        %lt3A = arith.constant 42 : i32
        %lt3A_78 = arith.cmpi slt, %add3A_77, %lt3A : i32
        %convert_element_type3A_79 = arith.extui %lt3A_78 : i1 to i32
        %cond3A_80 = arith.constant 0 : i32
        %cond3A_81 = arith.cmpi ne, %convert_element_type3A_79, %cond3A_80 : i32
        scf.if %cond3A_81 {
          %dma_wait3A_96 = arith.constant 1 : i32
          %dma_wait3A_97 = arith.constant 0 : i32
          %dma_wait3A_98 = tpu.memref_slice %arg7[%dma_wait3A_96, %dma_wait3A_97] : memref<2x120xi32, #tpu.memory_space<vmem>> -> memref<1x120xi32, #tpu.memory_space<vmem>>
          %dma_wait3A_99 = tpu.memref_squeeze %dma_wait3A_98 : memref<1x120xi32, #tpu.memory_space<vmem>> -> memref<120xi32, #tpu.memory_space<vmem>>
          %dma_wait3A_100 = arith.constant 0 : i32
          %dma_wait3A_101 = arith.constant 0 : i32
          %dma_wait3A_102 = tpu.memref_slice %arg12[%dma_wait3A_100, %dma_wait3A_101] : memref<10008x128xf32, #tpu.memory_space<vmem_shared>> -> memref<10008x128xf32, #tpu.memory_space<vmem_shared>>
          tpu.wait_indirect_dma semaphore(%arg15 : memref<!tpu.dma_semaphore, #tpu.memory_space<semaphore_mem>>) src(%arg9 : memref<120x128xf32, #tpu.memory_space<vmem>>) dst(%dma_wait3A_102 : memref<10008x128xf32, #tpu.memory_space<vmem_shared>>)
          %mul3A_103 = arith.constant 2 : i32
          %mul3A_104 = arith.muli %mul3A_103, %scan3A_46 : i32
          %add3A_105 = arith.addi %mul3A_0, %mul3A_104 : i32
          %add3A_106 = arith.constant 2 : i32
          %add3A_107 = arith.addi %add3A_105, %add3A_106 : i32
          "tpu.region"() ({
            %run_scoped3A = tpu.sem_alloc : memref<!tpu.dma_semaphore, #tpu.memory_space<semaphore_mem>>
            %dma_start3A_115 = arith.constant 0 : i32
            %dma_start3A_116 = arith.constant 0 : i32
            %dma_start3A_117 = tpu.memref_slice %arg4[%add3A_107, %dma_start3A_115, %dma_start3A_116] : memref<1344x2x120xi32, #tpu.memory_space<hbm>> -> memref<1x2x120xi32, #tpu.memory_space<hbm>>
            %dma_start3A_118 = tpu.memref_squeeze %dma_start3A_117 : memref<1x2x120xi32, #tpu.memory_space<hbm>> -> memref<2x120xi32, #tpu.memory_space<hbm>>
            %dma_start3A_119 = arith.constant 0 : i32
            %dma_start3A_120 = arith.constant 0 : i32
            %dma_start3A_121 = tpu.memref_slice %arg4[%add3A_107, %dma_start3A_119, %dma_start3A_120] : memref<1344x2x120xi32, #tpu.memory_space<hbm>> -> memref<1x2x120xi32, #tpu.memory_space<hbm>>
            %dma_start3A_122 = tpu.memref_squeeze %dma_start3A_121 : memref<1x2x120xi32, #tpu.memory_space<hbm>> -> memref<2x120xi32, #tpu.memory_space<hbm>>
            tpu.enqueue_dma source(%dma_start3A_122 : memref<2x120xi32, #tpu.memory_space<hbm>>) target(%arg7 : memref<2x120xi32, #tpu.memory_space<vmem>>) target_semaphore(%run_scoped3A : memref<!tpu.dma_semaphore, #tpu.memory_space<semaphore_mem>>)
            %dma_wait3A_123 = arith.constant 0 : i32
            %dma_wait3A_124 = arith.constant 0 : i32
            %dma_wait3A_125 = tpu.memref_slice %arg4[%add3A_107, %dma_wait3A_123, %dma_wait3A_124] : memref<1344x2x120xi32, #tpu.memory_space<hbm>> -> memref<1x2x120xi32, #tpu.memory_space<hbm>>
            %dma_wait3A_126 = tpu.memref_squeeze %dma_wait3A_125 : memref<1x2x120xi32, #tpu.memory_space<hbm>> -> memref<2x120xi32, #tpu.memory_space<hbm>>
            %dma_wait3A_127 = arith.constant 0 : i32
            %dma_wait3A_128 = arith.constant 0 : i32
            %dma_wait3A_129 = tpu.memref_slice %arg4[%add3A_107, %dma_wait3A_127, %dma_wait3A_128] : memref<1344x2x120xi32, #tpu.memory_space<hbm>> -> memref<1x2x120xi32, #tpu.memory_space<hbm>>
            %dma_wait3A_130 = tpu.memref_squeeze %dma_wait3A_129 : memref<1x2x120xi32, #tpu.memory_space<hbm>> -> memref<2x120xi32, #tpu.memory_space<hbm>>
            tpu.wait_dma2 semaphore(%run_scoped3A : memref<!tpu.dma_semaphore, #tpu.memory_space<semaphore_mem>>) src(%dma_wait3A_130 : memref<2x120xi32, #tpu.memory_space<hbm>>) dst(%arg7 : memref<2x120xi32, #tpu.memory_space<vmem>>)
            tpu.yield
          }) : () -> ()
          %dma_start3A_108 = arith.constant 0 : i32
          %dma_start3A_109 = arith.constant 0 : i32
          %dma_start3A_110 = tpu.memref_slice %arg7[%dma_start3A_108, %dma_start3A_109] : memref<2x120xi32, #tpu.memory_space<vmem>> -> memref<1x120xi32, #tpu.memory_space<vmem>>
          %dma_start3A_111 = tpu.memref_squeeze %dma_start3A_110 : memref<1x120xi32, #tpu.memory_space<vmem>> -> memref<120xi32, #tpu.memory_space<vmem>>
          %dma_start3A_112 = arith.constant 0 : i32
          %dma_start3A_113 = arith.constant 0 : i32
          %dma_start3A_114 = tpu.memref_slice %arg2[%dma_start3A_112, %dma_start3A_113] : memref<10000x128xf32, #tpu.memory_space<hbm>> -> memref<10000x128xf32, #tpu.memory_space<hbm>>
          tpu.enqueue_indirect_dma source(%dma_start3A_114 : memref<10000x128xf32, #tpu.memory_space<hbm>>) target(%arg9 : memref<120x128xf32, #tpu.memory_space<vmem>>) offsets(%dma_start3A_111 : memref<120xi32, #tpu.memory_space<vmem>>) semaphore(%arg13 : memref<!tpu.dma_semaphore, #tpu.memory_space<semaphore_mem>>)
        } else {
        }
        %dma_wait3A_82 = arith.constant 0 : i32
        %dma_wait3A_83 = arith.constant 0 : i32
        %dma_wait3A_84 = tpu.memref_slice %arg8[%dma_wait3A_82, %dma_wait3A_83] : memref<2x120xi32, #tpu.memory_space<vmem>> -> memref<1x120xi32, #tpu.memory_space<vmem>>
        %dma_wait3A_85 = tpu.memref_squeeze %dma_wait3A_84 : memref<1x120xi32, #tpu.memory_space<vmem>> -> memref<120xi32, #tpu.memory_space<vmem>>
        %dma_wait3A_86 = arith.constant 0 : i32
        %dma_wait3A_87 = arith.constant 0 : i32
        %dma_wait3A_88 = tpu.memref_slice %arg2[%dma_wait3A_86, %dma_wait3A_87] : memref<10000x128xf32, #tpu.memory_space<hbm>> -> memref<10000x128xf32, #tpu.memory_space<hbm>>
        tpu.wait_indirect_dma semaphore(%arg14 : memref<!tpu.dma_semaphore, #tpu.memory_space<semaphore_mem>>) src(%dma_wait3A_88 : memref<10000x128xf32, #tpu.memory_space<hbm>>) dst(%arg10 : memref<120x128xf32, #tpu.memory_space<vmem>>)
        %dma_start3A_89 = arith.constant 1 : i32
        %dma_start3A_90 = arith.constant 0 : i32
        %dma_start3A_91 = tpu.memref_slice %arg8[%dma_start3A_89, %dma_start3A_90] : memref<2x120xi32, #tpu.memory_space<vmem>> -> memref<1x120xi32, #tpu.memory_space<vmem>>
        %dma_start3A_92 = tpu.memref_squeeze %dma_start3A_91 : memref<1x120xi32, #tpu.memory_space<vmem>> -> memref<120xi32, #tpu.memory_space<vmem>>
        %dma_start3A_93 = arith.constant 0 : i32
        %dma_start3A_94 = arith.constant 0 : i32
        %dma_start3A_95 = tpu.memref_slice %arg12[%dma_start3A_93, %dma_start3A_94] : memref<10008x128xf32, #tpu.memory_space<vmem_shared>> -> memref<10008x128xf32, #tpu.memory_space<vmem_shared>>
        tpu.enqueue_indirect_dma source(%arg10 : memref<120x128xf32, #tpu.memory_space<vmem>>) target(%dma_start3A_95 : memref<10008x128xf32, #tpu.memory_space<vmem_shared>>) offsets(%dma_start3A_92 : memref<120xi32, #tpu.memory_space<vmem>>) semaphore(%arg16 : memref<!tpu.dma_semaphore, #tpu.memory_space<semaphore_mem>>) {add = true}
      }
      %scan3A_24 = arith.constant 42 : i32
      %dma_wait3A = arith.constant 1 : i32
      %dma_wait3A_25 = arith.constant 0 : i32
      %dma_wait3A_26 = tpu.memref_slice %arg7[%dma_wait3A, %dma_wait3A_25] : memref<2x120xi32, #tpu.memory_space<vmem>> -> memref<1x120xi32, #tpu.memory_space<vmem>>
      %dma_wait3A_27 = tpu.memref_squeeze %dma_wait3A_26 : memref<1x120xi32, #tpu.memory_space<vmem>> -> memref<120xi32, #tpu.memory_space<vmem>>
      %dma_wait3A_28 = arith.constant 0 : i32
      %dma_wait3A_29 = arith.constant 0 : i32
      %dma_wait3A_30 = tpu.memref_slice %arg12[%dma_wait3A_28, %dma_wait3A_29] : memref<10008x128xf32, #tpu.memory_space<vmem_shared>> -> memref<10008x128xf32, #tpu.memory_space<vmem_shared>>
      tpu.wait_indirect_dma semaphore(%arg15 : memref<!tpu.dma_semaphore, #tpu.memory_space<semaphore_mem>>) src(%arg9 : memref<120x128xf32, #tpu.memory_space<vmem>>) dst(%dma_wait3A_30 : memref<10008x128xf32, #tpu.memory_space<vmem_shared>>)
      %dma_wait3A_31 = arith.constant 1 : i32
      %dma_wait3A_32 = arith.constant 0 : i32
      %dma_wait3A_33 = tpu.memref_slice %arg8[%dma_wait3A_31, %dma_wait3A_32] : memref<2x120xi32, #tpu.memory_space<vmem>> -> memref<1x120xi32, #tpu.memory_space<vmem>>
      %dma_wait3A_34 = tpu.memref_squeeze %dma_wait3A_33 : memref<1x120xi32, #tpu.memory_space<vmem>> -> memref<120xi32, #tpu.memory_space<vmem>>
      %dma_wait3A_35 = arith.constant 0 : i32
      %dma_wait3A_36 = arith.constant 0 : i32
      %dma_wait3A_37 = tpu.memref_slice %arg12[%dma_wait3A_35, %dma_wait3A_36] : memref<10008x128xf32, #tpu.memory_space<vmem_shared>> -> memref<10008x128xf32, #tpu.memory_space<vmem_shared>>
      tpu.wait_indirect_dma semaphore(%arg16 : memref<!tpu.dma_semaphore, #tpu.memory_space<semaphore_mem>>) src(%arg10 : memref<120x128xf32, #tpu.memory_space<vmem>>) dst(%dma_wait3A_37 : memref<10008x128xf32, #tpu.memory_space<vmem_shared>>)
      %barrier3A_38 = arith.constant 0 : index
      tpu.barrier barrier_id(%barrier3A_38)
      %scan3A_39 = arith.constant 0 : i32
      %scan3A_40 = arith.constant 0 : i32
      %scan3A_41 = arith.constant 8 : i32
      %scan3A_42 = arith.addi %scan3A_40, %scan3A_41 : i32
      %scan3A_43 = arith.constant 1 : i32
      scf.for %scan3A_46 = %scan3A_40 to %scan3A_42 step %scan3A_43  : i32 {
        %mul3A_47 = arith.constant 16 : i32
        %mul3A_48 = arith.muli %scan3A_46, %mul3A_47 : i32
        %add3A = arith.addi %mul3A_48, %arg1 : i32
        %lt3A = arith.constant 125 : i32
        %lt3A_49 = arith.cmpi slt, %add3A, %lt3A : i32
        %convert_element_type3A_50 = arith.extui %lt3A_49 : i1 to i32
        %cond3A_51 = arith.constant 0 : i32
        %cond3A_52 = arith.cmpi ne, %convert_element_type3A_50, %cond3A_51 : i32
        scf.if %cond3A_52 {
          %mul3A_53 = arith.constant 80 : i32
          %mul3A_54 = arith.muli %add3A, %mul3A_53 : i32
          "tpu.region"() ({
            %run_scoped3A = tpu.sem_alloc : memref<!tpu.dma_semaphore, #tpu.memory_space<semaphore_mem>>
            %dma_start3A_55 = arith.constant 0 : i32
            %dma_start3A_56 = tpu.memref_slice %arg12[%mul3A_54, %dma_start3A_55] : memref<10008x128xf32, #tpu.memory_space<vmem_shared>> -> memref<80x128xf32, #tpu.memory_space<vmem_shared>>
            %dma_start3A_57 = arith.constant 0 : i32
            %dma_start3A_58 = tpu.memref_slice %arg12[%mul3A_54, %dma_start3A_57] : memref<10008x128xf32, #tpu.memory_space<vmem_shared>> -> memref<80x128xf32, #tpu.memory_space<vmem_shared>>
            tpu.enqueue_dma source(%dma_start3A_58 : memref<80x128xf32, #tpu.memory_space<vmem_shared>>) target(%arg11 : memref<80x128xf32, #tpu.memory_space<vmem>>) target_semaphore(%run_scoped3A : memref<!tpu.dma_semaphore, #tpu.memory_space<semaphore_mem>>)
            %dma_wait3A_59 = arith.constant 0 : i32
            %dma_wait3A_60 = tpu.memref_slice %arg12[%mul3A_54, %dma_wait3A_59] : memref<10008x128xf32, #tpu.memory_space<vmem_shared>> -> memref<80x128xf32, #tpu.memory_space<vmem_shared>>
            %dma_wait3A_61 = arith.constant 0 : i32
            %dma_wait3A_62 = tpu.memref_slice %arg12[%mul3A_54, %dma_wait3A_61] : memref<10008x128xf32, #tpu.memory_space<vmem_shared>> -> memref<80x128xf32, #tpu.memory_space<vmem_shared>>
            tpu.wait_dma2 semaphore(%run_scoped3A : memref<!tpu.dma_semaphore, #tpu.memory_space<semaphore_mem>>) src(%dma_wait3A_62 : memref<80x128xf32, #tpu.memory_space<vmem_shared>>) dst(%arg11 : memref<80x128xf32, #tpu.memory_space<vmem>>)
            tpu.yield
          }) : () -> ()
          "tpu.region"() ({
            %run_scoped3A = tpu.sem_alloc : memref<!tpu.dma_semaphore, #tpu.memory_space<semaphore_mem>>
            %dma_start3A_55 = arith.constant 0 : i32
            %dma_start3A_56 = tpu.memref_slice %arg5[%mul3A_54, %dma_start3A_55] : memref<10000x128xf32, #tpu.memory_space<hbm>> -> memref<80x128xf32, #tpu.memory_space<hbm>>
            %dma_start3A_57 = arith.constant 0 : i32
            %dma_start3A_58 = tpu.memref_slice %arg5[%mul3A_54, %dma_start3A_57] : memref<10000x128xf32, #tpu.memory_space<hbm>> -> memref<80x128xf32, #tpu.memory_space<hbm>>
            tpu.enqueue_dma source(%arg11 : memref<80x128xf32, #tpu.memory_space<vmem>>) target(%dma_start3A_58 : memref<80x128xf32, #tpu.memory_space<hbm>>) target_semaphore(%run_scoped3A : memref<!tpu.dma_semaphore, #tpu.memory_space<semaphore_mem>>)
            %dma_wait3A_59 = arith.constant 0 : i32
            %dma_wait3A_60 = tpu.memref_slice %arg5[%mul3A_54, %dma_wait3A_59] : memref<10000x128xf32, #tpu.memory_space<hbm>> -> memref<80x128xf32, #tpu.memory_space<hbm>>
            %dma_wait3A_61 = arith.constant 0 : i32
            %dma_wait3A_62 = tpu.memref_slice %arg5[%mul3A_54, %dma_wait3A_61] : memref<10000x128xf32, #tpu.memory_space<hbm>> -> memref<80x128xf32, #tpu.memory_space<hbm>>
            tpu.wait_dma2 semaphore(%run_scoped3A : memref<!tpu.dma_semaphore, #tpu.memory_space<semaphore_mem>>) src(%arg11 : memref<80x128xf32, #tpu.memory_space<vmem>>) dst(%dma_wait3A_62 : memref<80x128xf32, #tpu.memory_space<hbm>>)
            tpu.yield
          }) : () -> ()
        } else {
        }
      }
      %scan3A_44 = arith.constant 8 : i32
      %barrier3A_45 = arith.constant 0 : index
      tpu.barrier barrier_id(%barrier3A_45)
    } else {
    }
    %eq3A_3 = arith.constant 1 : i32
    %eq3A_4 = arith.cmpi eq, %arg0, %eq3A_3 : i32
    %convert_element_type3A_5 = arith.extui %eq3A_4 : i1 to i32
    %cond3A_6 = arith.constant 0 : i32
    %cond3A_7 = arith.cmpi ne, %convert_element_type3A_5, %cond3A_6 : i32
    scf.if %cond3A_7 {
      %scan3A = arith.constant 0 : i32
      %scan3A_8 = arith.constant 0 : i32
      %scan3A_9 = arith.constant 8 : i32
      %scan3A_10 = arith.addi %scan3A_8, %scan3A_9 : i32
      %scan3A_11 = arith.constant 1 : i32
      scf.for %scan3A_46 = %scan3A_8 to %scan3A_10 step %scan3A_11  : i32 {
        %mul3A_47 = arith.constant 16 : i32
        %mul3A_48 = arith.muli %scan3A_46, %mul3A_47 : i32
        %add3A = arith.addi %mul3A_48, %arg1 : i32
        %lt3A = arith.constant 125 : i32
        %lt3A_49 = arith.cmpi slt, %add3A, %lt3A : i32
        %convert_element_type3A_50 = arith.extui %lt3A_49 : i1 to i32
        %cond3A_51 = arith.constant 0 : i32
        %cond3A_52 = arith.cmpi ne, %convert_element_type3A_50, %cond3A_51 : i32
        scf.if %cond3A_52 {
          %mul3A_53 = arith.constant 80 : i32
          %mul3A_54 = arith.muli %add3A, %mul3A_53 : i32
          "tpu.region"() ({
            %run_scoped3A = tpu.sem_alloc : memref<!tpu.dma_semaphore, #tpu.memory_space<semaphore_mem>>
            %dma_start3A_55 = arith.constant 0 : i32
            %dma_start3A_56 = tpu.memref_slice %arg3[%mul3A_54, %dma_start3A_55] : memref<10000x128xf32, #tpu.memory_space<hbm>> -> memref<80x128xf32, #tpu.memory_space<hbm>>
            %dma_start3A_57 = arith.constant 0 : i32
            %dma_start3A_58 = tpu.memref_slice %arg3[%mul3A_54, %dma_start3A_57] : memref<10000x128xf32, #tpu.memory_space<hbm>> -> memref<80x128xf32, #tpu.memory_space<hbm>>
            tpu.enqueue_dma source(%dma_start3A_58 : memref<80x128xf32, #tpu.memory_space<hbm>>) target(%arg11 : memref<80x128xf32, #tpu.memory_space<vmem>>) target_semaphore(%run_scoped3A : memref<!tpu.dma_semaphore, #tpu.memory_space<semaphore_mem>>)
            %dma_wait3A_59 = arith.constant 0 : i32
            %dma_wait3A_60 = tpu.memref_slice %arg3[%mul3A_54, %dma_wait3A_59] : memref<10000x128xf32, #tpu.memory_space<hbm>> -> memref<80x128xf32, #tpu.memory_space<hbm>>
            %dma_wait3A_61 = arith.constant 0 : i32
            %dma_wait3A_62 = tpu.memref_slice %arg3[%mul3A_54, %dma_wait3A_61] : memref<10000x128xf32, #tpu.memory_space<hbm>> -> memref<80x128xf32, #tpu.memory_space<hbm>>
            tpu.wait_dma2 semaphore(%run_scoped3A : memref<!tpu.dma_semaphore, #tpu.memory_space<semaphore_mem>>) src(%dma_wait3A_62 : memref<80x128xf32, #tpu.memory_space<hbm>>) dst(%arg11 : memref<80x128xf32, #tpu.memory_space<vmem>>)
            tpu.yield
          }) : () -> ()
          "tpu.region"() ({
            %run_scoped3A = tpu.sem_alloc : memref<!tpu.dma_semaphore, #tpu.memory_space<semaphore_mem>>
            %dma_start3A_55 = arith.constant 0 : i32
            %dma_start3A_56 = tpu.memref_slice %arg12[%mul3A_54, %dma_start3A_55] : memref<10008x128xf32, #tpu.memory_space<vmem_shared>> -> memref<80x128xf32, #tpu.memory_space<vmem_shared>>
            %dma_start3A_57 = arith.constant 0 : i32
            %dma_start3A_58 = tpu.memref_slice %arg12[%mul3A_54, %dma_start3A_57] : memref<10008x128xf32, #tpu.memory_space<vmem_shared>> -> memref<80x128xf32, #tpu.memory_space<vmem_shared>>
            tpu.enqueue_dma source(%arg11 : memref<80x128xf32, #tpu.memory_space<vmem>>) target(%dma_start3A_58 : memref<80x128xf32, #tpu.memory_space<vmem_shared>>) target_semaphore(%run_scoped3A : memref<!tpu.dma_semaphore, #tpu.memory_space<semaphore_mem>>)
            %dma_wait3A_59 = arith.constant 0 : i32
            %dma_wait3A_60 = tpu.memref_slice %arg12[%mul3A_54, %dma_wait3A_59] : memref<10008x128xf32, #tpu.memory_space<vmem_shared>> -> memref<80x128xf32, #tpu.memory_space<vmem_shared>>
            %dma_wait3A_61 = arith.constant 0 : i32
            %dma_wait3A_62 = tpu.memref_slice %arg12[%mul3A_54, %dma_wait3A_61] : memref<10008x128xf32, #tpu.memory_space<vmem_shared>> -> memref<80x128xf32, #tpu.memory_space<vmem_shared>>
            tpu.wait_dma2 semaphore(%run_scoped3A : memref<!tpu.dma_semaphore, #tpu.memory_space<semaphore_mem>>) src(%arg11 : memref<80x128xf32, #tpu.memory_space<vmem>>) dst(%dma_wait3A_62 : memref<80x128xf32, #tpu.memory_space<vmem_shared>>)
            tpu.yield
          }) : () -> ()
        } else {
        }
      }
      %scan3A_12 = arith.constant 8 : i32
      %barrier3A = arith.constant 0 : index
      tpu.barrier barrier_id(%barrier3A)
      "tpu.region"() ({
        %run_scoped3A = tpu.sem_alloc : memref<!tpu.dma_semaphore, #tpu.memory_space<semaphore_mem>>
        %dma_start3A_46 = arith.constant 0 : i32
        %dma_start3A_47 = arith.constant 0 : i32
        %dma_start3A_48 = tpu.memref_slice %arg4[%mul3A_0, %dma_start3A_46, %dma_start3A_47] : memref<1344x2x120xi32, #tpu.memory_space<hbm>> -> memref<1x2x120xi32, #tpu.memory_space<hbm>>
        %dma_start3A_49 = tpu.memref_squeeze %dma_start3A_48 : memref<1x2x120xi32, #tpu.memory_space<hbm>> -> memref<2x120xi32, #tpu.memory_space<hbm>>
        %dma_start3A_50 = arith.constant 0 : i32
        %dma_start3A_51 = arith.constant 0 : i32
        %dma_start3A_52 = tpu.memref_slice %arg4[%mul3A_0, %dma_start3A_50, %dma_start3A_51] : memref<1344x2x120xi32, #tpu.memory_space<hbm>> -> memref<1x2x120xi32, #tpu.memory_space<hbm>>
        %dma_start3A_53 = tpu.memref_squeeze %dma_start3A_52 : memref<1x2x120xi32, #tpu.memory_space<hbm>> -> memref<2x120xi32, #tpu.memory_space<hbm>>
        tpu.enqueue_dma source(%dma_start3A_53 : memref<2x120xi32, #tpu.memory_space<hbm>>) target(%arg7 : memref<2x120xi32, #tpu.memory_space<vmem>>) target_semaphore(%run_scoped3A : memref<!tpu.dma_semaphore, #tpu.memory_space<semaphore_mem>>)
        %dma_wait3A_54 = arith.constant 0 : i32
        %dma_wait3A_55 = arith.constant 0 : i32
        %dma_wait3A_56 = tpu.memref_slice %arg4[%mul3A_0, %dma_wait3A_54, %dma_wait3A_55] : memref<1344x2x120xi32, #tpu.memory_space<hbm>> -> memref<1x2x120xi32, #tpu.memory_space<hbm>>
        %dma_wait3A_57 = tpu.memref_squeeze %dma_wait3A_56 : memref<1x2x120xi32, #tpu.memory_space<hbm>> -> memref<2x120xi32, #tpu.memory_space<hbm>>
        %dma_wait3A_58 = arith.constant 0 : i32
        %dma_wait3A_59 = arith.constant 0 : i32
        %dma_wait3A_60 = tpu.memref_slice %arg4[%mul3A_0, %dma_wait3A_58, %dma_wait3A_59] : memref<1344x2x120xi32, #tpu.memory_space<hbm>> -> memref<1x2x120xi32, #tpu.memory_space<hbm>>
        %dma_wait3A_61 = tpu.memref_squeeze %dma_wait3A_60 : memref<1x2x120xi32, #tpu.memory_space<hbm>> -> memref<2x120xi32, #tpu.memory_space<hbm>>
        tpu.wait_dma2 semaphore(%run_scoped3A : memref<!tpu.dma_semaphore, #tpu.memory_space<semaphore_mem>>) src(%dma_wait3A_61 : memref<2x120xi32, #tpu.memory_space<hbm>>) dst(%arg7 : memref<2x120xi32, #tpu.memory_space<vmem>>)
        tpu.yield
      }) : () -> ()
      %dma_start3A = arith.constant 0 : i32
      %dma_start3A_13 = arith.constant 0 : i32
      %dma_start3A_14 = tpu.memref_slice %arg7[%dma_start3A, %dma_start3A_13] : memref<2x120xi32, #tpu.memory_space<vmem>> -> memref<1x120xi32, #tpu.memory_space<vmem>>
      %dma_start3A_15 = tpu.memref_squeeze %dma_start3A_14 : memref<1x120xi32, #tpu.memory_space<vmem>> -> memref<120xi32, #tpu.memory_space<vmem>>
      %dma_start3A_16 = arith.constant 0 : i32
      %dma_start3A_17 = arith.constant 0 : i32
      %dma_start3A_18 = tpu.memref_slice %arg3[%dma_start3A_16, %dma_start3A_17] : memref<10000x128xf32, #tpu.memory_space<hbm>> -> memref<10000x128xf32, #tpu.memory_space<hbm>>
      tpu.enqueue_indirect_dma source(%dma_start3A_18 : memref<10000x128xf32, #tpu.memory_space<hbm>>) target(%arg9 : memref<120x128xf32, #tpu.memory_space<vmem>>) offsets(%dma_start3A_15 : memref<120xi32, #tpu.memory_space<vmem>>) semaphore(%arg13 : memref<!tpu.dma_semaphore, #tpu.memory_space<semaphore_mem>>)
      %scan3A_19 = arith.constant 0 : i32
      %scan3A_20 = arith.constant 0 : i32
      %scan3A_21 = arith.constant 42 : i32
      %scan3A_22 = arith.addi %scan3A_20, %scan3A_21 : i32
      %scan3A_23 = arith.constant 1 : i32
      scf.for %scan3A_46 = %scan3A_20 to %scan3A_22 step %scan3A_23  : i32 {
        %gt3A = arith.constant 0 : i32
        %gt3A_47 = arith.cmpi sgt, %scan3A_46, %gt3A : i32
        %convert_element_type3A_48 = arith.extui %gt3A_47 : i1 to i32
        %cond3A_49 = arith.constant 0 : i32
        %cond3A_50 = arith.cmpi ne, %convert_element_type3A_48, %cond3A_49 : i32
        scf.if %cond3A_50 {
          %dma_wait3A_96 = arith.constant 1 : i32
          %dma_wait3A_97 = arith.constant 0 : i32
          %dma_wait3A_98 = tpu.memref_slice %arg8[%dma_wait3A_96, %dma_wait3A_97] : memref<2x120xi32, #tpu.memory_space<vmem>> -> memref<1x120xi32, #tpu.memory_space<vmem>>
          %dma_wait3A_99 = tpu.memref_squeeze %dma_wait3A_98 : memref<1x120xi32, #tpu.memory_space<vmem>> -> memref<120xi32, #tpu.memory_space<vmem>>
          %dma_wait3A_100 = arith.constant 0 : i32
          %dma_wait3A_101 = arith.constant 0 : i32
          %dma_wait3A_102 = tpu.memref_slice %arg12[%dma_wait3A_100, %dma_wait3A_101] : memref<10008x128xf32, #tpu.memory_space<vmem_shared>> -> memref<10008x128xf32, #tpu.memory_space<vmem_shared>>
          tpu.wait_indirect_dma semaphore(%arg16 : memref<!tpu.dma_semaphore, #tpu.memory_space<semaphore_mem>>) src(%arg10 : memref<120x128xf32, #tpu.memory_space<vmem>>) dst(%dma_wait3A_102 : memref<10008x128xf32, #tpu.memory_space<vmem_shared>>)
        } else {
        }
        %mul3A_51 = arith.constant 2 : i32
        %mul3A_52 = arith.muli %mul3A_51, %scan3A_46 : i32
        %add3A = arith.addi %mul3A_0, %mul3A_52 : i32
        %add3A_53 = arith.constant 1 : i32
        %add3A_54 = arith.addi %add3A, %add3A_53 : i32
        "tpu.region"() ({
          %run_scoped3A = tpu.sem_alloc : memref<!tpu.dma_semaphore, #tpu.memory_space<semaphore_mem>>
          %dma_start3A_96 = arith.constant 0 : i32
          %dma_start3A_97 = arith.constant 0 : i32
          %dma_start3A_98 = tpu.memref_slice %arg4[%add3A_54, %dma_start3A_96, %dma_start3A_97] : memref<1344x2x120xi32, #tpu.memory_space<hbm>> -> memref<1x2x120xi32, #tpu.memory_space<hbm>>
          %dma_start3A_99 = tpu.memref_squeeze %dma_start3A_98 : memref<1x2x120xi32, #tpu.memory_space<hbm>> -> memref<2x120xi32, #tpu.memory_space<hbm>>
          %dma_start3A_100 = arith.constant 0 : i32
          %dma_start3A_101 = arith.constant 0 : i32
          %dma_start3A_102 = tpu.memref_slice %arg4[%add3A_54, %dma_start3A_100, %dma_start3A_101] : memref<1344x2x120xi32, #tpu.memory_space<hbm>> -> memref<1x2x120xi32, #tpu.memory_space<hbm>>
          %dma_start3A_103 = tpu.memref_squeeze %dma_start3A_102 : memref<1x2x120xi32, #tpu.memory_space<hbm>> -> memref<2x120xi32, #tpu.memory_space<hbm>>
          tpu.enqueue_dma source(%dma_start3A_103 : memref<2x120xi32, #tpu.memory_space<hbm>>) target(%arg8 : memref<2x120xi32, #tpu.memory_space<vmem>>) target_semaphore(%run_scoped3A : memref<!tpu.dma_semaphore, #tpu.memory_space<semaphore_mem>>)
          %dma_wait3A_104 = arith.constant 0 : i32
          %dma_wait3A_105 = arith.constant 0 : i32
          %dma_wait3A_106 = tpu.memref_slice %arg4[%add3A_54, %dma_wait3A_104, %dma_wait3A_105] : memref<1344x2x120xi32, #tpu.memory_space<hbm>> -> memref<1x2x120xi32, #tpu.memory_space<hbm>>
          %dma_wait3A_107 = tpu.memref_squeeze %dma_wait3A_106 : memref<1x2x120xi32, #tpu.memory_space<hbm>> -> memref<2x120xi32, #tpu.memory_space<hbm>>
          %dma_wait3A_108 = arith.constant 0 : i32
          %dma_wait3A_109 = arith.constant 0 : i32
          %dma_wait3A_110 = tpu.memref_slice %arg4[%add3A_54, %dma_wait3A_108, %dma_wait3A_109] : memref<1344x2x120xi32, #tpu.memory_space<hbm>> -> memref<1x2x120xi32, #tpu.memory_space<hbm>>
          %dma_wait3A_111 = tpu.memref_squeeze %dma_wait3A_110 : memref<1x2x120xi32, #tpu.memory_space<hbm>> -> memref<2x120xi32, #tpu.memory_space<hbm>>
          tpu.wait_dma2 semaphore(%run_scoped3A : memref<!tpu.dma_semaphore, #tpu.memory_space<semaphore_mem>>) src(%dma_wait3A_111 : memref<2x120xi32, #tpu.memory_space<hbm>>) dst(%arg8 : memref<2x120xi32, #tpu.memory_space<vmem>>)
          tpu.yield
        }) : () -> ()
        %dma_start3A_55 = arith.constant 0 : i32
        %dma_start3A_56 = arith.constant 0 : i32
        %dma_start3A_57 = tpu.memref_slice %arg8[%dma_start3A_55, %dma_start3A_56] : memref<2x120xi32, #tpu.memory_space<vmem>> -> memref<1x120xi32, #tpu.memory_space<vmem>>
        %dma_start3A_58 = tpu.memref_squeeze %dma_start3A_57 : memref<1x120xi32, #tpu.memory_space<vmem>> -> memref<120xi32, #tpu.memory_space<vmem>>
        %dma_start3A_59 = arith.constant 0 : i32
        %dma_start3A_60 = arith.constant 0 : i32
        %dma_start3A_61 = tpu.memref_slice %arg3[%dma_start3A_59, %dma_start3A_60] : memref<10000x128xf32, #tpu.memory_space<hbm>> -> memref<10000x128xf32, #tpu.memory_space<hbm>>
        tpu.enqueue_indirect_dma source(%dma_start3A_61 : memref<10000x128xf32, #tpu.memory_space<hbm>>) target(%arg10 : memref<120x128xf32, #tpu.memory_space<vmem>>) offsets(%dma_start3A_58 : memref<120xi32, #tpu.memory_space<vmem>>) semaphore(%arg14 : memref<!tpu.dma_semaphore, #tpu.memory_space<semaphore_mem>>)
        %dma_wait3A_62 = arith.constant 0 : i32
        %dma_wait3A_63 = arith.constant 0 : i32
        %dma_wait3A_64 = tpu.memref_slice %arg7[%dma_wait3A_62, %dma_wait3A_63] : memref<2x120xi32, #tpu.memory_space<vmem>> -> memref<1x120xi32, #tpu.memory_space<vmem>>
        %dma_wait3A_65 = tpu.memref_squeeze %dma_wait3A_64 : memref<1x120xi32, #tpu.memory_space<vmem>> -> memref<120xi32, #tpu.memory_space<vmem>>
        %dma_wait3A_66 = arith.constant 0 : i32
        %dma_wait3A_67 = arith.constant 0 : i32
        %dma_wait3A_68 = tpu.memref_slice %arg3[%dma_wait3A_66, %dma_wait3A_67] : memref<10000x128xf32, #tpu.memory_space<hbm>> -> memref<10000x128xf32, #tpu.memory_space<hbm>>
        tpu.wait_indirect_dma semaphore(%arg13 : memref<!tpu.dma_semaphore, #tpu.memory_space<semaphore_mem>>) src(%dma_wait3A_68 : memref<10000x128xf32, #tpu.memory_space<hbm>>) dst(%arg9 : memref<120x128xf32, #tpu.memory_space<vmem>>)
        %dma_start3A_69 = arith.constant 1 : i32
        %dma_start3A_70 = arith.constant 0 : i32
        %dma_start3A_71 = tpu.memref_slice %arg7[%dma_start3A_69, %dma_start3A_70] : memref<2x120xi32, #tpu.memory_space<vmem>> -> memref<1x120xi32, #tpu.memory_space<vmem>>
        %dma_start3A_72 = tpu.memref_squeeze %dma_start3A_71 : memref<1x120xi32, #tpu.memory_space<vmem>> -> memref<120xi32, #tpu.memory_space<vmem>>
        %dma_start3A_73 = arith.constant 0 : i32
        %dma_start3A_74 = arith.constant 0 : i32
        %dma_start3A_75 = tpu.memref_slice %arg12[%dma_start3A_73, %dma_start3A_74] : memref<10008x128xf32, #tpu.memory_space<vmem_shared>> -> memref<10008x128xf32, #tpu.memory_space<vmem_shared>>
        tpu.enqueue_indirect_dma source(%arg9 : memref<120x128xf32, #tpu.memory_space<vmem>>) target(%dma_start3A_75 : memref<10008x128xf32, #tpu.memory_space<vmem_shared>>) offsets(%dma_start3A_72 : memref<120xi32, #tpu.memory_space<vmem>>) semaphore(%arg15 : memref<!tpu.dma_semaphore, #tpu.memory_space<semaphore_mem>>) {add = true}
        %add3A_76 = arith.constant 1 : i32
        %add3A_77 = arith.addi %scan3A_46, %add3A_76 : i32
        %lt3A = arith.constant 42 : i32
        %lt3A_78 = arith.cmpi slt, %add3A_77, %lt3A : i32
        %convert_element_type3A_79 = arith.extui %lt3A_78 : i1 to i32
        %cond3A_80 = arith.constant 0 : i32
        %cond3A_81 = arith.cmpi ne, %convert_element_type3A_79, %cond3A_80 : i32
        scf.if %cond3A_81 {
          %dma_wait3A_96 = arith.constant 1 : i32
          %dma_wait3A_97 = arith.constant 0 : i32
          %dma_wait3A_98 = tpu.memref_slice %arg7[%dma_wait3A_96, %dma_wait3A_97] : memref<2x120xi32, #tpu.memory_space<vmem>> -> memref<1x120xi32, #tpu.memory_space<vmem>>
          %dma_wait3A_99 = tpu.memref_squeeze %dma_wait3A_98 : memref<1x120xi32, #tpu.memory_space<vmem>> -> memref<120xi32, #tpu.memory_space<vmem>>
          %dma_wait3A_100 = arith.constant 0 : i32
          %dma_wait3A_101 = arith.constant 0 : i32
          %dma_wait3A_102 = tpu.memref_slice %arg12[%dma_wait3A_100, %dma_wait3A_101] : memref<10008x128xf32, #tpu.memory_space<vmem_shared>> -> memref<10008x128xf32, #tpu.memory_space<vmem_shared>>
          tpu.wait_indirect_dma semaphore(%arg15 : memref<!tpu.dma_semaphore, #tpu.memory_space<semaphore_mem>>) src(%arg9 : memref<120x128xf32, #tpu.memory_space<vmem>>) dst(%dma_wait3A_102 : memref<10008x128xf32, #tpu.memory_space<vmem_shared>>)
          %mul3A_103 = arith.constant 2 : i32
          %mul3A_104 = arith.muli %mul3A_103, %scan3A_46 : i32
          %add3A_105 = arith.addi %mul3A_0, %mul3A_104 : i32
          %add3A_106 = arith.constant 2 : i32
          %add3A_107 = arith.addi %add3A_105, %add3A_106 : i32
          "tpu.region"() ({
            %run_scoped3A = tpu.sem_alloc : memref<!tpu.dma_semaphore, #tpu.memory_space<semaphore_mem>>
            %dma_start3A_115 = arith.constant 0 : i32
            %dma_start3A_116 = arith.constant 0 : i32
            %dma_start3A_117 = tpu.memref_slice %arg4[%add3A_107, %dma_start3A_115, %dma_start3A_116] : memref<1344x2x120xi32, #tpu.memory_space<hbm>> -> memref<1x2x120xi32, #tpu.memory_space<hbm>>
            %dma_start3A_118 = tpu.memref_squeeze %dma_start3A_117 : memref<1x2x120xi32, #tpu.memory_space<hbm>> -> memref<2x120xi32, #tpu.memory_space<hbm>>
            %dma_start3A_119 = arith.constant 0 : i32
            %dma_start3A_120 = arith.constant 0 : i32
            %dma_start3A_121 = tpu.memref_slice %arg4[%add3A_107, %dma_start3A_119, %dma_start3A_120] : memref<1344x2x120xi32, #tpu.memory_space<hbm>> -> memref<1x2x120xi32, #tpu.memory_space<hbm>>
            %dma_start3A_122 = tpu.memref_squeeze %dma_start3A_121 : memref<1x2x120xi32, #tpu.memory_space<hbm>> -> memref<2x120xi32, #tpu.memory_space<hbm>>
            tpu.enqueue_dma source(%dma_start3A_122 : memref<2x120xi32, #tpu.memory_space<hbm>>) target(%arg7 : memref<2x120xi32, #tpu.memory_space<vmem>>) target_semaphore(%run_scoped3A : memref<!tpu.dma_semaphore, #tpu.memory_space<semaphore_mem>>)
            %dma_wait3A_123 = arith.constant 0 : i32
            %dma_wait3A_124 = arith.constant 0 : i32
            %dma_wait3A_125 = tpu.memref_slice %arg4[%add3A_107, %dma_wait3A_123, %dma_wait3A_124] : memref<1344x2x120xi32, #tpu.memory_space<hbm>> -> memref<1x2x120xi32, #tpu.memory_space<hbm>>
            %dma_wait3A_126 = tpu.memref_squeeze %dma_wait3A_125 : memref<1x2x120xi32, #tpu.memory_space<hbm>> -> memref<2x120xi32, #tpu.memory_space<hbm>>
            %dma_wait3A_127 = arith.constant 0 : i32
            %dma_wait3A_128 = arith.constant 0 : i32
            %dma_wait3A_129 = tpu.memref_slice %arg4[%add3A_107, %dma_wait3A_127, %dma_wait3A_128] : memref<1344x2x120xi32, #tpu.memory_space<hbm>> -> memref<1x2x120xi32, #tpu.memory_space<hbm>>
            %dma_wait3A_130 = tpu.memref_squeeze %dma_wait3A_129 : memref<1x2x120xi32, #tpu.memory_space<hbm>> -> memref<2x120xi32, #tpu.memory_space<hbm>>
            tpu.wait_dma2 semaphore(%run_scoped3A : memref<!tpu.dma_semaphore, #tpu.memory_space<semaphore_mem>>) src(%dma_wait3A_130 : memref<2x120xi32, #tpu.memory_space<hbm>>) dst(%arg7 : memref<2x120xi32, #tpu.memory_space<vmem>>)
            tpu.yield
          }) : () -> ()
          %dma_start3A_108 = arith.constant 0 : i32
          %dma_start3A_109 = arith.constant 0 : i32
          %dma_start3A_110 = tpu.memref_slice %arg7[%dma_start3A_108, %dma_start3A_109] : memref<2x120xi32, #tpu.memory_space<vmem>> -> memref<1x120xi32, #tpu.memory_space<vmem>>
          %dma_start3A_111 = tpu.memref_squeeze %dma_start3A_110 : memref<1x120xi32, #tpu.memory_space<vmem>> -> memref<120xi32, #tpu.memory_space<vmem>>
          %dma_start3A_112 = arith.constant 0 : i32
          %dma_start3A_113 = arith.constant 0 : i32
          %dma_start3A_114 = tpu.memref_slice %arg3[%dma_start3A_112, %dma_start3A_113] : memref<10000x128xf32, #tpu.memory_space<hbm>> -> memref<10000x128xf32, #tpu.memory_space<hbm>>
          tpu.enqueue_indirect_dma source(%dma_start3A_114 : memref<10000x128xf32, #tpu.memory_space<hbm>>) target(%arg9 : memref<120x128xf32, #tpu.memory_space<vmem>>) offsets(%dma_start3A_111 : memref<120xi32, #tpu.memory_space<vmem>>) semaphore(%arg13 : memref<!tpu.dma_semaphore, #tpu.memory_space<semaphore_mem>>)
        } else {
        }
        %dma_wait3A_82 = arith.constant 0 : i32
        %dma_wait3A_83 = arith.constant 0 : i32
        %dma_wait3A_84 = tpu.memref_slice %arg8[%dma_wait3A_82, %dma_wait3A_83] : memref<2x120xi32, #tpu.memory_space<vmem>> -> memref<1x120xi32, #tpu.memory_space<vmem>>
        %dma_wait3A_85 = tpu.memref_squeeze %dma_wait3A_84 : memref<1x120xi32, #tpu.memory_space<vmem>> -> memref<120xi32, #tpu.memory_space<vmem>>
        %dma_wait3A_86 = arith.constant 0 : i32
        %dma_wait3A_87 = arith.constant 0 : i32
        %dma_wait3A_88 = tpu.memref_slice %arg3[%dma_wait3A_86, %dma_wait3A_87] : memref<10000x128xf32, #tpu.memory_space<hbm>> -> memref<10000x128xf32, #tpu.memory_space<hbm>>
        tpu.wait_indirect_dma semaphore(%arg14 : memref<!tpu.dma_semaphore, #tpu.memory_space<semaphore_mem>>) src(%dma_wait3A_88 : memref<10000x128xf32, #tpu.memory_space<hbm>>) dst(%arg10 : memref<120x128xf32, #tpu.memory_space<vmem>>)
        %dma_start3A_89 = arith.constant 1 : i32
        %dma_start3A_90 = arith.constant 0 : i32
        %dma_start3A_91 = tpu.memref_slice %arg8[%dma_start3A_89, %dma_start3A_90] : memref<2x120xi32, #tpu.memory_space<vmem>> -> memref<1x120xi32, #tpu.memory_space<vmem>>
        %dma_start3A_92 = tpu.memref_squeeze %dma_start3A_91 : memref<1x120xi32, #tpu.memory_space<vmem>> -> memref<120xi32, #tpu.memory_space<vmem>>
        %dma_start3A_93 = arith.constant 0 : i32
        %dma_start3A_94 = arith.constant 0 : i32
        %dma_start3A_95 = tpu.memref_slice %arg12[%dma_start3A_93, %dma_start3A_94] : memref<10008x128xf32, #tpu.memory_space<vmem_shared>> -> memref<10008x128xf32, #tpu.memory_space<vmem_shared>>
        tpu.enqueue_indirect_dma source(%arg10 : memref<120x128xf32, #tpu.memory_space<vmem>>) target(%dma_start3A_95 : memref<10008x128xf32, #tpu.memory_space<vmem_shared>>) offsets(%dma_start3A_92 : memref<120xi32, #tpu.memory_space<vmem>>) semaphore(%arg16 : memref<!tpu.dma_semaphore, #tpu.memory_space<semaphore_mem>>) {add = true}
      }
      %scan3A_24 = arith.constant 42 : i32
      %dma_wait3A = arith.constant 1 : i32
      %dma_wait3A_25 = arith.constant 0 : i32
      %dma_wait3A_26 = tpu.memref_slice %arg7[%dma_wait3A, %dma_wait3A_25] : memref<2x120xi32, #tpu.memory_space<vmem>> -> memref<1x120xi32, #tpu.memory_space<vmem>>
      %dma_wait3A_27 = tpu.memref_squeeze %dma_wait3A_26 : memref<1x120xi32, #tpu.memory_space<vmem>> -> memref<120xi32, #tpu.memory_space<vmem>>
      %dma_wait3A_28 = arith.constant 0 : i32
      %dma_wait3A_29 = arith.constant 0 : i32
      %dma_wait3A_30 = tpu.memref_slice %arg12[%dma_wait3A_28, %dma_wait3A_29] : memref<10008x128xf32, #tpu.memory_space<vmem_shared>> -> memref<10008x128xf32, #tpu.memory_space<vmem_shared>>
      tpu.wait_indirect_dma semaphore(%arg15 : memref<!tpu.dma_semaphore, #tpu.memory_space<semaphore_mem>>) src(%arg9 : memref<120x128xf32, #tpu.memory_space<vmem>>) dst(%dma_wait3A_30 : memref<10008x128xf32, #tpu.memory_space<vmem_shared>>)
      %dma_wait3A_31 = arith.constant 1 : i32
      %dma_wait3A_32 = arith.constant 0 : i32
      %dma_wait3A_33 = tpu.memref_slice %arg8[%dma_wait3A_31, %dma_wait3A_32] : memref<2x120xi32, #tpu.memory_space<vmem>> -> memref<1x120xi32, #tpu.memory_space<vmem>>
      %dma_wait3A_34 = tpu.memref_squeeze %dma_wait3A_33 : memref<1x120xi32, #tpu.memory_space<vmem>> -> memref<120xi32, #tpu.memory_space<vmem>>
      %dma_wait3A_35 = arith.constant 0 : i32
      %dma_wait3A_36 = arith.constant 0 : i32
      %dma_wait3A_37 = tpu.memref_slice %arg12[%dma_wait3A_35, %dma_wait3A_36] : memref<10008x128xf32, #tpu.memory_space<vmem_shared>> -> memref<10008x128xf32, #tpu.memory_space<vmem_shared>>
      tpu.wait_indirect_dma semaphore(%arg16 : memref<!tpu.dma_semaphore, #tpu.memory_space<semaphore_mem>>) src(%arg10 : memref<120x128xf32, #tpu.memory_space<vmem>>) dst(%dma_wait3A_37 : memref<10008x128xf32, #tpu.memory_space<vmem_shared>>)
      %barrier3A_38 = arith.constant 0 : index
      tpu.barrier barrier_id(%barrier3A_38)
      %scan3A_39 = arith.constant 0 : i32
      %scan3A_40 = arith.constant 0 : i32
      %scan3A_41 = arith.constant 8 : i32
      %scan3A_42 = arith.addi %scan3A_40, %scan3A_41 : i32
      %scan3A_43 = arith.constant 1 : i32
      scf.for %scan3A_46 = %scan3A_40 to %scan3A_42 step %scan3A_43  : i32 {
        %mul3A_47 = arith.constant 16 : i32
        %mul3A_48 = arith.muli %scan3A_46, %mul3A_47 : i32
        %add3A = arith.addi %mul3A_48, %arg1 : i32
        %lt3A = arith.constant 125 : i32
        %lt3A_49 = arith.cmpi slt, %add3A, %lt3A : i32
        %convert_element_type3A_50 = arith.extui %lt3A_49 : i1 to i32
        %cond3A_51 = arith.constant 0 : i32
        %cond3A_52 = arith.cmpi ne, %convert_element_type3A_50, %cond3A_51 : i32
        scf.if %cond3A_52 {
          %mul3A_53 = arith.constant 80 : i32
          %mul3A_54 = arith.muli %add3A, %mul3A_53 : i32
          "tpu.region"() ({
            %run_scoped3A = tpu.sem_alloc : memref<!tpu.dma_semaphore, #tpu.memory_space<semaphore_mem>>
            %dma_start3A_55 = arith.constant 0 : i32
            %dma_start3A_56 = tpu.memref_slice %arg12[%mul3A_54, %dma_start3A_55] : memref<10008x128xf32, #tpu.memory_space<vmem_shared>> -> memref<80x128xf32, #tpu.memory_space<vmem_shared>>
            %dma_start3A_57 = arith.constant 0 : i32
            %dma_start3A_58 = tpu.memref_slice %arg12[%mul3A_54, %dma_start3A_57] : memref<10008x128xf32, #tpu.memory_space<vmem_shared>> -> memref<80x128xf32, #tpu.memory_space<vmem_shared>>
            tpu.enqueue_dma source(%dma_start3A_58 : memref<80x128xf32, #tpu.memory_space<vmem_shared>>) target(%arg11 : memref<80x128xf32, #tpu.memory_space<vmem>>) target_semaphore(%run_scoped3A : memref<!tpu.dma_semaphore, #tpu.memory_space<semaphore_mem>>)
            %dma_wait3A_59 = arith.constant 0 : i32
            %dma_wait3A_60 = tpu.memref_slice %arg12[%mul3A_54, %dma_wait3A_59] : memref<10008x128xf32, #tpu.memory_space<vmem_shared>> -> memref<80x128xf32, #tpu.memory_space<vmem_shared>>
            %dma_wait3A_61 = arith.constant 0 : i32
            %dma_wait3A_62 = tpu.memref_slice %arg12[%mul3A_54, %dma_wait3A_61] : memref<10008x128xf32, #tpu.memory_space<vmem_shared>> -> memref<80x128xf32, #tpu.memory_space<vmem_shared>>
            tpu.wait_dma2 semaphore(%run_scoped3A : memref<!tpu.dma_semaphore, #tpu.memory_space<semaphore_mem>>) src(%dma_wait3A_62 : memref<80x128xf32, #tpu.memory_space<vmem_shared>>) dst(%arg11 : memref<80x128xf32, #tpu.memory_space<vmem>>)
            tpu.yield
          }) : () -> ()
          "tpu.region"() ({
            %run_scoped3A = tpu.sem_alloc : memref<!tpu.dma_semaphore, #tpu.memory_space<semaphore_mem>>
            %dma_start3A_55 = arith.constant 0 : i32
            %dma_start3A_56 = tpu.memref_slice %arg6[%mul3A_54, %dma_start3A_55] : memref<10000x128xf32, #tpu.memory_space<hbm>> -> memref<80x128xf32, #tpu.memory_space<hbm>>
            %dma_start3A_57 = arith.constant 0 : i32
            %dma_start3A_58 = tpu.memref_slice %arg6[%mul3A_54, %dma_start3A_57] : memref<10000x128xf32, #tpu.memory_space<hbm>> -> memref<80x128xf32, #tpu.memory_space<hbm>>
            tpu.enqueue_dma source(%arg11 : memref<80x128xf32, #tpu.memory_space<vmem>>) target(%dma_start3A_58 : memref<80x128xf32, #tpu.memory_space<hbm>>) target_semaphore(%run_scoped3A : memref<!tpu.dma_semaphore, #tpu.memory_space<semaphore_mem>>)
            %dma_wait3A_59 = arith.constant 0 : i32
            %dma_wait3A_60 = tpu.memref_slice %arg6[%mul3A_54, %dma_wait3A_59] : memref<10000x128xf32, #tpu.memory_space<hbm>> -> memref<80x128xf32, #tpu.memory_space<hbm>>
            %dma_wait3A_61 = arith.constant 0 : i32
            %dma_wait3A_62 = tpu.memref_slice %arg6[%mul3A_54, %dma_wait3A_61] : memref<10000x128xf32, #tpu.memory_space<hbm>> -> memref<80x128xf32, #tpu.memory_space<hbm>>
            tpu.wait_dma2 semaphore(%run_scoped3A : memref<!tpu.dma_semaphore, #tpu.memory_space<semaphore_mem>>) src(%arg11 : memref<80x128xf32, #tpu.memory_space<vmem>>) dst(%dma_wait3A_62 : memref<80x128xf32, #tpu.memory_space<hbm>>)
            tpu.yield
          }) : () -> ()
        } else {
        }
      }
      %scan3A_44 = arith.constant 8 : i32
      %barrier3A_45 = arith.constant 0 : index
      tpu.barrier barrier_id(%barrier3A_45)
    } else {
    }
    return
  }
}

#map = affine_map<(d0, d1) -> (0, 0)>
#map1 = affine_map<(d0, d1) -> (0, 0, 0)>
module attributes {stable_mosaic.version = 14 : i64} {
  func.func @spmm(%arg0: i32, %arg1: i32, %arg2: memref<10000x128xf32, #tpu.memory_space<hbm>>, %arg3: memref<10000x128xf32, #tpu.memory_space<hbm>>, %arg4: memref<1344x2x120xi32, #tpu.memory_space<hbm>>, %arg5: memref<10000x128xf32, #tpu.memory_space<hbm>>, %arg6: memref<10000x128xf32, #tpu.memory_space<hbm>>, %arg7: memref<2x120xi32, #tpu.memory_space<vmem>>, %arg8: memref<2x120xi32, #tpu.memory_space<vmem>>, %arg9: memref<120x128xf32, #tpu.memory_space<vmem>>, %arg10: memref<120x128xf32, #tpu.memory_space<vmem>>, %arg11: memref<80x128xf32, #tpu.memory_space<vmem>>, %arg12: memref<10008x128xf32, #tpu.memory_space<vmem_shared>>, %arg13: memref<!tpu.dma_semaphore, #tpu.memory_space<semaphore_mem>>, %arg14: memref<!tpu.dma_semaphore, #tpu.memory_space<semaphore_mem>>, %arg15: memref<!tpu.dma_semaphore, #tpu.memory_space<semaphore_mem>>, %arg16: memref<!tpu.dma_semaphore, #tpu.memory_space<semaphore_mem>>) attributes {dimension_semantics = [#tpu.dimension_semantics<core_parallel>, #tpu.dimension_semantics<subcore_parallel>], iteration_bounds = array<i64: 2, 16>, scalar_prefetch = 0 : i64, scratch_operands = 10 : i64, tpu.core_type = #tpu.core_type<sc_vector_subcore>, window_params = [{transform_indices = #map}, {transform_indices = #map}, {transform_indices = #map1}, {transform_indices = #map}, {transform_indices = #map}]} {
    %mul3A = arith.constant 84 : i32
    %mul3A_0 = arith.muli %arg1, %mul3A : i32
    %eq3A = arith.constant 0 : i32
    %eq3A_1 = arith.cmpi eq, %arg0, %eq3A : i32
    %convert_element_type3A = arith.extui %eq3A_1 : i1 to i32
    %cond3A = arith.constant 0 : i32
    %cond3A_2 = arith.cmpi ne, %convert_element_type3A, %cond3A : i32
    scf.if %cond3A_2 {
      %scan3A = arith.constant 0 : i32
      %scan3A_8 = arith.constant 0 : i32
      %scan3A_9 = arith.constant 8 : i32
      %scan3A_10 = arith.addi %scan3A_8, %scan3A_9 : i32
      %scan3A_11 = arith.constant 1 : i32
      scf.for %scan3A_46 = %scan3A_8 to %scan3A_10 step %scan3A_11  : i32 {
        %mul3A_47 = arith.constant 16 : i32
        %mul3A_48 = arith.muli %scan3A_46, %mul3A_47 : i32
        %add3A = arith.addi %mul3A_48, %arg1 : i32
        %lt3A = arith.constant 125 : i32
        %lt3A_49 = arith.cmpi slt, %add3A, %lt3A : i32
        %convert_element_type3A_50 = arith.extui %lt3A_49 : i1 to i32
        %cond3A_51 = arith.constant 0 : i32
        %cond3A_52 = arith.cmpi ne, %convert_element_type3A_50, %cond3A_51 : i32
        scf.if %cond3A_52 {
          %mul3A_53 = arith.constant 80 : i32
          %mul3A_54 = arith.muli %add3A, %mul3A_53 : i32
          "tpu.region"() ({
            %run_scoped3A = tpu.sem_alloc : memref<!tpu.dma_semaphore, #tpu.memory_space<semaphore_mem>>
            %dma_start3A_55 = arith.constant 0 : i32
            %dma_start3A_56 = tpu.memref_slice %arg2[%mul3A_54, %dma_start3A_55] : memref<10000x128xf32, #tpu.memory_space<hbm>> -> memref<80x128xf32, #tpu.memory_space<hbm>>
            %dma_start3A_57 = arith.constant 0 : i32
            %dma_start3A_58 = tpu.memref_slice %arg2[%mul3A_54, %dma_start3A_57] : memref<10000x128xf32, #tpu.memory_space<hbm>> -> memref<80x128xf32, #tpu.memory_space<hbm>>
            tpu.enqueue_dma source(%dma_start3A_58 : memref<80x128xf32, #tpu.memory_space<hbm>>) target(%arg11 : memref<80x128xf32, #tpu.memory_space<vmem>>) target_semaphore(%run_scoped3A : memref<!tpu.dma_semaphore, #tpu.memory_space<semaphore_mem>>)
            %dma_wait3A_59 = arith.constant 0 : i32
            %dma_wait3A_60 = tpu.memref_slice %arg2[%mul3A_54, %dma_wait3A_59] : memref<10000x128xf32, #tpu.memory_space<hbm>> -> memref<80x128xf32, #tpu.memory_space<hbm>>
            %dma_wait3A_61 = arith.constant 0 : i32
            %dma_wait3A_62 = tpu.memref_slice %arg2[%mul3A_54, %dma_wait3A_61] : memref<10000x128xf32, #tpu.memory_space<hbm>> -> memref<80x128xf32, #tpu.memory_space<hbm>>
            tpu.wait_dma2 semaphore(%run_scoped3A : memref<!tpu.dma_semaphore, #tpu.memory_space<semaphore_mem>>) src(%dma_wait3A_62 : memref<80x128xf32, #tpu.memory_space<hbm>>) dst(%arg11 : memref<80x128xf32, #tpu.memory_space<vmem>>)
            tpu.yield
          }) : () -> ()
          "tpu.region"() ({
            %run_scoped3A = tpu.sem_alloc : memref<!tpu.dma_semaphore, #tpu.memory_space<semaphore_mem>>
            %dma_start3A_55 = arith.constant 0 : i32
            %dma_start3A_56 = tpu.memref_slice %arg12[%mul3A_54, %dma_start3A_55] : memref<10008x128xf32, #tpu.memory_space<vmem_shared>> -> memref<80x128xf32, #tpu.memory_space<vmem_shared>>
            %dma_start3A_57 = arith.constant 0 : i32
            %dma_start3A_58 = tpu.memref_slice %arg12[%mul3A_54, %dma_start3A_57] : memref<10008x128xf32, #tpu.memory_space<vmem_shared>> -> memref<80x128xf32, #tpu.memory_space<vmem_shared>>
            tpu.enqueue_dma source(%arg11 : memref<80x128xf32, #tpu.memory_space<vmem>>) target(%dma_start3A_58 : memref<80x128xf32, #tpu.memory_space<vmem_shared>>) target_semaphore(%run_scoped3A : memref<!tpu.dma_semaphore, #tpu.memory_space<semaphore_mem>>)
            %dma_wait3A_59 = arith.constant 0 : i32
            %dma_wait3A_60 = tpu.memref_slice %arg12[%mul3A_54, %dma_wait3A_59] : memref<10008x128xf32, #tpu.memory_space<vmem_shared>> -> memref<80x128xf32, #tpu.memory_space<vmem_shared>>
            %dma_wait3A_61 = arith.constant 0 : i32
            %dma_wait3A_62 = tpu.memref_slice %arg12[%mul3A_54, %dma_wait3A_61] : memref<10008x128xf32, #tpu.memory_space<vmem_shared>> -> memref<80x128xf32, #tpu.memory_space<vmem_shared>>
            tpu.wait_dma2 semaphore(%run_scoped3A : memref<!tpu.dma_semaphore, #tpu.memory_space<semaphore_mem>>) src(%arg11 : memref<80x128xf32, #tpu.memory_space<vmem>>) dst(%dma_wait3A_62 : memref<80x128xf32, #tpu.memory_space<vmem_shared>>)
            tpu.yield
          }) : () -> ()
        } else {
        }
      }
      %scan3A_12 = arith.constant 8 : i32
      %barrier3A = arith.constant 0 : index
      tpu.barrier barrier_id(%barrier3A)
      "tpu.region"() ({
        %run_scoped3A = tpu.sem_alloc : memref<!tpu.dma_semaphore, #tpu.memory_space<semaphore_mem>>
        %dma_start3A_46 = arith.constant 0 : i32
        %dma_start3A_47 = arith.constant 0 : i32
        %dma_start3A_48 = tpu.memref_slice %arg4[%mul3A_0, %dma_start3A_46, %dma_start3A_47] : memref<1344x2x120xi32, #tpu.memory_space<hbm>> -> memref<1x2x120xi32, #tpu.memory_space<hbm>>
        %dma_start3A_49 = tpu.memref_squeeze %dma_start3A_48 : memref<1x2x120xi32, #tpu.memory_space<hbm>> -> memref<2x120xi32, #tpu.memory_space<hbm>>
        %dma_start3A_50 = arith.constant 0 : i32
        %dma_start3A_51 = arith.constant 0 : i32
        %dma_start3A_52 = tpu.memref_slice %arg4[%mul3A_0, %dma_start3A_50, %dma_start3A_51] : memref<1344x2x120xi32, #tpu.memory_space<hbm>> -> memref<1x2x120xi32, #tpu.memory_space<hbm>>
        %dma_start3A_53 = tpu.memref_squeeze %dma_start3A_52 : memref<1x2x120xi32, #tpu.memory_space<hbm>> -> memref<2x120xi32, #tpu.memory_space<hbm>>
        tpu.enqueue_dma source(%dma_start3A_53 : memref<2x120xi32, #tpu.memory_space<hbm>>) target(%arg7 : memref<2x120xi32, #tpu.memory_space<vmem>>) target_semaphore(%run_scoped3A : memref<!tpu.dma_semaphore, #tpu.memory_space<semaphore_mem>>)
        %dma_wait3A_54 = arith.constant 0 : i32
        %dma_wait3A_55 = arith.constant 0 : i32
        %dma_wait3A_56 = tpu.memref_slice %arg4[%mul3A_0, %dma_wait3A_54, %dma_wait3A_55] : memref<1344x2x120xi32, #tpu.memory_space<hbm>> -> memref<1x2x120xi32, #tpu.memory_space<hbm>>
        %dma_wait3A_57 = tpu.memref_squeeze %dma_wait3A_56 : memref<1x2x120xi32, #tpu.memory_space<hbm>> -> memref<2x120xi32, #tpu.memory_space<hbm>>
        %dma_wait3A_58 = arith.constant 0 : i32
        %dma_wait3A_59 = arith.constant 0 : i32
        %dma_wait3A_60 = tpu.memref_slice %arg4[%mul3A_0, %dma_wait3A_58, %dma_wait3A_59] : memref<1344x2x120xi32, #tpu.memory_space<hbm>> -> memref<1x2x120xi32, #tpu.memory_space<hbm>>
        %dma_wait3A_61 = tpu.memref_squeeze %dma_wait3A_60 : memref<1x2x120xi32, #tpu.memory_space<hbm>> -> memref<2x120xi32, #tpu.memory_space<hbm>>
        tpu.wait_dma2 semaphore(%run_scoped3A : memref<!tpu.dma_semaphore, #tpu.memory_space<semaphore_mem>>) src(%dma_wait3A_61 : memref<2x120xi32, #tpu.memory_space<hbm>>) dst(%arg7 : memref<2x120xi32, #tpu.memory_space<vmem>>)
        tpu.yield
      }) : () -> ()
      %dma_start3A = arith.constant 0 : i32
      %dma_start3A_13 = arith.constant 0 : i32
      %dma_start3A_14 = tpu.memref_slice %arg7[%dma_start3A, %dma_start3A_13] : memref<2x120xi32, #tpu.memory_space<vmem>> -> memref<1x120xi32, #tpu.memory_space<vmem>>
      %dma_start3A_15 = tpu.memref_squeeze %dma_start3A_14 : memref<1x120xi32, #tpu.memory_space<vmem>> -> memref<120xi32, #tpu.memory_space<vmem>>
      %dma_start3A_16 = arith.constant 0 : i32
      %dma_start3A_17 = arith.constant 0 : i32
      %dma_start3A_18 = tpu.memref_slice %arg2[%dma_start3A_16, %dma_start3A_17] : memref<10000x128xf32, #tpu.memory_space<hbm>> -> memref<10000x128xf32, #tpu.memory_space<hbm>>
      tpu.enqueue_indirect_dma source(%dma_start3A_18 : memref<10000x128xf32, #tpu.memory_space<hbm>>) target(%arg9 : memref<120x128xf32, #tpu.memory_space<vmem>>) offsets(%dma_start3A_15 : memref<120xi32, #tpu.memory_space<vmem>>) semaphore(%arg13 : memref<!tpu.dma_semaphore, #tpu.memory_space<semaphore_mem>>)
      %scan3A_19 = arith.constant 0 : i32
      %scan3A_20 = arith.constant 0 : i32
      %scan3A_21 = arith.constant 42 : i32
      %scan3A_22 = arith.addi %scan3A_20, %scan3A_21 : i32
      %scan3A_23 = arith.constant 1 : i32
      scf.for %scan3A_46 = %scan3A_20 to %scan3A_22 step %scan3A_23  : i32 {
        %gt3A = arith.constant 0 : i32
        %gt3A_47 = arith.cmpi sgt, %scan3A_46, %gt3A : i32
        %convert_element_type3A_48 = arith.extui %gt3A_47 : i1 to i32
        %cond3A_49 = arith.constant 0 : i32
        %cond3A_50 = arith.cmpi ne, %convert_element_type3A_48, %cond3A_49 : i32
        scf.if %cond3A_50 {
          %dma_wait3A_96 = arith.constant 1 : i32
          %dma_wait3A_97 = arith.constant 0 : i32
          %dma_wait3A_98 = tpu.memref_slice %arg8[%dma_wait3A_96, %dma_wait3A_97] : memref<2x120xi32, #tpu.memory_space<vmem>> -> memref<1x120xi32, #tpu.memory_space<vmem>>
          %dma_wait3A_99 = tpu.memref_squeeze %dma_wait3A_98 : memref<1x120xi32, #tpu.memory_space<vmem>> -> memref<120xi32, #tpu.memory_space<vmem>>
          %dma_wait3A_100 = arith.constant 0 : i32
          %dma_wait3A_101 = arith.constant 0 : i32
          %dma_wait3A_102 = tpu.memref_slice %arg12[%dma_wait3A_100, %dma_wait3A_101] : memref<10008x128xf32, #tpu.memory_space<vmem_shared>> -> memref<10008x128xf32, #tpu.memory_space<vmem_shared>>
          tpu.wait_indirect_dma semaphore(%arg16 : memref<!tpu.dma_semaphore, #tpu.memory_space<semaphore_mem>>) src(%arg10 : memref<120x128xf32, #tpu.memory_space<vmem>>) dst(%dma_wait3A_102 : memref<10008x128xf32, #tpu.memory_space<vmem_shared>>)
        } else {
        }
        %mul3A_51 = arith.constant 2 : i32
        %mul3A_52 = arith.muli %mul3A_51, %scan3A_46 : i32
        %add3A = arith.addi %mul3A_0, %mul3A_52 : i32
        %add3A_53 = arith.constant 1 : i32
        %add3A_54 = arith.addi %add3A, %add3A_53 : i32
        "tpu.region"() ({
          %run_scoped3A = tpu.sem_alloc : memref<!tpu.dma_semaphore, #tpu.memory_space<semaphore_mem>>
          %dma_start3A_96 = arith.constant 0 : i32
          %dma_start3A_97 = arith.constant 0 : i32
          %dma_start3A_98 = tpu.memref_slice %arg4[%add3A_54, %dma_start3A_96, %dma_start3A_97] : memref<1344x2x120xi32, #tpu.memory_space<hbm>> -> memref<1x2x120xi32, #tpu.memory_space<hbm>>
          %dma_start3A_99 = tpu.memref_squeeze %dma_start3A_98 : memref<1x2x120xi32, #tpu.memory_space<hbm>> -> memref<2x120xi32, #tpu.memory_space<hbm>>
          %dma_start3A_100 = arith.constant 0 : i32
          %dma_start3A_101 = arith.constant 0 : i32
          %dma_start3A_102 = tpu.memref_slice %arg4[%add3A_54, %dma_start3A_100, %dma_start3A_101] : memref<1344x2x120xi32, #tpu.memory_space<hbm>> -> memref<1x2x120xi32, #tpu.memory_space<hbm>>
          %dma_start3A_103 = tpu.memref_squeeze %dma_start3A_102 : memref<1x2x120xi32, #tpu.memory_space<hbm>> -> memref<2x120xi32, #tpu.memory_space<hbm>>
          tpu.enqueue_dma source(%dma_start3A_103 : memref<2x120xi32, #tpu.memory_space<hbm>>) target(%arg8 : memref<2x120xi32, #tpu.memory_space<vmem>>) target_semaphore(%run_scoped3A : memref<!tpu.dma_semaphore, #tpu.memory_space<semaphore_mem>>)
          %dma_wait3A_104 = arith.constant 0 : i32
          %dma_wait3A_105 = arith.constant 0 : i32
          %dma_wait3A_106 = tpu.memref_slice %arg4[%add3A_54, %dma_wait3A_104, %dma_wait3A_105] : memref<1344x2x120xi32, #tpu.memory_space<hbm>> -> memref<1x2x120xi32, #tpu.memory_space<hbm>>
          %dma_wait3A_107 = tpu.memref_squeeze %dma_wait3A_106 : memref<1x2x120xi32, #tpu.memory_space<hbm>> -> memref<2x120xi32, #tpu.memory_space<hbm>>
          %dma_wait3A_108 = arith.constant 0 : i32
          %dma_wait3A_109 = arith.constant 0 : i32
          %dma_wait3A_110 = tpu.memref_slice %arg4[%add3A_54, %dma_wait3A_108, %dma_wait3A_109] : memref<1344x2x120xi32, #tpu.memory_space<hbm>> -> memref<1x2x120xi32, #tpu.memory_space<hbm>>
          %dma_wait3A_111 = tpu.memref_squeeze %dma_wait3A_110 : memref<1x2x120xi32, #tpu.memory_space<hbm>> -> memref<2x120xi32, #tpu.memory_space<hbm>>
          tpu.wait_dma2 semaphore(%run_scoped3A : memref<!tpu.dma_semaphore, #tpu.memory_space<semaphore_mem>>) src(%dma_wait3A_111 : memref<2x120xi32, #tpu.memory_space<hbm>>) dst(%arg8 : memref<2x120xi32, #tpu.memory_space<vmem>>)
          tpu.yield
        }) : () -> ()
        %dma_start3A_55 = arith.constant 0 : i32
        %dma_start3A_56 = arith.constant 0 : i32
        %dma_start3A_57 = tpu.memref_slice %arg8[%dma_start3A_55, %dma_start3A_56] : memref<2x120xi32, #tpu.memory_space<vmem>> -> memref<1x120xi32, #tpu.memory_space<vmem>>
        %dma_start3A_58 = tpu.memref_squeeze %dma_start3A_57 : memref<1x120xi32, #tpu.memory_space<vmem>> -> memref<120xi32, #tpu.memory_space<vmem>>
        %dma_start3A_59 = arith.constant 0 : i32
        %dma_start3A_60 = arith.constant 0 : i32
        %dma_start3A_61 = tpu.memref_slice %arg2[%dma_start3A_59, %dma_start3A_60] : memref<10000x128xf32, #tpu.memory_space<hbm>> -> memref<10000x128xf32, #tpu.memory_space<hbm>>
        tpu.enqueue_indirect_dma source(%dma_start3A_61 : memref<10000x128xf32, #tpu.memory_space<hbm>>) target(%arg10 : memref<120x128xf32, #tpu.memory_space<vmem>>) offsets(%dma_start3A_58 : memref<120xi32, #tpu.memory_space<vmem>>) semaphore(%arg14 : memref<!tpu.dma_semaphore, #tpu.memory_space<semaphore_mem>>)
        %dma_wait3A_62 = arith.constant 0 : i32
        %dma_wait3A_63 = arith.constant 0 : i32
        %dma_wait3A_64 = tpu.memref_slice %arg7[%dma_wait3A_62, %dma_wait3A_63] : memref<2x120xi32, #tpu.memory_space<vmem>> -> memref<1x120xi32, #tpu.memory_space<vmem>>
        %dma_wait3A_65 = tpu.memref_squeeze %dma_wait3A_64 : memref<1x120xi32, #tpu.memory_space<vmem>> -> memref<120xi32, #tpu.memory_space<vmem>>
        %dma_wait3A_66 = arith.constant 0 : i32
        %dma_wait3A_67 = arith.constant 0 : i32
        %dma_wait3A_68 = tpu.memref_slice %arg2[%dma_wait3A_66, %dma_wait3A_67] : memref<10000x128xf32, #tpu.memory_space<hbm>> -> memref<10000x128xf32, #tpu.memory_space<hbm>>
        tpu.wait_indirect_dma semaphore(%arg13 : memref<!tpu.dma_semaphore, #tpu.memory_space<semaphore_mem>>) src(%dma_wait3A_68 : memref<10000x128xf32, #tpu.memory_space<hbm>>) dst(%arg9 : memref<120x128xf32, #tpu.memory_space<vmem>>)
        %dma_start3A_69 = arith.constant 1 : i32
        %dma_start3A_70 = arith.constant 0 : i32
        %dma_start3A_71 = tpu.memref_slice %arg7[%dma_start3A_69, %dma_start3A_70] : memref<2x120xi32, #tpu.memory_space<vmem>> -> memref<1x120xi32, #tpu.memory_space<vmem>>
        %dma_start3A_72 = tpu.memref_squeeze %dma_start3A_71 : memref<1x120xi32, #tpu.memory_space<vmem>> -> memref<120xi32, #tpu.memory_space<vmem>>
        %dma_start3A_73 = arith.constant 0 : i32
        %dma_start3A_74 = arith.constant 0 : i32
        %dma_start3A_75 = tpu.memref_slice %arg12[%dma_start3A_73, %dma_start3A_74] : memref<10008x128xf32, #tpu.memory_space<vmem_shared>> -> memref<10008x128xf32, #tpu.memory_space<vmem_shared>>
        tpu.enqueue_indirect_dma source(%arg9 : memref<120x128xf32, #tpu.memory_space<vmem>>) target(%dma_start3A_75 : memref<10008x128xf32, #tpu.memory_space<vmem_shared>>) offsets(%dma_start3A_72 : memref<120xi32, #tpu.memory_space<vmem>>) semaphore(%arg15 : memref<!tpu.dma_semaphore, #tpu.memory_space<semaphore_mem>>) {add = true}
        %add3A_76 = arith.constant 1 : i32
        %add3A_77 = arith.addi %scan3A_46, %add3A_76 : i32
        %lt3A = arith.constant 42 : i32
        %lt3A_78 = arith.cmpi slt, %add3A_77, %lt3A : i32
        %convert_element_type3A_79 = arith.extui %lt3A_78 : i1 to i32
        %cond3A_80 = arith.constant 0 : i32
        %cond3A_81 = arith.cmpi ne, %convert_element_type3A_79, %cond3A_80 : i32
        scf.if %cond3A_81 {
          %dma_wait3A_96 = arith.constant 1 : i32
          %dma_wait3A_97 = arith.constant 0 : i32
          %dma_wait3A_98 = tpu.memref_slice %arg7[%dma_wait3A_96, %dma_wait3A_97] : memref<2x120xi32, #tpu.memory_space<vmem>> -> memref<1x120xi32, #tpu.memory_space<vmem>>
          %dma_wait3A_99 = tpu.memref_squeeze %dma_wait3A_98 : memref<1x120xi32, #tpu.memory_space<vmem>> -> memref<120xi32, #tpu.memory_space<vmem>>
          %dma_wait3A_100 = arith.constant 0 : i32
          %dma_wait3A_101 = arith.constant 0 : i32
          %dma_wait3A_102 = tpu.memref_slice %arg12[%dma_wait3A_100, %dma_wait3A_101] : memref<10008x128xf32, #tpu.memory_space<vmem_shared>> -> memref<10008x128xf32, #tpu.memory_space<vmem_shared>>
          tpu.wait_indirect_dma semaphore(%arg15 : memref<!tpu.dma_semaphore, #tpu.memory_space<semaphore_mem>>) src(%arg9 : memref<120x128xf32, #tpu.memory_space<vmem>>) dst(%dma_wait3A_102 : memref<10008x128xf32, #tpu.memory_space<vmem_shared>>)
          %mul3A_103 = arith.constant 2 : i32
          %mul3A_104 = arith.muli %mul3A_103, %scan3A_46 : i32
          %add3A_105 = arith.addi %mul3A_0, %mul3A_104 : i32
          %add3A_106 = arith.constant 2 : i32
          %add3A_107 = arith.addi %add3A_105, %add3A_106 : i32
          "tpu.region"() ({
            %run_scoped3A = tpu.sem_alloc : memref<!tpu.dma_semaphore, #tpu.memory_space<semaphore_mem>>
            %dma_start3A_115 = arith.constant 0 : i32
            %dma_start3A_116 = arith.constant 0 : i32
            %dma_start3A_117 = tpu.memref_slice %arg4[%add3A_107, %dma_start3A_115, %dma_start3A_116] : memref<1344x2x120xi32, #tpu.memory_space<hbm>> -> memref<1x2x120xi32, #tpu.memory_space<hbm>>
            %dma_start3A_118 = tpu.memref_squeeze %dma_start3A_117 : memref<1x2x120xi32, #tpu.memory_space<hbm>> -> memref<2x120xi32, #tpu.memory_space<hbm>>
            %dma_start3A_119 = arith.constant 0 : i32
            %dma_start3A_120 = arith.constant 0 : i32
            %dma_start3A_121 = tpu.memref_slice %arg4[%add3A_107, %dma_start3A_119, %dma_start3A_120] : memref<1344x2x120xi32, #tpu.memory_space<hbm>> -> memref<1x2x120xi32, #tpu.memory_space<hbm>>
            %dma_start3A_122 = tpu.memref_squeeze %dma_start3A_121 : memref<1x2x120xi32, #tpu.memory_space<hbm>> -> memref<2x120xi32, #tpu.memory_space<hbm>>
            tpu.enqueue_dma source(%dma_start3A_122 : memref<2x120xi32, #tpu.memory_space<hbm>>) target(%arg7 : memref<2x120xi32, #tpu.memory_space<vmem>>) target_semaphore(%run_scoped3A : memref<!tpu.dma_semaphore, #tpu.memory_space<semaphore_mem>>)
            %dma_wait3A_123 = arith.constant 0 : i32
            %dma_wait3A_124 = arith.constant 0 : i32
            %dma_wait3A_125 = tpu.memref_slice %arg4[%add3A_107, %dma_wait3A_123, %dma_wait3A_124] : memref<1344x2x120xi32, #tpu.memory_space<hbm>> -> memref<1x2x120xi32, #tpu.memory_space<hbm>>
            %dma_wait3A_126 = tpu.memref_squeeze %dma_wait3A_125 : memref<1x2x120xi32, #tpu.memory_space<hbm>> -> memref<2x120xi32, #tpu.memory_space<hbm>>
            %dma_wait3A_127 = arith.constant 0 : i32
            %dma_wait3A_128 = arith.constant 0 : i32
            %dma_wait3A_129 = tpu.memref_slice %arg4[%add3A_107, %dma_wait3A_127, %dma_wait3A_128] : memref<1344x2x120xi32, #tpu.memory_space<hbm>> -> memref<1x2x120xi32, #tpu.memory_space<hbm>>
            %dma_wait3A_130 = tpu.memref_squeeze %dma_wait3A_129 : memref<1x2x120xi32, #tpu.memory_space<hbm>> -> memref<2x120xi32, #tpu.memory_space<hbm>>
            tpu.wait_dma2 semaphore(%run_scoped3A : memref<!tpu.dma_semaphore, #tpu.memory_space<semaphore_mem>>) src(%dma_wait3A_130 : memref<2x120xi32, #tpu.memory_space<hbm>>) dst(%arg7 : memref<2x120xi32, #tpu.memory_space<vmem>>)
            tpu.yield
          }) : () -> ()
          %dma_start3A_108 = arith.constant 0 : i32
          %dma_start3A_109 = arith.constant 0 : i32
          %dma_start3A_110 = tpu.memref_slice %arg7[%dma_start3A_108, %dma_start3A_109] : memref<2x120xi32, #tpu.memory_space<vmem>> -> memref<1x120xi32, #tpu.memory_space<vmem>>
          %dma_start3A_111 = tpu.memref_squeeze %dma_start3A_110 : memref<1x120xi32, #tpu.memory_space<vmem>> -> memref<120xi32, #tpu.memory_space<vmem>>
          %dma_start3A_112 = arith.constant 0 : i32
          %dma_start3A_113 = arith.constant 0 : i32
          %dma_start3A_114 = tpu.memref_slice %arg2[%dma_start3A_112, %dma_start3A_113] : memref<10000x128xf32, #tpu.memory_space<hbm>> -> memref<10000x128xf32, #tpu.memory_space<hbm>>
          tpu.enqueue_indirect_dma source(%dma_start3A_114 : memref<10000x128xf32, #tpu.memory_space<hbm>>) target(%arg9 : memref<120x128xf32, #tpu.memory_space<vmem>>) offsets(%dma_start3A_111 : memref<120xi32, #tpu.memory_space<vmem>>) semaphore(%arg13 : memref<!tpu.dma_semaphore, #tpu.memory_space<semaphore_mem>>)
        } else {
        }
        %dma_wait3A_82 = arith.constant 0 : i32
        %dma_wait3A_83 = arith.constant 0 : i32
        %dma_wait3A_84 = tpu.memref_slice %arg8[%dma_wait3A_82, %dma_wait3A_83] : memref<2x120xi32, #tpu.memory_space<vmem>> -> memref<1x120xi32, #tpu.memory_space<vmem>>
        %dma_wait3A_85 = tpu.memref_squeeze %dma_wait3A_84 : memref<1x120xi32, #tpu.memory_space<vmem>> -> memref<120xi32, #tpu.memory_space<vmem>>
        %dma_wait3A_86 = arith.constant 0 : i32
        %dma_wait3A_87 = arith.constant 0 : i32
        %dma_wait3A_88 = tpu.memref_slice %arg2[%dma_wait3A_86, %dma_wait3A_87] : memref<10000x128xf32, #tpu.memory_space<hbm>> -> memref<10000x128xf32, #tpu.memory_space<hbm>>
        tpu.wait_indirect_dma semaphore(%arg14 : memref<!tpu.dma_semaphore, #tpu.memory_space<semaphore_mem>>) src(%dma_wait3A_88 : memref<10000x128xf32, #tpu.memory_space<hbm>>) dst(%arg10 : memref<120x128xf32, #tpu.memory_space<vmem>>)
        %dma_start3A_89 = arith.constant 1 : i32
        %dma_start3A_90 = arith.constant 0 : i32
        %dma_start3A_91 = tpu.memref_slice %arg8[%dma_start3A_89, %dma_start3A_90] : memref<2x120xi32, #tpu.memory_space<vmem>> -> memref<1x120xi32, #tpu.memory_space<vmem>>
        %dma_start3A_92 = tpu.memref_squeeze %dma_start3A_91 : memref<1x120xi32, #tpu.memory_space<vmem>> -> memref<120xi32, #tpu.memory_space<vmem>>
        %dma_start3A_93 = arith.constant 0 : i32
        %dma_start3A_94 = arith.constant 0 : i32
        %dma_start3A_95 = tpu.memref_slice %arg12[%dma_start3A_93, %dma_start3A_94] : memref<10008x128xf32, #tpu.memory_space<vmem_shared>> -> memref<10008x128xf32, #tpu.memory_space<vmem_shared>>
        tpu.enqueue_indirect_dma source(%arg10 : memref<120x128xf32, #tpu.memory_space<vmem>>) target(%dma_start3A_95 : memref<10008x128xf32, #tpu.memory_space<vmem_shared>>) offsets(%dma_start3A_92 : memref<120xi32, #tpu.memory_space<vmem>>) semaphore(%arg16 : memref<!tpu.dma_semaphore, #tpu.memory_space<semaphore_mem>>) {add = true}
      }
      %scan3A_24 = arith.constant 42 : i32
      %dma_wait3A = arith.constant 1 : i32
      %dma_wait3A_25 = arith.constant 0 : i32
      %dma_wait3A_26 = tpu.memref_slice %arg7[%dma_wait3A, %dma_wait3A_25] : memref<2x120xi32, #tpu.memory_space<vmem>> -> memref<1x120xi32, #tpu.memory_space<vmem>>
      %dma_wait3A_27 = tpu.memref_squeeze %dma_wait3A_26 : memref<1x120xi32, #tpu.memory_space<vmem>> -> memref<120xi32, #tpu.memory_space<vmem>>
      %dma_wait3A_28 = arith.constant 0 : i32
      %dma_wait3A_29 = arith.constant 0 : i32
      %dma_wait3A_30 = tpu.memref_slice %arg12[%dma_wait3A_28, %dma_wait3A_29] : memref<10008x128xf32, #tpu.memory_space<vmem_shared>> -> memref<10008x128xf32, #tpu.memory_space<vmem_shared>>
      tpu.wait_indirect_dma semaphore(%arg15 : memref<!tpu.dma_semaphore, #tpu.memory_space<semaphore_mem>>) src(%arg9 : memref<120x128xf32, #tpu.memory_space<vmem>>) dst(%dma_wait3A_30 : memref<10008x128xf32, #tpu.memory_space<vmem_shared>>)
      %dma_wait3A_31 = arith.constant 1 : i32
      %dma_wait3A_32 = arith.constant 0 : i32
      %dma_wait3A_33 = tpu.memref_slice %arg8[%dma_wait3A_31, %dma_wait3A_32] : memref<2x120xi32, #tpu.memory_space<vmem>> -> memref<1x120xi32, #tpu.memory_space<vmem>>
      %dma_wait3A_34 = tpu.memref_squeeze %dma_wait3A_33 : memref<1x120xi32, #tpu.memory_space<vmem>> -> memref<120xi32, #tpu.memory_space<vmem>>
      %dma_wait3A_35 = arith.constant 0 : i32
      %dma_wait3A_36 = arith.constant 0 : i32
      %dma_wait3A_37 = tpu.memref_slice %arg12[%dma_wait3A_35, %dma_wait3A_36] : memref<10008x128xf32, #tpu.memory_space<vmem_shared>> -> memref<10008x128xf32, #tpu.memory_space<vmem_shared>>
      tpu.wait_indirect_dma semaphore(%arg16 : memref<!tpu.dma_semaphore, #tpu.memory_space<semaphore_mem>>) src(%arg10 : memref<120x128xf32, #tpu.memory_space<vmem>>) dst(%dma_wait3A_37 : memref<10008x128xf32, #tpu.memory_space<vmem_shared>>)
      %barrier3A_38 = arith.constant 0 : index
      tpu.barrier barrier_id(%barrier3A_38)
      %scan3A_39 = arith.constant 0 : i32
      %scan3A_40 = arith.constant 0 : i32
      %scan3A_41 = arith.constant 8 : i32
      %scan3A_42 = arith.addi %scan3A_40, %scan3A_41 : i32
      %scan3A_43 = arith.constant 1 : i32
      scf.for %scan3A_46 = %scan3A_40 to %scan3A_42 step %scan3A_43  : i32 {
        %mul3A_47 = arith.constant 16 : i32
        %mul3A_48 = arith.muli %scan3A_46, %mul3A_47 : i32
        %add3A = arith.addi %mul3A_48, %arg1 : i32
        %lt3A = arith.constant 125 : i32
        %lt3A_49 = arith.cmpi slt, %add3A, %lt3A : i32
        %convert_element_type3A_50 = arith.extui %lt3A_49 : i1 to i32
        %cond3A_51 = arith.constant 0 : i32
        %cond3A_52 = arith.cmpi ne, %convert_element_type3A_50, %cond3A_51 : i32
        scf.if %cond3A_52 {
          %mul3A_53 = arith.constant 80 : i32
          %mul3A_54 = arith.muli %add3A, %mul3A_53 : i32
          "tpu.region"() ({
            %run_scoped3A = tpu.sem_alloc : memref<!tpu.dma_semaphore, #tpu.memory_space<semaphore_mem>>
            %dma_start3A_55 = arith.constant 0 : i32
            %dma_start3A_56 = tpu.memref_slice %arg12[%mul3A_54, %dma_start3A_55] : memref<10008x128xf32, #tpu.memory_space<vmem_shared>> -> memref<80x128xf32, #tpu.memory_space<vmem_shared>>
            %dma_start3A_57 = arith.constant 0 : i32
            %dma_start3A_58 = tpu.memref_slice %arg12[%mul3A_54, %dma_start3A_57] : memref<10008x128xf32, #tpu.memory_space<vmem_shared>> -> memref<80x128xf32, #tpu.memory_space<vmem_shared>>
            tpu.enqueue_dma source(%dma_start3A_58 : memref<80x128xf32, #tpu.memory_space<vmem_shared>>) target(%arg11 : memref<80x128xf32, #tpu.memory_space<vmem>>) target_semaphore(%run_scoped3A : memref<!tpu.dma_semaphore, #tpu.memory_space<semaphore_mem>>)
            %dma_wait3A_59 = arith.constant 0 : i32
            %dma_wait3A_60 = tpu.memref_slice %arg12[%mul3A_54, %dma_wait3A_59] : memref<10008x128xf32, #tpu.memory_space<vmem_shared>> -> memref<80x128xf32, #tpu.memory_space<vmem_shared>>
            %dma_wait3A_61 = arith.constant 0 : i32
            %dma_wait3A_62 = tpu.memref_slice %arg12[%mul3A_54, %dma_wait3A_61] : memref<10008x128xf32, #tpu.memory_space<vmem_shared>> -> memref<80x128xf32, #tpu.memory_space<vmem_shared>>
            tpu.wait_dma2 semaphore(%run_scoped3A : memref<!tpu.dma_semaphore, #tpu.memory_space<semaphore_mem>>) src(%dma_wait3A_62 : memref<80x128xf32, #tpu.memory_space<vmem_shared>>) dst(%arg11 : memref<80x128xf32, #tpu.memory_space<vmem>>)
            tpu.yield
          }) : () -> ()
          "tpu.region"() ({
            %run_scoped3A = tpu.sem_alloc : memref<!tpu.dma_semaphore, #tpu.memory_space<semaphore_mem>>
            %dma_start3A_55 = arith.constant 0 : i32
            %dma_start3A_56 = tpu.memref_slice %arg5[%mul3A_54, %dma_start3A_55] : memref<10000x128xf32, #tpu.memory_space<hbm>> -> memref<80x128xf32, #tpu.memory_space<hbm>>
            %dma_start3A_57 = arith.constant 0 : i32
            %dma_start3A_58 = tpu.memref_slice %arg5[%mul3A_54, %dma_start3A_57] : memref<10000x128xf32, #tpu.memory_space<hbm>> -> memref<80x128xf32, #tpu.memory_space<hbm>>
            tpu.enqueue_dma source(%arg11 : memref<80x128xf32, #tpu.memory_space<vmem>>) target(%dma_start3A_58 : memref<80x128xf32, #tpu.memory_space<hbm>>) target_semaphore(%run_scoped3A : memref<!tpu.dma_semaphore, #tpu.memory_space<semaphore_mem>>)
            %dma_wait3A_59 = arith.constant 0 : i32
            %dma_wait3A_60 = tpu.memref_slice %arg5[%mul3A_54, %dma_wait3A_59] : memref<10000x128xf32, #tpu.memory_space<hbm>> -> memref<80x128xf32, #tpu.memory_space<hbm>>
            %dma_wait3A_61 = arith.constant 0 : i32
            %dma_wait3A_62 = tpu.memref_slice %arg5[%mul3A_54, %dma_wait3A_61] : memref<10000x128xf32, #tpu.memory_space<hbm>> -> memref<80x128xf32, #tpu.memory_space<hbm>>
            tpu.wait_dma2 semaphore(%run_scoped3A : memref<!tpu.dma_semaphore, #tpu.memory_space<semaphore_mem>>) src(%arg11 : memref<80x128xf32, #tpu.memory_space<vmem>>) dst(%dma_wait3A_62 : memref<80x128xf32, #tpu.memory_space<hbm>>)
            tpu.yield
          }) : () -> ()
        } else {
        }
      }
      %scan3A_44 = arith.constant 8 : i32
      %barrier3A_45 = arith.constant 0 : index
      tpu.barrier barrier_id(%barrier3A_45)
    } else {
    }
    %eq3A_3 = arith.constant 1 : i32
    %eq3A_4 = arith.cmpi eq, %arg0, %eq3A_3 : i32
    %convert_element_type3A_5 = arith.extui %eq3A_4 : i1 to i32
    %cond3A_6 = arith.constant 0 : i32
    %cond3A_7 = arith.cmpi ne, %convert_element_type3A_5, %cond3A_6 : i32
    scf.if %cond3A_7 {
      %scan3A = arith.constant 0 : i32
      %scan3A_8 = arith.constant 0 : i32
      %scan3A_9 = arith.constant 8 : i32
      %scan3A_10 = arith.addi %scan3A_8, %scan3A_9 : i32
      %scan3A_11 = arith.constant 1 : i32
      scf.for %scan3A_46 = %scan3A_8 to %scan3A_10 step %scan3A_11  : i32 {
        %mul3A_47 = arith.constant 16 : i32
        %mul3A_48 = arith.muli %scan3A_46, %mul3A_47 : i32
        %add3A = arith.addi %mul3A_48, %arg1 : i32
        %lt3A = arith.constant 125 : i32
        %lt3A_49 = arith.cmpi slt, %add3A, %lt3A : i32
        %convert_element_type3A_50 = arith.extui %lt3A_49 : i1 to i32
        %cond3A_51 = arith.constant 0 : i32
        %cond3A_52 = arith.cmpi ne, %convert_element_type3A_50, %cond3A_51 : i32
        scf.if %cond3A_52 {
          %mul3A_53 = arith.constant 80 : i32
          %mul3A_54 = arith.muli %add3A, %mul3A_53 : i32
          "tpu.region"() ({
            %run_scoped3A = tpu.sem_alloc : memref<!tpu.dma_semaphore, #tpu.memory_space<semaphore_mem>>
            %dma_start3A_55 = arith.constant 0 : i32
            %dma_start3A_56 = tpu.memref_slice %arg3[%mul3A_54, %dma_start3A_55] : memref<10000x128xf32, #tpu.memory_space<hbm>> -> memref<80x128xf32, #tpu.memory_space<hbm>>
            %dma_start3A_57 = arith.constant 0 : i32
            %dma_start3A_58 = tpu.memref_slice %arg3[%mul3A_54, %dma_start3A_57] : memref<10000x128xf32, #tpu.memory_space<hbm>> -> memref<80x128xf32, #tpu.memory_space<hbm>>
            tpu.enqueue_dma source(%dma_start3A_58 : memref<80x128xf32, #tpu.memory_space<hbm>>) target(%arg11 : memref<80x128xf32, #tpu.memory_space<vmem>>) target_semaphore(%run_scoped3A : memref<!tpu.dma_semaphore, #tpu.memory_space<semaphore_mem>>)
            %dma_wait3A_59 = arith.constant 0 : i32
            %dma_wait3A_60 = tpu.memref_slice %arg3[%mul3A_54, %dma_wait3A_59] : memref<10000x128xf32, #tpu.memory_space<hbm>> -> memref<80x128xf32, #tpu.memory_space<hbm>>
            %dma_wait3A_61 = arith.constant 0 : i32
            %dma_wait3A_62 = tpu.memref_slice %arg3[%mul3A_54, %dma_wait3A_61] : memref<10000x128xf32, #tpu.memory_space<hbm>> -> memref<80x128xf32, #tpu.memory_space<hbm>>
            tpu.wait_dma2 semaphore(%run_scoped3A : memref<!tpu.dma_semaphore, #tpu.memory_space<semaphore_mem>>) src(%dma_wait3A_62 : memref<80x128xf32, #tpu.memory_space<hbm>>) dst(%arg11 : memref<80x128xf32, #tpu.memory_space<vmem>>)
            tpu.yield
          }) : () -> ()
          "tpu.region"() ({
            %run_scoped3A = tpu.sem_alloc : memref<!tpu.dma_semaphore, #tpu.memory_space<semaphore_mem>>
            %dma_start3A_55 = arith.constant 0 : i32
            %dma_start3A_56 = tpu.memref_slice %arg12[%mul3A_54, %dma_start3A_55] : memref<10008x128xf32, #tpu.memory_space<vmem_shared>> -> memref<80x128xf32, #tpu.memory_space<vmem_shared>>
            %dma_start3A_57 = arith.constant 0 : i32
            %dma_start3A_58 = tpu.memref_slice %arg12[%mul3A_54, %dma_start3A_57] : memref<10008x128xf32, #tpu.memory_space<vmem_shared>> -> memref<80x128xf32, #tpu.memory_space<vmem_shared>>
            tpu.enqueue_dma source(%arg11 : memref<80x128xf32, #tpu.memory_space<vmem>>) target(%dma_start3A_58 : memref<80x128xf32, #tpu.memory_space<vmem_shared>>) target_semaphore(%run_scoped3A : memref<!tpu.dma_semaphore, #tpu.memory_space<semaphore_mem>>)
            %dma_wait3A_59 = arith.constant 0 : i32
            %dma_wait3A_60 = tpu.memref_slice %arg12[%mul3A_54, %dma_wait3A_59] : memref<10008x128xf32, #tpu.memory_space<vmem_shared>> -> memref<80x128xf32, #tpu.memory_space<vmem_shared>>
            %dma_wait3A_61 = arith.constant 0 : i32
            %dma_wait3A_62 = tpu.memref_slice %arg12[%mul3A_54, %dma_wait3A_61] : memref<10008x128xf32, #tpu.memory_space<vmem_shared>> -> memref<80x128xf32, #tpu.memory_space<vmem_shared>>
            tpu.wait_dma2 semaphore(%run_scoped3A : memref<!tpu.dma_semaphore, #tpu.memory_space<semaphore_mem>>) src(%arg11 : memref<80x128xf32, #tpu.memory_space<vmem>>) dst(%dma_wait3A_62 : memref<80x128xf32, #tpu.memory_space<vmem_shared>>)
            tpu.yield
          }) : () -> ()
        } else {
        }
      }
      %scan3A_12 = arith.constant 8 : i32
      %barrier3A = arith.constant 0 : index
      tpu.barrier barrier_id(%barrier3A)
      "tpu.region"() ({
        %run_scoped3A = tpu.sem_alloc : memref<!tpu.dma_semaphore, #tpu.memory_space<semaphore_mem>>
        %dma_start3A_46 = arith.constant 0 : i32
        %dma_start3A_47 = arith.constant 0 : i32
        %dma_start3A_48 = tpu.memref_slice %arg4[%mul3A_0, %dma_start3A_46, %dma_start3A_47] : memref<1344x2x120xi32, #tpu.memory_space<hbm>> -> memref<1x2x120xi32, #tpu.memory_space<hbm>>
        %dma_start3A_49 = tpu.memref_squeeze %dma_start3A_48 : memref<1x2x120xi32, #tpu.memory_space<hbm>> -> memref<2x120xi32, #tpu.memory_space<hbm>>
        %dma_start3A_50 = arith.constant 0 : i32
        %dma_start3A_51 = arith.constant 0 : i32
        %dma_start3A_52 = tpu.memref_slice %arg4[%mul3A_0, %dma_start3A_50, %dma_start3A_51] : memref<1344x2x120xi32, #tpu.memory_space<hbm>> -> memref<1x2x120xi32, #tpu.memory_space<hbm>>
        %dma_start3A_53 = tpu.memref_squeeze %dma_start3A_52 : memref<1x2x120xi32, #tpu.memory_space<hbm>> -> memref<2x120xi32, #tpu.memory_space<hbm>>
        tpu.enqueue_dma source(%dma_start3A_53 : memref<2x120xi32, #tpu.memory_space<hbm>>) target(%arg7 : memref<2x120xi32, #tpu.memory_space<vmem>>) target_semaphore(%run_scoped3A : memref<!tpu.dma_semaphore, #tpu.memory_space<semaphore_mem>>)
        %dma_wait3A_54 = arith.constant 0 : i32
        %dma_wait3A_55 = arith.constant 0 : i32
        %dma_wait3A_56 = tpu.memref_slice %arg4[%mul3A_0, %dma_wait3A_54, %dma_wait3A_55] : memref<1344x2x120xi32, #tpu.memory_space<hbm>> -> memref<1x2x120xi32, #tpu.memory_space<hbm>>
        %dma_wait3A_57 = tpu.memref_squeeze %dma_wait3A_56 : memref<1x2x120xi32, #tpu.memory_space<hbm>> -> memref<2x120xi32, #tpu.memory_space<hbm>>
        %dma_wait3A_58 = arith.constant 0 : i32
        %dma_wait3A_59 = arith.constant 0 : i32
        %dma_wait3A_60 = tpu.memref_slice %arg4[%mul3A_0, %dma_wait3A_58, %dma_wait3A_59] : memref<1344x2x120xi32, #tpu.memory_space<hbm>> -> memref<1x2x120xi32, #tpu.memory_space<hbm>>
        %dma_wait3A_61 = tpu.memref_squeeze %dma_wait3A_60 : memref<1x2x120xi32, #tpu.memory_space<hbm>> -> memref<2x120xi32, #tpu.memory_space<hbm>>
        tpu.wait_dma2 semaphore(%run_scoped3A : memref<!tpu.dma_semaphore, #tpu.memory_space<semaphore_mem>>) src(%dma_wait3A_61 : memref<2x120xi32, #tpu.memory_space<hbm>>) dst(%arg7 : memref<2x120xi32, #tpu.memory_space<vmem>>)
        tpu.yield
      }) : () -> ()
      %dma_start3A = arith.constant 0 : i32
      %dma_start3A_13 = arith.constant 0 : i32
      %dma_start3A_14 = tpu.memref_slice %arg7[%dma_start3A, %dma_start3A_13] : memref<2x120xi32, #tpu.memory_space<vmem>> -> memref<1x120xi32, #tpu.memory_space<vmem>>
      %dma_start3A_15 = tpu.memref_squeeze %dma_start3A_14 : memref<1x120xi32, #tpu.memory_space<vmem>> -> memref<120xi32, #tpu.memory_space<vmem>>
      %dma_start3A_16 = arith.constant 0 : i32
      %dma_start3A_17 = arith.constant 0 : i32
      %dma_start3A_18 = tpu.memref_slice %arg3[%dma_start3A_16, %dma_start3A_17] : memref<10000x128xf32, #tpu.memory_space<hbm>> -> memref<10000x128xf32, #tpu.memory_space<hbm>>
      tpu.enqueue_indirect_dma source(%dma_start3A_18 : memref<10000x128xf32, #tpu.memory_space<hbm>>) target(%arg9 : memref<120x128xf32, #tpu.memory_space<vmem>>) offsets(%dma_start3A_15 : memref<120xi32, #tpu.memory_space<vmem>>) semaphore(%arg13 : memref<!tpu.dma_semaphore, #tpu.memory_space<semaphore_mem>>)
      %scan3A_19 = arith.constant 0 : i32
      %scan3A_20 = arith.constant 0 : i32
      %scan3A_21 = arith.constant 42 : i32
      %scan3A_22 = arith.addi %scan3A_20, %scan3A_21 : i32
      %scan3A_23 = arith.constant 1 : i32
      scf.for %scan3A_46 = %scan3A_20 to %scan3A_22 step %scan3A_23  : i32 {
        %gt3A = arith.constant 0 : i32
        %gt3A_47 = arith.cmpi sgt, %scan3A_46, %gt3A : i32
        %convert_element_type3A_48 = arith.extui %gt3A_47 : i1 to i32
        %cond3A_49 = arith.constant 0 : i32
        %cond3A_50 = arith.cmpi ne, %convert_element_type3A_48, %cond3A_49 : i32
        scf.if %cond3A_50 {
          %dma_wait3A_96 = arith.constant 1 : i32
          %dma_wait3A_97 = arith.constant 0 : i32
          %dma_wait3A_98 = tpu.memref_slice %arg8[%dma_wait3A_96, %dma_wait3A_97] : memref<2x120xi32, #tpu.memory_space<vmem>> -> memref<1x120xi32, #tpu.memory_space<vmem>>
          %dma_wait3A_99 = tpu.memref_squeeze %dma_wait3A_98 : memref<1x120xi32, #tpu.memory_space<vmem>> -> memref<120xi32, #tpu.memory_space<vmem>>
          %dma_wait3A_100 = arith.constant 0 : i32
          %dma_wait3A_101 = arith.constant 0 : i32
          %dma_wait3A_102 = tpu.memref_slice %arg12[%dma_wait3A_100, %dma_wait3A_101] : memref<10008x128xf32, #tpu.memory_space<vmem_shared>> -> memref<10008x128xf32, #tpu.memory_space<vmem_shared>>
          tpu.wait_indirect_dma semaphore(%arg16 : memref<!tpu.dma_semaphore, #tpu.memory_space<semaphore_mem>>) src(%arg10 : memref<120x128xf32, #tpu.memory_space<vmem>>) dst(%dma_wait3A_102 : memref<10008x128xf32, #tpu.memory_space<vmem_shared>>)
        } else {
        }
        %mul3A_51 = arith.constant 2 : i32
        %mul3A_52 = arith.muli %mul3A_51, %scan3A_46 : i32
        %add3A = arith.addi %mul3A_0, %mul3A_52 : i32
        %add3A_53 = arith.constant 1 : i32
        %add3A_54 = arith.addi %add3A, %add3A_53 : i32
        "tpu.region"() ({
          %run_scoped3A = tpu.sem_alloc : memref<!tpu.dma_semaphore, #tpu.memory_space<semaphore_mem>>
          %dma_start3A_96 = arith.constant 0 : i32
          %dma_start3A_97 = arith.constant 0 : i32
          %dma_start3A_98 = tpu.memref_slice %arg4[%add3A_54, %dma_start3A_96, %dma_start3A_97] : memref<1344x2x120xi32, #tpu.memory_space<hbm>> -> memref<1x2x120xi32, #tpu.memory_space<hbm>>
          %dma_start3A_99 = tpu.memref_squeeze %dma_start3A_98 : memref<1x2x120xi32, #tpu.memory_space<hbm>> -> memref<2x120xi32, #tpu.memory_space<hbm>>
          %dma_start3A_100 = arith.constant 0 : i32
          %dma_start3A_101 = arith.constant 0 : i32
          %dma_start3A_102 = tpu.memref_slice %arg4[%add3A_54, %dma_start3A_100, %dma_start3A_101] : memref<1344x2x120xi32, #tpu.memory_space<hbm>> -> memref<1x2x120xi32, #tpu.memory_space<hbm>>
          %dma_start3A_103 = tpu.memref_squeeze %dma_start3A_102 : memref<1x2x120xi32, #tpu.memory_space<hbm>> -> memref<2x120xi32, #tpu.memory_space<hbm>>
          tpu.enqueue_dma source(%dma_start3A_103 : memref<2x120xi32, #tpu.memory_space<hbm>>) target(%arg8 : memref<2x120xi32, #tpu.memory_space<vmem>>) target_semaphore(%run_scoped3A : memref<!tpu.dma_semaphore, #tpu.memory_space<semaphore_mem>>)
          %dma_wait3A_104 = arith.constant 0 : i32
          %dma_wait3A_105 = arith.constant 0 : i32
          %dma_wait3A_106 = tpu.memref_slice %arg4[%add3A_54, %dma_wait3A_104, %dma_wait3A_105] : memref<1344x2x120xi32, #tpu.memory_space<hbm>> -> memref<1x2x120xi32, #tpu.memory_space<hbm>>
          %dma_wait3A_107 = tpu.memref_squeeze %dma_wait3A_106 : memref<1x2x120xi32, #tpu.memory_space<hbm>> -> memref<2x120xi32, #tpu.memory_space<hbm>>
          %dma_wait3A_108 = arith.constant 0 : i32
          %dma_wait3A_109 = arith.constant 0 : i32
          %dma_wait3A_110 = tpu.memref_slice %arg4[%add3A_54, %dma_wait3A_108, %dma_wait3A_109] : memref<1344x2x120xi32, #tpu.memory_space<hbm>> -> memref<1x2x120xi32, #tpu.memory_space<hbm>>
          %dma_wait3A_111 = tpu.memref_squeeze %dma_wait3A_110 : memref<1x2x120xi32, #tpu.memory_space<hbm>> -> memref<2x120xi32, #tpu.memory_space<hbm>>
          tpu.wait_dma2 semaphore(%run_scoped3A : memref<!tpu.dma_semaphore, #tpu.memory_space<semaphore_mem>>) src(%dma_wait3A_111 : memref<2x120xi32, #tpu.memory_space<hbm>>) dst(%arg8 : memref<2x120xi32, #tpu.memory_space<vmem>>)
          tpu.yield
        }) : () -> ()
        %dma_start3A_55 = arith.constant 0 : i32
        %dma_start3A_56 = arith.constant 0 : i32
        %dma_start3A_57 = tpu.memref_slice %arg8[%dma_start3A_55, %dma_start3A_56] : memref<2x120xi32, #tpu.memory_space<vmem>> -> memref<1x120xi32, #tpu.memory_space<vmem>>
        %dma_start3A_58 = tpu.memref_squeeze %dma_start3A_57 : memref<1x120xi32, #tpu.memory_space<vmem>> -> memref<120xi32, #tpu.memory_space<vmem>>
        %dma_start3A_59 = arith.constant 0 : i32
        %dma_start3A_60 = arith.constant 0 : i32
        %dma_start3A_61 = tpu.memref_slice %arg3[%dma_start3A_59, %dma_start3A_60] : memref<10000x128xf32, #tpu.memory_space<hbm>> -> memref<10000x128xf32, #tpu.memory_space<hbm>>
        tpu.enqueue_indirect_dma source(%dma_start3A_61 : memref<10000x128xf32, #tpu.memory_space<hbm>>) target(%arg10 : memref<120x128xf32, #tpu.memory_space<vmem>>) offsets(%dma_start3A_58 : memref<120xi32, #tpu.memory_space<vmem>>) semaphore(%arg14 : memref<!tpu.dma_semaphore, #tpu.memory_space<semaphore_mem>>)
        %dma_wait3A_62 = arith.constant 0 : i32
        %dma_wait3A_63 = arith.constant 0 : i32
        %dma_wait3A_64 = tpu.memref_slice %arg7[%dma_wait3A_62, %dma_wait3A_63] : memref<2x120xi32, #tpu.memory_space<vmem>> -> memref<1x120xi32, #tpu.memory_space<vmem>>
        %dma_wait3A_65 = tpu.memref_squeeze %dma_wait3A_64 : memref<1x120xi32, #tpu.memory_space<vmem>> -> memref<120xi32, #tpu.memory_space<vmem>>
        %dma_wait3A_66 = arith.constant 0 : i32
        %dma_wait3A_67 = arith.constant 0 : i32
        %dma_wait3A_68 = tpu.memref_slice %arg3[%dma_wait3A_66, %dma_wait3A_67] : memref<10000x128xf32, #tpu.memory_space<hbm>> -> memref<10000x128xf32, #tpu.memory_space<hbm>>
        tpu.wait_indirect_dma semaphore(%arg13 : memref<!tpu.dma_semaphore, #tpu.memory_space<semaphore_mem>>) src(%dma_wait3A_68 : memref<10000x128xf32, #tpu.memory_space<hbm>>) dst(%arg9 : memref<120x128xf32, #tpu.memory_space<vmem>>)
        %dma_start3A_69 = arith.constant 1 : i32
        %dma_start3A_70 = arith.constant 0 : i32
        %dma_start3A_71 = tpu.memref_slice %arg7[%dma_start3A_69, %dma_start3A_70] : memref<2x120xi32, #tpu.memory_space<vmem>> -> memref<1x120xi32, #tpu.memory_space<vmem>>
        %dma_start3A_72 = tpu.memref_squeeze %dma_start3A_71 : memref<1x120xi32, #tpu.memory_space<vmem>> -> memref<120xi32, #tpu.memory_space<vmem>>
        %dma_start3A_73 = arith.constant 0 : i32
        %dma_start3A_74 = arith.constant 0 : i32
        %dma_start3A_75 = tpu.memref_slice %arg12[%dma_start3A_73, %dma_start3A_74] : memref<10008x128xf32, #tpu.memory_space<vmem_shared>> -> memref<10008x128xf32, #tpu.memory_space<vmem_shared>>
        tpu.enqueue_indirect_dma source(%arg9 : memref<120x128xf32, #tpu.memory_space<vmem>>) target(%dma_start3A_75 : memref<10008x128xf32, #tpu.memory_space<vmem_shared>>) offsets(%dma_start3A_72 : memref<120xi32, #tpu.memory_space<vmem>>) semaphore(%arg15 : memref<!tpu.dma_semaphore, #tpu.memory_space<semaphore_mem>>) {add = true}
        %add3A_76 = arith.constant 1 : i32
        %add3A_77 = arith.addi %scan3A_46, %add3A_76 : i32
        %lt3A = arith.constant 42 : i32
        %lt3A_78 = arith.cmpi slt, %add3A_77, %lt3A : i32
        %convert_element_type3A_79 = arith.extui %lt3A_78 : i1 to i32
        %cond3A_80 = arith.constant 0 : i32
        %cond3A_81 = arith.cmpi ne, %convert_element_type3A_79, %cond3A_80 : i32
        scf.if %cond3A_81 {
          %dma_wait3A_96 = arith.constant 1 : i32
          %dma_wait3A_97 = arith.constant 0 : i32
          %dma_wait3A_98 = tpu.memref_slice %arg7[%dma_wait3A_96, %dma_wait3A_97] : memref<2x120xi32, #tpu.memory_space<vmem>> -> memref<1x120xi32, #tpu.memory_space<vmem>>
          %dma_wait3A_99 = tpu.memref_squeeze %dma_wait3A_98 : memref<1x120xi32, #tpu.memory_space<vmem>> -> memref<120xi32, #tpu.memory_space<vmem>>
          %dma_wait3A_100 = arith.constant 0 : i32
          %dma_wait3A_101 = arith.constant 0 : i32
          %dma_wait3A_102 = tpu.memref_slice %arg12[%dma_wait3A_100, %dma_wait3A_101] : memref<10008x128xf32, #tpu.memory_space<vmem_shared>> -> memref<10008x128xf32, #tpu.memory_space<vmem_shared>>
          tpu.wait_indirect_dma semaphore(%arg15 : memref<!tpu.dma_semaphore, #tpu.memory_space<semaphore_mem>>) src(%arg9 : memref<120x128xf32, #tpu.memory_space<vmem>>) dst(%dma_wait3A_102 : memref<10008x128xf32, #tpu.memory_space<vmem_shared>>)
          %mul3A_103 = arith.constant 2 : i32
          %mul3A_104 = arith.muli %mul3A_103, %scan3A_46 : i32
          %add3A_105 = arith.addi %mul3A_0, %mul3A_104 : i32
          %add3A_106 = arith.constant 2 : i32
          %add3A_107 = arith.addi %add3A_105, %add3A_106 : i32
          "tpu.region"() ({
            %run_scoped3A = tpu.sem_alloc : memref<!tpu.dma_semaphore, #tpu.memory_space<semaphore_mem>>
            %dma_start3A_115 = arith.constant 0 : i32
            %dma_start3A_116 = arith.constant 0 : i32
            %dma_start3A_117 = tpu.memref_slice %arg4[%add3A_107, %dma_start3A_115, %dma_start3A_116] : memref<1344x2x120xi32, #tpu.memory_space<hbm>> -> memref<1x2x120xi32, #tpu.memory_space<hbm>>
            %dma_start3A_118 = tpu.memref_squeeze %dma_start3A_117 : memref<1x2x120xi32, #tpu.memory_space<hbm>> -> memref<2x120xi32, #tpu.memory_space<hbm>>
            %dma_start3A_119 = arith.constant 0 : i32
            %dma_start3A_120 = arith.constant 0 : i32
            %dma_start3A_121 = tpu.memref_slice %arg4[%add3A_107, %dma_start3A_119, %dma_start3A_120] : memref<1344x2x120xi32, #tpu.memory_space<hbm>> -> memref<1x2x120xi32, #tpu.memory_space<hbm>>
            %dma_start3A_122 = tpu.memref_squeeze %dma_start3A_121 : memref<1x2x120xi32, #tpu.memory_space<hbm>> -> memref<2x120xi32, #tpu.memory_space<hbm>>
            tpu.enqueue_dma source(%dma_start3A_122 : memref<2x120xi32, #tpu.memory_space<hbm>>) target(%arg7 : memref<2x120xi32, #tpu.memory_space<vmem>>) target_semaphore(%run_scoped3A : memref<!tpu.dma_semaphore, #tpu.memory_space<semaphore_mem>>)
            %dma_wait3A_123 = arith.constant 0 : i32
            %dma_wait3A_124 = arith.constant 0 : i32
            %dma_wait3A_125 = tpu.memref_slice %arg4[%add3A_107, %dma_wait3A_123, %dma_wait3A_124] : memref<1344x2x120xi32, #tpu.memory_space<hbm>> -> memref<1x2x120xi32, #tpu.memory_space<hbm>>
            %dma_wait3A_126 = tpu.memref_squeeze %dma_wait3A_125 : memref<1x2x120xi32, #tpu.memory_space<hbm>> -> memref<2x120xi32, #tpu.memory_space<hbm>>
            %dma_wait3A_127 = arith.constant 0 : i32
            %dma_wait3A_128 = arith.constant 0 : i32
            %dma_wait3A_129 = tpu.memref_slice %arg4[%add3A_107, %dma_wait3A_127, %dma_wait3A_128] : memref<1344x2x120xi32, #tpu.memory_space<hbm>> -> memref<1x2x120xi32, #tpu.memory_space<hbm>>
            %dma_wait3A_130 = tpu.memref_squeeze %dma_wait3A_129 : memref<1x2x120xi32, #tpu.memory_space<hbm>> -> memref<2x120xi32, #tpu.memory_space<hbm>>
            tpu.wait_dma2 semaphore(%run_scoped3A : memref<!tpu.dma_semaphore, #tpu.memory_space<semaphore_mem>>) src(%dma_wait3A_130 : memref<2x120xi32, #tpu.memory_space<hbm>>) dst(%arg7 : memref<2x120xi32, #tpu.memory_space<vmem>>)
            tpu.yield
          }) : () -> ()
          %dma_start3A_108 = arith.constant 0 : i32
          %dma_start3A_109 = arith.constant 0 : i32
          %dma_start3A_110 = tpu.memref_slice %arg7[%dma_start3A_108, %dma_start3A_109] : memref<2x120xi32, #tpu.memory_space<vmem>> -> memref<1x120xi32, #tpu.memory_space<vmem>>
          %dma_start3A_111 = tpu.memref_squeeze %dma_start3A_110 : memref<1x120xi32, #tpu.memory_space<vmem>> -> memref<120xi32, #tpu.memory_space<vmem>>
          %dma_start3A_112 = arith.constant 0 : i32
          %dma_start3A_113 = arith.constant 0 : i32
          %dma_start3A_114 = tpu.memref_slice %arg3[%dma_start3A_112, %dma_start3A_113] : memref<10000x128xf32, #tpu.memory_space<hbm>> -> memref<10000x128xf32, #tpu.memory_space<hbm>>
          tpu.enqueue_indirect_dma source(%dma_start3A_114 : memref<10000x128xf32, #tpu.memory_space<hbm>>) target(%arg9 : memref<120x128xf32, #tpu.memory_space<vmem>>) offsets(%dma_start3A_111 : memref<120xi32, #tpu.memory_space<vmem>>) semaphore(%arg13 : memref<!tpu.dma_semaphore, #tpu.memory_space<semaphore_mem>>)
        } else {
        }
        %dma_wait3A_82 = arith.constant 0 : i32
        %dma_wait3A_83 = arith.constant 0 : i32
        %dma_wait3A_84 = tpu.memref_slice %arg8[%dma_wait3A_82, %dma_wait3A_83] : memref<2x120xi32, #tpu.memory_space<vmem>> -> memref<1x120xi32, #tpu.memory_space<vmem>>
        %dma_wait3A_85 = tpu.memref_squeeze %dma_wait3A_84 : memref<1x120xi32, #tpu.memory_space<vmem>> -> memref<120xi32, #tpu.memory_space<vmem>>
        %dma_wait3A_86 = arith.constant 0 : i32
        %dma_wait3A_87 = arith.constant 0 : i32
        %dma_wait3A_88 = tpu.memref_slice %arg3[%dma_wait3A_86, %dma_wait3A_87] : memref<10000x128xf32, #tpu.memory_space<hbm>> -> memref<10000x128xf32, #tpu.memory_space<hbm>>
        tpu.wait_indirect_dma semaphore(%arg14 : memref<!tpu.dma_semaphore, #tpu.memory_space<semaphore_mem>>) src(%dma_wait3A_88 : memref<10000x128xf32, #tpu.memory_space<hbm>>) dst(%arg10 : memref<120x128xf32, #tpu.memory_space<vmem>>)
        %dma_start3A_89 = arith.constant 1 : i32
        %dma_start3A_90 = arith.constant 0 : i32
        %dma_start3A_91 = tpu.memref_slice %arg8[%dma_start3A_89, %dma_start3A_90] : memref<2x120xi32, #tpu.memory_space<vmem>> -> memref<1x120xi32, #tpu.memory_space<vmem>>
        %dma_start3A_92 = tpu.memref_squeeze %dma_start3A_91 : memref<1x120xi32, #tpu.memory_space<vmem>> -> memref<120xi32, #tpu.memory_space<vmem>>
        %dma_start3A_93 = arith.constant 0 : i32
        %dma_start3A_94 = arith.constant 0 : i32
        %dma_start3A_95 = tpu.memref_slice %arg12[%dma_start3A_93, %dma_start3A_94] : memref<10008x128xf32, #tpu.memory_space<vmem_shared>> -> memref<10008x128xf32, #tpu.memory_space<vmem_shared>>
        tpu.enqueue_indirect_dma source(%arg10 : memref<120x128xf32, #tpu.memory_space<vmem>>) target(%dma_start3A_95 : memref<10008x128xf32, #tpu.memory_space<vmem_shared>>) offsets(%dma_start3A_92 : memref<120xi32, #tpu.memory_space<vmem>>) semaphore(%arg16 : memref<!tpu.dma_semaphore, #tpu.memory_space<semaphore_mem>>) {add = true}
      }
      %scan3A_24 = arith.constant 42 : i32
      %dma_wait3A = arith.constant 1 : i32
      %dma_wait3A_25 = arith.constant 0 : i32
      %dma_wait3A_26 = tpu.memref_slice %arg7[%dma_wait3A, %dma_wait3A_25] : memref<2x120xi32, #tpu.memory_space<vmem>> -> memref<1x120xi32, #tpu.memory_space<vmem>>
      %dma_wait3A_27 = tpu.memref_squeeze %dma_wait3A_26 : memref<1x120xi32, #tpu.memory_space<vmem>> -> memref<120xi32, #tpu.memory_space<vmem>>
      %dma_wait3A_28 = arith.constant 0 : i32
      %dma_wait3A_29 = arith.constant 0 : i32
      %dma_wait3A_30 = tpu.memref_slice %arg12[%dma_wait3A_28, %dma_wait3A_29] : memref<10008x128xf32, #tpu.memory_space<vmem_shared>> -> memref<10008x128xf32, #tpu.memory_space<vmem_shared>>
      tpu.wait_indirect_dma semaphore(%arg15 : memref<!tpu.dma_semaphore, #tpu.memory_space<semaphore_mem>>) src(%arg9 : memref<120x128xf32, #tpu.memory_space<vmem>>) dst(%dma_wait3A_30 : memref<10008x128xf32, #tpu.memory_space<vmem_shared>>)
      %dma_wait3A_31 = arith.constant 1 : i32
      %dma_wait3A_32 = arith.constant 0 : i32
      %dma_wait3A_33 = tpu.memref_slice %arg8[%dma_wait3A_31, %dma_wait3A_32] : memref<2x120xi32, #tpu.memory_space<vmem>> -> memref<1x120xi32, #tpu.memory_space<vmem>>
      %dma_wait3A_34 = tpu.memref_squeeze %dma_wait3A_33 : memref<1x120xi32, #tpu.memory_space<vmem>> -> memref<120xi32, #tpu.memory_space<vmem>>
      %dma_wait3A_35 = arith.constant 0 : i32
      %dma_wait3A_36 = arith.constant 0 : i32
      %dma_wait3A_37 = tpu.memref_slice %arg12[%dma_wait3A_35, %dma_wait3A_36] : memref<10008x128xf32, #tpu.memory_space<vmem_shared>> -> memref<10008x128xf32, #tpu.memory_space<vmem_shared>>
      tpu.wait_indirect_dma semaphore(%arg16 : memref<!tpu.dma_semaphore, #tpu.memory_space<semaphore_mem>>) src(%arg10 : memref<120x128xf32, #tpu.memory_space<vmem>>) dst(%dma_wait3A_37 : memref<10008x128xf32, #tpu.memory_space<vmem_shared>>)
      %barrier3A_38 = arith.constant 0 : index
      tpu.barrier barrier_id(%barrier3A_38)
      %scan3A_39 = arith.constant 0 : i32
      %scan3A_40 = arith.constant 0 : i32
      %scan3A_41 = arith.constant 8 : i32
      %scan3A_42 = arith.addi %scan3A_40, %scan3A_41 : i32
      %scan3A_43 = arith.constant 1 : i32
      scf.for %scan3A_46 = %scan3A_40 to %scan3A_42 step %scan3A_43  : i32 {
        %mul3A_47 = arith.constant 16 : i32
        %mul3A_48 = arith.muli %scan3A_46, %mul3A_47 : i32
        %add3A = arith.addi %mul3A_48, %arg1 : i32
        %lt3A = arith.constant 125 : i32
        %lt3A_49 = arith.cmpi slt, %add3A, %lt3A : i32
        %convert_element_type3A_50 = arith.extui %lt3A_49 : i1 to i32
        %cond3A_51 = arith.constant 0 : i32
        %cond3A_52 = arith.cmpi ne, %convert_element_type3A_50, %cond3A_51 : i32
        scf.if %cond3A_52 {
          %mul3A_53 = arith.constant 80 : i32
          %mul3A_54 = arith.muli %add3A, %mul3A_53 : i32
          "tpu.region"() ({
            %run_scoped3A = tpu.sem_alloc : memref<!tpu.dma_semaphore, #tpu.memory_space<semaphore_mem>>
            %dma_start3A_55 = arith.constant 0 : i32
            %dma_start3A_56 = tpu.memref_slice %arg12[%mul3A_54, %dma_start3A_55] : memref<10008x128xf32, #tpu.memory_space<vmem_shared>> -> memref<80x128xf32, #tpu.memory_space<vmem_shared>>
            %dma_start3A_57 = arith.constant 0 : i32
            %dma_start3A_58 = tpu.memref_slice %arg12[%mul3A_54, %dma_start3A_57] : memref<10008x128xf32, #tpu.memory_space<vmem_shared>> -> memref<80x128xf32, #tpu.memory_space<vmem_shared>>
            tpu.enqueue_dma source(%dma_start3A_58 : memref<80x128xf32, #tpu.memory_space<vmem_shared>>) target(%arg11 : memref<80x128xf32, #tpu.memory_space<vmem>>) target_semaphore(%run_scoped3A : memref<!tpu.dma_semaphore, #tpu.memory_space<semaphore_mem>>)
            %dma_wait3A_59 = arith.constant 0 : i32
            %dma_wait3A_60 = tpu.memref_slice %arg12[%mul3A_54, %dma_wait3A_59] : memref<10008x128xf32, #tpu.memory_space<vmem_shared>> -> memref<80x128xf32, #tpu.memory_space<vmem_shared>>
            %dma_wait3A_61 = arith.constant 0 : i32
            %dma_wait3A_62 = tpu.memref_slice %arg12[%mul3A_54, %dma_wait3A_61] : memref<10008x128xf32, #tpu.memory_space<vmem_shared>> -> memref<80x128xf32, #tpu.memory_space<vmem_shared>>
            tpu.wait_dma2 semaphore(%run_scoped3A : memref<!tpu.dma_semaphore, #tpu.memory_space<semaphore_mem>>) src(%dma_wait3A_62 : memref<80x128xf32, #tpu.memory_space<vmem_shared>>) dst(%arg11 : memref<80x128xf32, #tpu.memory_space<vmem>>)
            tpu.yield
          }) : () -> ()
          "tpu.region"() ({
            %run_scoped3A = tpu.sem_alloc : memref<!tpu.dma_semaphore, #tpu.memory_space<semaphore_mem>>
            %dma_start3A_55 = arith.constant 0 : i32
            %dma_start3A_56 = tpu.memref_slice %arg6[%mul3A_54, %dma_start3A_55] : memref<10000x128xf32, #tpu.memory_space<hbm>> -> memref<80x128xf32, #tpu.memory_space<hbm>>
            %dma_start3A_57 = arith.constant 0 : i32
            %dma_start3A_58 = tpu.memref_slice %arg6[%mul3A_54, %dma_start3A_57] : memref<10000x128xf32, #tpu.memory_space<hbm>> -> memref<80x128xf32, #tpu.memory_space<hbm>>
            tpu.enqueue_dma source(%arg11 : memref<80x128xf32, #tpu.memory_space<vmem>>) target(%dma_start3A_58 : memref<80x128xf32, #tpu.memory_space<hbm>>) target_semaphore(%run_scoped3A : memref<!tpu.dma_semaphore, #tpu.memory_space<semaphore_mem>>)
            %dma_wait3A_59 = arith.constant 0 : i32
            %dma_wait3A_60 = tpu.memref_slice %arg6[%mul3A_54, %dma_wait3A_59] : memref<10000x128xf32, #tpu.memory_space<hbm>> -> memref<80x128xf32, #tpu.memory_space<hbm>>
            %dma_wait3A_61 = arith.constant 0 : i32
            %dma_wait3A_62 = tpu.memref_slice %arg6[%mul3A_54, %dma_wait3A_61] : memref<10000x128xf32, #tpu.memory_space<hbm>> -> memref<80x128xf32, #tpu.memory_space<hbm>>
            tpu.wait_dma2 semaphore(%run_scoped3A : memref<!tpu.dma_semaphore, #tpu.memory_space<semaphore_mem>>) src(%arg11 : memref<80x128xf32, #tpu.memory_space<vmem>>) dst(%dma_wait3A_62 : memref<80x128xf32, #tpu.memory_space<hbm>>)
            tpu.yield
          }) : () -> ()
        } else {
        }
      }
      %scan3A_44 = arith.constant 8 : i32
      %barrier3A_45 = arith.constant 0 : index
      tpu.barrier barrier_id(%barrier3A_45)
    } else {
    }
    return
  }
}

module attributes {stable_mosaic.version = 14 : i64} {
  func.func @body(%arg0: i32, %arg1: memref<1000x128xf32, #tpu.memory_space<vmem>>, %arg2: memref<1000x128xf32, #tpu.memory_space<vmem>>, %arg3: memref<1000x256xf32, #tpu.memory_space<vmem>>, %arg4: memref<1000x1xf32, #tpu.memory_space<vmem>>, %arg5: memref<1000x128xf32, #tpu.memory_space<vmem>>, %arg6: memref<1000x128xf32, #tpu.memory_space<vmem>>) attributes {dimension_semantics = [#tpu.dimension_semantics<arbitrary>], iteration_bounds = array<i64: 10>, scalar_prefetch = 0 : i64, scratch_operands = 0 : i64, tpu.core_type = #tpu.core_type<tc>, window_params = [{transform_indices = @transform_0, window_bounds = array<i64: 1000, 128>}, {transform_indices = @transform_1, window_bounds = array<i64: 1000, 128>}, {transform_indices = @transform_2, window_bounds = array<i64: 1000, 256>}, {transform_indices = @transform_3, window_bounds = array<i64: 1000, 1>}, {transform_indices = @transform_4, window_bounds = array<i64: 1000, 128>}, {transform_indices = @transform_5, window_bounds = array<i64: 1000, 128>}]} {
    %get3A = arith.constant 0 : index
    %get3A_0 = arith.constant 0 : index
    %get3A_1 = vector.load %arg1[%get3A, %get3A_0] : memref<1000x128xf32, #tpu.memory_space<vmem>>, vector<1000x1xf32>
    %get3A_2 = arith.constant 0 : index
    %get3A_3 = arith.constant 0 : index
    %get3A_4 = vector.load %arg2[%get3A_2, %get3A_3] : memref<1000x128xf32, #tpu.memory_space<vmem>>, vector<1000x1xf32>
    %add3A = arith.addf %get3A_1, %get3A_4 : vector<1000x1xf32>
    %sub3A = arith.constant 1.000000e+00 : f32
    %sub3A_5 = vector.broadcast %sub3A : f32 to vector<1000x1xf32>
    %sub3A_6 = arith.subf %add3A, %sub3A_5 : vector<1000x1xf32>
    %rsqrt3A = math.rsqrt %sub3A_6 : vector<1000x1xf32>
    %swap3A = arith.constant 0 : index
    %swap3A_7 = arith.constant 0 : index
    %swap3A_8 = vector.load %arg4[%swap3A, %swap3A_7] : memref<1000x1xf32, #tpu.memory_space<vmem>>, vector<1000x1xf32>
    tpu.vector_store %arg4[%swap3A, %swap3A_7], %rsqrt3A {strides = array<i32>} : memref<1000x1xf32, #tpu.memory_space<vmem>>, vector<1000x1xf32>,
    %get3A_9 = arith.constant 0 : index
    %get3A_10 = arith.constant 0 : index
    %get3A_11 = vector.load %arg3[%get3A_9, %get3A_10] : memref<1000x256xf32, #tpu.memory_space<vmem>>, vector<1000x128xf32>
    %mul3A = vector.broadcast %rsqrt3A : vector<1000x1xf32> to vector<1000x128xf32>
    %mul3A_12 = arith.mulf %get3A_11, %mul3A : vector<1000x128xf32>
    %swap3A_13 = arith.constant 0 : index
    %swap3A_14 = arith.constant 0 : index
    %swap3A_15 = vector.load %arg5[%swap3A_13, %swap3A_14] : memref<1000x128xf32, #tpu.memory_space<vmem>>, vector<1000x128xf32>
    tpu.vector_store %arg5[%swap3A_13, %swap3A_14], %mul3A_12 {strides = array<i32>} : memref<1000x128xf32, #tpu.memory_space<vmem>>, vector<1000x128xf32>,
    %get3A_16 = arith.constant 0 : index
    %get3A_17 = arith.constant 128 : index
    %get3A_18 = vector.load %arg3[%get3A_16, %get3A_17] : memref<1000x256xf32, #tpu.memory_space<vmem>>, vector<1000x128xf32>
    %mul3A_19 = vector.broadcast %rsqrt3A : vector<1000x1xf32> to vector<1000x128xf32>
    %mul3A_20 = arith.mulf %get3A_18, %mul3A_19 : vector<1000x128xf32>
    %swap3A_21 = arith.constant 0 : index
    %swap3A_22 = arith.constant 0 : index
    %swap3A_23 = vector.load %arg6[%swap3A_21, %swap3A_22] : memref<1000x128xf32, #tpu.memory_space<vmem>>, vector<1000x128xf32>
    tpu.vector_store %arg6[%swap3A_21, %swap3A_22], %mul3A_20 {strides = array<i32>} : memref<1000x128xf32, #tpu.memory_space<vmem>>, vector<1000x128xf32>,
    return
  }
  func.func @transform_0(%arg0: i32) -> (i32, i32) {
    %c0_i32 = arith.constant 0 : i32
    %c0_i32_0 = arith.constant 0 : i32
    return %arg0, %c0_i32 : i32, i32
  }
  func.func @transform_1(%arg0: i32) -> (i32, i32) {
    %c0_i32 = arith.constant 0 : i32
    %c0_i32_0 = arith.constant 0 : i32
    return %arg0, %c0_i32 : i32, i32
  }
  func.func @transform_2(%arg0: i32) -> (i32, i32) {
    %c0_i32 = arith.constant 0 : i32
    %c0_i32_0 = arith.constant 0 : i32
    return %arg0, %c0_i32 : i32, i32
  }
  func.func @transform_3(%arg0: i32) -> (i32, i32) {
    %c0_i32 = arith.constant 0 : i32
    %c0_i32_0 = arith.constant 0 : i32
    return %arg0, %c0_i32 : i32, i32
  }
  func.func @transform_4(%arg0: i32) -> (i32, i32) {
    %c0_i32 = arith.constant 0 : i32
    %c0_i32_0 = arith.constant 0 : i32
    return %arg0, %c0_i32 : i32, i32
  }
  func.func @transform_5(%arg0: i32) -> (i32, i32) {
    %c0_i32 = arith.constant 0 : i32
    %c0_i32_0 = arith.constant 0 : i32
    return %arg0, %c0_i32 : i32, i32
  }
}

module attributes {stable_mosaic.version = 14 : i64} {
  func.func @body(%arg0: i32, %arg1: memref<1000x128xf32, #tpu.memory_space<vmem>>, %arg2: memref<1000x128xf32, #tpu.memory_space<vmem>>, %arg3: memref<1000x1xf32, #tpu.memory_space<vmem>>, %arg4: memref<1x512xf32, #tpu.memory_space<vmem>>, %arg5: memref<256x512xf32, #tpu.memory_space<vmem>>, %arg6: memref<1000x128xf32, #tpu.memory_space<vmem>>, %arg7: memref<1000x128xf32, #tpu.memory_space<vmem>>, %arg8: memref<1000x128xf32, #tpu.memory_space<vmem>>, %arg9: memref<1000x128xf32, #tpu.memory_space<vmem>>) attributes {dimension_semantics = [#tpu.dimension_semantics<arbitrary>], iteration_bounds = array<i64: 10>, scalar_prefetch = 0 : i64, scratch_operands = 0 : i64, tpu.core_type = #tpu.core_type<tc>, window_params = [{transform_indices = @transform_0, window_bounds = array<i64: 1000, 128>}, {transform_indices = @transform_1, window_bounds = array<i64: 1000, 128>}, {transform_indices = @transform_2, window_bounds = array<i64: 1000, 1>}, {pipeline_mode = #tpu.pipeline_mode<synchronous>, transform_indices = @transform_3, window_bounds = array<i64: 1, 512>}, {pipeline_mode = #tpu.pipeline_mode<synchronous>, transform_indices = @transform_4, window_bounds = array<i64: 256, 512>}, {transform_indices = @transform_5, window_bounds = array<i64: 1000, 128>}, {transform_indices = @transform_6, window_bounds = array<i64: 1000, 128>}, {transform_indices = @transform_7, window_bounds = array<i64: 1000, 128>}, {transform_indices = @transform_8, window_bounds = array<i64: 1000, 128>}]} {
    %get3A = arith.constant 0 : index
    %get3A_0 = arith.constant 0 : index
    %get3A_1 = vector.load %arg1[%get3A, %get3A_0] : memref<1000x128xf32, #tpu.memory_space<vmem>>, vector<1000x128xf32>
    %get3A_2 = arith.constant 0 : index
    %get3A_3 = arith.constant 0 : index
    %get3A_4 = vector.load %arg2[%get3A_2, %get3A_3] : memref<1000x128xf32, #tpu.memory_space<vmem>>, vector<1000x128xf32>
    %concatenate3A = tpu.concatenate %get3A_1, %get3A_4 in 1 : vector<1000x128xf32>, vector<1000x128xf32> -> vector<1000x256xf32>
    %get3A_5 = arith.constant 0 : index
    %get3A_6 = arith.constant 0 : index
    %get3A_7 = vector.load %arg5[%get3A_5, %get3A_6] : memref<256x512xf32, #tpu.memory_space<vmem>>, vector<256x512xf32>
    %dot_general3A = arith.constant dense<0.000000e+00> : vector<1000x512xf32>
    %dot_general3A_8 = tpu.matmul %concatenate3A, %get3A_7, %dot_general3A {dimension_numbers = #tpu.dot_dimension_numbers<[1], [0], [0], [1], [0, 0, 1, 1], [], []>, precision = #tpu.contract_precision<fp32>, transpose_lhs_hint = false} : vector<1000x256xf32>, vector<256x512xf32>, vector<1000x512xf32> -> vector<1000x512xf32>
    %get3A_9 = arith.constant 0 : index
    %get3A_10 = arith.constant 0 : index
    %get3A_11 = vector.load %arg3[%get3A_9, %get3A_10] : memref<1000x1xf32, #tpu.memory_space<vmem>>, vector<1000x1xf32>
    %mul3A = vector.broadcast %get3A_11 : vector<1000x1xf32> to vector<1000x512xf32>
    %mul3A_12 = arith.mulf %dot_general3A_8, %mul3A : vector<1000x512xf32>
    %get3A_13 = arith.constant 0 : index
    %get3A_14 = arith.constant 0 : index
    %get3A_15 = vector.load %arg4[%get3A_13, %get3A_14] : memref<1x512xf32, #tpu.memory_space<vmem>>, vector<1x512xf32>
    %add3A = vector.broadcast %get3A_15 : vector<1x512xf32> to vector<1000x512xf32>
    %add3A_16 = arith.addf %mul3A_12, %add3A : vector<1000x512xf32>
    %tanh3A = math.tanh %add3A_16 : vector<1000x512xf32>
    %mul3A_17 = vector.broadcast %get3A_11 : vector<1000x1xf32> to vector<1000x512xf32>
    %mul3A_18 = arith.mulf %tanh3A, %mul3A_17 : vector<1000x512xf32>
    %slice3A = vector.extract_strided_slice %mul3A_18 {offsets = [0, 0], sizes = [1000, 128], strides = [1, 1]} : vector<1000x512xf32> to vector<1000x128xf32>
    %swap3A = arith.constant 0 : index
    %swap3A_19 = arith.constant 0 : index
    %swap3A_20 = vector.load %arg6[%swap3A, %swap3A_19] : memref<1000x128xf32, #tpu.memory_space<vmem>>, vector<1000x128xf32>
    tpu.vector_store %arg6[%swap3A, %swap3A_19], %slice3A {strides = array<i32>} : memref<1000x128xf32, #tpu.memory_space<vmem>>, vector<1000x128xf32>,
    %slice3A_21 = vector.extract_strided_slice %mul3A_18 {offsets = [0, 128], sizes = [1000, 128], strides = [1, 1]} : vector<1000x512xf32> to vector<1000x128xf32>
    %swap3A_22 = arith.constant 0 : index
    %swap3A_23 = arith.constant 0 : index
    %swap3A_24 = vector.load %arg7[%swap3A_22, %swap3A_23] : memref<1000x128xf32, #tpu.memory_space<vmem>>, vector<1000x128xf32>
    tpu.vector_store %arg7[%swap3A_22, %swap3A_23], %slice3A_21 {strides = array<i32>} : memref<1000x128xf32, #tpu.memory_space<vmem>>, vector<1000x128xf32>,
    %slice3A_25 = vector.extract_strided_slice %mul3A_18 {offsets = [0, 256], sizes = [1000, 128], strides = [1, 1]} : vector<1000x512xf32> to vector<1000x128xf32>
    %swap3A_26 = arith.constant 0 : index
    %swap3A_27 = arith.constant 0 : index
    %swap3A_28 = vector.load %arg8[%swap3A_26, %swap3A_27] : memref<1000x128xf32, #tpu.memory_space<vmem>>, vector<1000x128xf32>
    tpu.vector_store %arg8[%swap3A_26, %swap3A_27], %slice3A_25 {strides = array<i32>} : memref<1000x128xf32, #tpu.memory_space<vmem>>, vector<1000x128xf32>,
    %slice3A_29 = vector.extract_strided_slice %mul3A_18 {offsets = [0, 384], sizes = [1000, 128], strides = [1, 1]} : vector<1000x512xf32> to vector<1000x128xf32>
    %swap3A_30 = arith.constant 0 : index
    %swap3A_31 = arith.constant 0 : index
    %swap3A_32 = vector.load %arg9[%swap3A_30, %swap3A_31] : memref<1000x128xf32, #tpu.memory_space<vmem>>, vector<1000x128xf32>
    tpu.vector_store %arg9[%swap3A_30, %swap3A_31], %slice3A_29 {strides = array<i32>} : memref<1000x128xf32, #tpu.memory_space<vmem>>, vector<1000x128xf32>,
    return
  }
  func.func @transform_0(%arg0: i32) -> (i32, i32) {
    %c0_i32 = arith.constant 0 : i32
    %c0_i32_0 = arith.constant 0 : i32
    return %arg0, %c0_i32 : i32, i32
  }
  func.func @transform_1(%arg0: i32) -> (i32, i32) {
    %c0_i32 = arith.constant 0 : i32
    %c0_i32_0 = arith.constant 0 : i32
    return %arg0, %c0_i32 : i32, i32
  }
  func.func @transform_2(%arg0: i32) -> (i32, i32) {
    %c0_i32 = arith.constant 0 : i32
    %c0_i32_0 = arith.constant 0 : i32
    return %arg0, %c0_i32 : i32, i32
  }
  func.func @transform_3(%arg0: i32) -> (i32, i32) {
    %c0_i32 = arith.constant 0 : i32
    %c0_i32_0 = arith.constant 0 : i32
    %c0_i32_1 = arith.constant 0 : i32
    return %c0_i32, %c0_i32_0 : i32, i32
  }
  func.func @transform_4(%arg0: i32) -> (i32, i32) {
    %c0_i32 = arith.constant 0 : i32
    %c0_i32_0 = arith.constant 0 : i32
    %c0_i32_1 = arith.constant 0 : i32
    return %c0_i32, %c0_i32_0 : i32, i32
  }
  func.func @transform_5(%arg0: i32) -> (i32, i32) {
    %c0_i32 = arith.constant 0 : i32
    %c0_i32_0 = arith.constant 0 : i32
    return %arg0, %c0_i32 : i32, i32
  }
  func.func @transform_6(%arg0: i32) -> (i32, i32) {
    %c0_i32 = arith.constant 0 : i32
    %c0_i32_0 = arith.constant 0 : i32
    return %arg0, %c0_i32 : i32, i32
  }
  func.func @transform_7(%arg0: i32) -> (i32, i32) {
    %c0_i32 = arith.constant 0 : i32
    %c0_i32_0 = arith.constant 0 : i32
    return %arg0, %c0_i32 : i32, i32
  }
  func.func @transform_8(%arg0: i32) -> (i32, i32) {
    %c0_i32 = arith.constant 0 : i32
    %c0_i32_0 = arith.constant 0 : i32
    return %arg0, %c0_i32 : i32, i32
  }
}

module attributes {stable_mosaic.version = 14 : i64} {
  func.func @body(%arg0: i32, %arg1: memref<1000x128xf32, #tpu.memory_space<vmem>>, %arg2: memref<1000x128xf32, #tpu.memory_space<vmem>>, %arg3: memref<1000x128xf32, #tpu.memory_space<vmem>>, %arg4: memref<1000x128xf32, #tpu.memory_space<vmem>>, %arg5: memref<1000x1xf32, #tpu.memory_space<vmem>>, %arg6: memref<1x512xf32, #tpu.memory_space<vmem>>, %arg7: memref<512x512xf32, #tpu.memory_space<vmem>>, %arg8: memref<1000x128xf32, #tpu.memory_space<vmem>>, %arg9: memref<1000x128xf32, #tpu.memory_space<vmem>>, %arg10: memref<1000x128xf32, #tpu.memory_space<vmem>>, %arg11: memref<1000x128xf32, #tpu.memory_space<vmem>>) attributes {dimension_semantics = [#tpu.dimension_semantics<arbitrary>], iteration_bounds = array<i64: 10>, scalar_prefetch = 0 : i64, scratch_operands = 0 : i64, tpu.core_type = #tpu.core_type<tc>, window_params = [{transform_indices = @transform_0, window_bounds = array<i64: 1000, 128>}, {transform_indices = @transform_1, window_bounds = array<i64: 1000, 128>}, {transform_indices = @transform_2, window_bounds = array<i64: 1000, 128>}, {transform_indices = @transform_3, window_bounds = array<i64: 1000, 128>}, {transform_indices = @transform_4, window_bounds = array<i64: 1000, 1>}, {pipeline_mode = #tpu.pipeline_mode<synchronous>, transform_indices = @transform_5, window_bounds = array<i64: 1, 512>}, {pipeline_mode = #tpu.pipeline_mode<synchronous>, transform_indices = @transform_6, window_bounds = array<i64: 512, 512>}, {transform_indices = @transform_7, window_bounds = array<i64: 1000, 128>}, {transform_indices = @transform_8, window_bounds = array<i64: 1000, 128>}, {transform_indices = @transform_9, window_bounds = array<i64: 1000, 128>}, {transform_indices = @transform_10, window_bounds = array<i64: 1000, 128>}]} {
    %get3A = arith.constant 0 : index
    %get3A_0 = arith.constant 0 : index
    %get3A_1 = vector.load %arg1[%get3A, %get3A_0] : memref<1000x128xf32, #tpu.memory_space<vmem>>, vector<1000x128xf32>
    %get3A_2 = arith.constant 0 : index
    %get3A_3 = arith.constant 0 : index
    %get3A_4 = vector.load %arg2[%get3A_2, %get3A_3] : memref<1000x128xf32, #tpu.memory_space<vmem>>, vector<1000x128xf32>
    %get3A_5 = arith.constant 0 : index
    %get3A_6 = arith.constant 0 : index
    %get3A_7 = vector.load %arg3[%get3A_5, %get3A_6] : memref<1000x128xf32, #tpu.memory_space<vmem>>, vector<1000x128xf32>
    %get3A_8 = arith.constant 0 : index
    %get3A_9 = arith.constant 0 : index
    %get3A_10 = vector.load %arg4[%get3A_8, %get3A_9] : memref<1000x128xf32, #tpu.memory_space<vmem>>, vector<1000x128xf32>
    %concatenate3A = tpu.concatenate %get3A_1, %get3A_4, %get3A_7, %get3A_10 in 1 : vector<1000x128xf32>, vector<1000x128xf32>, vector<1000x128xf32>, vector<1000x128xf32> -> vector<1000x512xf32>
    %get3A_11 = arith.constant 0 : index
    %get3A_12 = arith.constant 0 : index
    %get3A_13 = vector.load %arg7[%get3A_11, %get3A_12] : memref<512x512xf32, #tpu.memory_space<vmem>>, vector<512x512xf32>
    %dot_general3A = arith.constant dense<0.000000e+00> : vector<1000x512xf32>
    %dot_general3A_14 = tpu.matmul %concatenate3A, %get3A_13, %dot_general3A {dimension_numbers = #tpu.dot_dimension_numbers<[1], [0], [0], [1], [0, 0, 1, 1], [], []>, precision = #tpu.contract_precision<fp32>, transpose_lhs_hint = false} : vector<1000x512xf32>, vector<512x512xf32>, vector<1000x512xf32> -> vector<1000x512xf32>
    %get3A_15 = arith.constant 0 : index
    %get3A_16 = arith.constant 0 : index
    %get3A_17 = vector.load %arg5[%get3A_15, %get3A_16] : memref<1000x1xf32, #tpu.memory_space<vmem>>, vector<1000x1xf32>
    %mul3A = vector.broadcast %get3A_17 : vector<1000x1xf32> to vector<1000x512xf32>
    %mul3A_18 = arith.mulf %dot_general3A_14, %mul3A : vector<1000x512xf32>
    %get3A_19 = arith.constant 0 : index
    %get3A_20 = arith.constant 0 : index
    %get3A_21 = vector.load %arg6[%get3A_19, %get3A_20] : memref<1x512xf32, #tpu.memory_space<vmem>>, vector<1x512xf32>
    %add3A = vector.broadcast %get3A_21 : vector<1x512xf32> to vector<1000x512xf32>
    %add3A_22 = arith.addf %mul3A_18, %add3A : vector<1000x512xf32>
    %tanh3A = math.tanh %add3A_22 : vector<1000x512xf32>
    %mul3A_23 = vector.broadcast %get3A_17 : vector<1000x1xf32> to vector<1000x512xf32>
    %mul3A_24 = arith.mulf %tanh3A, %mul3A_23 : vector<1000x512xf32>
    %slice3A = vector.extract_strided_slice %mul3A_24 {offsets = [0, 0], sizes = [1000, 128], strides = [1, 1]} : vector<1000x512xf32> to vector<1000x128xf32>
    %swap3A = arith.constant 0 : index
    %swap3A_25 = arith.constant 0 : index
    %swap3A_26 = vector.load %arg8[%swap3A, %swap3A_25] : memref<1000x128xf32, #tpu.memory_space<vmem>>, vector<1000x128xf32>
    tpu.vector_store %arg8[%swap3A, %swap3A_25], %slice3A {strides = array<i32>} : memref<1000x128xf32, #tpu.memory_space<vmem>>, vector<1000x128xf32>,
    %slice3A_27 = vector.extract_strided_slice %mul3A_24 {offsets = [0, 128], sizes = [1000, 128], strides = [1, 1]} : vector<1000x512xf32> to vector<1000x128xf32>
    %swap3A_28 = arith.constant 0 : index
    %swap3A_29 = arith.constant 0 : index
    %swap3A_30 = vector.load %arg9[%swap3A_28, %swap3A_29] : memref<1000x128xf32, #tpu.memory_space<vmem>>, vector<1000x128xf32>
    tpu.vector_store %arg9[%swap3A_28, %swap3A_29], %slice3A_27 {strides = array<i32>} : memref<1000x128xf32, #tpu.memory_space<vmem>>, vector<1000x128xf32>,
    %slice3A_31 = vector.extract_strided_slice %mul3A_24 {offsets = [0, 256], sizes = [1000, 128], strides = [1, 1]} : vector<1000x512xf32> to vector<1000x128xf32>
    %swap3A_32 = arith.constant 0 : index
    %swap3A_33 = arith.constant 0 : index
    %swap3A_34 = vector.load %arg10[%swap3A_32, %swap3A_33] : memref<1000x128xf32, #tpu.memory_space<vmem>>, vector<1000x128xf32>
    tpu.vector_store %arg10[%swap3A_32, %swap3A_33], %slice3A_31 {strides = array<i32>} : memref<1000x128xf32, #tpu.memory_space<vmem>>, vector<1000x128xf32>,
    %slice3A_35 = vector.extract_strided_slice %mul3A_24 {offsets = [0, 384], sizes = [1000, 128], strides = [1, 1]} : vector<1000x512xf32> to vector<1000x128xf32>
    %swap3A_36 = arith.constant 0 : index
    %swap3A_37 = arith.constant 0 : index
    %swap3A_38 = vector.load %arg11[%swap3A_36, %swap3A_37] : memref<1000x128xf32, #tpu.memory_space<vmem>>, vector<1000x128xf32>
    tpu.vector_store %arg11[%swap3A_36, %swap3A_37], %slice3A_35 {strides = array<i32>} : memref<1000x128xf32, #tpu.memory_space<vmem>>, vector<1000x128xf32>,
    return
  }
  func.func @transform_0(%arg0: i32) -> (i32, i32) {
    %c0_i32 = arith.constant 0 : i32
    %c0_i32_0 = arith.constant 0 : i32
    return %arg0, %c0_i32 : i32, i32
  }
  func.func @transform_1(%arg0: i32) -> (i32, i32) {
    %c0_i32 = arith.constant 0 : i32
    %c0_i32_0 = arith.constant 0 : i32
    return %arg0, %c0_i32 : i32, i32
  }
  func.func @transform_2(%arg0: i32) -> (i32, i32) {
    %c0_i32 = arith.constant 0 : i32
    %c0_i32_0 = arith.constant 0 : i32
    return %arg0, %c0_i32 : i32, i32
  }
  func.func @transform_3(%arg0: i32) -> (i32, i32) {
    %c0_i32 = arith.constant 0 : i32
    %c0_i32_0 = arith.constant 0 : i32
    return %arg0, %c0_i32 : i32, i32
  }
  func.func @transform_4(%arg0: i32) -> (i32, i32) {
    %c0_i32 = arith.constant 0 : i32
    %c0_i32_0 = arith.constant 0 : i32
    return %arg0, %c0_i32 : i32, i32
  }
  func.func @transform_5(%arg0: i32) -> (i32, i32) {
    %c0_i32 = arith.constant 0 : i32
    %c0_i32_0 = arith.constant 0 : i32
    %c0_i32_1 = arith.constant 0 : i32
    return %c0_i32, %c0_i32_0 : i32, i32
  }
  func.func @transform_6(%arg0: i32) -> (i32, i32) {
    %c0_i32 = arith.constant 0 : i32
    %c0_i32_0 = arith.constant 0 : i32
    %c0_i32_1 = arith.constant 0 : i32
    return %c0_i32, %c0_i32_0 : i32, i32
  }
  func.func @transform_7(%arg0: i32) -> (i32, i32) {
    %c0_i32 = arith.constant 0 : i32
    %c0_i32_0 = arith.constant 0 : i32
    return %arg0, %c0_i32 : i32, i32
  }
  func.func @transform_8(%arg0: i32) -> (i32, i32) {
    %c0_i32 = arith.constant 0 : i32
    %c0_i32_0 = arith.constant 0 : i32
    return %arg0, %c0_i32 : i32, i32
  }
  func.func @transform_9(%arg0: i32) -> (i32, i32) {
    %c0_i32 = arith.constant 0 : i32
    %c0_i32_0 = arith.constant 0 : i32
    return %arg0, %c0_i32 : i32, i32
  }
  func.func @transform_10(%arg0: i32) -> (i32, i32) {
    %c0_i32 = arith.constant 0 : i32
    %c0_i32_0 = arith.constant 0 : i32
    return %arg0, %c0_i32 : i32, i32
  }
}

module attributes {stable_mosaic.version = 14 : i64} {
  func.func @body(%arg0: i32, %arg1: memref<1000x128xf32, #tpu.memory_space<vmem>>, %arg2: memref<1000x128xf32, #tpu.memory_space<vmem>>, %arg3: memref<1000x128xf32, #tpu.memory_space<vmem>>, %arg4: memref<1000x128xf32, #tpu.memory_space<vmem>>, %arg5: memref<512x256xf32, #tpu.memory_space<vmem>>, %arg6: memref<1000x128xf32, #tpu.memory_space<vmem>>, %arg7: memref<1000x128xf32, #tpu.memory_space<vmem>>) attributes {dimension_semantics = [#tpu.dimension_semantics<arbitrary>], iteration_bounds = array<i64: 10>, scalar_prefetch = 0 : i64, scratch_operands = 0 : i64, tpu.core_type = #tpu.core_type<tc>, window_params = [{transform_indices = @transform_0, window_bounds = array<i64: 1000, 128>}, {transform_indices = @transform_1, window_bounds = array<i64: 1000, 128>}, {transform_indices = @transform_2, window_bounds = array<i64: 1000, 128>}, {transform_indices = @transform_3, window_bounds = array<i64: 1000, 128>}, {pipeline_mode = #tpu.pipeline_mode<synchronous>, transform_indices = @transform_4, window_bounds = array<i64: 512, 256>}, {transform_indices = @transform_5, window_bounds = array<i64: 1000, 128>}, {transform_indices = @transform_6, window_bounds = array<i64: 1000, 128>}]} {
    %get3A = arith.constant 0 : index
    %get3A_0 = arith.constant 0 : index
    %get3A_1 = vector.load %arg1[%get3A, %get3A_0] : memref<1000x128xf32, #tpu.memory_space<vmem>>, vector<1000x128xf32>
    %get3A_2 = arith.constant 0 : index
    %get3A_3 = arith.constant 0 : index
    %get3A_4 = vector.load %arg2[%get3A_2, %get3A_3] : memref<1000x128xf32, #tpu.memory_space<vmem>>, vector<1000x128xf32>
    %get3A_5 = arith.constant 0 : index
    %get3A_6 = arith.constant 0 : index
    %get3A_7 = vector.load %arg3[%get3A_5, %get3A_6] : memref<1000x128xf32, #tpu.memory_space<vmem>>, vector<1000x128xf32>
    %get3A_8 = arith.constant 0 : index
    %get3A_9 = arith.constant 0 : index
    %get3A_10 = vector.load %arg4[%get3A_8, %get3A_9] : memref<1000x128xf32, #tpu.memory_space<vmem>>, vector<1000x128xf32>
    %concatenate3A = tpu.concatenate %get3A_1, %get3A_4, %get3A_7, %get3A_10 in 1 : vector<1000x128xf32>, vector<1000x128xf32>, vector<1000x128xf32>, vector<1000x128xf32> -> vector<1000x512xf32>
    %get3A_11 = arith.constant 0 : index
    %get3A_12 = arith.constant 0 : index
    %get3A_13 = vector.load %arg5[%get3A_11, %get3A_12] : memref<512x256xf32, #tpu.memory_space<vmem>>, vector<512x256xf32>
    %dot_general3A = arith.constant dense<0.000000e+00> : vector<1000x256xf32>
    %dot_general3A_14 = tpu.matmul %concatenate3A, %get3A_13, %dot_general3A {dimension_numbers = #tpu.dot_dimension_numbers<[1], [0], [0], [1], [0, 0, 1, 1], [], []>, precision = #tpu.contract_precision<fp32>, transpose_lhs_hint = false} : vector<1000x512xf32>, vector<512x256xf32>, vector<1000x256xf32> -> vector<1000x256xf32>
    %slice3A = vector.extract_strided_slice %dot_general3A_14 {offsets = [0, 0], sizes = [1000, 128], strides = [1, 1]} : vector<1000x256xf32> to vector<1000x128xf32>
    %swap3A = arith.constant 0 : index
    %swap3A_15 = arith.constant 0 : index
    %swap3A_16 = vector.load %arg6[%swap3A, %swap3A_15] : memref<1000x128xf32, #tpu.memory_space<vmem>>, vector<1000x128xf32>
    tpu.vector_store %arg6[%swap3A, %swap3A_15], %slice3A {strides = array<i32>} : memref<1000x128xf32, #tpu.memory_space<vmem>>, vector<1000x128xf32>,
    %slice3A_17 = vector.extract_strided_slice %dot_general3A_14 {offsets = [0, 128], sizes = [1000, 128], strides = [1, 1]} : vector<1000x256xf32> to vector<1000x128xf32>
    %swap3A_18 = arith.constant 0 : index
    %swap3A_19 = arith.constant 0 : index
    %swap3A_20 = vector.load %arg7[%swap3A_18, %swap3A_19] : memref<1000x128xf32, #tpu.memory_space<vmem>>, vector<1000x128xf32>
    tpu.vector_store %arg7[%swap3A_18, %swap3A_19], %slice3A_17 {strides = array<i32>} : memref<1000x128xf32, #tpu.memory_space<vmem>>, vector<1000x128xf32>,
    return
  }
  func.func @transform_0(%arg0: i32) -> (i32, i32) {
    %c0_i32 = arith.constant 0 : i32
    %c0_i32_0 = arith.constant 0 : i32
    return %arg0, %c0_i32 : i32, i32
  }
  func.func @transform_1(%arg0: i32) -> (i32, i32) {
    %c0_i32 = arith.constant 0 : i32
    %c0_i32_0 = arith.constant 0 : i32
    return %arg0, %c0_i32 : i32, i32
  }
  func.func @transform_2(%arg0: i32) -> (i32, i32) {
    %c0_i32 = arith.constant 0 : i32
    %c0_i32_0 = arith.constant 0 : i32
    return %arg0, %c0_i32 : i32, i32
  }
  func.func @transform_3(%arg0: i32) -> (i32, i32) {
    %c0_i32 = arith.constant 0 : i32
    %c0_i32_0 = arith.constant 0 : i32
    return %arg0, %c0_i32 : i32, i32
  }
  func.func @transform_4(%arg0: i32) -> (i32, i32) {
    %c0_i32 = arith.constant 0 : i32
    %c0_i32_0 = arith.constant 0 : i32
    %c0_i32_1 = arith.constant 0 : i32
    return %c0_i32, %c0_i32_0 : i32, i32
  }
  func.func @transform_5(%arg0: i32) -> (i32, i32) {
    %c0_i32 = arith.constant 0 : i32
    %c0_i32_0 = arith.constant 0 : i32
    return %arg0, %c0_i32 : i32, i32
  }
  func.func @transform_6(%arg0: i32) -> (i32, i32) {
    %c0_i32 = arith.constant 0 : i32
    %c0_i32_0 = arith.constant 0 : i32
    return %arg0, %c0_i32 : i32, i32
  }
}

module attributes {stable_mosaic.version = 14 : i64} {
  func.func @body(%arg0: i32, %arg1: memref<1000x128xf32, #tpu.memory_space<vmem>>, %arg2: memref<1000x128xf32, #tpu.memory_space<vmem>>, %arg3: memref<1000x1xf32, #tpu.memory_space<vmem>>, %arg4: memref<1x256xf32, #tpu.memory_space<vmem>>, %arg5: memref<1000x256xf32, #tpu.memory_space<vmem>>) attributes {dimension_semantics = [#tpu.dimension_semantics<arbitrary>], iteration_bounds = array<i64: 10>, scalar_prefetch = 0 : i64, scratch_operands = 0 : i64, tpu.core_type = #tpu.core_type<tc>, window_params = [{transform_indices = @transform_0, window_bounds = array<i64: 1000, 128>}, {transform_indices = @transform_1, window_bounds = array<i64: 1000, 128>}, {transform_indices = @transform_2, window_bounds = array<i64: 1000, 1>}, {pipeline_mode = #tpu.pipeline_mode<synchronous>, transform_indices = @transform_3, window_bounds = array<i64: 1, 256>}, {transform_indices = @transform_4, window_bounds = array<i64: 1000, 256>}]} {
    %get3A = arith.constant 0 : index
    %get3A_0 = arith.constant 0 : index
    %get3A_1 = vector.load %arg1[%get3A, %get3A_0] : memref<1000x128xf32, #tpu.memory_space<vmem>>, vector<1000x128xf32>
    %get3A_2 = arith.constant 0 : index
    %get3A_3 = arith.constant 0 : index
    %get3A_4 = vector.load %arg2[%get3A_2, %get3A_3] : memref<1000x128xf32, #tpu.memory_space<vmem>>, vector<1000x128xf32>
    %concatenate3A = tpu.concatenate %get3A_1, %get3A_4 in 1 : vector<1000x128xf32>, vector<1000x128xf32> -> vector<1000x256xf32>
    %get3A_5 = arith.constant 0 : index
    %get3A_6 = arith.constant 0 : index
    %get3A_7 = vector.load %arg3[%get3A_5, %get3A_6] : memref<1000x1xf32, #tpu.memory_space<vmem>>, vector<1000x1xf32>
    %mul3A = vector.broadcast %get3A_7 : vector<1000x1xf32> to vector<1000x256xf32>
    %mul3A_8 = arith.mulf %concatenate3A, %mul3A : vector<1000x256xf32>
    %get3A_9 = arith.constant 0 : index
    %get3A_10 = arith.constant 0 : index
    %get3A_11 = vector.load %arg4[%get3A_9, %get3A_10] : memref<1x256xf32, #tpu.memory_space<vmem>>, vector<1x256xf32>
    %add3A = vector.broadcast %get3A_11 : vector<1x256xf32> to vector<1000x256xf32>
    %add3A_12 = arith.addf %mul3A_8, %add3A : vector<1000x256xf32>
    %swap3A = arith.constant 0 : index
    %swap3A_13 = arith.constant 0 : index
    %swap3A_14 = vector.load %arg5[%swap3A, %swap3A_13] : memref<1000x256xf32, #tpu.memory_space<vmem>>, vector<1000x256xf32>
    tpu.vector_store %arg5[%swap3A, %swap3A_13], %add3A_12 {strides = array<i32>} : memref<1000x256xf32, #tpu.memory_space<vmem>>, vector<1000x256xf32>,
    return
  }
  func.func @transform_0(%arg0: i32) -> (i32, i32) {
    %c0_i32 = arith.constant 0 : i32
    %c0_i32_0 = arith.constant 0 : i32
    return %arg0, %c0_i32 : i32, i32
  }
  func.func @transform_1(%arg0: i32) -> (i32, i32) {
    %c0_i32 = arith.constant 0 : i32
    %c0_i32_0 = arith.constant 0 : i32
    return %arg0, %c0_i32 : i32, i32
  }
  func.func @transform_2(%arg0: i32) -> (i32, i32) {
    %c0_i32 = arith.constant 0 : i32
    %c0_i32_0 = arith.constant 0 : i32
    return %arg0, %c0_i32 : i32, i32
  }
  func.func @transform_3(%arg0: i32) -> (i32, i32) {
    %c0_i32 = arith.constant 0 : i32
    %c0_i32_0 = arith.constant 0 : i32
    %c0_i32_1 = arith.constant 0 : i32
    return %c0_i32, %c0_i32_0 : i32, i32
  }
  func.func @transform_4(%arg0: i32) -> (i32, i32) {
    %c0_i32 = arith.constant 0 : i32
    %c0_i32_0 = arith.constant 0 : i32
    return %arg0, %c0_i32 : i32, i32
  }
}

</mosaic_0001>

<sc_bundles>
// kernel: kernel.11.cloned.1.call-start
scs
__scs_entry_jumppad:
0x0: {  	(pc) =	sbr.rel $0x88, $3  }
0x1: {  	(tag) =	ssettag $0x0;
	lr =	simm.s32 $0x1  }
0x2: {  	[smem:$0x3F99] =	sst lr;
	_ =	strace $0xD0000000  }
0x3: {  	_ = 	snop  }
0x4: {  	_ = 	snop  }
0x5: {  	_ = 	snop  }
0x6: {  	_ = 	snop  }
0x7: {  	_ = 	snop  }
__scs_overlays_trampoline_lowered:
0x8: {  	[smem:$0x3FA8] =	sst s0  }
0x9: {  	[smem:$0x3FA9] =	sst s1  }
0xa: {  	[smem:$0x3FAA] =	sst s2  }
0xb: {  	[smem:$0x3FAB] =	sst s3  }
0xc: {  	[smem:$0x3FAC] =	sst s4  }
0xd: {  	[smem:$0x3FAD] =	sst s5  }
0xe: {  	[smem:$0x3FAE] =	sst s6  }
0xf: {  	[smem:$0x3FAF] =	sst s7  }
0x10: {  	[smem:$0x3FB0] =	sst s8  }
0x11: {  	[smem:$0x3FB1] =	sst s9;
	s0 =	simm.s32 @!p0 $0x0  }
0x12: {  	s1 =	sld [smem:$0x3F97];
	s0 =	simm.s32 @p0 $0x1  }
0x13: {  	[smem:$0x3FB2] =	sst s0;
	s0 =	simm.s32 @!p1 $0x0  }
0x14: {  	s2 =	sld [smem:$0x3F96];
	s0 =	simm.s32 @p1 $0x1  }
0x15: {  	[smem:$0x3FB3] =	sst s0;
	s0 =	simm.s32 @!p2 $0x0  }
0x16: {  	s3 =	sld [smem:$0x3FDB];
	s0 =	simm.s32 @p2 $0x1  }
0x17: {  	s4 =	simm.s32 $0x1BF5;
	[smem:$0x3FB5] =	sst s0  }
0x18: {  	s0 =	sld [smem:$0x3F98];
	_ =	swait.ge [sflag:s4], $0x0  }
0x19: {  	s7 =	sld [smem:$0x3F99]  }
0x1a: {  	s8 =	sadd.s32 $0xFFFFE003, lr  }
0x1b: {  	s9 =	sadd.s32 $0xFFFFFEF7, lr;
	s5 =	simm.s32 $0xFFFFFFFF;
	p2 =	slt.u32 s8, $0xFFFFF086  }
0x1c: {  	p1 =	slt.u32 s9, $0xF7A;
	s5 =	simm.s32 @!p2 $0x0  }
0x1d: {  	s5 =	simm.s32 @p1 $0x1;
	p0 =	seq.s32 s7, s2  }
0x1e: {  	s7 =	smul.u32 @!p0 $0xF7A, s2;
	p2 =	seq.s32 @!p0 s5, $0x0  }
0x1f: {  	s9 =	smul.u32 $0xF7A, s1;
	s8 =	simm.s32 @!p0 $0x1BF5;
	p2 =	por !p2, p0  }
0x20: {  	[sflag:s8] =	ssyncset.s32 @!p0 $0xFFFFF086;
	s6 =	sadd.s32 @!p0 s3, s7;
	s7 =	simm.s32 @!p0 $0x108  }
0x21: {  	s3 =	sadd.s32 s3, s9;
	s6 =	sadd.s32 @!p0 $0x88, s6;
	s7 =	simm.s32 @p2 $0x1082  }
0x22: {  	[simem:s7], [sflag:s8] =	dma.local @!p0 [hbm:s6], $0xF7A  }
0x23: {  	s9 =	sor.u32 $0xD0000000, s2;
	s6 =	simm.s32 $0x108;
	_ =	swait.ge @!p0 [sflag:s8], $0x0  }
0x24: {  	s3 =	sadd.s32 $0x88, s3;
	s6 =	simm.s32 @!p1 $0x1082;
	[sflag:s4] =	ssyncset.s32 $0xFFFFF086  }
0x25: {  	[simem:s6], [sflag:s4] =	dma.local [hbm:s3], $0xF7A  }
0x26: {  	[smem:$0x3F99] =	sst s1;
	(tag) =	ssettag s2;
	_ =	strace s9  }
0x27: {  	s1 =	sld [smem:$0x3FA9]  }
0x28: {  	s2 =	sld [smem:$0x3FAA]  }
0x29: {  	s4 =	sld [smem:$0x3FAC]  }
0x2a: {  	p0 =	seq.s32 s5, $0x0;
	s5 =	sld [smem:$0x3FAD]  }
0x2b: {  	s6 =	sld [smem:$0x3FAE]  }
0x2c: {  	s7 =	sld [smem:$0x3FAF]  }
0x2d: {  	s3 =	simm.s32 $0x108;
	s8 =	sld [smem:$0x3FB0]  }
0x2e: {  	s3 =	simm.s32 @!p0 $0x1082;
	s9 =	sld [smem:$0x3FB1]  }
0x2f: {  	lr =	sadd.s32 s0, s3;
	s0 =	sld [smem:$0x3FA8]  }
0x30: {  	s3 =	sld [smem:$0x3FAB]  }
0x31: {  	[smem:$0x3FB4] =	sst s10  }
0x32: {  	s10 =	sld [smem:$0x3FB2];
	_ =	sdelay $0x3  }
0x33: {  	p0 =	seq.s32 s10, $0x1;
	s10 =	sld [smem:$0x3FB4];
	_ =	sdelay $0x3  }
0x34: {  	[smem:$0x3FB4] =	sst s10  }
0x35: {  	s10 =	sld [smem:$0x3FB3];
	_ =	sdelay $0x3  }
0x36: {  	p1 =	seq.s32 s10, $0x1;
	s10 =	sld [smem:$0x3FB4];
	_ =	sdelay $0x3  }
0x37: {  	[smem:$0x3FB4] =	sst s10  }
0x38: {  	s10 =	sld [smem:$0x3FB5]  }
0x39: {  	_ = 	snop;
	(pc) =	sbr.ind lr, $3  }
0x3a: {  	_ = 	snop  }
0x3b: {  	_ = 	snop  }
0x3c: {  	p2 =	seq.s32 s10, $0x1;
	s10 =	sld [smem:$0x3FB4]  }
0x3d: {  	_ =	shalt  }
0x3e: {  	_ =	shalt  }
0x3f: {  	_ =	shalt  }
0x40: {  	_ =	shalt  }
0x41: {  	_ =	shalt  }
0x42: {  	_ =	shalt  }
0x43: {  	_ =	shalt  }
0x44: {  	_ =	shalt  }
0x45: {  	_ =	shalt  }
0x46: {  	_ =	shalt  }
0x47: {  	_ =	shalt  }
0x48: {  	_ =	shalt  }
0x49: {  	_ =	shalt  }
0x4a: {  	_ =	shalt  }
0x4b: {  	_ =	shalt  }
0x4c: {  	_ =	shalt  }
0x4d: {  	_ =	shalt  }
0x4e: {  	_ =	shalt  }
0x4f: {  	_ =	shalt  }
0x50: {  	_ =	shalt  }
0x51: {  	_ =	shalt  }
0x52: {  	_ =	shalt  }
0x53: {  	_ =	shalt  }
0x54: {  	_ =	shalt  }
0x55: {  	_ =	shalt  }
0x56: {  	_ =	shalt  }
0x57: {  	_ =	shalt  }
0x58: {  	_ =	shalt  }
0x59: {  	_ =	shalt  }
0x5a: {  	_ =	shalt  }
0x5b: {  	_ =	shalt  }
0x5c: {  	_ =	shalt  }
0x5d: {  	_ =	shalt  }
0x5e: {  	_ =	shalt  }
0x5f: {  	_ =	shalt  }
0x60: {  	_ =	shalt  }
0x61: {  	_ =	shalt  }
0x62: {  	_ =	shalt  }
0x63: {  	_ =	shalt  }
0x64: {  	_ =	shalt  }
0x65: {  	_ =	shalt  }
0x66: {  	_ =	shalt  }
0x67: {  	_ =	shalt  }
0x68: {  	_ =	shalt  }
0x69: {  	_ =	shalt  }
0x6a: {  	_ =	shalt  }
0x6b: {  	_ =	shalt  }
0x6c: {  	_ =	shalt  }
0x6d: {  	_ =	shalt  }
0x6e: {  	_ =	shalt  }
0x6f: {  	_ =	shalt  }
0x70: {  	_ =	shalt  }
0x71: {  	_ =	shalt  }
0x72: {  	_ =	shalt  }
0x73: {  	_ =	shalt  }
0x74: {  	_ =	shalt  }
0x75: {  	_ =	shalt  }
0x76: {  	_ =	shalt  }
0x77: {  	_ =	shalt  }
0x78: {  	_ =	shalt  }
0x79: {  	_ =	shalt  }
0x7a: {  	_ =	shalt  }
0x7b: {  	_ =	shalt  }
0x7c: {  	_ =	shalt  }
0x7d: {  	_ =	shalt  }
0x7e: {  	_ =	shalt  }
0x7f: {  	_ =	shalt  }
0x80: {  	_ =	shalt  }
0x81: {  	_ =	shalt  }
0x82: {  	_ =	shalt  }
0x83: {  	_ =	shalt  }
0x84: {  	_ =	shalt  }
0x85: {  	_ =	shalt  }
0x86: {  	_ =	shalt  }
0x87: {  	_ =	shalt  }
.Lfunc_end0:
.L_simem_size_0:
called_computation_lowered:
.L_overlay_start_0:
0x88: {  	s2 =	sld [smem:$0x3FD9]  }
0x89: {  	s3 =	sld [smem:$0x3FFE];
	_ =	sdelay $0x1  }
0x8a: {  	s1 =	srdreg.scid  }
0x8b: {  	s0 =	sand.u32 $0x1, s1  }
0x8c: {  	s17 =	sshll.u32 s0, $0xA;
	s2 =	sadd.s32 s3, s2  }
0x8d: {  	s2 =	sadd.s32 s2, s17  }
0x8e: {  	[smem:$0x3FC0] =	sst s2  }
0x8f: {  	_ = 	snop  }
0x90: {  	s2 =	sld [smem:$0x3FD0];
	(tm) =	ssettm $0x1  }
0x91: {  	s18 =	sld [smem:$0x3FFB];
	_ =	sdelay $0x3  }
0x92: {  	_ =	strace s18  }
0x93: {  	s3 =	sld [smem:$0x3FFC];
	_ =	sdelay $0x3  }
0x94: {  	_ =	strace s3  }
0x95: {  	s3 =	sld [smem:$0x3FFD];
	_ =	sdelay $0x3  }
0x96: {  	_ =	strace s3  }
0x97: {  	_ =	strace $0x8FFFFFFF  }
0x98: {  	s19 =	sld [smem:$0x3FDB];
	_ =	sdelay $0x1  }
0x99: {  	s4 =	simm.s32 $_scs_section_size  }
0x9a: {  	s5 =	simm.s32 $_size__tile_overlayer_lowered;
	s6 =	simm.s32 $_tile_overlayer_lowered  }
0x9b: {  	s22 =	simm.s32 $0x1BFF;
	s21 =	sshll.u32 s6, $0x1;
	s3 =	sadd.s32 s4, s19  }
0x9c: {  	s7 =	simm.s32 $0x0;
	s20 =	sshll.u32 s5, $0x1;
	s5 =	sadd.s32 s21, s3  }
0x9d: {  	[timem:s7], [sflag:s22] =	dma.local [hbm:s5], s20  }
0x9e: {  	_ =	swait.ge [sflag:s22], s20  }
0x9f: {  	s4 =	ssub.s32 $0x0, s20;
	[sflag:s22] =	ssyncset.done $0x0  }
0xa0: {  	[sflag:s22] =	ssyncadd.s32 s4;
	_ =	sdelay $0x1  }
0xa1: {  	s23 =	simm.s32 $0x1B8B  }
0xa2: {  	_ =	swait.ge [sflag:s23], $0x1  }
0xa3: {  	[sflag:s23] =	ssyncset.done $0x0  }
0xa4: {  	s25 =	simm.s32 $0x1B8E;
	s24 =	sld [smem:$0x3FFE];
	[sflag:s23] =	ssyncadd.s32 $0xFFFFFFFF  }
0xa5: {  	s26 =	simm.s32 $execute0_lowered;
	[smem:$0x3FD2] =	sst s25  }
0xa6: {  	s5 =	sshll.u32 s26, $0x1;
	_ =	strace $0x80000046;
	[dreg:$0x1] =	wrdreg $0xFFFFFFFF  }
0xa7: {  	s28 =	simm.s32 $_size_execute0_lowered;
	s3 =	sadd.s32 s3, s5;
	[dreg:$0x0] =	wrdreg $0x0  }
0xa8: {  	s5 =	sshll.u32 s28, $0x1;
	[dreg:$0x2] =	wrdreg s3  }
0xa9: {  	[dreg:$0x3] =	wrdreg s5  }
0xaa: {  	[dreg:$0x4] =	wrdreg $0xC0  }
0xab: {  	_ =	task [dreg:s7], $0x5FFFF  }
0xac: {  	[dreg:$0x1] =	wrdreg $0xFFFFFFFF  }
0xad: {  	[dreg:$0x0] =	wrdreg $0x60  }
0xae: {  	[dreg:$0x2] =	wrdreg s2  }
0xaf: {  	[dreg:$0x3] =	wrdreg s24  }
0xb0: {  	[dreg:$0x4] =	wrdreg $0x64800  }
0xb1: {  	[dreg:$0x5] =	wrdreg $0x9  }
0xb2: {  	_ =	task.clear_ibuf [dreg:s7], $0x6FFFF;
	_ =	strace $0x90000046  }
0xb3: {  	s29 =	simm.s32 $0x9;
	_ =	strace $0x80000048  }
0xb4: {  	_ =	swait.ge [sflag:s29], $0x1  }
0xb5: {  	[sflag:s29] =	ssyncadd.s32 $0xFFFFFFFF  }
0xb6: {  	_ =	strace $0x90000048  }
0xb7: {  	_ =	sfence  }
0xb8: {  	s30 =	sld [smem:$0x0];
	_ =	sdelay $0x2  }
0xb9: {  	s31 =	sshll.u32 s1, $0xD;
	s1 =	sshrl.u32 s1, $0x2  }
0xba: {  	s3 =	sand.u32 $0x4000, s31;
	s1 =	sadd.s32 s1, s30  }
0xbb: {  	s0 =	sor.u32 s3, s0;
	s1 =	sshll.u32 s1, $0x11  }
0xbc: {  	s0 =	sor.u32 s1, s0  }
0xbd: {  	s0 =	sadd.s32 $0x8F2B, s0  }
0xbe: {  	[sflag:s0] =	ssyncadd.remote.s32 $0x1  }
0xbf: {  	_ =	sfence.sel $0xFFFF  }
0xc0: {  	[dreg:$0x0] =	wrdreg $0xFFFFFFFF;
	(pc) =	sbr.abs _section_cstart, $3  }
0xc1: {  	[dreg:$0x1] =	wrdreg $0xFFFFFFFF  }
0xc2: {  	_ =	task.clear_ibuf [dreg:s7], $0x2FFFF;
	_ =	strace $0x9FFFFFFF  }
0xc3: {  	(tm) =	ssettm $0x7FFFFFFF  }
tec
execute0_lowered:
.L_overlay_start_1:
0x0: {  	(tag) =	ssettag $0x1  }
0x1: {  	s18 =	stileid.u32  }
0x2: {  	s30 =	rddreg [dreg:$0x0];
	s5 =	smul.u32 $0x13B0, s18  }
0x3: {  	s0 =	srdreg.scid;
	s8 =	smul.u32 $0x500, s18  }
0x4: {  	s1 =	rddreg [dreg:$0x1];
	s2 =	sand.u32 $0x1, s0;
	s14 =	smul.u32 $0xA000, s18  }
0x5: {  	s3 =	rddreg [dreg:$0x2];
	s9 =	sor.u32 $0x10, s18;
	s0 =	smul.u32 $0x13B00, s2  }
0x6: {  	s6 =	ssub.s32 $0x2, s2;
	p0 =	seq.s32 s2, $0x1;
	s2 =	smul.u32 $0x500, s9  }
0x7: {  	s4 =	simm.s32 $0x0;
	s11 =	sor.u32 $0x30, s18;
	s9 =	smul.u32 $0xA000, s9  }
0x8: {  	[smem:$0x7FF] =	sst s4;
	s13 =	sor.u32 $0x40, s18;
	s19 =	smul.u32 $0xA000, s11  }
0x9: {  	s10 =	sor.u32 $0x20, s18;
	_ =	strace $0x80000047;
	s21 =	smul.u32 $0xA000, s13  }
0xa: {  	s22 =	smul.u32 $0x500, s13;
	s7 =	sshrl.u32 s6, $0x1;
	s16 =	sshrl.u32 s14, $0x2  }
0xb: {  	s17 =	sadd.s32 s30, s8;
	s14 =	sor.u32 $0x50, s18;
	s0 =	sadd.s32 s5, s0  }
0xc: {  	s5 =	sadd.s32 $0xA200, s1;
	s6 =	ssub.s32 s6, s7;
	[dreg:$0x5] =	wrdreg s17  }
0xd: {  	s7 =	sadd.s32 s16, s3;
	s9 =	sshrl.u32 s9, $0x2;
	s16 =	smul.u32 $0xA000, s14  }
0xe: {  	s12 =	sadd.s32 s30, s2;
	s20 =	sshrl.u32 s19, $0x2;
	s24 =	smul.u32 $0x500, s14  }
0xf: {  	s17 =	sor.u32 $0x60, s18;
	s15 =	smax.u32 s6, $0x1;
	s6 =	smul.u32 $0x500, s10  }
0x10: {  	s18 =	sor.u32 $0x70, s18;
	s0 =	sshrl.u32 s0, $0x3;
	s10 =	smul.u32 $0xA000, s10  }
0x11: {  	[dreg:$0x6] =	wrdreg s12;
	s9 =	sadd.s32 s9, s3;
	s25 =	smul.u32 $0xA000, s17  }
0x12: {  	s12 =	sshrl.u32 s21, $0x2;
	s17 =	smul.u32 $0x500, s17;
	p1 =	sgt.u32 s18, $0x7C  }
0x13: {  	s29 =	smul.u32 $0x500, s18;
	s21 =	sadd.s32 s30, s22;
	s0 =	sadd.s32 s0, s1  }
0x14: {  	s1 =	sadd.s32 $0x31400, s1;
	[dreg:$0x4] =	wrdreg s15;
	s15 =	smul.u32 $0x500, s11  }
0x15: {  	s11 =	sadd.s32 s20, s3;
	s12 =	sadd.s32 s12, s3;
	s23 =	sshrl.u32 s16, $0x2  }
0x16: {  	s16 =	smul.u32 $0xA000, s18;
	s10 =	sshrl.u32 s10, $0x2;
	s13 =	sadd.s32 s23, s3  }
0x17: {  	s26 =	sshrl.u32 s25, $0x2;
	s5 =	smov.u32 @p0 s1;
	s25 =	sadd.s32 s30, s6  }
0x18: {  	s23 =	sadd.s32 s30, s24;
	s31 =	sadd.s32 $0x5200, s0;
	s0 =	simm.s32 $0x1  }
0x19: {  	s10 =	sadd.s32 s10, s3;
	s14 =	sadd.s32 s26, s3;
	s1 =	sshrl.u32 s16, $0x2  }
0x1a: {  	s8 =	sadd.s32 s5, s8;
	s2 =	sadd.s32 s5, s2;
	[dreg:$0x9] =	wrdreg s25  }
0x1b: {  	s26 =	sadd.s32 s5, s6;
	s19 =	sadd.s32 s30, s15;
	s20 =	sadd.s32 s5, s15  }
0x1c: {  	s22 =	sadd.s32 s5, s22;
	s24 =	sadd.s32 s5, s24;
	[dreg:$0x7] =	wrdreg s8  }
0x1d: {  	s25 =	sadd.s32 s30, s17;
	s28 =	sadd.s32 s5, s29;
	[dreg:$0x8] =	wrdreg s2  }
0x1e: {  	s29 =	sadd.s32 s30, s29;
	s6 =	simm.s32 $0x78;
	[dreg:$0xa] =	wrdreg s26  }
0x1f: {  	s26 =	sadd.s32 s5, s17;
	s30 =	sadd.s32 s1, s3;
	s2 =	simm.s32 $0x80  }
0x20: {  	s1 =	simm.s32 $0x3C80;
	s5 =	simm.s32 $0x2;
	s8 =	simm.s32 $0x0  }
.LBB2_1:
0x21: {  	s15 =	rddreg [dreg:$0x0]  }
0x22: {  	[tilespmem:s2], [sflag:$0x1] =	stream.linear.gather [hbm4b:s15+s4], $0x3C00, $0x38;
	[tilespmem:$0x19D40] =	vst v63  }
0x23: {  	_ =	swait.ge [sflag:s0], $0x3C00  }
0x24: {  	[sflag:s0] =	ssyncset.done $0x0  }
0x25: {  	s18 =	rddreg [dreg:$0x5];
	[sflag:s0] =	ssyncadd.s32 $0xFFFFC400  }
0x26: {  	[tilespmem:s1], [sflag:$0x2] =	stream.linear.gather [hbm4b:s18+s4], $0x2800, $0x38;
	[tilespmem:$0x19D40] =	vst v63  }
0x27: {  	_ =	swait.ge [sflag:s5], $0x2800  }
0x28: {  	[sflag:s5] =	ssyncset.done $0x0  }
0x29: {  	[sflag:s5] =	ssyncadd.s32 $0xFFFFD800  }
0x2a: {  	[spmem:s7] =	stream.linear.scatter [tilespmem:s1], [sflag:$0x1], $0x2800, $0x38;
	[tilespmem:$0x19D40] =	vst v63  }
0x2b: {  	_ =	swait.ge [sflag:s0], $0x2800  }
0x2c: {  	[sflag:s0] =	ssyncset.done $0x0  }
0x2d: {  	s16 =	rddreg [dreg:$0x6];
	[sflag:s0] =	ssyncadd.s32 $0xFFFFD800  }
0x2e: {  	[tilespmem:s1], [sflag:$0x2] =	stream.linear.gather [hbm4b:s16+s4], $0x2800, $0x38;
	[tilespmem:$0x19D40] =	vst v63  }
0x2f: {  	_ =	swait.ge [sflag:s5], $0x2800  }
0x30: {  	[sflag:s5] =	ssyncset.done $0x0  }
0x31: {  	[sflag:s5] =	ssyncadd.s32 $0xFFFFD800  }
0x32: {  	[spmem:s9] =	stream.linear.scatter [tilespmem:s1], [sflag:$0x1], $0x2800, $0x38;
	[tilespmem:$0x19D40] =	vst v63  }
0x33: {  	_ =	swait.ge [sflag:s0], $0x2800  }
0x34: {  	[sflag:s0] =	ssyncset.done $0x0  }
0x35: {  	s17 =	rddreg [dreg:$0x9];
	[sflag:s0] =	ssyncadd.s32 $0xFFFFD800  }
0x36: {  	[tilespmem:s1], [sflag:$0x2] =	stream.linear.gather [hbm4b:s17+s4], $0x2800, $0x38;
	[tilespmem:$0x19D40] =	vst v63  }
0x37: {  	_ =	swait.ge [sflag:s5], $0x2800  }
0x38: {  	[sflag:s5] =	ssyncset.done $0x0  }
0x39: {  	[sflag:s5] =	ssyncadd.s32 $0xFFFFD800  }
0x3a: {  	[spmem:s10] =	stream.linear.scatter [tilespmem:s1], [sflag:$0x1], $0x2800, $0x38;
	[tilespmem:$0x19D40] =	vst v63  }
0x3b: {  	_ =	swait.ge [sflag:s0], $0x2800  }
0x3c: {  	[sflag:s0] =	ssyncset.done $0x0  }
0x3d: {  	[sflag:s0] =	ssyncadd.s32 $0xFFFFD800  }
0x3e: {  	[tilespmem:s1], [sflag:$0x2] =	stream.linear.gather [hbm4b:s19+s4], $0x2800, $0x38;
	[tilespmem:$0x19D40] =	vst v63  }
0x3f: {  	_ =	swait.ge [sflag:s5], $0x2800  }
0x40: {  	[sflag:s5] =	ssyncset.done $0x0  }
0x41: {  	[sflag:s5] =	ssyncadd.s32 $0xFFFFD800  }
0x42: {  	[spmem:s11] =	stream.linear.scatter [tilespmem:s1], [sflag:$0x1], $0x2800, $0x38;
	[tilespmem:$0x19D40] =	vst v63  }
0x43: {  	_ =	swait.ge [sflag:s0], $0x2800  }
0x44: {  	[sflag:s0] =	ssyncset.done $0x0  }
0x45: {  	[sflag:s0] =	ssyncadd.s32 $0xFFFFD800  }
0x46: {  	[tilespmem:s1], [sflag:$0x2] =	stream.linear.gather [hbm4b:s21+s4], $0x2800, $0x38;
	[tilespmem:$0x19D40] =	vst v63  }
0x47: {  	_ =	swait.ge [sflag:s5], $0x2800  }
0x48: {  	[sflag:s5] =	ssyncset.done $0x0  }
0x49: {  	[sflag:s5] =	ssyncadd.s32 $0xFFFFD800  }
0x4a: {  	[spmem:s12] =	stream.linear.scatter [tilespmem:s1], [sflag:$0x1], $0x2800, $0x38;
	[tilespmem:$0x19D40] =	vst v63  }
0x4b: {  	_ =	swait.ge [sflag:s0], $0x2800  }
0x4c: {  	[sflag:s0] =	ssyncset.done $0x0  }
0x4d: {  	[sflag:s0] =	ssyncadd.s32 $0xFFFFD800  }
0x4e: {  	[tilespmem:s1], [sflag:$0x2] =	stream.linear.gather [hbm4b:s23+s4], $0x2800, $0x38;
	[tilespmem:$0x19D40] =	vst v63  }
0x4f: {  	_ =	swait.ge [sflag:s5], $0x2800  }
0x50: {  	[sflag:s5] =	ssyncset.done $0x0  }
0x51: {  	[sflag:s5] =	ssyncadd.s32 $0xFFFFD800  }
0x52: {  	[spmem:s13] =	stream.linear.scatter [tilespmem:s1], [sflag:$0x1], $0x2800, $0x38;
	[tilespmem:$0x19D40] =	vst v63  }
0x53: {  	_ =	swait.ge [sflag:s0], $0x2800  }
0x54: {  	[sflag:s0] =	ssyncset.done $0x0  }
0x55: {  	[sflag:s0] =	ssyncadd.s32 $0xFFFFD800  }
0x56: {  	[tilespmem:s1], [sflag:$0x2] =	stream.linear.gather [hbm4b:s25+s4], $0x2800, $0x38;
	[tilespmem:$0x19D40] =	vst v63  }
0x57: {  	_ =	swait.ge [sflag:s5], $0x2800  }
0x58: {  	[sflag:s5] =	ssyncset.done $0x0  }
0x59: {  	[sflag:s5] =	ssyncadd.s32 $0xFFFFD800  }
0x5a: {  	[spmem:s14] =	stream.linear.scatter [tilespmem:s1], [sflag:$0x1], $0x2800, $0x38;
	[tilespmem:$0x19D40] =	vst v63  }
0x5b: {  	_ =	swait.ge [sflag:s0], $0x2800  }
0x5c: {  	[sflag:s0] =	ssyncset.done $0x0  }
0x5d: {  	s15 =	simm.s32 @!p1 $0x0;
	s16 =	simm.s32 @!p1 $0x3C80;
	[sflag:s0] =	ssyncadd.s32 $0xFFFFD800  }
0x5e: {  	[tilespmem:s16], [sflag:$0x2] =	stream.linear.gather @!p1 [hbm4b:s29+s15], $0x2800, $0x38;
	[tilespmem:$0x19D40] =	vst v63  }
0x5f: {  	s15 =	simm.s32 @!p1 $0x2  }
0x60: {  	_ =	swait.ge @!p1 [sflag:s15], $0x2800  }
0x61: {  	[sflag:s15] =	ssyncset.done @!p1 $0x0  }
0x62: {  	[sflag:s15] =	ssyncadd.s32 @!p1 $0xFFFFD800;
	s15 =	simm.s32 @!p1 $0x1  }
0x63: {  	[spmem:s30] =	stream.linear.scatter @!p1 [tilespmem:s16], [sflag:$0x1], $0x2800, $0x38;
	[tilespmem:$0x19D40] =	vst v63  }
0x64: {  	_ =	swait.ge @!p1 [sflag:s15], $0x2800  }
0x65: {  	[sflag:s15] =	ssyncset.done @!p1 $0x0  }
0x66: {  	[sflag:s15] =	ssyncadd.s32 @!p1 $0xFFFFD800  }
0x67: {  	s18 =	sadd.s32 $0x0, s31;
	[bflag:$0x0] =	sbarrier.arrive $0xFFFF  }
0x68: {  	[tilespmem:s4], [sflag:$0x1] =	stream.linear.gather [hbm4b:s18+s4], $0x78, $0x38;
	[tilespmem:$0x19D40] =	vst v63  }
0x69: {  	_ =	swait.ge [sflag:s0], $0x78  }
0x6a: {  	[sflag:s0] =	ssyncset.done $0x0  }
0x6b: {  	[sflag:s0] =	ssyncadd.s32 $0xFFFFFF88  }
0x6c: {  	[spmem:s3] =	stream.indirect.scatter.add.f32 [tilespmem:s2], [sflag:$0x1], $0x80, s4, s6, $0xb8;
	[tilespmem:$0x19D40] =	vst v63  }
0x6d: {  	_ =	swait.ge [sflag:s0], $0x3C00  }
0x6e: {  	s16 =	simm.s32 $0x1E;
	s15 =	simm.s32 $0xF;
	[sflag:s0] =	ssyncset.done $0x0  }
.LBB2_2:
0x6f: {  	s17 =	sadd.s32 s15, s31  }
0x70: {  	[sflag:s0] =	ssyncadd.s32 $0xFFFFC400;
	s15 =	smov.u32 s16;
	s18 =	sadd.s32 $0xF, s16  }
0x71: {  	[tilespmem:s4], [sflag:$0x1] =	stream.linear.gather [hbm4b:s17+s4], $0x78, $0x38;
	[tilespmem:$0x19D40] =	vst v63  }
0x72: {  	p2 =	sne.s32 s16, $0x267;
	_ =	swait.ge [sflag:s0], $0x78  }
.Ltmp0:
0x73: {  	[sflag:s0] =	ssyncset.done $0x0;
	(pc) =	sbr.rel @p2 .LBB2_2-.Ltmp0, $4  }
0x74: {  	[sflag:s0] =	ssyncadd.s32 $0xFFFFFF88  }
0x75: {  	[spmem:s3] =	stream.indirect.scatter.add.f32 [tilespmem:s2], [sflag:$0x1], $0x80, s4, s6, $0xb8;
	[tilespmem:$0x19D40] =	vst v63  }
0x76: {  	_ =	swait.ge [sflag:s0], $0x3C00  }
0x77: {  	s16 =	smov.u32 s18;
	[sflag:s0] =	ssyncset.done $0x0  }
0x78: {  	s15 =	sadd.s32 s15, s31;
	[sflag:s0] =	ssyncadd.s32 $0xFFFFC400  }
0x79: {  	[tilespmem:s4], [sflag:$0x1] =	stream.linear.gather [hbm4b:s15+s4], $0x78, $0x38;
	[tilespmem:$0x19D40] =	vst v63  }
0x7a: {  	_ =	swait.ge [sflag:s0], $0x78  }
0x7b: {  	[sflag:s0] =	ssyncset.done $0x0  }
0x7c: {  	[sflag:s0] =	ssyncadd.s32 $0xFFFFFF88  }
0x7d: {  	[spmem:s3] =	stream.indirect.scatter.add.f32 [tilespmem:s2], [sflag:$0x1], $0x80, s4, s6, $0xb8;
	[tilespmem:$0x19D40] =	vst v63  }
0x7e: {  	_ =	swait.ge [sflag:s0], $0x3C00  }
0x7f: {  	[sflag:s0] =	ssyncset.done $0x0  }
0x80: {  	[sflag:s0] =	ssyncadd.s32 $0xFFFFC400  }
0x81: {  	[bflag:$0x0] =	sbarrier.arrive $0xFFFF  }
0x82: {  	[tilespmem:s1], [sflag:$0x2] =	stream.linear.gather [spmem:s7], $0x2800, $0x38;
	[tilespmem:$0x19D40] =	vst v63  }
0x83: {  	_ =	swait.ge [sflag:s5], $0x2800  }
0x84: {  	s15 =	simm.s32 $0x1;
	[sflag:s5] =	ssyncset.done $0x0  }
0x85: {  	s15 =	simm.s32 @!p0 $0x2;
	s16 =	rddreg [dreg:$0x7];
	[sflag:s5] =	ssyncadd.s32 $0xFFFFD800  }
0x86: {  	[hbm4b:s16+s4] =	stream.linear.scatter [tilespmem:s1], [sflag:s15], $0x2800, $0x38;
	[tilespmem:$0x19D40] =	vst v63  }
0x87: {  	_ =	swait.ge [sflag:s15], $0x2800  }
0x88: {  	[sflag:s15] =	ssyncset.done $0x0  }
0x89: {  	[sflag:s15] =	ssyncadd.s32 $0xFFFFD800  }
0x8a: {  	[tilespmem:s1], [sflag:$0x2] =	stream.linear.gather [spmem:s9], $0x2800, $0x38;
	[tilespmem:$0x19D40] =	vst v63  }
0x8b: {  	_ =	swait.ge [sflag:s5], $0x2800  }
0x8c: {  	[sflag:s5] =	ssyncset.done $0x0  }
0x8d: {  	s18 =	rddreg [dreg:$0x8];
	[sflag:s5] =	ssyncadd.s32 $0xFFFFD800  }
0x8e: {  	[hbm4b:s18+s4] =	stream.linear.scatter [tilespmem:s1], [sflag:s15], $0x2800, $0x38;
	[tilespmem:$0x19D40] =	vst v63  }
0x8f: {  	_ =	swait.ge [sflag:s15], $0x2800  }
0x90: {  	[sflag:s15] =	ssyncset.done $0x0  }
0x91: {  	[sflag:s15] =	ssyncadd.s32 $0xFFFFD800  }
0x92: {  	[tilespmem:s1], [sflag:$0x2] =	stream.linear.gather [spmem:s10], $0x2800, $0x38;
	[tilespmem:$0x19D40] =	vst v63  }
0x93: {  	_ =	swait.ge [sflag:s5], $0x2800  }
0x94: {  	[sflag:s5] =	ssyncset.done $0x0  }
0x95: {  	s17 =	rddreg [dreg:$0xa];
	[sflag:s5] =	ssyncadd.s32 $0xFFFFD800  }
0x96: {  	[hbm4b:s17+s4] =	stream.linear.scatter [tilespmem:s1], [sflag:s15], $0x2800, $0x38;
	[tilespmem:$0x19D40] =	vst v63  }
0x97: {  	_ =	swait.ge [sflag:s15], $0x2800  }
0x98: {  	[sflag:s15] =	ssyncset.done $0x0  }
0x99: {  	[sflag:s15] =	ssyncadd.s32 $0xFFFFD800  }
0x9a: {  	[tilespmem:s1], [sflag:$0x2] =	stream.linear.gather [spmem:s11], $0x2800, $0x38;
	[tilespmem:$0x19D40] =	vst v63  }
0x9b: {  	_ =	swait.ge [sflag:s5], $0x2800  }
0x9c: {  	[sflag:s5] =	ssyncset.done $0x0  }
0x9d: {  	[sflag:s5] =	ssyncadd.s32 $0xFFFFD800  }
0x9e: {  	[hbm4b:s20+s4] =	stream.linear.scatter [tilespmem:s1], [sflag:s15], $0x2800, $0x38;
	[tilespmem:$0x19D40] =	vst v63  }
0x9f: {  	_ =	swait.ge [sflag:s15], $0x2800  }
0xa0: {  	[sflag:s15] =	ssyncset.done $0x0  }
0xa1: {  	[sflag:s15] =	ssyncadd.s32 $0xFFFFD800  }
0xa2: {  	[tilespmem:s1], [sflag:$0x2] =	stream.linear.gather [spmem:s12], $0x2800, $0x38;
	[tilespmem:$0x19D40] =	vst v63  }
0xa3: {  	_ =	swait.ge [sflag:s5], $0x2800  }
0xa4: {  	[sflag:s5] =	ssyncset.done $0x0  }
0xa5: {  	[sflag:s5] =	ssyncadd.s32 $0xFFFFD800  }
0xa6: {  	[hbm4b:s22+s4] =	stream.linear.scatter [tilespmem:s1], [sflag:s15], $0x2800, $0x38;
	[tilespmem:$0x19D40] =	vst v63  }
0xa7: {  	_ =	swait.ge [sflag:s15], $0x2800  }
0xa8: {  	[sflag:s15] =	ssyncset.done $0x0  }
0xa9: {  	[sflag:s15] =	ssyncadd.s32 $0xFFFFD800  }
0xaa: {  	[tilespmem:s1], [sflag:$0x2] =	stream.linear.gather [spmem:s13], $0x2800, $0x38;
	[tilespmem:$0x19D40] =	vst v63  }
0xab: {  	_ =	swait.ge [sflag:s5], $0x2800  }
0xac: {  	[sflag:s5] =	ssyncset.done $0x0  }
0xad: {  	[sflag:s5] =	ssyncadd.s32 $0xFFFFD800  }
0xae: {  	[hbm4b:s24+s4] =	stream.linear.scatter [tilespmem:s1], [sflag:s15], $0x2800, $0x38;
	[tilespmem:$0x19D40] =	vst v63  }
0xaf: {  	_ =	swait.ge [sflag:s15], $0x2800  }
0xb0: {  	[sflag:s15] =	ssyncset.done $0x0  }
0xb1: {  	[sflag:s15] =	ssyncadd.s32 $0xFFFFD800  }
0xb2: {  	[tilespmem:s1], [sflag:$0x2] =	stream.linear.gather [spmem:s14], $0x2800, $0x38;
	[tilespmem:$0x19D40] =	vst v63  }
0xb3: {  	_ =	swait.ge [sflag:s5], $0x2800  }
0xb4: {  	[sflag:s5] =	ssyncset.done $0x0  }
0xb5: {  	[sflag:s5] =	ssyncadd.s32 $0xFFFFD800  }
0xb6: {  	[hbm4b:s26+s4] =	stream.linear.scatter [tilespmem:s1], [sflag:s15], $0x2800, $0x38;
	[tilespmem:$0x19D40] =	vst v63  }
0xb7: {  	_ =	swait.ge [sflag:s15], $0x2800  }
0xb8: {  	[sflag:s15] =	ssyncset.done $0x0  }
0xb9: {  	s16 =	simm.s32 @!p1 $0x3C80;
	s17 =	simm.s32 @!p1 $0x2;
	[sflag:s15] =	ssyncadd.s32 $0xFFFFD800  }
0xba: {  	[tilespmem:s16], [sflag:$0x2] =	stream.linear.gather @!p1 [spmem:s30], $0x2800, $0x38;
	[tilespmem:$0x19D40] =	vst v63  }
0xbb: {  	_ =	swait.ge @!p1 [sflag:s17], $0x2800  }
0xbc: {  	[sflag:s17] =	ssyncset.done @!p1 $0x0  }
0xbd: {  	[sflag:s17] =	ssyncadd.s32 @!p1 $0xFFFFD800;
	s17 =	simm.s32 @!p1 $0x0  }
0xbe: {  	[hbm4b:s28+s17] =	stream.linear.scatter @!p1 [tilespmem:s16], [sflag:s15], $0x2800, $0x38;
	[tilespmem:$0x19D40] =	vst v63  }
0xbf: {  	_ =	swait.ge @!p1 [sflag:s15], $0x2800  }
0xc0: {  	s8 =	sadd.s32 $0x1, s8;
	s18 =	rddreg [dreg:$0x4]  }
0xc1: {  	p2 =	sne.s32 s8, s18  }
.Ltmp1:
0xc2: {  	_ = 	snop;
	(pc) =	sbr.rel @p2 .LBB2_1-.Ltmp1, $3  }
0xc3: {  	[sflag:s15] =	ssyncset.done @!p1 $0x0  }
0xc4: {  	[sflag:s15] =	ssyncadd.s32 @!p1 $0xFFFFD800  }
0xc5: {  	[bflag:$0x0] =	sbarrier.arrive $0xFFFF;
	_ =	sdelay $0x1  }
0xc6: {  	_ =	sfence.sel $0x180000  }
0xc7: {  	[bflag:$0x0] =	sbarrier.arrive $0xFFFF  }
0xc8: {  	_ =	strace $0x90000047  }
0xc9: {  	s0 =	stileid.u32;
	[bflag:$0x2] =	sbarrier.arrive $0xFFFF  }
0xca: {  	p0 =	sne.s32 s0, $0x0;
	s0 =	rddreg [dreg:$0x3]  }
0xcb: {  	s0 =	sadd.s32 @!p0 $0x100000, s0  }
0xcc: {  	[sflag:s0] =	ssyncadd.tile.s32 @!p0 $0x1;
	_ =	shalt  }
.Lfunc_end2:
_tile_overlayer_lowered:
.L_overlay_start_2:
0xcd: {  	(tag) =	ssettag $0x2  }
0xce: {  	s0 =	rddreg [dreg:$0x0];
	s2 =	stileid.u32  }
0xcf: {  	s1 =	rddreg [dreg:$0x1];
	p0 =	sne.s32 s2, $0x0  }
0xd0: {  	s3 =	rddreg [dreg:$0x2];
	[bflag:$0x3] =	sbarrier.arrive $0xFFFF;
	s2 =	simm.s32 @!p0 $0x1C01  }
0xd1: {  	[timem:s3], [sflag:s2] =	dma.local @!p0 [hbm:s0], s1  }
0xd2: {  	s0 =	simm.s32 @!p0 $0x1  }
0xd3: {  	_ =	swait.ge @!p0 [sflag:s0], s1  }
0xd4: {  	s1 =	ssub.s32 @!p0 $0x0, s1;
	[sflag:s0] =	ssyncset.done @!p0 $0x0  }
0xd5: {  	[sflag:s0] =	ssyncadd.s32 @!p0 s1  }
0xd6: {  	[bflag:$0x3] =	sbarrier.arrive $0xFFFF  }
0xd7: {  	_ =	shalt  }

// kernel: kernel.14.cloned.1.call-start
scs
__scs_entry_jumppad:
0x0: {  	(pc) =	sbr.rel $0x88, $3  }
0x1: {  	(tag) =	ssettag $0x0;
	lr =	simm.s32 $0x1  }
0x2: {  	[smem:$0x3F99] =	sst lr;
	_ =	strace $0xD0000000  }
0x3: {  	_ = 	snop  }
0x4: {  	_ = 	snop  }
0x5: {  	_ = 	snop  }
0x6: {  	_ = 	snop  }
0x7: {  	_ = 	snop  }
__scs_overlays_trampoline_lowered:
0x8: {  	[smem:$0x3FA8] =	sst s0  }
0x9: {  	[smem:$0x3FA9] =	sst s1  }
0xa: {  	[smem:$0x3FAA] =	sst s2  }
0xb: {  	[smem:$0x3FAB] =	sst s3  }
0xc: {  	[smem:$0x3FAC] =	sst s4  }
0xd: {  	[smem:$0x3FAD] =	sst s5  }
0xe: {  	[smem:$0x3FAE] =	sst s6  }
0xf: {  	[smem:$0x3FAF] =	sst s7  }
0x10: {  	[smem:$0x3FB0] =	sst s8  }
0x11: {  	[smem:$0x3FB1] =	sst s9;
	s0 =	simm.s32 @!p0 $0x0  }
0x12: {  	s1 =	sld [smem:$0x3F97];
	s0 =	simm.s32 @p0 $0x1  }
0x13: {  	[smem:$0x3FB2] =	sst s0;
	s0 =	simm.s32 @!p1 $0x0  }
0x14: {  	s2 =	sld [smem:$0x3F96];
	s0 =	simm.s32 @p1 $0x1  }
0x15: {  	[smem:$0x3FB3] =	sst s0;
	s0 =	simm.s32 @!p2 $0x0  }
0x16: {  	s3 =	sld [smem:$0x3FDB];
	s0 =	simm.s32 @p2 $0x1  }
0x17: {  	s4 =	simm.s32 $0x1BF5;
	[smem:$0x3FB5] =	sst s0  }
0x18: {  	s0 =	sld [smem:$0x3F98];
	_ =	swait.ge [sflag:s4], $0x0  }
0x19: {  	s7 =	sld [smem:$0x3F99]  }
0x1a: {  	s8 =	sadd.s32 $0xFFFFE003, lr  }
0x1b: {  	s9 =	sadd.s32 $0xFFFFFEF7, lr;
	s5 =	simm.s32 $0xFFFFFFFF;
	p2 =	slt.u32 s8, $0xFFFFF086  }
0x1c: {  	p1 =	slt.u32 s9, $0xF7A;
	s5 =	simm.s32 @!p2 $0x0  }
0x1d: {  	s5 =	simm.s32 @p1 $0x1;
	p0 =	seq.s32 s7, s2  }
0x1e: {  	s7 =	smul.u32 @!p0 $0xF7A, s2;
	p2 =	seq.s32 @!p0 s5, $0x0  }
0x1f: {  	s9 =	smul.u32 $0xF7A, s1;
	s8 =	simm.s32 @!p0 $0x1BF5;
	p2 =	por !p2, p0  }
0x20: {  	[sflag:s8] =	ssyncset.s32 @!p0 $0xFFFFF086;
	s6 =	sadd.s32 @!p0 s3, s7;
	s7 =	simm.s32 @!p0 $0x108  }
0x21: {  	s3 =	sadd.s32 s3, s9;
	s6 =	sadd.s32 @!p0 $0x88, s6;
	s7 =	simm.s32 @p2 $0x1082  }
0x22: {  	[simem:s7], [sflag:s8] =	dma.local @!p0 [hbm:s6], $0xF7A  }
0x23: {  	s9 =	sor.u32 $0xD0000000, s2;
	s6 =	simm.s32 $0x108;
	_ =	swait.ge @!p0 [sflag:s8], $0x0  }
0x24: {  	s3 =	sadd.s32 $0x88, s3;
	s6 =	simm.s32 @!p1 $0x1082;
	[sflag:s4] =	ssyncset.s32 $0xFFFFF086  }
0x25: {  	[simem:s6], [sflag:s4] =	dma.local [hbm:s3], $0xF7A  }
0x26: {  	[smem:$0x3F99] =	sst s1;
	(tag) =	ssettag s2;
	_ =	strace s9  }
0x27: {  	s1 =	sld [smem:$0x3FA9]  }
0x28: {  	s2 =	sld [smem:$0x3FAA]  }
0x29: {  	s4 =	sld [smem:$0x3FAC]  }
0x2a: {  	p0 =	seq.s32 s5, $0x0;
	s5 =	sld [smem:$0x3FAD]  }
0x2b: {  	s6 =	sld [smem:$0x3FAE]  }
0x2c: {  	s7 =	sld [smem:$0x3FAF]  }
0x2d: {  	s3 =	simm.s32 $0x108;
	s8 =	sld [smem:$0x3FB0]  }
0x2e: {  	s3 =	simm.s32 @!p0 $0x1082;
	s9 =	sld [smem:$0x3FB1]  }
0x2f: {  	lr =	sadd.s32 s0, s3;
	s0 =	sld [smem:$0x3FA8]  }
0x30: {  	s3 =	sld [smem:$0x3FAB]  }
0x31: {  	[smem:$0x3FB4] =	sst s10  }
0x32: {  	s10 =	sld [smem:$0x3FB2];
	_ =	sdelay $0x3  }
0x33: {  	p0 =	seq.s32 s10, $0x1;
	s10 =	sld [smem:$0x3FB4];
	_ =	sdelay $0x3  }
0x34: {  	[smem:$0x3FB4] =	sst s10  }
0x35: {  	s10 =	sld [smem:$0x3FB3];
	_ =	sdelay $0x3  }
0x36: {  	p1 =	seq.s32 s10, $0x1;
	s10 =	sld [smem:$0x3FB4];
	_ =	sdelay $0x3  }
0x37: {  	[smem:$0x3FB4] =	sst s10  }
0x38: {  	s10 =	sld [smem:$0x3FB5]  }
0x39: {  	_ = 	snop;
	(pc) =	sbr.ind lr, $3  }
0x3a: {  	_ = 	snop  }
0x3b: {  	_ = 	snop  }
0x3c: {  	p2 =	seq.s32 s10, $0x1;
	s10 =	sld [smem:$0x3FB4]  }
0x3d: {  	_ =	shalt  }
0x3e: {  	_ =	shalt  }
0x3f: {  	_ =	shalt  }
0x40: {  	_ =	shalt  }
0x41: {  	_ =	shalt  }
0x42: {  	_ =	shalt  }
0x43: {  	_ =	shalt  }
0x44: {  	_ =	shalt  }
0x45: {  	_ =	shalt  }
0x46: {  	_ =	shalt  }
0x47: {  	_ =	shalt  }
0x48: {  	_ =	shalt  }
0x49: {  	_ =	shalt  }
0x4a: {  	_ =	shalt  }
0x4b: {  	_ =	shalt  }
0x4c: {  	_ =	shalt  }
0x4d: {  	_ =	shalt  }
0x4e: {  	_ =	shalt  }
0x4f: {  	_ =	shalt  }
0x50: {  	_ =	shalt  }
0x51: {  	_ =	shalt  }
0x52: {  	_ =	shalt  }
0x53: {  	_ =	shalt  }
0x54: {  	_ =	shalt  }
0x55: {  	_ =	shalt  }
0x56: {  	_ =	shalt  }
0x57: {  	_ =	shalt  }
0x58: {  	_ =	shalt  }
0x59: {  	_ =	shalt  }
0x5a: {  	_ =	shalt  }
0x5b: {  	_ =	shalt  }
0x5c: {  	_ =	shalt  }
0x5d: {  	_ =	shalt  }
0x5e: {  	_ =	shalt  }
0x5f: {  	_ =	shalt  }
0x60: {  	_ =	shalt  }
0x61: {  	_ =	shalt  }
0x62: {  	_ =	shalt  }
0x63: {  	_ =	shalt  }
0x64: {  	_ =	shalt  }
0x65: {  	_ =	shalt  }
0x66: {  	_ =	shalt  }
0x67: {  	_ =	shalt  }
0x68: {  	_ =	shalt  }
0x69: {  	_ =	shalt  }
0x6a: {  	_ =	shalt  }
0x6b: {  	_ =	shalt  }
0x6c: {  	_ =	shalt  }
0x6d: {  	_ =	shalt  }
0x6e: {  	_ =	shalt  }
0x6f: {  	_ =	shalt  }
0x70: {  	_ =	shalt  }
0x71: {  	_ =	shalt  }
0x72: {  	_ =	shalt  }
0x73: {  	_ =	shalt  }
0x74: {  	_ =	shalt  }
0x75: {  	_ =	shalt  }
0x76: {  	_ =	shalt  }
0x77: {  	_ =	shalt  }
0x78: {  	_ =	shalt  }
0x79: {  	_ =	shalt  }
0x7a: {  	_ =	shalt  }
0x7b: {  	_ =	shalt  }
0x7c: {  	_ =	shalt  }
0x7d: {  	_ =	shalt  }
0x7e: {  	_ =	shalt  }
0x7f: {  	_ =	shalt  }
0x80: {  	_ =	shalt  }
0x81: {  	_ =	shalt  }
0x82: {  	_ =	shalt  }
0x83: {  	_ =	shalt  }
0x84: {  	_ =	shalt  }
0x85: {  	_ =	shalt  }
0x86: {  	_ =	shalt  }
0x87: {  	_ =	shalt  }
.Lfunc_end0:
.L_simem_size_0:
called_computation.1_lowered:
.L_overlay_start_0:
0x88: {  	s2 =	sld [smem:$0x3FD9]  }
0x89: {  	s3 =	sld [smem:$0x3FFE];
	_ =	sdelay $0x1  }
0x8a: {  	s1 =	srdreg.scid  }
0x8b: {  	s0 =	sand.u32 $0x1, s1  }
0x8c: {  	s17 =	sshll.u32 s0, $0xA;
	s2 =	sadd.s32 s3, s2  }
0x8d: {  	s2 =	sadd.s32 s2, s17  }
0x8e: {  	[smem:$0x3FC0] =	sst s2  }
0x8f: {  	_ = 	snop  }
0x90: {  	s2 =	sld [smem:$0x3FD0];
	(tm) =	ssettm $0x1  }
0x91: {  	s18 =	sld [smem:$0x3FFB];
	_ =	sdelay $0x3  }
0x92: {  	_ =	strace s18  }
0x93: {  	s3 =	sld [smem:$0x3FFC];
	_ =	sdelay $0x3  }
0x94: {  	_ =	strace s3  }
0x95: {  	s3 =	sld [smem:$0x3FFD];
	_ =	sdelay $0x3  }
0x96: {  	_ =	strace s3  }
0x97: {  	_ =	strace $0x8FFFFFFF  }
0x98: {  	s19 =	sld [smem:$0x3FDB];
	_ =	sdelay $0x1  }
0x99: {  	s4 =	simm.s32 $_scs_section_size  }
0x9a: {  	s5 =	simm.s32 $_size__tile_overlayer_lowered;
	s6 =	simm.s32 $_tile_overlayer_lowered  }
0x9b: {  	s22 =	simm.s32 $0x1BFF;
	s21 =	sshll.u32 s6, $0x1;
	s3 =	sadd.s32 s4, s19  }
0x9c: {  	s7 =	simm.s32 $0x0;
	s20 =	sshll.u32 s5, $0x1;
	s5 =	sadd.s32 s21, s3  }
0x9d: {  	[timem:s7], [sflag:s22] =	dma.local [hbm:s5], s20  }
0x9e: {  	_ =	swait.ge [sflag:s22], s20  }
0x9f: {  	s4 =	ssub.s32 $0x0, s20;
	[sflag:s22] =	ssyncset.done $0x0  }
0xa0: {  	[sflag:s22] =	ssyncadd.s32 s4;
	_ =	sdelay $0x1  }
0xa1: {  	s23 =	simm.s32 $0x1B8B  }
0xa2: {  	_ =	swait.ge [sflag:s23], $0x1  }
0xa3: {  	[sflag:s23] =	ssyncset.done $0x0  }
0xa4: {  	s25 =	simm.s32 $0x1B8E;
	s24 =	sld [smem:$0x3FFE];
	[sflag:s23] =	ssyncadd.s32 $0xFFFFFFFF  }
0xa5: {  	s26 =	simm.s32 $execute0_lowered;
	[smem:$0x3FD2] =	sst s25  }
0xa6: {  	s5 =	sshll.u32 s26, $0x1;
	_ =	strace $0x80000049;
	[dreg:$0x1] =	wrdreg $0xFFFFFFFF  }
0xa7: {  	s28 =	simm.s32 $_size_execute0_lowered;
	s3 =	sadd.s32 s3, s5;
	[dreg:$0x0] =	wrdreg $0x0  }
0xa8: {  	s5 =	sshll.u32 s28, $0x1;
	[dreg:$0x2] =	wrdreg s3  }
0xa9: {  	[dreg:$0x3] =	wrdreg s5  }
0xaa: {  	[dreg:$0x4] =	wrdreg $0xC0  }
0xab: {  	_ =	task [dreg:s7], $0x5FFFF  }
0xac: {  	[dreg:$0x1] =	wrdreg $0xFFFFFFFF  }
0xad: {  	[dreg:$0x0] =	wrdreg $0x60  }
0xae: {  	[dreg:$0x2] =	wrdreg s2  }
0xaf: {  	[dreg:$0x3] =	wrdreg s24  }
0xb0: {  	[dreg:$0x4] =	wrdreg $0xA2000  }
0xb1: {  	[dreg:$0x5] =	wrdreg $0x9  }
0xb2: {  	_ =	task.clear_ibuf [dreg:s7], $0x6FFFF;
	_ =	strace $0x90000049  }
0xb3: {  	s29 =	simm.s32 $0x9;
	_ =	strace $0x8000004B  }
0xb4: {  	_ =	swait.ge [sflag:s29], $0x1  }
0xb5: {  	[sflag:s29] =	ssyncadd.s32 $0xFFFFFFFF  }
0xb6: {  	_ =	strace $0x9000004B  }
0xb7: {  	_ =	sfence  }
0xb8: {  	s30 =	sld [smem:$0x0];
	_ =	sdelay $0x2  }
0xb9: {  	s31 =	sshll.u32 s1, $0xD;
	s1 =	sshrl.u32 s1, $0x2  }
0xba: {  	s3 =	sand.u32 $0x4000, s31;
	s1 =	sadd.s32 s1, s30  }
0xbb: {  	s0 =	sor.u32 s3, s0;
	s1 =	sshll.u32 s1, $0x11  }
0xbc: {  	s0 =	sor.u32 s1, s0  }
0xbd: {  	s0 =	sadd.s32 $0x8F2B, s0  }
0xbe: {  	[sflag:s0] =	ssyncadd.remote.s32 $0x1  }
0xbf: {  	_ =	sfence.sel $0xFFFF  }
0xc0: {  	[dreg:$0x0] =	wrdreg $0xFFFFFFFF;
	(pc) =	sbr.abs _section_cstart, $3  }
0xc1: {  	[dreg:$0x1] =	wrdreg $0xFFFFFFFF  }
0xc2: {  	_ =	task.clear_ibuf [dreg:s7], $0x2FFFF;
	_ =	strace $0x9FFFFFFF  }
0xc3: {  	(tm) =	ssettm $0x7FFFFFFF  }
tec
execute0_lowered:
.L_overlay_start_1:
0x0: {  	(tag) =	ssettag $0x1  }
0x1: {  	s1 =	rddreg [dreg:$0x0]  }
0x2: {  	s0 =	rddreg [dreg:$0x1];
	s20 =	stileid.u32  }
0x3: {  	s3 =	rddreg [dreg:$0x2];
	s2 =	smul.u32 $0xA80, s20  }
0x4: {  	s4 =	simm.s32 $0x0;
	s24 =	srdreg.scid;
	s7 =	smul.u32 $0x500, s20  }
0x5: {  	[smem:$0x7FF] =	sst s4;
	s8 =	smul.u32 $0xA000, s20;
	s9 =	sor.u32 $0x10, s20  }
0x6: {  	s5 =	sadd.s32 $0x5200, s0;
	s22 =	sadd.s32 $0x62E00, s0;
	s16 =	smul.u32 $0x500, s9  }
0x7: {  	s12 =	sor.u32 $0x20, s20;
	s23 =	sadd.s32 $0x8A000, s0;
	s9 =	smul.u32 $0xA000, s9  }
0x8: {  	_ =	strace $0x8000004A;
	s18 =	smul.u32 $0x500, s12;
	[dreg:$0x4] =	wrdreg s22  }
0x9: {  	s13 =	sor.u32 $0x40, s20;
	s26 =	smul.u32 $0xA000, s12;
	[dreg:$0x5] =	wrdreg s23  }
0xa: {  	s6 =	sadd.s32 s2, s0;
	s2 =	sand.u32 $0x1, s24;
	s12 =	sshrl.u32 s8, $0x2  }
0xb: {  	s10 =	ssub.s32 $0x2, s2;
	p0 =	seq.s32 s2, $0x1;
	s14 =	sshrl.u32 s9, $0x2  }
0xc: {  	s9 =	sadd.s32 s12, s3;
	s2 =	sshrl.u32 s26, $0x2;
	s26 =	sadd.s32 s1, s7  }
0xd: {  	s11 =	sshrl.u32 s10, $0x1;
	[dreg:$0x8] =	wrdreg s26;
	s26 =	sadd.s32 s1, s16  }
0xe: {  	s25 =	ssub.s32 s10, s11;
	s11 =	sor.u32 $0x30, s20;
	s10 =	sadd.s32 s14, s3  }
0xf: {  	s14 =	sor.u32 $0x50, s20;
	[dreg:$0xc] =	wrdreg s26;
	s8 =	smul.u32 $0x500, s11  }
0x10: {  	s26 =	sadd.s32 s1, s18;
	s0 =	smax.u32 s25, $0x1;
	s15 =	smul.u32 $0xA000, s11  }
0x11: {  	s11 =	sadd.s32 s2, s3;
	s21 =	smul.u32 $0xA000, s14;
	[dreg:$0x10] =	wrdreg s26  }
0x12: {  	s19 =	smul.u32 $0x500, s14;
	[dreg:$0x6] =	wrdreg s0;
	s17 =	sshrl.u32 s15, $0x2  }
0x13: {  	s15 =	sor.u32 $0x60, s20;
	s20 =	sor.u32 $0x70, s20;
	s2 =	sshrl.u32 s21, $0x2  }
0x14: {  	s26 =	sadd.s32 s22, s8;
	s12 =	sadd.s32 s17, s3;
	s17 =	smul.u32 $0xA000, s15  }
0x15: {  	s21 =	smul.u32 $0xA000, s20;
	p1 =	sgt.u32 s20, $0x7C;
	p2 =	slt.u32 s20, $0x7D  }
0x16: {  	s20 =	smul.u32 $0x500, s20;
	[dreg:$0x15] =	wrdreg s26;
	s26 =	sadd.s32 s1, s19  }
0x17: {  	s14 =	sadd.s32 s2, s3;
	s2 =	smul.u32 $0x500, s15;
	[dreg:$0x1c] =	wrdreg s26  }
0x18: {  	s25 =	sshrl.u32 s21, $0x2;
	s21 =	sadd.s32 s22, s16;
	[dreg:$0x7] =	wrdreg s20  }
0x19: {  	s24 =	sshrl.u32 s17, $0x2;
	s26 =	sadd.s32 s5, s20;
	[dreg:$0xd] =	wrdreg s21  }
0x1a: {  	s15 =	sadd.s32 s24, s3;
	s24 =	sadd.s32 s22, s7;
	[smem:$0x7FD] =	sst s26  }
0x1b: {  	s17 =	sadd.s32 s25, s3;
	s25 =	sadd.s32 s5, s7;
	[dreg:$0x9] =	wrdreg s24  }
0x1c: {  	s7 =	sadd.s32 s23, s7;
	[dreg:$0xa] =	wrdreg s25  }
0x1d: {  	s21 =	sadd.s32 s5, s18;
	[dreg:$0xb] =	wrdreg s7  }
0x1e: {  	s24 =	sadd.s32 s5, s16;
	[dreg:$0x12] =	wrdreg s21  }
0x1f: {  	s0 =	smul.u32 $0x500, s13;
	s25 =	sadd.s32 s23, s16;
	[dreg:$0xe] =	wrdreg s24  }
0x20: {  	s16 =	sadd.s32 s22, s18;
	[dreg:$0xf] =	wrdreg s25  }
0x21: {  	s21 =	sadd.s32 s1, s0;
	[dreg:$0x11] =	wrdreg s16  }
0x22: {  	s7 =	sadd.s32 s22, s19;
	[dreg:$0x18] =	wrdreg s21  }
0x23: {  	s24 =	sadd.s32 s23, s18;
	[dreg:$0x1d] =	wrdreg s7  }
0x24: {  	s25 =	sadd.s32 s1, s8;
	[dreg:$0x13] =	wrdreg s24  }
0x25: {  	s16 =	sadd.s32 s5, s8;
	[dreg:$0x14] =	wrdreg s25  }
0x26: {  	s18 =	sadd.s32 s23, s8;
	[dreg:$0x16] =	wrdreg s16  }
0x27: {  	s28 =	simm.s32 $0x100;
	s8 =	sadd.s32 s5, s19;
	[dreg:$0x17] =	wrdreg s18  }
0x28: {  	s29 =	simm.s32 $0x3E00;
	s21 =	sadd.s32 s5, s2;
	[dreg:$0x1e] =	wrdreg s8  }
0x29: {  	s30 =	simm.s32 $0x1;
	s24 =	sadd.s32 s22, s0;
	[smem:$0x7F8] =	sst s21  }
0x2a: {  	s13 =	smul.u32 $0xA000, s13;
	s25 =	sadd.s32 s5, s0;
	[dreg:$0x19] =	wrdreg s24  }
0x2b: {  	s31 =	simm.s32 $0x80;
	s0 =	sadd.s32 s23, s0;
	[dreg:$0x1a] =	wrdreg s25  }
0x2c: {  	s13 =	sshrl.u32 s13, $0x2;
	s16 =	sadd.s32 s23, s19;
	[dreg:$0x1b] =	wrdreg s0  }
0x2d: {  	s13 =	sadd.s32 s13, s3;
	s18 =	sadd.s32 s1, s2;
	[dreg:$0x1f] =	wrdreg s16  }
0x2e: {  	s26 =	simm.s32 $0x200;
	s19 =	sadd.s32 s22, s2;
	[smem:$0x7F6] =	sst s18  }
0x2f: {  	s7 =	simm.s32 $0x0;
	s22 =	sadd.s32 s23, s2;
	[smem:$0x7F7] =	sst s19  }
0x30: {  	s23 =	sadd.s32 $0x58620, s6;
	s21 =	simm.s32 $0x2;
	[smem:$0x7F9] =	sst s22  }
.Ltmp0:
0x31: {  	s0 =	sadd.s32 $0x58600, s6;
	[smem:$0x7FA] =	sst s23;
	(pc) =	sbr.rel .LBB2_1-.Ltmp0, $4  }
0x32: {  	s24 =	sadd.s32 $0x58640, s6;
	s19 =	sadd.s32 $0x59060, s6;
	s25 =	sadd.s32 s1, s20  }
0x33: {  	s22 =	simm.s32 $0x7A00;
	s23 =	simm.s32 $0x6;
	s20 =	simm.s32 $0x3  }
0x34: {  	s16 =	simm.s32 $0x180;
	s6 =	simm.s32 $0x4;
	[smem:$0x7FB] =	sst s24  }
0x35: {  	[smem:$0x7FC] =	sst s25;
	s24 =	simm.s32 $0x5;
	s25 =	simm.s32 $0x78  }
.LBB2_8:
0x36: {  	[tilespmem:s22], [sflag:$0x6] =	stream.linear.gather [spmem:s17], $0x2800, $0x38;
	[tilespmem:$0x1DAC0] =	vst v63  }
0x37: {  	_ =	swait.ge [sflag:s23], $0x2800  }
0x38: {  	[sflag:s23] =	ssyncset.done $0x0;
	s2 =	rddreg [dreg:$0x7]  }
0x39: {  	s2 =	sadd.s32 s8, s2;
	[sflag:s23] =	ssyncadd.s32 $0xFFFFD800  }
0x3a: {  	[hbm4b:s2+s4] =	stream.linear.scatter [tilespmem:s22], [sflag:$0x5], $0x2800, $0x38;
	[tilespmem:$0x1DAC0] =	vst v63  }
0x3b: {  	_ =	swait.ge [sflag:s24], $0x2800  }
0x3c: {  	[sflag:s24] =	ssyncset.done $0x0  }
0x3d: {  	[sflag:s24] =	ssyncadd.s32 $0xFFFFD800  }
.LBB2_9:
0x3e: {  	s7 =	sadd.s32 $0x1, s7;
	s2 =	rddreg [dreg:$0x6]  }
0x3f: {  	p3 =	sne.s32 s7, s2  }
.Ltmp1:
0x40: {  	_ = 	snop;
	(pc) =	sbr.rel @!p3 .LBB2_10-.Ltmp1, $2  }
0x41: {  	_ =	sdelay $0x1  }
0x42: {  	[bflag:$0x0] =	sbarrier.arrive $0xFFFF;
	_ =	sdelay $0x1  }
.LBB2_1:
.Ltmp2:
0x43: {  	(pc) =	sbr.rel @!p0 .LBB2_2-.Ltmp2, $1  }
0x44: {  	_ =	sdelay $0x3  }
0x45: {  	s2 =	rddreg [dreg:$0xa]  }
0x46: {  	[tilespmem:s22], [sflag:$0x6] =	stream.linear.gather [hbm4b:s2+s4], $0x2800, $0x38;
	[tilespmem:$0x1DAC0] =	vst v63  }
0x47: {  	_ =	swait.ge [sflag:s23], $0x2800  }
0x48: {  	[sflag:s23] =	ssyncset.done $0x0  }
0x49: {  	[sflag:s23] =	ssyncadd.s32 $0xFFFFD800  }
0x4a: {  	[spmem:s9] =	stream.linear.scatter [tilespmem:s22], [sflag:$0x5], $0x2800, $0x38;
	[tilespmem:$0x1DAC0] =	vst v63  }
0x4b: {  	_ =	swait.ge [sflag:s24], $0x2800  }
0x4c: {  	[sflag:s24] =	ssyncset.done $0x0  }
0x4d: {  	s18 =	rddreg [dreg:$0xe];
	[sflag:s24] =	ssyncadd.s32 $0xFFFFD800  }
0x4e: {  	[tilespmem:s22], [sflag:$0x6] =	stream.linear.gather [hbm4b:s18+s4], $0x2800, $0x38;
	[tilespmem:$0x1DAC0] =	vst v63  }
0x4f: {  	_ =	swait.ge [sflag:s23], $0x2800  }
0x50: {  	[sflag:s23] =	ssyncset.done $0x0  }
0x51: {  	[sflag:s23] =	ssyncadd.s32 $0xFFFFD800  }
0x52: {  	[spmem:s10] =	stream.linear.scatter [tilespmem:s22], [sflag:$0x5], $0x2800, $0x38;
	[tilespmem:$0x1DAC0] =	vst v63  }
0x53: {  	_ =	swait.ge [sflag:s24], $0x2800  }
0x54: {  	[sflag:s24] =	ssyncset.done $0x0  }
0x55: {  	s8 =	rddreg [dreg:$0x12];
	[sflag:s24] =	ssyncadd.s32 $0xFFFFD800  }
0x56: {  	[tilespmem:s22], [sflag:$0x6] =	stream.linear.gather [hbm4b:s8+s4], $0x2800, $0x38;
	[tilespmem:$0x1DAC0] =	vst v63  }
0x57: {  	_ =	swait.ge [sflag:s23], $0x2800  }
0x58: {  	[sflag:s23] =	ssyncset.done $0x0  }
0x59: {  	[sflag:s23] =	ssyncadd.s32 $0xFFFFD800  }
0x5a: {  	[spmem:s11] =	stream.linear.scatter [tilespmem:s22], [sflag:$0x5], $0x2800, $0x38;
	[tilespmem:$0x1DAC0] =	vst v63  }
0x5b: {  	_ =	swait.ge [sflag:s24], $0x2800  }
0x5c: {  	[sflag:s24] =	ssyncset.done $0x0  }
0x5d: {  	s18 =	rddreg [dreg:$0x16];
	[sflag:s24] =	ssyncadd.s32 $0xFFFFD800  }
0x5e: {  	[tilespmem:s22], [sflag:$0x6] =	stream.linear.gather [hbm4b:s18+s4], $0x2800, $0x38;
	[tilespmem:$0x1DAC0] =	vst v63  }
0x5f: {  	_ =	swait.ge [sflag:s23], $0x2800  }
0x60: {  	[sflag:s23] =	ssyncset.done $0x0  }
0x61: {  	[sflag:s23] =	ssyncadd.s32 $0xFFFFD800  }
0x62: {  	[spmem:s12] =	stream.linear.scatter [tilespmem:s22], [sflag:$0x5], $0x2800, $0x38;
	[tilespmem:$0x1DAC0] =	vst v63  }
0x63: {  	_ =	swait.ge [sflag:s24], $0x2800  }
0x64: {  	[sflag:s24] =	ssyncset.done $0x0  }
0x65: {  	s8 =	rddreg [dreg:$0x1a];
	[sflag:s24] =	ssyncadd.s32 $0xFFFFD800  }
0x66: {  	[tilespmem:s22], [sflag:$0x6] =	stream.linear.gather [hbm4b:s8+s4], $0x2800, $0x38;
	[tilespmem:$0x1DAC0] =	vst v63  }
0x67: {  	_ =	swait.ge [sflag:s23], $0x2800  }
0x68: {  	[sflag:s23] =	ssyncset.done $0x0  }
0x69: {  	[sflag:s23] =	ssyncadd.s32 $0xFFFFD800  }
0x6a: {  	[spmem:s13] =	stream.linear.scatter [tilespmem:s22], [sflag:$0x5], $0x2800, $0x38;
	[tilespmem:$0x1DAC0] =	vst v63  }
0x6b: {  	_ =	swait.ge [sflag:s24], $0x2800  }
0x6c: {  	[sflag:s24] =	ssyncset.done $0x0  }
0x6d: {  	s18 =	rddreg [dreg:$0x1e];
	[sflag:s24] =	ssyncadd.s32 $0xFFFFD800  }
0x6e: {  	[tilespmem:s22], [sflag:$0x6] =	stream.linear.gather [hbm4b:s18+s4], $0x2800, $0x38;
	[tilespmem:$0x1DAC0] =	vst v63  }
0x6f: {  	_ =	swait.ge [sflag:s23], $0x2800  }
0x70: {  	[sflag:s23] =	ssyncset.done $0x0  }
0x71: {  	[sflag:s23] =	ssyncadd.s32 $0xFFFFD800  }
0x72: {  	[spmem:s14] =	stream.linear.scatter [tilespmem:s22], [sflag:$0x5], $0x2800, $0x38;
	[tilespmem:$0x1DAC0] =	vst v63  }
0x73: {  	_ =	swait.ge [sflag:s24], $0x2800  }
0x74: {  	s8 =	sld [smem:$0x7F8]  }
0x75: {  	[sflag:s24] =	ssyncset.done $0x0  }
0x76: {  	[sflag:s24] =	ssyncadd.s32 $0xFFFFD800  }
0x77: {  	[tilespmem:s22], [sflag:$0x6] =	stream.linear.gather [hbm4b:s8+s4], $0x2800, $0x38;
	[tilespmem:$0x1DAC0] =	vst v63  }
0x78: {  	_ =	swait.ge [sflag:s23], $0x2800  }
0x79: {  	[sflag:s23] =	ssyncset.done $0x0  }
0x7a: {  	[sflag:s23] =	ssyncadd.s32 $0xFFFFD800  }
0x7b: {  	[spmem:s15] =	stream.linear.scatter [tilespmem:s22], [sflag:$0x5], $0x2800, $0x38;
	[tilespmem:$0x1DAC0] =	vst v63  }
0x7c: {  	_ =	swait.ge [sflag:s24], $0x2800  }
0x7d: {  	s18 =	sld [smem:$0x7FD]  }
0x7e: {  	[sflag:s24] =	ssyncset.done $0x0  }
0x7f: {  	s2 =	simm.s32 @!p1 $0x0;
	s8 =	simm.s32 @!p1 $0x7A00;
	[sflag:s24] =	ssyncadd.s32 $0xFFFFD800  }
0x80: {  	[tilespmem:s8], [sflag:$0x6] =	stream.linear.gather @!p1 [hbm4b:s18+s2], $0x2800, $0x38;
	[tilespmem:$0x1DAC0] =	vst v63  }
0x81: {  	s2 =	simm.s32 @!p1 $0x6  }
0x82: {  	_ =	swait.ge @!p1 [sflag:s2], $0x2800  }
0x83: {  	[sflag:s2] =	ssyncset.done @!p1 $0x0  }
0x84: {  	[sflag:s2] =	ssyncadd.s32 @!p1 $0xFFFFD800;
	s2 =	simm.s32 @!p1 $0x5  }
0x85: {  	[spmem:s17] =	stream.linear.scatter @!p1 [tilespmem:s8], [sflag:$0x5], $0x2800, $0x38;
	[tilespmem:$0x1DAC0] =	vst v63  }
0x86: {  	_ =	swait.ge @!p1 [sflag:s2], $0x2800  }
0x87: {  	[sflag:s2] =	ssyncset.done @!p1 $0x0  }
0x88: {  	[sflag:s2] =	ssyncadd.s32 @!p1 $0xFFFFD800  }
0x89: {  	[bflag:$0x0] =	sbarrier.arrive $0xFFFF  }
0x8a: {  	[tilespmem:s4], [sflag:$0x5] =	stream.linear.gather [hbm4b:s0+s4], $0x100, $0x38;
	[tilespmem:$0x1DAC0] =	vst v63  }
0x8b: {  	_ =	swait.ge [sflag:s24], $0x100  }
0x8c: {  	[sflag:s24] =	ssyncset.done $0x0  }
0x8d: {  	s18 =	sld [smem:$0x7FA];
	[sflag:s24] =	ssyncadd.s32 $0xFFFFFF00  }
0x8e: {  	[tilespmem:s26], [sflag:$0x1] =	stream.indirect.gather [hbm4b:s5+s25], $0x80, s4, s25, $0xb8;
	[tilespmem:$0x1DAC0] =	vst v63  }
0x8f: {  	_ = 	snop  }
0x90: {  	[tilespmem:s28], [sflag:$0x5] =	stream.linear.gather [hbm4b:s18+s4], $0x100, $0x38;
	[tilespmem:$0x1DAC0] =	vst v63  }
0x91: {  	_ =	swait.ge [sflag:s24], $0x100  }
0x92: {  	[sflag:s24] =	ssyncset.done $0x0  }
0x93: {  	[sflag:s24] =	ssyncadd.s32 $0xFFFFFF00  }
0x94: {  	[tilespmem:s29], [sflag:$0x2] =	stream.indirect.gather [hbm4b:s5+s25], $0x80, s28, s25, $0xb8;
	[tilespmem:$0x1DAC0] =	vst v63  }
0x95: {  	_ =	swait.ge [sflag:s30], $0x3C00  }
0x96: {  	[sflag:s30] =	ssyncset.done $0x0  }
0x97: {  	[sflag:s30] =	ssyncadd.s32 $0xFFFFC400  }
0x98: {  	[spmem:s3] =	stream.indirect.scatter.add.f32 [tilespmem:s26], [sflag:$0x3], $0x80, s31, s25, $0xb8;
	[tilespmem:$0x1DAC0] =	vst v63  }
0x99: {  	_ =	swait.ge [sflag:s20], $0x3C00  }
0x9a: {  	s8 =	sld [smem:$0x7FB]  }
0x9b: {  	[sflag:s20] =	ssyncset.done $0x0  }
0x9c: {  	[sflag:s20] =	ssyncadd.s32 $0xFFFFC400  }
0x9d: {  	[tilespmem:s4], [sflag:$0x5] =	stream.linear.gather [hbm4b:s8+s4], $0x100, $0x38;
	[tilespmem:$0x1DAC0] =	vst v63  }
0x9e: {  	_ =	swait.ge [sflag:s24], $0x100  }
0x9f: {  	[sflag:s24] =	ssyncset.done $0x0  }
0xa0: {  	[sflag:s24] =	ssyncadd.s32 $0xFFFFFF00  }
0xa1: {  	[tilespmem:s26], [sflag:$0x1] =	stream.indirect.gather [hbm4b:s5+s25], $0x80, s4, s25, $0xb8;
	[tilespmem:$0x1DAC0] =	vst v63  }
0xa2: {  	_ =	swait.ge [sflag:s21], $0x3C00  }
0xa3: {  	[sflag:s21] =	ssyncset.done $0x0  }
0xa4: {  	[sflag:s21] =	ssyncadd.s32 $0xFFFFC400  }
0xa5: {  	[spmem:s3] =	stream.indirect.scatter.add.f32 [tilespmem:s29], [sflag:$0x4], $0x80, s16, s25, $0xb8;
	[tilespmem:$0x1DAC0] =	vst v63  }
0xa6: {  	_ =	swait.ge [sflag:s6], $0x3C00  }
0xa7: {  	s2 =	sadd.s32 $0xFFFFF600, s0;
	[sflag:s6] =	ssyncset.done $0x0  }
0xa8: {  	s18 =	sadd.s32 $0xA60, s2;
	[sflag:s6] =	ssyncadd.s32 $0xFFFFC400  }
0xa9: {  	[tilespmem:s28], [sflag:$0x5] =	stream.linear.gather [hbm4b:s18+s4], $0x100, $0x38;
	[tilespmem:$0x1DAC0] =	vst v63  }
0xaa: {  	_ =	swait.ge [sflag:s24], $0x100  }
0xab: {  	[sflag:s24] =	ssyncset.done $0x0  }
0xac: {  	[sflag:s24] =	ssyncadd.s32 $0xFFFFFF00  }
0xad: {  	[tilespmem:s29], [sflag:$0x2] =	stream.indirect.gather [hbm4b:s5+s25], $0x80, s28, s25, $0xb8;
	[tilespmem:$0x1DAC0] =	vst v63  }
0xae: {  	_ =	swait.ge [sflag:s30], $0x3C00  }
0xaf: {  	[sflag:s30] =	ssyncset.done $0x0  }
0xb0: {  	[sflag:s30] =	ssyncadd.s32 $0xFFFFC400  }
0xb1: {  	[spmem:s3] =	stream.indirect.scatter.add.f32 [tilespmem:s26], [sflag:$0x3], $0x80, s31, s25, $0xb8;
	[tilespmem:$0x1DAC0] =	vst v63  }
0xb2: {  	_ =	swait.ge [sflag:s20], $0x3C00  }
0xb3: {  	[sflag:s20] =	ssyncset.done $0x0  }
0xb4: {  	s2 =	sadd.s32 $0xA80, s2;
	[sflag:s20] =	ssyncadd.s32 $0xFFFFC400  }
0xb5: {  	[tilespmem:s4], [sflag:$0x5] =	stream.linear.gather [hbm4b:s2+s4], $0x100, $0x38;
	[tilespmem:$0x1DAC0] =	vst v63  }
0xb6: {  	_ =	swait.ge [sflag:s24], $0x100  }
0xb7: {  	[sflag:s24] =	ssyncset.done $0x0  }
0xb8: {  	[sflag:s24] =	ssyncadd.s32 $0xFFFFFF00  }
0xb9: {  	[tilespmem:s26], [sflag:$0x1] =	stream.indirect.gather [hbm4b:s5+s25], $0x80, s4, s25, $0xb8;
	[tilespmem:$0x1DAC0] =	vst v63  }
0xba: {  	_ =	swait.ge [sflag:s21], $0x3C00  }
0xbb: {  	[sflag:s21] =	ssyncset.done $0x0  }
0xbc: {  	s8 =	simm.s32 $0xFFFFF640;
	[sflag:s21] =	ssyncadd.s32 $0xFFFFC400  }
.LBB2_6:
0xbd: {  	[spmem:s3] =	stream.indirect.scatter.add.f32 [tilespmem:s29], [sflag:$0x4], $0x80, s16, s25, $0xb8;
	[tilespmem:$0x1DAC0] =	vst v63  }
0xbe: {  	s2 =	smov.u32 s8  }
0xbf: {  	p3 =	sne.s32 s8, $0xFFFFFFC0;
	s8 =	sadd.s32 $0x40, s8;
	_ =	swait.ge [sflag:s6], $0x3C00  }
0xc0: {  	s2 =	sadd.s32 s2, s0;
	[sflag:s6] =	ssyncset.done $0x0  }
0xc1: {  	s18 =	sadd.s32 $0xA60, s2;
	[sflag:s6] =	ssyncadd.s32 $0xFFFFC400  }
0xc2: {  	[tilespmem:s28], [sflag:$0x5] =	stream.linear.gather [hbm4b:s18+s4], $0x100, $0x38;
	[tilespmem:$0x1DAC0] =	vst v63  }
0xc3: {  	_ =	swait.ge [sflag:s24], $0x100  }
0xc4: {  	[sflag:s24] =	ssyncset.done $0x0  }
0xc5: {  	[sflag:s24] =	ssyncadd.s32 $0xFFFFFF00  }
0xc6: {  	[tilespmem:s29], [sflag:$0x2] =	stream.indirect.gather [hbm4b:s5+s25], $0x80, s28, s25, $0xb8;
	[tilespmem:$0x1DAC0] =	vst v63  }
0xc7: {  	_ =	swait.ge [sflag:s30], $0x3C00  }
0xc8: {  	[sflag:s30] =	ssyncset.done $0x0  }
0xc9: {  	[sflag:s30] =	ssyncadd.s32 $0xFFFFC400  }
0xca: {  	[spmem:s3] =	stream.indirect.scatter.add.f32 [tilespmem:s26], [sflag:$0x3], $0x80, s31, s25, $0xb8;
	[tilespmem:$0x1DAC0] =	vst v63  }
0xcb: {  	_ =	swait.ge [sflag:s20], $0x3C00  }
0xcc: {  	[sflag:s20] =	ssyncset.done $0x0  }
0xcd: {  	s2 =	sadd.s32 $0xA80, s2;
	[sflag:s20] =	ssyncadd.s32 $0xFFFFC400  }
0xce: {  	[tilespmem:s4], [sflag:$0x5] =	stream.linear.gather [hbm4b:s2+s4], $0x100, $0x38;
	[tilespmem:$0x1DAC0] =	vst v63  }
0xcf: {  	_ =	swait.ge [sflag:s24], $0x100  }
0xd0: {  	[sflag:s24] =	ssyncset.done $0x0  }
.Ltmp3:
0xd1: {  	[sflag:s24] =	ssyncadd.s32 $0xFFFFFF00;
	(pc) =	sbr.rel @p3 .LBB2_6-.Ltmp3, $4  }
0xd2: {  	[tilespmem:s26], [sflag:$0x1] =	stream.indirect.gather [hbm4b:s5+s25], $0x80, s4, s25, $0xb8;
	[tilespmem:$0x1DAC0] =	vst v63  }
0xd3: {  	_ =	swait.ge [sflag:s21], $0x3C00  }
0xd4: {  	[sflag:s21] =	ssyncset.done $0x0  }
0xd5: {  	[sflag:s21] =	ssyncadd.s32 $0xFFFFC400  }
0xd6: {  	[spmem:s3] =	stream.indirect.scatter.add.f32 [tilespmem:s29], [sflag:$0x4], $0x80, s16, s25, $0xb8;
	[tilespmem:$0x1DAC0] =	vst v63  }
0xd7: {  	_ =	swait.ge [sflag:s6], $0x3C00  }
0xd8: {  	[sflag:s6] =	ssyncset.done $0x0  }
0xd9: {  	[sflag:s6] =	ssyncadd.s32 $0xFFFFC400  }
0xda: {  	[tilespmem:s28], [sflag:$0x5] =	stream.linear.gather [hbm4b:s19+s4], $0x100, $0x38;
	[tilespmem:$0x1DAC0] =	vst v63  }
0xdb: {  	_ =	swait.ge [sflag:s24], $0x100  }
0xdc: {  	[sflag:s24] =	ssyncset.done $0x0  }
0xdd: {  	[sflag:s24] =	ssyncadd.s32 $0xFFFFFF00  }
0xde: {  	[tilespmem:s29], [sflag:$0x2] =	stream.indirect.gather [hbm4b:s5+s25], $0x80, s28, s25, $0xb8;
	[tilespmem:$0x1DAC0] =	vst v63  }
0xdf: {  	_ =	swait.ge [sflag:s30], $0x3C00  }
0xe0: {  	[sflag:s30] =	ssyncset.done $0x0  }
0xe1: {  	[sflag:s30] =	ssyncadd.s32 $0xFFFFC400  }
0xe2: {  	[spmem:s3] =	stream.indirect.scatter.add.f32 [tilespmem:s26], [sflag:$0x3], $0x80, s31, s25, $0xb8;
	[tilespmem:$0x1DAC0] =	vst v63  }
0xe3: {  	_ =	swait.ge [sflag:s21], $0x3C00  }
0xe4: {  	[sflag:s21] =	ssyncset.done $0x0  }
0xe5: {  	[sflag:s21] =	ssyncadd.s32 $0xFFFFC400  }
0xe6: {  	[spmem:s3] =	stream.indirect.scatter.add.f32 [tilespmem:s29], [sflag:$0x4], $0x80, s16, s25, $0xb8;
	[tilespmem:$0x1DAC0] =	vst v63  }
0xe7: {  	_ =	swait.ge [sflag:s20], $0x3C00  }
0xe8: {  	[sflag:s20] =	ssyncset.done $0x0  }
0xe9: {  	[sflag:s20] =	ssyncadd.s32 $0xFFFFC400  }
0xea: {  	_ =	swait.ge [sflag:s6], $0x3C00  }
0xeb: {  	[sflag:s6] =	ssyncset.done $0x0  }
0xec: {  	[sflag:s6] =	ssyncadd.s32 $0xFFFFC400  }
0xed: {  	[bflag:$0x0] =	sbarrier.arrive $0xFFFF  }
0xee: {  	[tilespmem:s22], [sflag:$0x6] =	stream.linear.gather [spmem:s9], $0x2800, $0x38;
	[tilespmem:$0x1DAC0] =	vst v63  }
0xef: {  	_ =	swait.ge [sflag:s23], $0x2800  }
0xf0: {  	[sflag:s23] =	ssyncset.done $0x0  }
0xf1: {  	s2 =	rddreg [dreg:$0xb];
	[sflag:s23] =	ssyncadd.s32 $0xFFFFD800  }
0xf2: {  	[hbm4b:s2+s4] =	stream.linear.scatter [tilespmem:s22], [sflag:$0x5], $0x2800, $0x38;
	[tilespmem:$0x1DAC0] =	vst v63  }
0xf3: {  	_ =	swait.ge [sflag:s24], $0x2800  }
0xf4: {  	[sflag:s24] =	ssyncset.done $0x0  }
0xf5: {  	[sflag:s24] =	ssyncadd.s32 $0xFFFFD800  }
0xf6: {  	[tilespmem:s22], [sflag:$0x6] =	stream.linear.gather [spmem:s10], $0x2800, $0x38;
	[tilespmem:$0x1DAC0] =	vst v63  }
0xf7: {  	_ =	swait.ge [sflag:s23], $0x2800  }
0xf8: {  	[sflag:s23] =	ssyncset.done $0x0  }
0xf9: {  	s8 =	rddreg [dreg:$0xf];
	[sflag:s23] =	ssyncadd.s32 $0xFFFFD800  }
0xfa: {  	[hbm4b:s8+s4] =	stream.linear.scatter [tilespmem:s22], [sflag:$0x5], $0x2800, $0x38;
	[tilespmem:$0x1DAC0] =	vst v63  }
0xfb: {  	_ =	swait.ge [sflag:s24], $0x2800  }
0xfc: {  	[sflag:s24] =	ssyncset.done $0x0  }
0xfd: {  	[sflag:s24] =	ssyncadd.s32 $0xFFFFD800  }
0xfe: {  	[tilespmem:s22], [sflag:$0x6] =	stream.linear.gather [spmem:s11], $0x2800, $0x38;
	[tilespmem:$0x1DAC0] =	vst v63  }
0xff: {  	_ =	swait.ge [sflag:s23], $0x2800  }
0x100: {  	[sflag:s23] =	ssyncset.done $0x0  }
0x101: {  	s18 =	rddreg [dreg:$0x13];
	[sflag:s23] =	ssyncadd.s32 $0xFFFFD800  }
0x102: {  	[hbm4b:s18+s4] =	stream.linear.scatter [tilespmem:s22], [sflag:$0x5], $0x2800, $0x38;
	[tilespmem:$0x1DAC0] =	vst v63  }
0x103: {  	_ =	swait.ge [sflag:s24], $0x2800  }
0x104: {  	[sflag:s24] =	ssyncset.done $0x0  }
0x105: {  	[sflag:s24] =	ssyncadd.s32 $0xFFFFD800  }
0x106: {  	[tilespmem:s22], [sflag:$0x6] =	stream.linear.gather [spmem:s12], $0x2800, $0x38;
	[tilespmem:$0x1DAC0] =	vst v63  }
0x107: {  	_ =	swait.ge [sflag:s23], $0x2800  }
0x108: {  	[sflag:s23] =	ssyncset.done $0x0  }
0x109: {  	s8 =	rddreg [dreg:$0x17];
	[sflag:s23] =	ssyncadd.s32 $0xFFFFD800  }
0x10a: {  	[hbm4b:s8+s4] =	stream.linear.scatter [tilespmem:s22], [sflag:$0x5], $0x2800, $0x38;
	[tilespmem:$0x1DAC0] =	vst v63  }
0x10b: {  	_ =	swait.ge [sflag:s24], $0x2800  }
0x10c: {  	[sflag:s24] =	ssyncset.done $0x0  }
0x10d: {  	[sflag:s24] =	ssyncadd.s32 $0xFFFFD800  }
0x10e: {  	[tilespmem:s22], [sflag:$0x6] =	stream.linear.gather [spmem:s13], $0x2800, $0x38;
	[tilespmem:$0x1DAC0] =	vst v63  }
0x10f: {  	_ =	swait.ge [sflag:s23], $0x2800  }
0x110: {  	[sflag:s23] =	ssyncset.done $0x0  }
0x111: {  	s18 =	rddreg [dreg:$0x1b];
	[sflag:s23] =	ssyncadd.s32 $0xFFFFD800  }
0x112: {  	[hbm4b:s18+s4] =	stream.linear.scatter [tilespmem:s22], [sflag:$0x5], $0x2800, $0x38;
	[tilespmem:$0x1DAC0] =	vst v63  }
0x113: {  	_ =	swait.ge [sflag:s24], $0x2800  }
0x114: {  	[sflag:s24] =	ssyncset.done $0x0  }
0x115: {  	[sflag:s24] =	ssyncadd.s32 $0xFFFFD800  }
0x116: {  	[tilespmem:s22], [sflag:$0x6] =	stream.linear.gather [spmem:s14], $0x2800, $0x38;
	[tilespmem:$0x1DAC0] =	vst v63  }
0x117: {  	_ =	swait.ge [sflag:s23], $0x2800  }
0x118: {  	[sflag:s23] =	ssyncset.done $0x0  }
0x119: {  	s8 =	rddreg [dreg:$0x1f];
	[sflag:s23] =	ssyncadd.s32 $0xFFFFD800  }
0x11a: {  	[hbm4b:s8+s4] =	stream.linear.scatter [tilespmem:s22], [sflag:$0x5], $0x2800, $0x38;
	[tilespmem:$0x1DAC0] =	vst v63  }
0x11b: {  	_ =	swait.ge [sflag:s24], $0x2800  }
0x11c: {  	[sflag:s24] =	ssyncset.done $0x0  }
0x11d: {  	[sflag:s24] =	ssyncadd.s32 $0xFFFFD800  }
0x11e: {  	[tilespmem:s22], [sflag:$0x6] =	stream.linear.gather [spmem:s15], $0x2800, $0x38;
	[tilespmem:$0x1DAC0] =	vst v63  }
0x11f: {  	_ =	swait.ge [sflag:s23], $0x2800  }
0x120: {  	s18 =	sld [smem:$0x7F9]  }
0x121: {  	[sflag:s23] =	ssyncset.done $0x0  }
0x122: {  	[sflag:s23] =	ssyncadd.s32 $0xFFFFD800  }
0x123: {  	[hbm4b:s18+s4] =	stream.linear.scatter [tilespmem:s22], [sflag:$0x5], $0x2800, $0x38;
	[tilespmem:$0x1DAC0] =	vst v63  }
.Ltmp4:
0x124: {  	_ = 	snop;
	(pc) =	sbr.rel @p1 .LBB2_9-.Ltmp4, $4  }
.Ltmp5:
0x125: {  	_ = 	snop;
	(pc) =	sbr.rel @!p1 .LBB2_8-.Ltmp5, $4  }
0x126: {  	_ =	swait.ge [sflag:s24], $0x2800  }
0x127: {  	[sflag:s24] =	ssyncset.done $0x0  }
0x128: {  	s8 =	rddreg [dreg:$0x5];
	[sflag:s24] =	ssyncadd.s32 $0xFFFFD800  }
0x129: {  	_ = 	snop  }
.LBB2_2:
0x12a: {  	s2 =	rddreg [dreg:$0x8]  }
0x12b: {  	[tilespmem:s22], [sflag:$0x6] =	stream.linear.gather [hbm4b:s2+s4], $0x2800, $0x38;
	[tilespmem:$0x1DAC0] =	vst v63  }
0x12c: {  	_ =	swait.ge [sflag:s23], $0x2800  }
0x12d: {  	[sflag:s23] =	ssyncset.done $0x0  }
0x12e: {  	[sflag:s23] =	ssyncadd.s32 $0xFFFFD800  }
0x12f: {  	[spmem:s9] =	stream.linear.scatter [tilespmem:s22], [sflag:$0x5], $0x2800, $0x38;
	[tilespmem:$0x1DAC0] =	vst v63  }
0x130: {  	_ =	swait.ge [sflag:s24], $0x2800  }
0x131: {  	[sflag:s24] =	ssyncset.done $0x0  }
0x132: {  	s18 =	rddreg [dreg:$0xc];
	[sflag:s24] =	ssyncadd.s32 $0xFFFFD800  }
0x133: {  	[tilespmem:s22], [sflag:$0x6] =	stream.linear.gather [hbm4b:s18+s4], $0x2800, $0x38;
	[tilespmem:$0x1DAC0] =	vst v63  }
0x134: {  	_ =	swait.ge [sflag:s23], $0x2800  }
0x135: {  	[sflag:s23] =	ssyncset.done $0x0  }
0x136: {  	[sflag:s23] =	ssyncadd.s32 $0xFFFFD800  }
0x137: {  	[spmem:s10] =	stream.linear.scatter [tilespmem:s22], [sflag:$0x5], $0x2800, $0x38;
	[tilespmem:$0x1DAC0] =	vst v63  }
0x138: {  	_ =	swait.ge [sflag:s24], $0x2800  }
0x139: {  	[sflag:s24] =	ssyncset.done $0x0  }
0x13a: {  	s8 =	rddreg [dreg:$0x10];
	[sflag:s24] =	ssyncadd.s32 $0xFFFFD800  }
0x13b: {  	[tilespmem:s22], [sflag:$0x6] =	stream.linear.gather [hbm4b:s8+s4], $0x2800, $0x38;
	[tilespmem:$0x1DAC0] =	vst v63  }
0x13c: {  	_ =	swait.ge [sflag:s23], $0x2800  }
0x13d: {  	[sflag:s23] =	ssyncset.done $0x0  }
0x13e: {  	[sflag:s23] =	ssyncadd.s32 $0xFFFFD800  }
0x13f: {  	[spmem:s11] =	stream.linear.scatter [tilespmem:s22], [sflag:$0x5], $0x2800, $0x38;
	[tilespmem:$0x1DAC0] =	vst v63  }
0x140: {  	_ =	swait.ge [sflag:s24], $0x2800  }
0x141: {  	[sflag:s24] =	ssyncset.done $0x0  }
0x142: {  	s18 =	rddreg [dreg:$0x14];
	[sflag:s24] =	ssyncadd.s32 $0xFFFFD800  }
0x143: {  	[tilespmem:s22], [sflag:$0x6] =	stream.linear.gather [hbm4b:s18+s4], $0x2800, $0x38;
	[tilespmem:$0x1DAC0] =	vst v63  }
0x144: {  	_ =	swait.ge [sflag:s23], $0x2800  }
0x145: {  	[sflag:s23] =	ssyncset.done $0x0  }
0x146: {  	[sflag:s23] =	ssyncadd.s32 $0xFFFFD800  }
0x147: {  	[spmem:s12] =	stream.linear.scatter [tilespmem:s22], [sflag:$0x5], $0x2800, $0x38;
	[tilespmem:$0x1DAC0] =	vst v63  }
0x148: {  	_ =	swait.ge [sflag:s24], $0x2800  }
0x149: {  	[sflag:s24] =	ssyncset.done $0x0  }
0x14a: {  	s8 =	rddreg [dreg:$0x18];
	[sflag:s24] =	ssyncadd.s32 $0xFFFFD800  }
0x14b: {  	[tilespmem:s22], [sflag:$0x6] =	stream.linear.gather [hbm4b:s8+s4], $0x2800, $0x38;
	[tilespmem:$0x1DAC0] =	vst v63  }
0x14c: {  	_ =	swait.ge [sflag:s23], $0x2800  }
0x14d: {  	[sflag:s23] =	ssyncset.done $0x0  }
0x14e: {  	[sflag:s23] =	ssyncadd.s32 $0xFFFFD800  }
0x14f: {  	[spmem:s13] =	stream.linear.scatter [tilespmem:s22], [sflag:$0x5], $0x2800, $0x38;
	[tilespmem:$0x1DAC0] =	vst v63  }
0x150: {  	_ =	swait.ge [sflag:s24], $0x2800  }
0x151: {  	[sflag:s24] =	ssyncset.done $0x0  }
0x152: {  	s18 =	rddreg [dreg:$0x1c];
	[sflag:s24] =	ssyncadd.s32 $0xFFFFD800  }
0x153: {  	[tilespmem:s22], [sflag:$0x6] =	stream.linear.gather [hbm4b:s18+s4], $0x2800, $0x38;
	[tilespmem:$0x1DAC0] =	vst v63  }
0x154: {  	_ =	swait.ge [sflag:s23], $0x2800  }
0x155: {  	[sflag:s23] =	ssyncset.done $0x0  }
0x156: {  	[sflag:s23] =	ssyncadd.s32 $0xFFFFD800  }
0x157: {  	[spmem:s14] =	stream.linear.scatter [tilespmem:s22], [sflag:$0x5], $0x2800, $0x38;
	[tilespmem:$0x1DAC0] =	vst v63  }
0x158: {  	_ =	swait.ge [sflag:s24], $0x2800  }
0x159: {  	s8 =	sld [smem:$0x7F6]  }
0x15a: {  	[sflag:s24] =	ssyncset.done $0x0  }
0x15b: {  	[sflag:s24] =	ssyncadd.s32 $0xFFFFD800  }
0x15c: {  	[tilespmem:s22], [sflag:$0x6] =	stream.linear.gather [hbm4b:s8+s4], $0x2800, $0x38;
	[tilespmem:$0x1DAC0] =	vst v63  }
0x15d: {  	_ =	swait.ge [sflag:s23], $0x2800  }
0x15e: {  	[sflag:s23] =	ssyncset.done $0x0  }
0x15f: {  	[sflag:s23] =	ssyncadd.s32 $0xFFFFD800  }
0x160: {  	[spmem:s15] =	stream.linear.scatter [tilespmem:s22], [sflag:$0x5], $0x2800, $0x38;
	[tilespmem:$0x1DAC0] =	vst v63  }
0x161: {  	_ =	swait.ge [sflag:s24], $0x2800  }
0x162: {  	s18 =	sld [smem:$0x7FC]  }
0x163: {  	[sflag:s24] =	ssyncset.done $0x0  }
0x164: {  	s2 =	simm.s32 @!p1 $0x7A00;
	s8 =	simm.s32 @!p1 $0x0;
	[sflag:s24] =	ssyncadd.s32 $0xFFFFD800  }
0x165: {  	[tilespmem:s2], [sflag:$0x6] =	stream.linear.gather @!p1 [hbm4b:s18+s8], $0x2800, $0x38;
	[tilespmem:$0x1DAC0] =	vst v63  }
0x166: {  	s8 =	simm.s32 @!p1 $0x6  }
0x167: {  	_ =	swait.ge @!p1 [sflag:s8], $0x2800  }
0x168: {  	[sflag:s8] =	ssyncset.done @!p1 $0x0  }
0x169: {  	[sflag:s8] =	ssyncadd.s32 @!p1 $0xFFFFD800  }
0x16a: {  	[spmem:s17] =	stream.linear.scatter @!p1 [tilespmem:s2], [sflag:$0x5], $0x2800, $0x38;
	[tilespmem:$0x1DAC0] =	vst v63  }
0x16b: {  	s2 =	simm.s32 @!p1 $0x5  }
0x16c: {  	_ =	swait.ge @!p1 [sflag:s2], $0x2800  }
0x16d: {  	[sflag:s2] =	ssyncset.done @!p1 $0x0  }
0x16e: {  	[sflag:s2] =	ssyncadd.s32 @!p1 $0xFFFFD800  }
0x16f: {  	[bflag:$0x0] =	sbarrier.arrive $0xFFFF  }
0x170: {  	[tilespmem:s4], [sflag:$0x5] =	stream.linear.gather [hbm4b:s0+s4], $0x100, $0x38;
	[tilespmem:$0x1DAC0] =	vst v63  }
0x171: {  	_ =	swait.ge [sflag:s24], $0x100  }
0x172: {  	[sflag:s24] =	ssyncset.done $0x0  }
0x173: {  	s18 =	sld [smem:$0x7FA];
	[sflag:s24] =	ssyncadd.s32 $0xFFFFFF00  }
0x174: {  	[tilespmem:s26], [sflag:$0x1] =	stream.indirect.gather [hbm4b:s1+s25], $0x80, s4, s25, $0xb8;
	[tilespmem:$0x1DAC0] =	vst v63  }
0x175: {  	_ = 	snop  }
0x176: {  	[tilespmem:s28], [sflag:$0x5] =	stream.linear.gather [hbm4b:s18+s4], $0x100, $0x38;
	[tilespmem:$0x1DAC0] =	vst v63  }
0x177: {  	_ =	swait.ge [sflag:s24], $0x100  }
0x178: {  	[sflag:s24] =	ssyncset.done $0x0  }
0x179: {  	[sflag:s24] =	ssyncadd.s32 $0xFFFFFF00  }
0x17a: {  	[tilespmem:s29], [sflag:$0x2] =	stream.indirect.gather [hbm4b:s1+s25], $0x80, s28, s25, $0xb8;
	[tilespmem:$0x1DAC0] =	vst v63  }
0x17b: {  	_ =	swait.ge [sflag:s30], $0x3C00  }
0x17c: {  	[sflag:s30] =	ssyncset.done $0x0  }
0x17d: {  	[sflag:s30] =	ssyncadd.s32 $0xFFFFC400  }
0x17e: {  	[spmem:s3] =	stream.indirect.scatter.add.f32 [tilespmem:s26], [sflag:$0x3], $0x80, s31, s25, $0xb8;
	[tilespmem:$0x1DAC0] =	vst v63  }
0x17f: {  	_ =	swait.ge [sflag:s20], $0x3C00  }
0x180: {  	s8 =	sld [smem:$0x7FB]  }
0x181: {  	[sflag:s20] =	ssyncset.done $0x0  }
0x182: {  	[sflag:s20] =	ssyncadd.s32 $0xFFFFC400  }
0x183: {  	[tilespmem:s4], [sflag:$0x5] =	stream.linear.gather [hbm4b:s8+s4], $0x100, $0x38;
	[tilespmem:$0x1DAC0] =	vst v63  }
0x184: {  	_ =	swait.ge [sflag:s24], $0x100  }
0x185: {  	[sflag:s24] =	ssyncset.done $0x0  }
0x186: {  	[sflag:s24] =	ssyncadd.s32 $0xFFFFFF00  }
0x187: {  	[tilespmem:s26], [sflag:$0x1] =	stream.indirect.gather [hbm4b:s1+s25], $0x80, s4, s25, $0xb8;
	[tilespmem:$0x1DAC0] =	vst v63  }
0x188: {  	_ =	swait.ge [sflag:s21], $0x3C00  }
0x189: {  	[sflag:s21] =	ssyncset.done $0x0  }
0x18a: {  	[sflag:s21] =	ssyncadd.s32 $0xFFFFC400  }
0x18b: {  	[spmem:s3] =	stream.indirect.scatter.add.f32 [tilespmem:s29], [sflag:$0x4], $0x80, s16, s25, $0xb8;
	[tilespmem:$0x1DAC0] =	vst v63  }
0x18c: {  	_ =	swait.ge [sflag:s6], $0x3C00  }
0x18d: {  	s2 =	sadd.s32 $0xFFFFF600, s0;
	[sflag:s6] =	ssyncset.done $0x0  }
0x18e: {  	s18 =	sadd.s32 $0xA60, s2;
	[sflag:s6] =	ssyncadd.s32 $0xFFFFC400  }
0x18f: {  	[tilespmem:s28], [sflag:$0x5] =	stream.linear.gather [hbm4b:s18+s4], $0x100, $0x38;
	[tilespmem:$0x1DAC0] =	vst v63  }
0x190: {  	_ =	swait.ge [sflag:s24], $0x100  }
0x191: {  	[sflag:s24] =	ssyncset.done $0x0  }
0x192: {  	[sflag:s24] =	ssyncadd.s32 $0xFFFFFF00  }
0x193: {  	[tilespmem:s29], [sflag:$0x2] =	stream.indirect.gather [hbm4b:s1+s25], $0x80, s28, s25, $0xb8;
	[tilespmem:$0x1DAC0] =	vst v63  }
0x194: {  	_ =	swait.ge [sflag:s30], $0x3C00  }
0x195: {  	[sflag:s30] =	ssyncset.done $0x0  }
0x196: {  	[sflag:s30] =	ssyncadd.s32 $0xFFFFC400  }
0x197: {  	[spmem:s3] =	stream.indirect.scatter.add.f32 [tilespmem:s26], [sflag:$0x3], $0x80, s31, s25, $0xb8;
	[tilespmem:$0x1DAC0] =	vst v63  }
0x198: {  	_ =	swait.ge [sflag:s20], $0x3C00  }
0x199: {  	[sflag:s20] =	ssyncset.done $0x0  }
0x19a: {  	s2 =	sadd.s32 $0xA80, s2;
	[sflag:s20] =	ssyncadd.s32 $0xFFFFC400  }
0x19b: {  	[tilespmem:s4], [sflag:$0x5] =	stream.linear.gather [hbm4b:s2+s4], $0x100, $0x38;
	[tilespmem:$0x1DAC0] =	vst v63  }
0x19c: {  	_ =	swait.ge [sflag:s24], $0x100  }
0x19d: {  	[sflag:s24] =	ssyncset.done $0x0  }
0x19e: {  	[sflag:s24] =	ssyncadd.s32 $0xFFFFFF00  }
0x19f: {  	[tilespmem:s26], [sflag:$0x1] =	stream.indirect.gather [hbm4b:s1+s25], $0x80, s4, s25, $0xb8;
	[tilespmem:$0x1DAC0] =	vst v63  }
0x1a0: {  	_ =	swait.ge [sflag:s21], $0x3C00  }
0x1a1: {  	[sflag:s21] =	ssyncset.done $0x0  }
0x1a2: {  	s8 =	simm.s32 $0xFFFFF640;
	[sflag:s21] =	ssyncadd.s32 $0xFFFFC400  }
.LBB2_3:
0x1a3: {  	[spmem:s3] =	stream.indirect.scatter.add.f32 [tilespmem:s29], [sflag:$0x4], $0x80, s16, s25, $0xb8;
	[tilespmem:$0x1DAC0] =	vst v63  }
0x1a4: {  	s2 =	smov.u32 s8  }
0x1a5: {  	p3 =	sne.s32 s8, $0xFFFFFFC0;
	s8 =	sadd.s32 $0x40, s8;
	_ =	swait.ge [sflag:s6], $0x3C00  }
0x1a6: {  	s2 =	sadd.s32 s2, s0;
	[sflag:s6] =	ssyncset.done $0x0  }
0x1a7: {  	s18 =	sadd.s32 $0xA60, s2;
	[sflag:s6] =	ssyncadd.s32 $0xFFFFC400  }
0x1a8: {  	[tilespmem:s28], [sflag:$0x5] =	stream.linear.gather [hbm4b:s18+s4], $0x100, $0x38;
	[tilespmem:$0x1DAC0] =	vst v63  }
0x1a9: {  	_ =	swait.ge [sflag:s24], $0x100  }
0x1aa: {  	[sflag:s24] =	ssyncset.done $0x0  }
0x1ab: {  	[sflag:s24] =	ssyncadd.s32 $0xFFFFFF00  }
0x1ac: {  	[tilespmem:s29], [sflag:$0x2] =	stream.indirect.gather [hbm4b:s1+s25], $0x80, s28, s25, $0xb8;
	[tilespmem:$0x1DAC0] =	vst v63  }
0x1ad: {  	_ =	swait.ge [sflag:s30], $0x3C00  }
0x1ae: {  	[sflag:s30] =	ssyncset.done $0x0  }
0x1af: {  	[sflag:s30] =	ssyncadd.s32 $0xFFFFC400  }
0x1b0: {  	[spmem:s3] =	stream.indirect.scatter.add.f32 [tilespmem:s26], [sflag:$0x3], $0x80, s31, s25, $0xb8;
	[tilespmem:$0x1DAC0] =	vst v63  }
0x1b1: {  	_ =	swait.ge [sflag:s20], $0x3C00  }
0x1b2: {  	[sflag:s20] =	ssyncset.done $0x0  }
0x1b3: {  	s2 =	sadd.s32 $0xA80, s2;
	[sflag:s20] =	ssyncadd.s32 $0xFFFFC400  }
0x1b4: {  	[tilespmem:s4], [sflag:$0x5] =	stream.linear.gather [hbm4b:s2+s4], $0x100, $0x38;
	[tilespmem:$0x1DAC0] =	vst v63  }
0x1b5: {  	_ =	swait.ge [sflag:s24], $0x100  }
0x1b6: {  	[sflag:s24] =	ssyncset.done $0x0  }
.Ltmp6:
0x1b7: {  	[sflag:s24] =	ssyncadd.s32 $0xFFFFFF00;
	(pc) =	sbr.rel @p3 .LBB2_3-.Ltmp6, $4  }
0x1b8: {  	[tilespmem:s26], [sflag:$0x1] =	stream.indirect.gather [hbm4b:s1+s25], $0x80, s4, s25, $0xb8;
	[tilespmem:$0x1DAC0] =	vst v63  }
0x1b9: {  	_ =	swait.ge [sflag:s21], $0x3C00  }
0x1ba: {  	[sflag:s21] =	ssyncset.done $0x0  }
0x1bb: {  	[sflag:s21] =	ssyncadd.s32 $0xFFFFC400  }
0x1bc: {  	[spmem:s3] =	stream.indirect.scatter.add.f32 [tilespmem:s29], [sflag:$0x4], $0x80, s16, s25, $0xb8;
	[tilespmem:$0x1DAC0] =	vst v63  }
0x1bd: {  	_ =	swait.ge [sflag:s6], $0x3C00  }
0x1be: {  	[sflag:s6] =	ssyncset.done $0x0  }
0x1bf: {  	[sflag:s6] =	ssyncadd.s32 $0xFFFFC400  }
0x1c0: {  	[tilespmem:s28], [sflag:$0x5] =	stream.linear.gather [hbm4b:s19+s4], $0x100, $0x38;
	[tilespmem:$0x1DAC0] =	vst v63  }
0x1c1: {  	_ =	swait.ge [sflag:s24], $0x100  }
0x1c2: {  	[sflag:s24] =	ssyncset.done $0x0  }
0x1c3: {  	[sflag:s24] =	ssyncadd.s32 $0xFFFFFF00  }
0x1c4: {  	[tilespmem:s29], [sflag:$0x2] =	stream.indirect.gather [hbm4b:s1+s25], $0x80, s28, s25, $0xb8;
	[tilespmem:$0x1DAC0] =	vst v63  }
0x1c5: {  	_ =	swait.ge [sflag:s30], $0x3C00  }
0x1c6: {  	[sflag:s30] =	ssyncset.done $0x0  }
0x1c7: {  	[sflag:s30] =	ssyncadd.s32 $0xFFFFC400  }
0x1c8: {  	[spmem:s3] =	stream.indirect.scatter.add.f32 [tilespmem:s26], [sflag:$0x3], $0x80, s31, s25, $0xb8;
	[tilespmem:$0x1DAC0] =	vst v63  }
0x1c9: {  	_ =	swait.ge [sflag:s21], $0x3C00  }
0x1ca: {  	[sflag:s21] =	ssyncset.done $0x0  }
0x1cb: {  	[sflag:s21] =	ssyncadd.s32 $0xFFFFC400  }
0x1cc: {  	[spmem:s3] =	stream.indirect.scatter.add.f32 [tilespmem:s29], [sflag:$0x4], $0x80, s16, s25, $0xb8;
	[tilespmem:$0x1DAC0] =	vst v63  }
0x1cd: {  	_ =	swait.ge [sflag:s20], $0x3C00  }
0x1ce: {  	[sflag:s20] =	ssyncset.done $0x0  }
0x1cf: {  	[sflag:s20] =	ssyncadd.s32 $0xFFFFC400  }
0x1d0: {  	_ =	swait.ge [sflag:s6], $0x3C00  }
0x1d1: {  	[sflag:s6] =	ssyncset.done $0x0  }
0x1d2: {  	[sflag:s6] =	ssyncadd.s32 $0xFFFFC400  }
0x1d3: {  	[bflag:$0x0] =	sbarrier.arrive $0xFFFF  }
0x1d4: {  	[tilespmem:s22], [sflag:$0x6] =	stream.linear.gather [spmem:s9], $0x2800, $0x38;
	[tilespmem:$0x1DAC0] =	vst v63  }
0x1d5: {  	_ =	swait.ge [sflag:s23], $0x2800  }
0x1d6: {  	[sflag:s23] =	ssyncset.done $0x0  }
0x1d7: {  	s2 =	rddreg [dreg:$0x9];
	[sflag:s23] =	ssyncadd.s32 $0xFFFFD800  }
0x1d8: {  	[hbm4b:s2+s4] =	stream.linear.scatter [tilespmem:s22], [sflag:$0x5], $0x2800, $0x38;
	[tilespmem:$0x1DAC0] =	vst v63  }
0x1d9: {  	_ =	swait.ge [sflag:s24], $0x2800  }
0x1da: {  	[sflag:s24] =	ssyncset.done $0x0  }
0x1db: {  	[sflag:s24] =	ssyncadd.s32 $0xFFFFD800  }
0x1dc: {  	[tilespmem:s22], [sflag:$0x6] =	stream.linear.gather [spmem:s10], $0x2800, $0x38;
	[tilespmem:$0x1DAC0] =	vst v63  }
0x1dd: {  	_ =	swait.ge [sflag:s23], $0x2800  }
0x1de: {  	[sflag:s23] =	ssyncset.done $0x0  }
0x1df: {  	s8 =	rddreg [dreg:$0xd];
	[sflag:s23] =	ssyncadd.s32 $0xFFFFD800  }
0x1e0: {  	[hbm4b:s8+s4] =	stream.linear.scatter [tilespmem:s22], [sflag:$0x5], $0x2800, $0x38;
	[tilespmem:$0x1DAC0] =	vst v63  }
0x1e1: {  	_ =	swait.ge [sflag:s24], $0x2800  }
0x1e2: {  	[sflag:s24] =	ssyncset.done $0x0  }
0x1e3: {  	[sflag:s24] =	ssyncadd.s32 $0xFFFFD800  }
0x1e4: {  	[tilespmem:s22], [sflag:$0x6] =	stream.linear.gather [spmem:s11], $0x2800, $0x38;
	[tilespmem:$0x1DAC0] =	vst v63  }
0x1e5: {  	_ =	swait.ge [sflag:s23], $0x2800  }
0x1e6: {  	[sflag:s23] =	ssyncset.done $0x0  }
0x1e7: {  	s18 =	rddreg [dreg:$0x11];
	[sflag:s23] =	ssyncadd.s32 $0xFFFFD800  }
0x1e8: {  	[hbm4b:s18+s4] =	stream.linear.scatter [tilespmem:s22], [sflag:$0x5], $0x2800, $0x38;
	[tilespmem:$0x1DAC0] =	vst v63  }
0x1e9: {  	_ =	swait.ge [sflag:s24], $0x2800  }
0x1ea: {  	[sflag:s24] =	ssyncset.done $0x0  }
0x1eb: {  	[sflag:s24] =	ssyncadd.s32 $0xFFFFD800  }
0x1ec: {  	[tilespmem:s22], [sflag:$0x6] =	stream.linear.gather [spmem:s12], $0x2800, $0x38;
	[tilespmem:$0x1DAC0] =	vst v63  }
0x1ed: {  	_ =	swait.ge [sflag:s23], $0x2800  }
0x1ee: {  	[sflag:s23] =	ssyncset.done $0x0  }
0x1ef: {  	s8 =	rddreg [dreg:$0x15];
	[sflag:s23] =	ssyncadd.s32 $0xFFFFD800  }
0x1f0: {  	[hbm4b:s8+s4] =	stream.linear.scatter [tilespmem:s22], [sflag:$0x5], $0x2800, $0x38;
	[tilespmem:$0x1DAC0] =	vst v63  }
0x1f1: {  	_ =	swait.ge [sflag:s24], $0x2800  }
0x1f2: {  	[sflag:s24] =	ssyncset.done $0x0  }
0x1f3: {  	[sflag:s24] =	ssyncadd.s32 $0xFFFFD800  }
0x1f4: {  	[tilespmem:s22], [sflag:$0x6] =	stream.linear.gather [spmem:s13], $0x2800, $0x38;
	[tilespmem:$0x1DAC0] =	vst v63  }
0x1f5: {  	_ =	swait.ge [sflag:s23], $0x2800  }
0x1f6: {  	[sflag:s23] =	ssyncset.done $0x0  }
0x1f7: {  	s18 =	rddreg [dreg:$0x19];
	[sflag:s23] =	ssyncadd.s32 $0xFFFFD800  }
0x1f8: {  	[hbm4b:s18+s4] =	stream.linear.scatter [tilespmem:s22], [sflag:$0x5], $0x2800, $0x38;
	[tilespmem:$0x1DAC0] =	vst v63  }
0x1f9: {  	_ =	swait.ge [sflag:s24], $0x2800  }
0x1fa: {  	[sflag:s24] =	ssyncset.done $0x0  }
0x1fb: {  	[sflag:s24] =	ssyncadd.s32 $0xFFFFD800  }
0x1fc: {  	[tilespmem:s22], [sflag:$0x6] =	stream.linear.gather [spmem:s14], $0x2800, $0x38;
	[tilespmem:$0x1DAC0] =	vst v63  }
0x1fd: {  	_ =	swait.ge [sflag:s23], $0x2800  }
0x1fe: {  	[sflag:s23] =	ssyncset.done $0x0  }
0x1ff: {  	s8 =	rddreg [dreg:$0x1d];
	[sflag:s23] =	ssyncadd.s32 $0xFFFFD800  }
0x200: {  	[hbm4b:s8+s4] =	stream.linear.scatter [tilespmem:s22], [sflag:$0x5], $0x2800, $0x38;
	[tilespmem:$0x1DAC0] =	vst v63  }
0x201: {  	_ =	swait.ge [sflag:s24], $0x2800  }
0x202: {  	[sflag:s24] =	ssyncset.done $0x0  }
0x203: {  	[sflag:s24] =	ssyncadd.s32 $0xFFFFD800  }
0x204: {  	[tilespmem:s22], [sflag:$0x6] =	stream.linear.gather [spmem:s15], $0x2800, $0x38;
	[tilespmem:$0x1DAC0] =	vst v63  }
0x205: {  	_ =	swait.ge [sflag:s23], $0x2800  }
0x206: {  	s18 =	sld [smem:$0x7F7]  }
0x207: {  	[sflag:s23] =	ssyncset.done $0x0  }
0x208: {  	[sflag:s23] =	ssyncadd.s32 $0xFFFFD800  }
0x209: {  	[hbm4b:s18+s4] =	stream.linear.scatter [tilespmem:s22], [sflag:$0x5], $0x2800, $0x38;
	[tilespmem:$0x1DAC0] =	vst v63  }
.Ltmp7:
0x20a: {  	_ = 	snop;
	(pc) =	sbr.rel @p2 .LBB2_8-.Ltmp7, $4  }
.Ltmp8:
0x20b: {  	_ = 	snop;
	(pc) =	sbr.rel @!p2 .LBB2_9-.Ltmp8, $4  }
0x20c: {  	_ =	swait.ge [sflag:s24], $0x2800  }
0x20d: {  	[sflag:s24] =	ssyncset.done $0x0  }
0x20e: {  	s8 =	rddreg [dreg:$0x4];
	[sflag:s24] =	ssyncadd.s32 $0xFFFFD800  }
0x20f: {  	_ = 	snop  }
.LBB2_10:
0x210: {  	_ =	sfence.sel $0x180000  }
0x211: {  	[bflag:$0x0] =	sbarrier.arrive $0xFFFF  }
0x212: {  	_ =	strace $0x9000004A  }
0x213: {  	s0 =	stileid.u32;
	[bflag:$0x2] =	sbarrier.arrive $0xFFFF  }
0x214: {  	p0 =	sne.s32 s0, $0x0;
	s0 =	rddreg [dreg:$0x3]  }
0x215: {  	s0 =	sadd.s32 @!p0 $0x100000, s0  }
0x216: {  	[sflag:s0] =	ssyncadd.tile.s32 @!p0 $0x1;
	_ =	shalt  }
.Lfunc_end2:
_tile_overlayer_lowered:
.L_overlay_start_2:
0x217: {  	(tag) =	ssettag $0x2  }
0x218: {  	s0 =	rddreg [dreg:$0x0];
	s2 =	stileid.u32  }
0x219: {  	s1 =	rddreg [dreg:$0x1];
	p0 =	sne.s32 s2, $0x0  }
0x21a: {  	s3 =	rddreg [dreg:$0x2];
	[bflag:$0x3] =	sbarrier.arrive $0xFFFF;
	s2 =	simm.s32 @!p0 $0x1C05  }
0x21b: {  	[timem:s3], [sflag:s2] =	dma.local @!p0 [hbm:s0], s1  }
0x21c: {  	s0 =	simm.s32 @!p0 $0x5  }
0x21d: {  	_ =	swait.ge @!p0 [sflag:s0], s1  }
0x21e: {  	s1 =	ssub.s32 @!p0 $0x0, s1;
	[sflag:s0] =	ssyncset.done @!p0 $0x0  }
0x21f: {  	[sflag:s0] =	ssyncadd.s32 @!p0 s1  }
0x220: {  	[bflag:$0x3] =	sbarrier.arrive $0xFFFF  }
0x221: {  	_ =	shalt  }

// kernel: kernel.17.cloned.1.call-start
scs
__scs_entry_jumppad:
0x0: {  	(pc) =	sbr.rel $0x88, $3  }
0x1: {  	(tag) =	ssettag $0x0;
	lr =	simm.s32 $0x1  }
0x2: {  	[smem:$0x3F99] =	sst lr;
	_ =	strace $0xD0000000  }
0x3: {  	_ = 	snop  }
0x4: {  	_ = 	snop  }
0x5: {  	_ = 	snop  }
0x6: {  	_ = 	snop  }
0x7: {  	_ = 	snop  }
__scs_overlays_trampoline_lowered:
0x8: {  	[smem:$0x3FA8] =	sst s0  }
0x9: {  	[smem:$0x3FA9] =	sst s1  }
0xa: {  	[smem:$0x3FAA] =	sst s2  }
0xb: {  	[smem:$0x3FAB] =	sst s3  }
0xc: {  	[smem:$0x3FAC] =	sst s4  }
0xd: {  	[smem:$0x3FAD] =	sst s5  }
0xe: {  	[smem:$0x3FAE] =	sst s6  }
0xf: {  	[smem:$0x3FAF] =	sst s7  }
0x10: {  	[smem:$0x3FB0] =	sst s8  }
0x11: {  	[smem:$0x3FB1] =	sst s9;
	s0 =	simm.s32 @!p0 $0x0  }
0x12: {  	s1 =	sld [smem:$0x3F97];
	s0 =	simm.s32 @p0 $0x1  }
0x13: {  	[smem:$0x3FB2] =	sst s0;
	s0 =	simm.s32 @!p1 $0x0  }
0x14: {  	s2 =	sld [smem:$0x3F96];
	s0 =	simm.s32 @p1 $0x1  }
0x15: {  	[smem:$0x3FB3] =	sst s0;
	s0 =	simm.s32 @!p2 $0x0  }
0x16: {  	s3 =	sld [smem:$0x3FDB];
	s0 =	simm.s32 @p2 $0x1  }
0x17: {  	s4 =	simm.s32 $0x1BF5;
	[smem:$0x3FB5] =	sst s0  }
0x18: {  	s0 =	sld [smem:$0x3F98];
	_ =	swait.ge [sflag:s4], $0x0  }
0x19: {  	s7 =	sld [smem:$0x3F99]  }
0x1a: {  	s8 =	sadd.s32 $0xFFFFE003, lr  }
0x1b: {  	s9 =	sadd.s32 $0xFFFFFEF7, lr;
	s5 =	simm.s32 $0xFFFFFFFF;
	p2 =	slt.u32 s8, $0xFFFFF086  }
0x1c: {  	p1 =	slt.u32 s9, $0xF7A;
	s5 =	simm.s32 @!p2 $0x0  }
0x1d: {  	s5 =	simm.s32 @p1 $0x1;
	p0 =	seq.s32 s7, s2  }
0x1e: {  	s7 =	smul.u32 @!p0 $0xF7A, s2;
	p2 =	seq.s32 @!p0 s5, $0x0  }
0x1f: {  	s9 =	smul.u32 $0xF7A, s1;
	s8 =	simm.s32 @!p0 $0x1BF5;
	p2 =	por !p2, p0  }
0x20: {  	[sflag:s8] =	ssyncset.s32 @!p0 $0xFFFFF086;
	s6 =	sadd.s32 @!p0 s3, s7;
	s7 =	simm.s32 @!p0 $0x108  }
0x21: {  	s3 =	sadd.s32 s3, s9;
	s6 =	sadd.s32 @!p0 $0x88, s6;
	s7 =	simm.s32 @p2 $0x1082  }
0x22: {  	[simem:s7], [sflag:s8] =	dma.local @!p0 [hbm:s6], $0xF7A  }
0x23: {  	s9 =	sor.u32 $0xD0000000, s2;
	s6 =	simm.s32 $0x108;
	_ =	swait.ge @!p0 [sflag:s8], $0x0  }
0x24: {  	s3 =	sadd.s32 $0x88, s3;
	s6 =	simm.s32 @!p1 $0x1082;
	[sflag:s4] =	ssyncset.s32 $0xFFFFF086  }
0x25: {  	[simem:s6], [sflag:s4] =	dma.local [hbm:s3], $0xF7A  }
0x26: {  	[smem:$0x3F99] =	sst s1;
	(tag) =	ssettag s2;
	_ =	strace s9  }
0x27: {  	s1 =	sld [smem:$0x3FA9]  }
0x28: {  	s2 =	sld [smem:$0x3FAA]  }
0x29: {  	s4 =	sld [smem:$0x3FAC]  }
0x2a: {  	p0 =	seq.s32 s5, $0x0;
	s5 =	sld [smem:$0x3FAD]  }
0x2b: {  	s6 =	sld [smem:$0x3FAE]  }
0x2c: {  	s7 =	sld [smem:$0x3FAF]  }
0x2d: {  	s3 =	simm.s32 $0x108;
	s8 =	sld [smem:$0x3FB0]  }
0x2e: {  	s3 =	simm.s32 @!p0 $0x1082;
	s9 =	sld [smem:$0x3FB1]  }
0x2f: {  	lr =	sadd.s32 s0, s3;
	s0 =	sld [smem:$0x3FA8]  }
0x30: {  	s3 =	sld [smem:$0x3FAB]  }
0x31: {  	[smem:$0x3FB4] =	sst s10  }
0x32: {  	s10 =	sld [smem:$0x3FB2];
	_ =	sdelay $0x3  }
0x33: {  	p0 =	seq.s32 s10, $0x1;
	s10 =	sld [smem:$0x3FB4];
	_ =	sdelay $0x3  }
0x34: {  	[smem:$0x3FB4] =	sst s10  }
0x35: {  	s10 =	sld [smem:$0x3FB3];
	_ =	sdelay $0x3  }
0x36: {  	p1 =	seq.s32 s10, $0x1;
	s10 =	sld [smem:$0x3FB4];
	_ =	sdelay $0x3  }
0x37: {  	[smem:$0x3FB4] =	sst s10  }
0x38: {  	s10 =	sld [smem:$0x3FB5]  }
0x39: {  	_ = 	snop;
	(pc) =	sbr.ind lr, $3  }
0x3a: {  	_ = 	snop  }
0x3b: {  	_ = 	snop  }
0x3c: {  	p2 =	seq.s32 s10, $0x1;
	s10 =	sld [smem:$0x3FB4]  }
0x3d: {  	_ =	shalt  }
0x3e: {  	_ =	shalt  }
0x3f: {  	_ =	shalt  }
0x40: {  	_ =	shalt  }
0x41: {  	_ =	shalt  }
0x42: {  	_ =	shalt  }
0x43: {  	_ =	shalt  }
0x44: {  	_ =	shalt  }
0x45: {  	_ =	shalt  }
0x46: {  	_ =	shalt  }
0x47: {  	_ =	shalt  }
0x48: {  	_ =	shalt  }
0x49: {  	_ =	shalt  }
0x4a: {  	_ =	shalt  }
0x4b: {  	_ =	shalt  }
0x4c: {  	_ =	shalt  }
0x4d: {  	_ =	shalt  }
0x4e: {  	_ =	shalt  }
0x4f: {  	_ =	shalt  }
0x50: {  	_ =	shalt  }
0x51: {  	_ =	shalt  }
0x52: {  	_ =	shalt  }
0x53: {  	_ =	shalt  }
0x54: {  	_ =	shalt  }
0x55: {  	_ =	shalt  }
0x56: {  	_ =	shalt  }
0x57: {  	_ =	shalt  }
0x58: {  	_ =	shalt  }
0x59: {  	_ =	shalt  }
0x5a: {  	_ =	shalt  }
0x5b: {  	_ =	shalt  }
0x5c: {  	_ =	shalt  }
0x5d: {  	_ =	shalt  }
0x5e: {  	_ =	shalt  }
0x5f: {  	_ =	shalt  }
0x60: {  	_ =	shalt  }
0x61: {  	_ =	shalt  }
0x62: {  	_ =	shalt  }
0x63: {  	_ =	shalt  }
0x64: {  	_ =	shalt  }
0x65: {  	_ =	shalt  }
0x66: {  	_ =	shalt  }
0x67: {  	_ =	shalt  }
0x68: {  	_ =	shalt  }
0x69: {  	_ =	shalt  }
0x6a: {  	_ =	shalt  }
0x6b: {  	_ =	shalt  }
0x6c: {  	_ =	shalt  }
0x6d: {  	_ =	shalt  }
0x6e: {  	_ =	shalt  }
0x6f: {  	_ =	shalt  }
0x70: {  	_ =	shalt  }
0x71: {  	_ =	shalt  }
0x72: {  	_ =	shalt  }
0x73: {  	_ =	shalt  }
0x74: {  	_ =	shalt  }
0x75: {  	_ =	shalt  }
0x76: {  	_ =	shalt  }
0x77: {  	_ =	shalt  }
0x78: {  	_ =	shalt  }
0x79: {  	_ =	shalt  }
0x7a: {  	_ =	shalt  }
0x7b: {  	_ =	shalt  }
0x7c: {  	_ =	shalt  }
0x7d: {  	_ =	shalt  }
0x7e: {  	_ =	shalt  }
0x7f: {  	_ =	shalt  }
0x80: {  	_ =	shalt  }
0x81: {  	_ =	shalt  }
0x82: {  	_ =	shalt  }
0x83: {  	_ =	shalt  }
0x84: {  	_ =	shalt  }
0x85: {  	_ =	shalt  }
0x86: {  	_ =	shalt  }
0x87: {  	_ =	shalt  }
.Lfunc_end0:
.L_simem_size_0:
called_computation.2_lowered:
.L_overlay_start_0:
0x88: {  	s2 =	sld [smem:$0x3FD9]  }
0x89: {  	s3 =	sld [smem:$0x3FFE];
	_ =	sdelay $0x1  }
0x8a: {  	s1 =	srdreg.scid  }
0x8b: {  	s0 =	sand.u32 $0x1, s1  }
0x8c: {  	s17 =	sshll.u32 s0, $0xA;
	s2 =	sadd.s32 s3, s2  }
0x8d: {  	s2 =	sadd.s32 s2, s17  }
0x8e: {  	[smem:$0x3FC0] =	sst s2  }
0x8f: {  	_ = 	snop  }
0x90: {  	s2 =	sld [smem:$0x3FD0];
	(tm) =	ssettm $0x1  }
0x91: {  	s18 =	sld [smem:$0x3FFB];
	_ =	sdelay $0x3  }
0x92: {  	_ =	strace s18  }
0x93: {  	s3 =	sld [smem:$0x3FFC];
	_ =	sdelay $0x3  }
0x94: {  	_ =	strace s3  }
0x95: {  	s3 =	sld [smem:$0x3FFD];
	_ =	sdelay $0x3  }
0x96: {  	_ =	strace s3  }
0x97: {  	_ =	strace $0x8FFFFFFF  }
0x98: {  	s19 =	sld [smem:$0x3FDB];
	_ =	sdelay $0x1  }
0x99: {  	s4 =	simm.s32 $_scs_section_size  }
0x9a: {  	s5 =	simm.s32 $_size__tile_overlayer_lowered;
	s6 =	simm.s32 $_tile_overlayer_lowered  }
0x9b: {  	s22 =	simm.s32 $0x1BFF;
	s21 =	sshll.u32 s6, $0x1;
	s3 =	sadd.s32 s4, s19  }
0x9c: {  	s7 =	simm.s32 $0x0;
	s20 =	sshll.u32 s5, $0x1;
	s5 =	sadd.s32 s21, s3  }
0x9d: {  	[timem:s7], [sflag:s22] =	dma.local [hbm:s5], s20  }
0x9e: {  	_ =	swait.ge [sflag:s22], s20  }
0x9f: {  	s4 =	ssub.s32 $0x0, s20;
	[sflag:s22] =	ssyncset.done $0x0  }
0xa0: {  	[sflag:s22] =	ssyncadd.s32 s4;
	_ =	sdelay $0x1  }
0xa1: {  	s23 =	simm.s32 $0x1B8B  }
0xa2: {  	_ =	swait.ge [sflag:s23], $0x1  }
0xa3: {  	[sflag:s23] =	ssyncset.done $0x0  }
0xa4: {  	s25 =	simm.s32 $0x1B8E;
	s24 =	sld [smem:$0x3FFE];
	[sflag:s23] =	ssyncadd.s32 $0xFFFFFFFF  }
0xa5: {  	s26 =	simm.s32 $execute0_lowered;
	[smem:$0x3FD2] =	sst s25  }
0xa6: {  	s5 =	sshll.u32 s26, $0x1;
	_ =	strace $0x8000004C;
	[dreg:$0x1] =	wrdreg $0xFFFFFFFF  }
0xa7: {  	s28 =	simm.s32 $_size_execute0_lowered;
	s3 =	sadd.s32 s3, s5;
	[dreg:$0x0] =	wrdreg $0x0  }
0xa8: {  	s5 =	sshll.u32 s28, $0x1;
	[dreg:$0x2] =	wrdreg s3  }
0xa9: {  	[dreg:$0x3] =	wrdreg s5  }
0xaa: {  	[dreg:$0x4] =	wrdreg $0xC0  }
0xab: {  	_ =	task [dreg:s7], $0x5FFFF  }
0xac: {  	[dreg:$0x1] =	wrdreg $0xFFFFFFFF  }
0xad: {  	[dreg:$0x0] =	wrdreg $0x60  }
0xae: {  	[dreg:$0x2] =	wrdreg s2  }
0xaf: {  	[dreg:$0x3] =	wrdreg s24  }
0xb0: {  	[dreg:$0x4] =	wrdreg $0xA2000  }
0xb1: {  	[dreg:$0x5] =	wrdreg $0x9  }
0xb2: {  	_ =	task.clear_ibuf [dreg:s7], $0x6FFFF;
	_ =	strace $0x9000004C  }
0xb3: {  	s29 =	simm.s32 $0x9;
	_ =	strace $0x8000004E  }
0xb4: {  	_ =	swait.ge [sflag:s29], $0x1  }
0xb5: {  	[sflag:s29] =	ssyncadd.s32 $0xFFFFFFFF  }
0xb6: {  	_ =	strace $0x9000004E  }
0xb7: {  	_ =	sfence  }
0xb8: {  	s30 =	sld [smem:$0x0];
	_ =	sdelay $0x2  }
0xb9: {  	s31 =	sshll.u32 s1, $0xD;
	s1 =	sshrl.u32 s1, $0x2  }
0xba: {  	s3 =	sand.u32 $0x4000, s31;
	s1 =	sadd.s32 s1, s30  }
0xbb: {  	s0 =	sor.u32 s3, s0;
	s1 =	sshll.u32 s1, $0x11  }
0xbc: {  	s0 =	sor.u32 s1, s0  }
0xbd: {  	s0 =	sadd.s32 $0x8F2B, s0  }
0xbe: {  	[sflag:s0] =	ssyncadd.remote.s32 $0x1  }
0xbf: {  	_ =	sfence.sel $0xFFFF  }
0xc0: {  	[dreg:$0x0] =	wrdreg $0xFFFFFFFF;
	(pc) =	sbr.abs _section_cstart, $3  }
0xc1: {  	[dreg:$0x1] =	wrdreg $0xFFFFFFFF  }
0xc2: {  	_ =	task.clear_ibuf [dreg:s7], $0x2FFFF;
	_ =	strace $0x9FFFFFFF  }
0xc3: {  	(tm) =	ssettm $0x7FFFFFFF  }
tec
execute0_lowered:
.L_overlay_start_1:
0x0: {  	(tag) =	ssettag $0x1  }
0x1: {  	s1 =	rddreg [dreg:$0x0]  }
0x2: {  	s8 =	rddreg [dreg:$0x1]  }
0x3: {  	s3 =	rddreg [dreg:$0x2]  }
0x4: {  	s4 =	simm.s32 $0x0;
	s23 =	stileid.u32;
	s2 =	srdreg.scid  }
0x5: {  	[smem:$0x7FF] =	sst s4;
	s0 =	smul.u32 $0xA80, s23;
	s5 =	sadd.s32 $0x5200, s8  }
0x6: {  	s6 =	sadd.s32 $0x62E00, s8;
	s7 =	sadd.s32 $0x8A000, s8;
	s20 =	sadd.s32 $0xB1200, s8  }
0x7: {  	s11 =	sadd.s32 $0xD8400, s8;
	s9 =	smul.u32 $0xA000, s23;
	s10 =	sor.u32 $0x10, s23  }
0x8: {  	s14 =	sand.u32 $0x1, s2;
	s24 =	sadd.s32 $0xFF600, s8;
	s2 =	smul.u32 $0x500, s10  }
0x9: {  	s15 =	sor.u32 $0x20, s23;
	s25 =	sadd.s32 $0x126800, s8;
	s10 =	smul.u32 $0xA000, s10  }
0xa: {  	s18 =	sor.u32 $0x30, s23;
	s16 =	sor.u32 $0x40, s23;
	s17 =	smul.u32 $0xA000, s15  }
0xb: {  	s21 =	sor.u32 $0x50, s23;
	s0 =	sadd.s32 s0, s8;
	s8 =	smul.u32 $0x500, s15  }
0xc: {  	_ =	strace $0x8000004D;
	s9 =	sshrl.u32 s9, $0x2;
	s15 =	smul.u32 $0xA000, s18  }
0xd: {  	s12 =	ssub.s32 $0x2, s14;
	s30 =	sadd.s32 s9, s3;
	s9 =	smul.u32 $0x500, s18  }
0xe: {  	[dreg:$0x5] =	wrdreg s25;
	s19 =	sshrl.u32 s17, $0x2;
	s17 =	smul.u32 $0xA000, s16  }
0xf: {  	[dreg:$0x4] =	wrdreg s24;
	s13 =	sshrl.u32 s12, $0x1;
	s18 =	smul.u32 $0x500, s16  }
0x10: {  	s12 =	ssub.s32 s12, s13;
	s10 =	sshrl.u32 s10, $0x2;
	s16 =	smul.u32 $0xA000, s21  }
0x11: {  	s12 =	smax.u32 s12, $0x1;
	s29 =	sadd.s32 s10, s3;
	s13 =	sadd.s32 s19, s3  }
0x12: {  	s15 =	sshrl.u32 s15, $0x2;
	s10 =	smul.u32 $0x500, s21;
	[dreg:$0x7] =	wrdreg s30  }
0x13: {  	s19 =	sor.u32 $0x60, s23;
	s21 =	sor.u32 $0x70, s23;
	[dreg:$0x6] =	wrdreg s12  }
0x14: {  	s23 =	smul.u32 $0x500, s23;
	s15 =	sadd.s32 s15, s3;
	[dreg:$0x9] =	wrdreg s29  }
0x15: {  	s16 =	sshrl.u32 s16, $0x2;
	s28 =	smul.u32 $0x500, s21;
	[dreg:$0xc] =	wrdreg s13  }
0x16: {  	s12 =	sadd.s32 s16, s3;
	s16 =	sadd.s32 s11, s23;
	[dreg:$0xa] =	wrdreg s15  }
0x17: {  	p0 =	sne.s32 s14, $0x0;
	s17 =	sshrl.u32 s17, $0x2;
	[dreg:$0x10] =	wrdreg s16  }
0x18: {  	s22 =	smul.u32 $0xA000, s19;
	s14 =	sadd.s32 s17, s3;
	[dreg:$0xe] =	wrdreg s28  }
0x19: {  	s19 =	smul.u32 $0x500, s19;
	[dreg:$0x8] =	wrdreg s14  }
0x1a: {  	s17 =	sshrl.u32 s22, $0x2;
	s16 =	sadd.s32 s11, s9;
	[dreg:$0xb] =	wrdreg s12  }
0x1b: {  	s22 =	smul.u32 $0xA000, s21;
	[dreg:$0x13] =	wrdreg s16;
	s16 =	sadd.s32 s11, s19  }
0x1c: {  	s17 =	sadd.s32 s17, s3;
	[dreg:$0x16] =	wrdreg s16  }
0x1d: {  	s26 =	sshrl.u32 s22, $0x2;
	s22 =	sadd.s32 s11, s2;
	[dreg:$0xd] =	wrdreg s17  }
0x1e: {  	p1 =	sgt.u32 s21, $0x7C;
	s16 =	sadd.s32 s20, s9;
	[dreg:$0x11] =	wrdreg s22  }
0x1f: {  	p2 =	slt.u32 s21, $0x7D;
	s21 =	sadd.s32 s26, s3;
	[dreg:$0x1b] =	wrdreg s16  }
0x20: {  	s26 =	sadd.s32 s11, s8;
	[dreg:$0xf] =	wrdreg s21  }
0x21: {  	s22 =	sadd.s32 s11, s18;
	[dreg:$0x12] =	wrdreg s26  }
0x22: {  	s16 =	sadd.s32 s20, s28;
	[dreg:$0x14] =	wrdreg s22  }
0x23: {  	s26 =	sadd.s32 s11, s10;
	[dreg:$0x1f] =	wrdreg s16  }
0x24: {  	s11 =	sadd.s32 s11, s28;
	[dreg:$0x15] =	wrdreg s26  }
0x25: {  	s21 =	sadd.s32 s20, s23;
	[dreg:$0x17] =	wrdreg s11  }
0x26: {  	s22 =	sadd.s32 s20, s2;
	[dreg:$0x18] =	wrdreg s21  }
0x27: {  	s16 =	sadd.s32 s6, s23;
	[dreg:$0x19] =	wrdreg s22  }
0x28: {  	s26 =	sadd.s32 s20, s8;
	[smem:$0x7D1] =	sst s16  }
0x29: {  	s21 =	sadd.s32 s20, s18;
	[dreg:$0x1a] =	wrdreg s26  }
0x2a: {  	s22 =	sadd.s32 s20, s10;
	[dreg:$0x1c] =	wrdreg s21  }
0x2b: {  	s16 =	sadd.s32 s6, s2;
	[dreg:$0x1d] =	wrdreg s22  }
0x2c: {  	s11 =	sadd.s32 s5, s9;
	[smem:$0x7D7] =	sst s16  }
0x2d: {  	s26 =	sadd.s32 s20, s19;
	[smem:$0x7DF] =	sst s11  }
0x2e: {  	s20 =	sadd.s32 s5, s23;
	[dreg:$0x1e] =	wrdreg s26  }
0x2f: {  	s21 =	sadd.s32 s7, s23;
	[smem:$0x7CD] =	sst s20  }
0x30: {  	s22 =	sadd.s32 s25, s23;
	[smem:$0x7CE] =	sst s21  }
0x31: {  	s16 =	sadd.s32 s7, s9;
	[smem:$0x7CF] =	sst s22  }
0x32: {  	s11 =	sadd.s32 s1, s18;
	[smem:$0x7E0] =	sst s16  }
0x33: {  	s26 =	sadd.s32 s1, s23;
	[smem:$0x7E8] =	sst s11  }
0x34: {  	s20 =	sadd.s32 s24, s23;
	[smem:$0x7D0] =	sst s26  }
0x35: {  	s21 =	sadd.s32 s5, s2;
	[smem:$0x7D2] =	sst s20  }
0x36: {  	s22 =	sadd.s32 s7, s2;
	[smem:$0x7D3] =	sst s21  }
0x37: {  	s23 =	sadd.s32 s25, s2;
	[smem:$0x7D4] =	sst s22  }
0x38: {  	s16 =	sadd.s32 s6, s18;
	[smem:$0x7D5] =	sst s23  }
0x39: {  	s11 =	sadd.s32 s25, s19;
	[smem:$0x7E9] =	sst s16  }
0x3a: {  	s26 =	sadd.s32 s1, s2;
	[smem:$0x7F3] =	sst s11  }
0x3b: {  	s2 =	sadd.s32 s24, s2;
	[smem:$0x7D6] =	sst s26  }
0x3c: {  	s20 =	sadd.s32 s5, s8;
	[smem:$0x7D8] =	sst s2  }
0x3d: {  	s21 =	sadd.s32 s7, s8;
	[smem:$0x7D9] =	sst s20  }
0x3e: {  	s22 =	sadd.s32 s25, s8;
	[smem:$0x7DA] =	sst s21  }
0x3f: {  	s23 =	sadd.s32 s1, s8;
	[smem:$0x7DB] =	sst s22  }
0x40: {  	s16 =	sadd.s32 s1, s19;
	[smem:$0x7DC] =	sst s23  }
0x41: {  	s26 =	sadd.s32 s6, s8;
	[smem:$0x7F4] =	sst s16  }
0x42: {  	s8 =	sadd.s32 s24, s8;
	[smem:$0x7DD] =	sst s26  }
0x43: {  	s20 =	sadd.s32 s25, s9;
	[smem:$0x7DE] =	sst s8  }
0x44: {  	s21 =	sadd.s32 s1, s9;
	[smem:$0x7E1] =	sst s20  }
0x45: {  	s22 =	sadd.s32 s6, s9;
	[smem:$0x7E2] =	sst s21  }
0x46: {  	s23 =	sadd.s32 s24, s9;
	[smem:$0x7E3] =	sst s22  }
0x47: {  	s9 =	sadd.s32 s25, s18;
	[smem:$0x7E4] =	sst s23  }
0x48: {  	s26 =	sadd.s32 s5, s18;
	[smem:$0x7E7] =	sst s9  }
0x49: {  	s8 =	sadd.s32 s7, s18;
	[smem:$0x7E5] =	sst s26  }
0x4a: {  	s18 =	sadd.s32 s24, s18;
	[smem:$0x7E6] =	sst s8  }
0x4b: {  	s20 =	sadd.s32 s5, s10;
	[smem:$0x7EA] =	sst s18  }
0x4c: {  	s21 =	sadd.s32 s7, s10;
	[smem:$0x7EB] =	sst s20  }
0x4d: {  	s22 =	sadd.s32 s25, s10;
	[smem:$0x7EC] =	sst s21  }
0x4e: {  	s23 =	sadd.s32 s1, s10;
	[smem:$0x7ED] =	sst s22  }
0x4f: {  	s9 =	sadd.s32 s5, s19;
	[smem:$0x7EE] =	sst s23  }
0x50: {  	s25 =	sadd.s32 s6, s28;
	[smem:$0x7F1] =	sst s9  }
0x51: {  	s26 =	sadd.s32 s6, s10;
	[smem:$0x7FD] =	sst s25  }
0x52: {  	s8 =	sadd.s32 s24, s10;
	[smem:$0x7EF] =	sst s26  }
0x53: {  	s10 =	sadd.s32 s7, s19;
	[smem:$0x7F0] =	sst s8  }
0x54: {  	s31 =	simm.s32 $0x100;
	s18 =	sadd.s32 s6, s19;
	[smem:$0x7F2] =	sst s10  }
0x55: {  	s2 =	simm.s32 $0x1;
	s19 =	sadd.s32 s24, s19;
	[smem:$0x7F5] =	sst s18  }
0x56: {  	s20 =	sadd.s32 $0x58620, s0;
	s21 =	sadd.s32 $0x58640, s0;
	[smem:$0x7F6] =	sst s19  }
0x57: {  	s22 =	sadd.s32 s5, s28;
	s23 =	sadd.s32 s7, s28;
	[smem:$0x7F7] =	sst s20  }
0x58: {  	s24 =	sadd.s32 s1, s28;
	s25 =	simm.s32 $0x200;
	[smem:$0x7F8] =	sst s21  }
0x59: {  	s9 =	simm.s32 $0x180;
	s28 =	simm.s32 $0x0;
	[smem:$0x7FA] =	sst s22  }
.Ltmp0:
0x5a: {  	s26 =	sadd.s32 $0x58600, s0;
	[smem:$0x7FB] =	sst s23;
	(pc) =	sbr.rel .LBB2_1-.Ltmp0, $4  }
0x5b: {  	s0 =	sadd.s32 $0x59060, s0;
	[smem:$0x7FC] =	sst s24;
	s21 =	simm.s32 $0x7A00  }
0x5c: {  	s22 =	simm.s32 $0x6;
	s23 =	simm.s32 $0x5;
	s24 =	simm.s32 $0x78  }
0x5d: {  	s20 =	simm.s32 $0x80;
	s18 =	simm.s32 $0x3;
	s8 =	simm.s32 $0x2  }
0x5e: {  	s10 =	simm.s32 $0x4;
	[smem:$0x7F9] =	sst s0;
	s0 =	simm.s32 $0x3E00  }
.LBB2_12:
0x5f: {  	s19 =	rddreg [dreg:$0xf]  }
0x60: {  	[tilespmem:s21], [sflag:$0x6] =	stream.linear.gather [spmem:s19], $0x2800, $0x38;
	[tilespmem:$0x1DAC0] =	vst v63  }
0x61: {  	_ =	swait.ge [sflag:s22], $0x2800  }
0x62: {  	[sflag:s22] =	ssyncset.done $0x0;
	s16 =	rddreg [dreg:$0xe]  }
0x63: {  	s11 =	sadd.s32 s11, s16;
	[sflag:s22] =	ssyncadd.s32 $0xFFFFD800  }
0x64: {  	[hbm4b:s11+s4] =	stream.linear.scatter [tilespmem:s21], [sflag:$0x5], $0x2800, $0x38;
	[tilespmem:$0x1DAC0] =	vst v63  }
0x65: {  	_ =	swait.ge [sflag:s23], $0x2800  }
0x66: {  	[sflag:s23] =	ssyncset.done $0x0  }
0x67: {  	[sflag:s23] =	ssyncadd.s32 $0xFFFFD800  }
.LBB2_13:
0x68: {  	s28 =	sadd.s32 $0x1, s28;
	s11 =	rddreg [dreg:$0x6]  }
0x69: {  	p3 =	sne.s32 s28, s11  }
.Ltmp1:
0x6a: {  	_ = 	snop;
	(pc) =	sbr.rel @!p3 .LBB2_14-.Ltmp1, $2  }
0x6b: {  	_ =	sdelay $0x1  }
0x6c: {  	[bflag:$0x0] =	sbarrier.arrive $0xFFFF;
	_ =	sdelay $0x1  }
.LBB2_1:
.Ltmp2:
0x6d: {  	(pc) =	sbr.rel @p0 .LBB2_7-.Ltmp2, $2  }
0x6e: {  	_ =	sdelay $0x2  }
0x6f: {  	[smem:$0x7CC] =	sst s28  }
0x70: {  	s11 =	sld [smem:$0x7D0];
	_ =	sdelay $0x2  }
0x71: {  	[tilespmem:s21], [sflag:$0x6] =	stream.linear.gather [hbm4b:s11+s4], $0x2800, $0x38;
	[tilespmem:$0x1DAC0] =	vst v63  }
0x72: {  	_ =	swait.ge [sflag:s22], $0x2800  }
0x73: {  	[sflag:s22] =	ssyncset.done $0x0  }
0x74: {  	[sflag:s22] =	ssyncadd.s32 $0xFFFFD800  }
0x75: {  	[spmem:s30] =	stream.linear.scatter [tilespmem:s21], [sflag:$0x5], $0x2800, $0x38;
	[tilespmem:$0x1DAC0] =	vst v63  }
0x76: {  	_ =	swait.ge [sflag:s23], $0x2800  }
0x77: {  	s16 =	sld [smem:$0x7D6]  }
0x78: {  	[sflag:s23] =	ssyncset.done $0x0  }
0x79: {  	[sflag:s23] =	ssyncadd.s32 $0xFFFFD800  }
0x7a: {  	[tilespmem:s21], [sflag:$0x6] =	stream.linear.gather [hbm4b:s16+s4], $0x2800, $0x38;
	[tilespmem:$0x1DAC0] =	vst v63  }
0x7b: {  	_ =	swait.ge [sflag:s22], $0x2800  }
0x7c: {  	[sflag:s22] =	ssyncset.done $0x0  }
0x7d: {  	[sflag:s22] =	ssyncadd.s32 $0xFFFFD800  }
0x7e: {  	[spmem:s29] =	stream.linear.scatter [tilespmem:s21], [sflag:$0x5], $0x2800, $0x38;
	[tilespmem:$0x1DAC0] =	vst v63  }
0x7f: {  	_ =	swait.ge [sflag:s23], $0x2800  }
0x80: {  	s19 =	sld [smem:$0x7DC]  }
0x81: {  	[sflag:s23] =	ssyncset.done $0x0  }
0x82: {  	[sflag:s23] =	ssyncadd.s32 $0xFFFFD800  }
0x83: {  	[tilespmem:s21], [sflag:$0x6] =	stream.linear.gather [hbm4b:s19+s4], $0x2800, $0x38;
	[tilespmem:$0x1DAC0] =	vst v63  }
0x84: {  	_ =	swait.ge [sflag:s22], $0x2800  }
0x85: {  	[sflag:s22] =	ssyncset.done $0x0  }
0x86: {  	[sflag:s22] =	ssyncadd.s32 $0xFFFFD800  }
0x87: {  	[spmem:s13] =	stream.linear.scatter [tilespmem:s21], [sflag:$0x5], $0x2800, $0x38;
	[tilespmem:$0x1DAC0] =	vst v63  }
0x88: {  	_ =	swait.ge [sflag:s23], $0x2800  }
0x89: {  	s16 =	smov.u32 s29;
	s29 =	sld [smem:$0x7E2]  }
0x8a: {  	[sflag:s23] =	ssyncset.done $0x0  }
0x8b: {  	[sflag:s23] =	ssyncadd.s32 $0xFFFFD800  }
0x8c: {  	[tilespmem:s21], [sflag:$0x6] =	stream.linear.gather [hbm4b:s29+s4], $0x2800, $0x38;
	[tilespmem:$0x1DAC0] =	vst v63  }
0x8d: {  	_ =	swait.ge [sflag:s22], $0x2800  }
0x8e: {  	[sflag:s22] =	ssyncset.done $0x0  }
0x8f: {  	[sflag:s22] =	ssyncadd.s32 $0xFFFFD800  }
0x90: {  	[spmem:s15] =	stream.linear.scatter [tilespmem:s21], [sflag:$0x5], $0x2800, $0x38;
	[tilespmem:$0x1DAC0] =	vst v63  }
0x91: {  	_ =	swait.ge [sflag:s23], $0x2800  }
0x92: {  	s19 =	sld [smem:$0x7E8]  }
0x93: {  	[sflag:s23] =	ssyncset.done $0x0  }
0x94: {  	[sflag:s23] =	ssyncadd.s32 $0xFFFFD800  }
0x95: {  	[tilespmem:s21], [sflag:$0x6] =	stream.linear.gather [hbm4b:s19+s4], $0x2800, $0x38;
	[tilespmem:$0x1DAC0] =	vst v63  }
0x96: {  	_ =	swait.ge [sflag:s22], $0x2800  }
0x97: {  	[sflag:s22] =	ssyncset.done $0x0  }
0x98: {  	[sflag:s22] =	ssyncadd.s32 $0xFFFFD800  }
0x99: {  	[spmem:s14] =	stream.linear.scatter [tilespmem:s21], [sflag:$0x5], $0x2800, $0x38;
	[tilespmem:$0x1DAC0] =	vst v63  }
0x9a: {  	_ =	swait.ge [sflag:s23], $0x2800  }
0x9b: {  	s29 =	sld [smem:$0x7EE]  }
0x9c: {  	[sflag:s23] =	ssyncset.done $0x0  }
0x9d: {  	[sflag:s23] =	ssyncadd.s32 $0xFFFFD800  }
0x9e: {  	[tilespmem:s21], [sflag:$0x6] =	stream.linear.gather [hbm4b:s29+s4], $0x2800, $0x38;
	[tilespmem:$0x1DAC0] =	vst v63  }
0x9f: {  	_ =	swait.ge [sflag:s22], $0x2800  }
0xa0: {  	[sflag:s22] =	ssyncset.done $0x0  }
0xa1: {  	[sflag:s22] =	ssyncadd.s32 $0xFFFFD800  }
0xa2: {  	[spmem:s12] =	stream.linear.scatter [tilespmem:s21], [sflag:$0x5], $0x2800, $0x38;
	[tilespmem:$0x1DAC0] =	vst v63  }
0xa3: {  	_ =	swait.ge [sflag:s23], $0x2800  }
0xa4: {  	s19 =	sld [smem:$0x7F4]  }
0xa5: {  	[sflag:s23] =	ssyncset.done $0x0  }
0xa6: {  	[sflag:s23] =	ssyncadd.s32 $0xFFFFD800  }
0xa7: {  	[tilespmem:s21], [sflag:$0x6] =	stream.linear.gather [hbm4b:s19+s4], $0x2800, $0x38;
	[tilespmem:$0x1DAC0] =	vst v63  }
0xa8: {  	_ =	swait.ge [sflag:s22], $0x2800  }
0xa9: {  	[sflag:s22] =	ssyncset.done $0x0  }
0xaa: {  	[sflag:s22] =	ssyncadd.s32 $0xFFFFD800  }
0xab: {  	[spmem:s17] =	stream.linear.scatter [tilespmem:s21], [sflag:$0x5], $0x2800, $0x38;
	[tilespmem:$0x1DAC0] =	vst v63  }
0xac: {  	_ =	swait.ge [sflag:s23], $0x2800  }
0xad: {  	s28 =	sld [smem:$0x7FC]  }
0xae: {  	[sflag:s23] =	ssyncset.done $0x0  }
0xaf: {  	s11 =	simm.s32 @!p1 $0x0;
	s19 =	simm.s32 @!p1 $0x7A00;
	[sflag:s23] =	ssyncadd.s32 $0xFFFFD800  }
0xb0: {  	[tilespmem:s19], [sflag:$0x6] =	stream.linear.gather @!p1 [hbm4b:s28+s11], $0x2800, $0x38;
	[tilespmem:$0x1DAC0] =	vst v63  }
0xb1: {  	s11 =	simm.s32 @!p1 $0x6  }
0xb2: {  	_ =	swait.ge @!p1 [sflag:s11], $0x2800  }
0xb3: {  	[sflag:s11] =	ssyncset.done @!p1 $0x0  }
0xb4: {  	s28 =	rddreg [dreg:$0xf];
	[sflag:s11] =	ssyncadd.s32 @!p1 $0xFFFFD800;
	s11 =	simm.s32 @!p1 $0x5  }
0xb5: {  	[spmem:s28] =	stream.linear.scatter @!p1 [tilespmem:s19], [sflag:$0x5], $0x2800, $0x38;
	[tilespmem:$0x1DAC0] =	vst v63  }
0xb6: {  	_ =	swait.ge @!p1 [sflag:s11], $0x2800  }
0xb7: {  	[sflag:s11] =	ssyncset.done @!p1 $0x0  }
0xb8: {  	[sflag:s11] =	ssyncadd.s32 @!p1 $0xFFFFD800  }
0xb9: {  	[bflag:$0x0] =	sbarrier.arrive $0xFFFF  }
0xba: {  	[tilespmem:s4], [sflag:$0x5] =	stream.linear.gather [hbm4b:s26+s4], $0x100, $0x38;
	[tilespmem:$0x1DAC0] =	vst v63  }
0xbb: {  	_ =	swait.ge [sflag:s23], $0x100  }
0xbc: {  	[sflag:s23] =	ssyncset.done $0x0  }
0xbd: {  	s29 =	sld [smem:$0x7F7];
	[sflag:s23] =	ssyncadd.s32 $0xFFFFFF00  }
0xbe: {  	[tilespmem:s25], [sflag:$0x1] =	stream.indirect.gather [hbm4b:s1+s24], $0x80, s4, s24, $0xb8;
	[tilespmem:$0x1DAC0] =	vst v63  }
0xbf: {  	_ = 	snop  }
0xc0: {  	[tilespmem:s31], [sflag:$0x5] =	stream.linear.gather [hbm4b:s29+s4], $0x100, $0x38;
	[tilespmem:$0x1DAC0] =	vst v63  }
0xc1: {  	_ =	swait.ge [sflag:s23], $0x100  }
0xc2: {  	[sflag:s23] =	ssyncset.done $0x0  }
0xc3: {  	[sflag:s23] =	ssyncadd.s32 $0xFFFFFF00  }
0xc4: {  	[tilespmem:s0], [sflag:$0x2] =	stream.indirect.gather [hbm4b:s1+s24], $0x80, s31, s24, $0xb8;
	[tilespmem:$0x1DAC0] =	vst v63  }
0xc5: {  	_ =	swait.ge [sflag:s2], $0x3C00  }
0xc6: {  	[sflag:s2] =	ssyncset.done $0x0  }
0xc7: {  	[sflag:s2] =	ssyncadd.s32 $0xFFFFC400  }
0xc8: {  	[spmem:s3] =	stream.indirect.scatter.add.f32 [tilespmem:s25], [sflag:$0x3], $0x80, s20, s24, $0xb8;
	[tilespmem:$0x1DAC0] =	vst v63  }
0xc9: {  	_ =	swait.ge [sflag:s18], $0x3C00  }
0xca: {  	s19 =	sld [smem:$0x7F8]  }
0xcb: {  	[sflag:s18] =	ssyncset.done $0x0  }
0xcc: {  	[sflag:s18] =	ssyncadd.s32 $0xFFFFC400  }
0xcd: {  	[tilespmem:s4], [sflag:$0x5] =	stream.linear.gather [hbm4b:s19+s4], $0x100, $0x38;
	[tilespmem:$0x1DAC0] =	vst v63  }
0xce: {  	_ =	swait.ge [sflag:s23], $0x100  }
0xcf: {  	[sflag:s23] =	ssyncset.done $0x0  }
0xd0: {  	[sflag:s23] =	ssyncadd.s32 $0xFFFFFF00  }
0xd1: {  	[tilespmem:s25], [sflag:$0x1] =	stream.indirect.gather [hbm4b:s1+s24], $0x80, s4, s24, $0xb8;
	[tilespmem:$0x1DAC0] =	vst v63  }
0xd2: {  	_ =	swait.ge [sflag:s8], $0x3C00  }
0xd3: {  	[sflag:s8] =	ssyncset.done $0x0  }
0xd4: {  	[sflag:s8] =	ssyncadd.s32 $0xFFFFC400  }
0xd5: {  	[spmem:s3] =	stream.indirect.scatter.add.f32 [tilespmem:s0], [sflag:$0x4], $0x80, s9, s24, $0xb8;
	[tilespmem:$0x1DAC0] =	vst v63  }
0xd6: {  	_ =	swait.ge [sflag:s10], $0x3C00  }
0xd7: {  	s11 =	sadd.s32 $0xFFFFF600, s26;
	[sflag:s10] =	ssyncset.done $0x0  }
0xd8: {  	s29 =	sadd.s32 $0xA60, s11;
	[sflag:s10] =	ssyncadd.s32 $0xFFFFC400  }
0xd9: {  	[tilespmem:s31], [sflag:$0x5] =	stream.linear.gather [hbm4b:s29+s4], $0x100, $0x38;
	[tilespmem:$0x1DAC0] =	vst v63  }
0xda: {  	_ =	swait.ge [sflag:s23], $0x100  }
0xdb: {  	[sflag:s23] =	ssyncset.done $0x0  }
0xdc: {  	[sflag:s23] =	ssyncadd.s32 $0xFFFFFF00  }
0xdd: {  	[tilespmem:s0], [sflag:$0x2] =	stream.indirect.gather [hbm4b:s1+s24], $0x80, s31, s24, $0xb8;
	[tilespmem:$0x1DAC0] =	vst v63  }
0xde: {  	_ =	swait.ge [sflag:s2], $0x3C00  }
0xdf: {  	[sflag:s2] =	ssyncset.done $0x0  }
0xe0: {  	[sflag:s2] =	ssyncadd.s32 $0xFFFFC400  }
0xe1: {  	[spmem:s3] =	stream.indirect.scatter.add.f32 [tilespmem:s25], [sflag:$0x3], $0x80, s20, s24, $0xb8;
	[tilespmem:$0x1DAC0] =	vst v63  }
0xe2: {  	_ =	swait.ge [sflag:s18], $0x3C00  }
0xe3: {  	[sflag:s18] =	ssyncset.done $0x0  }
0xe4: {  	s11 =	sadd.s32 $0xA80, s11;
	[sflag:s18] =	ssyncadd.s32 $0xFFFFC400  }
0xe5: {  	[tilespmem:s4], [sflag:$0x5] =	stream.linear.gather [hbm4b:s11+s4], $0x100, $0x38;
	[tilespmem:$0x1DAC0] =	vst v63  }
0xe6: {  	_ =	swait.ge [sflag:s23], $0x100  }
0xe7: {  	[sflag:s23] =	ssyncset.done $0x0  }
0xe8: {  	[sflag:s23] =	ssyncadd.s32 $0xFFFFFF00  }
0xe9: {  	[tilespmem:s25], [sflag:$0x1] =	stream.indirect.gather [hbm4b:s1+s24], $0x80, s4, s24, $0xb8;
	[tilespmem:$0x1DAC0] =	vst v63  }
0xea: {  	_ =	swait.ge [sflag:s8], $0x3C00  }
0xeb: {  	[sflag:s8] =	ssyncset.done $0x0  }
0xec: {  	s11 =	simm.s32 $0xFFFFF640;
	[sflag:s8] =	ssyncadd.s32 $0xFFFFC400  }
.LBB2_3:
0xed: {  	[spmem:s3] =	stream.indirect.scatter.add.f32 [tilespmem:s0], [sflag:$0x4], $0x80, s9, s24, $0xb8;
	[tilespmem:$0x1DAC0] =	vst v63  }
0xee: {  	s19 =	smov.u32 s11  }
0xef: {  	p3 =	sne.s32 s11, $0xFFFFFFC0;
	s11 =	sadd.s32 $0x40, s11;
	_ =	swait.ge [sflag:s10], $0x3C00  }
0xf0: {  	s19 =	sadd.s32 s19, s26;
	[sflag:s10] =	ssyncset.done $0x0  }
0xf1: {  	s29 =	sadd.s32 $0xA60, s19;
	[sflag:s10] =	ssyncadd.s32 $0xFFFFC400  }
0xf2: {  	[tilespmem:s31], [sflag:$0x5] =	stream.linear.gather [hbm4b:s29+s4], $0x100, $0x38;
	[tilespmem:$0x1DAC0] =	vst v63  }
0xf3: {  	_ =	swait.ge [sflag:s23], $0x100  }
0xf4: {  	[sflag:s23] =	ssyncset.done $0x0  }
0xf5: {  	[sflag:s23] =	ssyncadd.s32 $0xFFFFFF00  }
0xf6: {  	[tilespmem:s0], [sflag:$0x2] =	stream.indirect.gather [hbm4b:s1+s24], $0x80, s31, s24, $0xb8;
	[tilespmem:$0x1DAC0] =	vst v63  }
0xf7: {  	_ =	swait.ge [sflag:s2], $0x3C00  }
0xf8: {  	[sflag:s2] =	ssyncset.done $0x0  }
0xf9: {  	[sflag:s2] =	ssyncadd.s32 $0xFFFFC400  }
0xfa: {  	[spmem:s3] =	stream.indirect.scatter.add.f32 [tilespmem:s25], [sflag:$0x3], $0x80, s20, s24, $0xb8;
	[tilespmem:$0x1DAC0] =	vst v63  }
0xfb: {  	_ =	swait.ge [sflag:s18], $0x3C00  }
0xfc: {  	[sflag:s18] =	ssyncset.done $0x0  }
0xfd: {  	s19 =	sadd.s32 $0xA80, s19;
	[sflag:s18] =	ssyncadd.s32 $0xFFFFC400  }
0xfe: {  	[tilespmem:s4], [sflag:$0x5] =	stream.linear.gather [hbm4b:s19+s4], $0x100, $0x38;
	[tilespmem:$0x1DAC0] =	vst v63  }
0xff: {  	_ =	swait.ge [sflag:s23], $0x100  }
0x100: {  	[sflag:s23] =	ssyncset.done $0x0  }
.Ltmp3:
0x101: {  	[sflag:s23] =	ssyncadd.s32 $0xFFFFFF00;
	(pc) =	sbr.rel @p3 .LBB2_3-.Ltmp3, $4  }
0x102: {  	[tilespmem:s25], [sflag:$0x1] =	stream.indirect.gather [hbm4b:s1+s24], $0x80, s4, s24, $0xb8;
	[tilespmem:$0x1DAC0] =	vst v63  }
0x103: {  	_ =	swait.ge [sflag:s8], $0x3C00  }
0x104: {  	[sflag:s8] =	ssyncset.done $0x0  }
0x105: {  	[sflag:s8] =	ssyncadd.s32 $0xFFFFC400  }
0x106: {  	[spmem:s3] =	stream.indirect.scatter.add.f32 [tilespmem:s0], [sflag:$0x4], $0x80, s9, s24, $0xb8;
	[tilespmem:$0x1DAC0] =	vst v63  }
0x107: {  	_ =	swait.ge [sflag:s10], $0x3C00  }
0x108: {  	s11 =	sld [smem:$0x7F9]  }
0x109: {  	[sflag:s10] =	ssyncset.done $0x0  }
0x10a: {  	[sflag:s10] =	ssyncadd.s32 $0xFFFFC400  }
0x10b: {  	[tilespmem:s31], [sflag:$0x5] =	stream.linear.gather [hbm4b:s11+s4], $0x100, $0x38;
	[tilespmem:$0x1DAC0] =	vst v63  }
0x10c: {  	_ =	swait.ge [sflag:s23], $0x100  }
0x10d: {  	[sflag:s23] =	ssyncset.done $0x0  }
0x10e: {  	[sflag:s23] =	ssyncadd.s32 $0xFFFFFF00  }
0x10f: {  	[tilespmem:s0], [sflag:$0x2] =	stream.indirect.gather [hbm4b:s1+s24], $0x80, s31, s24, $0xb8;
	[tilespmem:$0x1DAC0] =	vst v63  }
0x110: {  	_ =	swait.ge [sflag:s2], $0x3C00  }
0x111: {  	[sflag:s2] =	ssyncset.done $0x0  }
0x112: {  	[sflag:s2] =	ssyncadd.s32 $0xFFFFC400  }
0x113: {  	[spmem:s3] =	stream.indirect.scatter.add.f32 [tilespmem:s25], [sflag:$0x3], $0x80, s20, s24, $0xb8;
	[tilespmem:$0x1DAC0] =	vst v63  }
0x114: {  	_ =	swait.ge [sflag:s8], $0x3C00  }
0x115: {  	[sflag:s8] =	ssyncset.done $0x0  }
0x116: {  	[sflag:s8] =	ssyncadd.s32 $0xFFFFC400  }
0x117: {  	[spmem:s3] =	stream.indirect.scatter.add.f32 [tilespmem:s0], [sflag:$0x4], $0x80, s9, s24, $0xb8;
	[tilespmem:$0x1DAC0] =	vst v63  }
0x118: {  	_ =	swait.ge [sflag:s18], $0x3C00  }
0x119: {  	[sflag:s18] =	ssyncset.done $0x0  }
0x11a: {  	[sflag:s18] =	ssyncadd.s32 $0xFFFFC400  }
0x11b: {  	_ =	swait.ge [sflag:s10], $0x3C00  }
0x11c: {  	[sflag:s10] =	ssyncset.done $0x0  }
0x11d: {  	[sflag:s10] =	ssyncadd.s32 $0xFFFFC400  }
0x11e: {  	[bflag:$0x0] =	sbarrier.arrive $0xFFFF  }
0x11f: {  	[tilespmem:s21], [sflag:$0x6] =	stream.linear.gather [spmem:s30], $0x2800, $0x38;
	[tilespmem:$0x1DAC0] =	vst v63  }
0x120: {  	_ =	swait.ge [sflag:s22], $0x2800  }
0x121: {  	[sflag:s22] =	ssyncset.done $0x0  }
0x122: {  	s29 =	rddreg [dreg:$0x18];
	[sflag:s22] =	ssyncadd.s32 $0xFFFFD800  }
0x123: {  	[hbm4b:s29+s4] =	stream.linear.scatter [tilespmem:s21], [sflag:$0x5], $0x2800, $0x38;
	[tilespmem:$0x1DAC0] =	vst v63  }
0x124: {  	_ =	swait.ge [sflag:s23], $0x2800  }
0x125: {  	[sflag:s23] =	ssyncset.done $0x0  }
0x126: {  	[sflag:s23] =	ssyncadd.s32 $0xFFFFD800  }
0x127: {  	[tilespmem:s21], [sflag:$0x6] =	stream.linear.gather [spmem:s16], $0x2800, $0x38;
	[tilespmem:$0x1DAC0] =	vst v63  }
0x128: {  	_ =	swait.ge [sflag:s22], $0x2800  }
0x129: {  	[sflag:s22] =	ssyncset.done $0x0  }
0x12a: {  	s19 =	rddreg [dreg:$0x19];
	[sflag:s22] =	ssyncadd.s32 $0xFFFFD800  }
0x12b: {  	[hbm4b:s19+s4] =	stream.linear.scatter [tilespmem:s21], [sflag:$0x5], $0x2800, $0x38;
	[tilespmem:$0x1DAC0] =	vst v63  }
0x12c: {  	_ =	swait.ge [sflag:s23], $0x2800  }
0x12d: {  	[sflag:s23] =	ssyncset.done $0x0  }
0x12e: {  	[sflag:s23] =	ssyncadd.s32 $0xFFFFD800  }
0x12f: {  	[tilespmem:s21], [sflag:$0x6] =	stream.linear.gather [spmem:s13], $0x2800, $0x38;
	[tilespmem:$0x1DAC0] =	vst v63  }
0x130: {  	_ =	swait.ge [sflag:s22], $0x2800  }
0x131: {  	[sflag:s22] =	ssyncset.done $0x0  }
0x132: {  	s29 =	rddreg [dreg:$0x1a];
	[sflag:s22] =	ssyncadd.s32 $0xFFFFD800  }
0x133: {  	[hbm4b:s29+s4] =	stream.linear.scatter [tilespmem:s21], [sflag:$0x5], $0x2800, $0x38;
	[tilespmem:$0x1DAC0] =	vst v63  }
0x134: {  	_ =	swait.ge [sflag:s23], $0x2800  }
0x135: {  	[sflag:s23] =	ssyncset.done $0x0  }
0x136: {  	[sflag:s23] =	ssyncadd.s32 $0xFFFFD800  }
0x137: {  	[tilespmem:s21], [sflag:$0x6] =	stream.linear.gather [spmem:s15], $0x2800, $0x38;
	[tilespmem:$0x1DAC0] =	vst v63  }
0x138: {  	_ =	swait.ge [sflag:s22], $0x2800  }
0x139: {  	[sflag:s22] =	ssyncset.done $0x0  }
0x13a: {  	s19 =	rddreg [dreg:$0x1b];
	[sflag:s22] =	ssyncadd.s32 $0xFFFFD800  }
0x13b: {  	[hbm4b:s19+s4] =	stream.linear.scatter [tilespmem:s21], [sflag:$0x5], $0x2800, $0x38;
	[tilespmem:$0x1DAC0] =	vst v63  }
0x13c: {  	_ =	swait.ge [sflag:s23], $0x2800  }
0x13d: {  	[sflag:s23] =	ssyncset.done $0x0  }
0x13e: {  	[sflag:s23] =	ssyncadd.s32 $0xFFFFD800  }
0x13f: {  	[tilespmem:s21], [sflag:$0x6] =	stream.linear.gather [spmem:s14], $0x2800, $0x38;
	[tilespmem:$0x1DAC0] =	vst v63  }
0x140: {  	_ =	swait.ge [sflag:s22], $0x2800  }
0x141: {  	[sflag:s22] =	ssyncset.done $0x0  }
0x142: {  	s29 =	rddreg [dreg:$0x1c];
	[sflag:s22] =	ssyncadd.s32 $0xFFFFD800  }
0x143: {  	[hbm4b:s29+s4] =	stream.linear.scatter [tilespmem:s21], [sflag:$0x5], $0x2800, $0x38;
	[tilespmem:$0x1DAC0] =	vst v63  }
0x144: {  	_ =	swait.ge [sflag:s23], $0x2800  }
0x145: {  	[sflag:s23] =	ssyncset.done $0x0  }
0x146: {  	[sflag:s23] =	ssyncadd.s32 $0xFFFFD800  }
0x147: {  	[tilespmem:s21], [sflag:$0x6] =	stream.linear.gather [spmem:s12], $0x2800, $0x38;
	[tilespmem:$0x1DAC0] =	vst v63  }
0x148: {  	_ =	swait.ge [sflag:s22], $0x2800  }
0x149: {  	[sflag:s22] =	ssyncset.done $0x0  }
0x14a: {  	s19 =	rddreg [dreg:$0x1d];
	[sflag:s22] =	ssyncadd.s32 $0xFFFFD800  }
0x14b: {  	[hbm4b:s19+s4] =	stream.linear.scatter [tilespmem:s21], [sflag:$0x5], $0x2800, $0x38;
	[tilespmem:$0x1DAC0] =	vst v63  }
0x14c: {  	_ =	swait.ge [sflag:s23], $0x2800  }
0x14d: {  	[sflag:s23] =	ssyncset.done $0x0  }
0x14e: {  	[sflag:s23] =	ssyncadd.s32 $0xFFFFD800  }
0x14f: {  	[tilespmem:s21], [sflag:$0x6] =	stream.linear.gather [spmem:s17], $0x2800, $0x38;
	[tilespmem:$0x1DAC0] =	vst v63  }
0x150: {  	_ =	swait.ge [sflag:s22], $0x2800  }
0x151: {  	[sflag:s22] =	ssyncset.done $0x0  }
0x152: {  	s29 =	rddreg [dreg:$0x1e];
	[sflag:s22] =	ssyncadd.s32 $0xFFFFD800  }
0x153: {  	[hbm4b:s29+s4] =	stream.linear.scatter [tilespmem:s21], [sflag:$0x5], $0x2800, $0x38;
	[tilespmem:$0x1DAC0] =	vst v63  }
0x154: {  	s11 =	smov.u32 s15;
	_ =	swait.ge [sflag:s23], $0x2800  }
0x155: {  	s15 =	smov.u32 s12;
	s12 =	simm.s32 @!p1 $0x6;
	[sflag:s23] =	ssyncset.done $0x0  }
0x156: {  	s19 =	smov.u32 s16;
	s29 =	simm.s32 @!p1 $0x7A00;
	[sflag:s23] =	ssyncadd.s32 $0xFFFFD800  }
0x157: {  	[tilespmem:s29], [sflag:$0x6] =	stream.linear.gather @!p1 [spmem:s28], $0x2800, $0x38;
	[tilespmem:$0x1DAC0] =	vst v63  }
0x158: {  	s16 =	smov.u32 s11;
	s11 =	smov.u32 s13;
	_ =	swait.ge @!p1 [sflag:s12], $0x2800  }
0x159: {  	s13 =	smov.u32 s19;
	s28 =	smov.u32 s17;
	[sflag:s12] =	ssyncset.done @!p1 $0x0  }
0x15a: {  	s17 =	simm.s32 @!p1 $0x0;
	s19 =	rddreg [dreg:$0x1f];
	[sflag:s12] =	ssyncadd.s32 @!p1 $0xFFFFD800  }
0x15b: {  	[hbm4b:s19+s17] =	stream.linear.scatter @!p1 [tilespmem:s29], [sflag:$0x5], $0x2800, $0x38;
	[tilespmem:$0x1DAC0] =	vst v63  }
0x15c: {  	s19 =	simm.s32 @!p1 $0x5  }
0x15d: {  	_ =	swait.ge @!p1 [sflag:s19], $0x2800  }
0x15e: {  	[sflag:s19] =	ssyncset.done @!p1 $0x0  }
0x15f: {  	[sflag:s19] =	ssyncadd.s32 @!p1 $0xFFFFD800  }
0x160: {  	[bflag:$0x0] =	sbarrier.arrive $0xFFFF  }
0x161: {  	s17 =	sld [smem:$0x7D1];
	_ =	sdelay $0x2  }
0x162: {  	[tilespmem:s21], [sflag:$0x6] =	stream.linear.gather [hbm4b:s17+s4], $0x2800, $0x38;
	[tilespmem:$0x1DAC0] =	vst v63  }
0x163: {  	_ =	swait.ge [sflag:s22], $0x2800  }
0x164: {  	[sflag:s22] =	ssyncset.done $0x0  }
0x165: {  	[sflag:s22] =	ssyncadd.s32 $0xFFFFD800  }
0x166: {  	[spmem:s30] =	stream.linear.scatter [tilespmem:s21], [sflag:$0x5], $0x2800, $0x38;
	[tilespmem:$0x1DAC0] =	vst v63  }
0x167: {  	_ =	swait.ge [sflag:s23], $0x2800  }
0x168: {  	s30 =	sld [smem:$0x7D7]  }
0x169: {  	[sflag:s23] =	ssyncset.done $0x0  }
0x16a: {  	[sflag:s23] =	ssyncadd.s32 $0xFFFFD800  }
0x16b: {  	[tilespmem:s21], [sflag:$0x6] =	stream.linear.gather [hbm4b:s30+s4], $0x2800, $0x38;
	[tilespmem:$0x1DAC0] =	vst v63  }
0x16c: {  	_ =	swait.ge [sflag:s22], $0x2800  }
0x16d: {  	[sflag:s22] =	ssyncset.done $0x0  }
0x16e: {  	[sflag:s22] =	ssyncadd.s32 $0xFFFFD800  }
0x16f: {  	[spmem:s13] =	stream.linear.scatter [tilespmem:s21], [sflag:$0x5], $0x2800, $0x38;
	[tilespmem:$0x1DAC0] =	vst v63  }
0x170: {  	_ =	swait.ge [sflag:s23], $0x2800  }
0x171: {  	s17 =	sld [smem:$0x7DD]  }
0x172: {  	[sflag:s23] =	ssyncset.done $0x0  }
0x173: {  	[sflag:s23] =	ssyncadd.s32 $0xFFFFD800  }
0x174: {  	[tilespmem:s21], [sflag:$0x6] =	stream.linear.gather [hbm4b:s17+s4], $0x2800, $0x38;
	[tilespmem:$0x1DAC0] =	vst v63  }
0x175: {  	_ =	swait.ge [sflag:s22], $0x2800  }
0x176: {  	[sflag:s22] =	ssyncset.done $0x0  }
0x177: {  	[sflag:s22] =	ssyncadd.s32 $0xFFFFD800  }
0x178: {  	[spmem:s11] =	stream.linear.scatter [tilespmem:s21], [sflag:$0x5], $0x2800, $0x38;
	[tilespmem:$0x1DAC0] =	vst v63  }
0x179: {  	_ =	swait.ge [sflag:s23], $0x2800  }
0x17a: {  	s30 =	sld [smem:$0x7E3]  }
0x17b: {  	[sflag:s23] =	ssyncset.done $0x0  }
0x17c: {  	[sflag:s23] =	ssyncadd.s32 $0xFFFFD800  }
0x17d: {  	[tilespmem:s21], [sflag:$0x6] =	stream.linear.gather [hbm4b:s30+s4], $0x2800, $0x38;
	[tilespmem:$0x1DAC0] =	vst v63  }
0x17e: {  	_ =	swait.ge [sflag:s22], $0x2800  }
0x17f: {  	[sflag:s22] =	ssyncset.done $0x0  }
0x180: {  	[sflag:s22] =	ssyncadd.s32 $0xFFFFD800  }
0x181: {  	[spmem:s16] =	stream.linear.scatter [tilespmem:s21], [sflag:$0x5], $0x2800, $0x38;
	[tilespmem:$0x1DAC0] =	vst v63  }
0x182: {  	_ =	swait.ge [sflag:s23], $0x2800  }
0x183: {  	s17 =	smov.u32 s11;
	s11 =	sld [smem:$0x7E9]  }
0x184: {  	[sflag:s23] =	ssyncset.done $0x0  }
0x185: {  	[sflag:s23] =	ssyncadd.s32 $0xFFFFD800  }
0x186: {  	[tilespmem:s21], [sflag:$0x6] =	stream.linear.gather [hbm4b:s11+s4], $0x2800, $0x38;
	[tilespmem:$0x1DAC0] =	vst v63  }
0x187: {  	_ =	swait.ge [sflag:s22], $0x2800  }
0x188: {  	[sflag:s22] =	ssyncset.done $0x0  }
0x189: {  	[sflag:s22] =	ssyncadd.s32 $0xFFFFD800  }
0x18a: {  	[spmem:s14] =	stream.linear.scatter [tilespmem:s21], [sflag:$0x5], $0x2800, $0x38;
	[tilespmem:$0x1DAC0] =	vst v63  }
0x18b: {  	_ =	swait.ge [sflag:s23], $0x2800  }
0x18c: {  	s14 =	sld [smem:$0x7EF]  }
0x18d: {  	[sflag:s23] =	ssyncset.done $0x0  }
0x18e: {  	[sflag:s23] =	ssyncadd.s32 $0xFFFFD800  }
0x18f: {  	[tilespmem:s21], [sflag:$0x6] =	stream.linear.gather [hbm4b:s14+s4], $0x2800, $0x38;
	[tilespmem:$0x1DAC0] =	vst v63  }
0x190: {  	_ =	swait.ge [sflag:s22], $0x2800  }
0x191: {  	[sflag:s22] =	ssyncset.done $0x0  }
0x192: {  	[sflag:s22] =	ssyncadd.s32 $0xFFFFD800  }
0x193: {  	[spmem:s15] =	stream.linear.scatter [tilespmem:s21], [sflag:$0x5], $0x2800, $0x38;
	[tilespmem:$0x1DAC0] =	vst v63  }
0x194: {  	_ =	swait.ge [sflag:s23], $0x2800  }
0x195: {  	s16 =	sld [smem:$0x7F5]  }
0x196: {  	[sflag:s23] =	ssyncset.done $0x0  }
0x197: {  	[sflag:s23] =	ssyncadd.s32 $0xFFFFD800  }
0x198: {  	[tilespmem:s21], [sflag:$0x6] =	stream.linear.gather [hbm4b:s16+s4], $0x2800, $0x38;
	[tilespmem:$0x1DAC0] =	vst v63  }
0x199: {  	_ =	swait.ge [sflag:s22], $0x2800  }
0x19a: {  	[sflag:s22] =	ssyncset.done $0x0  }
0x19b: {  	[sflag:s22] =	ssyncadd.s32 $0xFFFFD800  }
0x19c: {  	[spmem:s28] =	stream.linear.scatter [tilespmem:s21], [sflag:$0x5], $0x2800, $0x38;
	[tilespmem:$0x1DAC0] =	vst v63  }
0x19d: {  	_ =	swait.ge [sflag:s23], $0x2800  }
0x19e: {  	s13 =	sld [smem:$0x7FD]  }
0x19f: {  	[sflag:s23] =	ssyncset.done $0x0  }
0x1a0: {  	s11 =	simm.s32 @!p1 $0x0;
	[sflag:s23] =	ssyncadd.s32 $0xFFFFD800  }
0x1a1: {  	[tilespmem:s29], [sflag:$0x6] =	stream.linear.gather @!p1 [hbm4b:s13+s11], $0x2800, $0x38;
	[tilespmem:$0x1DAC0] =	vst v63  }
0x1a2: {  	_ =	swait.ge @!p1 [sflag:s12], $0x2800  }
0x1a3: {  	[sflag:s12] =	ssyncset.done @!p1 $0x0  }
0x1a4: {  	s11 =	rddreg [dreg:$0xf];
	[sflag:s12] =	ssyncadd.s32 @!p1 $0xFFFFD800  }
0x1a5: {  	[spmem:s11] =	stream.linear.scatter @!p1 [tilespmem:s29], [sflag:$0x5], $0x2800, $0x38;
	[tilespmem:$0x1DAC0] =	vst v63  }
0x1a6: {  	_ =	swait.ge @!p1 [sflag:s19], $0x2800  }
0x1a7: {  	[sflag:s19] =	ssyncset.done @!p1 $0x0  }
0x1a8: {  	[sflag:s19] =	ssyncadd.s32 @!p1 $0xFFFFD800  }
0x1a9: {  	[bflag:$0x0] =	sbarrier.arrive $0xFFFF  }
0x1aa: {  	[tilespmem:s4], [sflag:$0x5] =	stream.linear.gather [hbm4b:s26+s4], $0x100, $0x38;
	[tilespmem:$0x1DAC0] =	vst v63  }
0x1ab: {  	_ =	swait.ge [sflag:s23], $0x100  }
0x1ac: {  	[sflag:s23] =	ssyncset.done $0x0  }
0x1ad: {  	s19 =	sld [smem:$0x7F7];
	[sflag:s23] =	ssyncadd.s32 $0xFFFFFF00  }
0x1ae: {  	[tilespmem:s25], [sflag:$0x1] =	stream.indirect.gather [hbm4b:s6+s24], $0x80, s4, s24, $0xb8;
	[tilespmem:$0x1DAC0] =	vst v63  }
0x1af: {  	_ = 	snop  }
0x1b0: {  	[tilespmem:s31], [sflag:$0x5] =	stream.linear.gather [hbm4b:s19+s4], $0x100, $0x38;
	[tilespmem:$0x1DAC0] =	vst v63  }
0x1b1: {  	_ =	swait.ge [sflag:s23], $0x100  }
0x1b2: {  	[sflag:s23] =	ssyncset.done $0x0  }
0x1b3: {  	[sflag:s23] =	ssyncadd.s32 $0xFFFFFF00  }
0x1b4: {  	[tilespmem:s0], [sflag:$0x2] =	stream.indirect.gather [hbm4b:s6+s24], $0x80, s31, s24, $0xb8;
	[tilespmem:$0x1DAC0] =	vst v63  }
0x1b5: {  	_ =	swait.ge [sflag:s2], $0x3C00  }
0x1b6: {  	[sflag:s2] =	ssyncset.done $0x0  }
0x1b7: {  	[sflag:s2] =	ssyncadd.s32 $0xFFFFC400  }
0x1b8: {  	[spmem:s3] =	stream.indirect.scatter.add.f32 [tilespmem:s25], [sflag:$0x3], $0x80, s20, s24, $0xb8;
	[tilespmem:$0x1DAC0] =	vst v63  }
0x1b9: {  	_ =	swait.ge [sflag:s18], $0x3C00  }
0x1ba: {  	s28 =	sld [smem:$0x7F8]  }
0x1bb: {  	[sflag:s18] =	ssyncset.done $0x0  }
0x1bc: {  	[sflag:s18] =	ssyncadd.s32 $0xFFFFC400  }
0x1bd: {  	[tilespmem:s4], [sflag:$0x5] =	stream.linear.gather [hbm4b:s28+s4], $0x100, $0x38;
	[tilespmem:$0x1DAC0] =	vst v63  }
0x1be: {  	_ =	swait.ge [sflag:s23], $0x100  }
0x1bf: {  	[sflag:s23] =	ssyncset.done $0x0  }
0x1c0: {  	[sflag:s23] =	ssyncadd.s32 $0xFFFFFF00  }
0x1c1: {  	[tilespmem:s25], [sflag:$0x1] =	stream.indirect.gather [hbm4b:s6+s24], $0x80, s4, s24, $0xb8;
	[tilespmem:$0x1DAC0] =	vst v63  }
0x1c2: {  	_ =	swait.ge [sflag:s8], $0x3C00  }
0x1c3: {  	[sflag:s8] =	ssyncset.done $0x0  }
0x1c4: {  	[sflag:s8] =	ssyncadd.s32 $0xFFFFC400  }
0x1c5: {  	[spmem:s3] =	stream.indirect.scatter.add.f32 [tilespmem:s0], [sflag:$0x4], $0x80, s9, s24, $0xb8;
	[tilespmem:$0x1DAC0] =	vst v63  }
0x1c6: {  	_ =	swait.ge [sflag:s10], $0x3C00  }
0x1c7: {  	s29 =	sadd.s32 $0xFFFFF600, s26;
	[sflag:s10] =	ssyncset.done $0x0  }
0x1c8: {  	s30 =	sadd.s32 $0xA60, s29;
	[sflag:s10] =	ssyncadd.s32 $0xFFFFC400  }
0x1c9: {  	[tilespmem:s31], [sflag:$0x5] =	stream.linear.gather [hbm4b:s30+s4], $0x100, $0x38;
	[tilespmem:$0x1DAC0] =	vst v63  }
0x1ca: {  	_ =	swait.ge [sflag:s23], $0x100  }
0x1cb: {  	[sflag:s23] =	ssyncset.done $0x0  }
0x1cc: {  	[sflag:s23] =	ssyncadd.s32 $0xFFFFFF00  }
0x1cd: {  	[tilespmem:s0], [sflag:$0x2] =	stream.indirect.gather [hbm4b:s6+s24], $0x80, s31, s24, $0xb8;
	[tilespmem:$0x1DAC0] =	vst v63  }
0x1ce: {  	_ =	swait.ge [sflag:s2], $0x3C00  }
0x1cf: {  	[sflag:s2] =	ssyncset.done $0x0  }
0x1d0: {  	[sflag:s2] =	ssyncadd.s32 $0xFFFFC400  }
0x1d1: {  	[spmem:s3] =	stream.indirect.scatter.add.f32 [tilespmem:s25], [sflag:$0x3], $0x80, s20, s24, $0xb8;
	[tilespmem:$0x1DAC0] =	vst v63  }
0x1d2: {  	_ =	swait.ge [sflag:s18], $0x3C00  }
0x1d3: {  	[sflag:s18] =	ssyncset.done $0x0  }
0x1d4: {  	s11 =	sadd.s32 $0xA80, s29;
	[sflag:s18] =	ssyncadd.s32 $0xFFFFC400  }
0x1d5: {  	[tilespmem:s4], [sflag:$0x5] =	stream.linear.gather [hbm4b:s11+s4], $0x100, $0x38;
	[tilespmem:$0x1DAC0] =	vst v63  }
0x1d6: {  	_ =	swait.ge [sflag:s23], $0x100  }
0x1d7: {  	[sflag:s23] =	ssyncset.done $0x0  }
0x1d8: {  	[sflag:s23] =	ssyncadd.s32 $0xFFFFFF00  }
0x1d9: {  	[tilespmem:s25], [sflag:$0x1] =	stream.indirect.gather [hbm4b:s6+s24], $0x80, s4, s24, $0xb8;
	[tilespmem:$0x1DAC0] =	vst v63  }
0x1da: {  	_ =	swait.ge [sflag:s8], $0x3C00  }
0x1db: {  	s13 =	smov.u32 s17;
	[sflag:s8] =	ssyncset.done $0x0  }
0x1dc: {  	s12 =	smov.u32 s15;
	s11 =	simm.s32 $0xFFFFF640;
	[sflag:s8] =	ssyncadd.s32 $0xFFFFC400  }
.LBB2_5:
0x1dd: {  	[spmem:s3] =	stream.indirect.scatter.add.f32 [tilespmem:s0], [sflag:$0x4], $0x80, s9, s24, $0xb8;
	[tilespmem:$0x1DAC0] =	vst v63  }
0x1de: {  	s19 =	smov.u32 s11  }
0x1df: {  	p3 =	sne.s32 s11, $0xFFFFFFC0;
	s11 =	sadd.s32 $0x40, s11;
	_ =	swait.ge [sflag:s10], $0x3C00  }
0x1e0: {  	s19 =	sadd.s32 s19, s26;
	[sflag:s10] =	ssyncset.done $0x0  }
0x1e1: {  	s29 =	sadd.s32 $0xA60, s19;
	[sflag:s10] =	ssyncadd.s32 $0xFFFFC400  }
0x1e2: {  	[tilespmem:s31], [sflag:$0x5] =	stream.linear.gather [hbm4b:s29+s4], $0x100, $0x38;
	[tilespmem:$0x1DAC0] =	vst v63  }
0x1e3: {  	_ =	swait.ge [sflag:s23], $0x100  }
0x1e4: {  	[sflag:s23] =	ssyncset.done $0x0  }
0x1e5: {  	[sflag:s23] =	ssyncadd.s32 $0xFFFFFF00  }
0x1e6: {  	[tilespmem:s0], [sflag:$0x2] =	stream.indirect.gather [hbm4b:s6+s24], $0x80, s31, s24, $0xb8;
	[tilespmem:$0x1DAC0] =	vst v63  }
0x1e7: {  	_ =	swait.ge [sflag:s2], $0x3C00  }
0x1e8: {  	[sflag:s2] =	ssyncset.done $0x0  }
0x1e9: {  	[sflag:s2] =	ssyncadd.s32 $0xFFFFC400  }
0x1ea: {  	[spmem:s3] =	stream.indirect.scatter.add.f32 [tilespmem:s25], [sflag:$0x3], $0x80, s20, s24, $0xb8;
	[tilespmem:$0x1DAC0] =	vst v63  }
0x1eb: {  	_ =	swait.ge [sflag:s18], $0x3C00  }
0x1ec: {  	[sflag:s18] =	ssyncset.done $0x0  }
0x1ed: {  	s19 =	sadd.s32 $0xA80, s19;
	[sflag:s18] =	ssyncadd.s32 $0xFFFFC400  }
0x1ee: {  	[tilespmem:s4], [sflag:$0x5] =	stream.linear.gather [hbm4b:s19+s4], $0x100, $0x38;
	[tilespmem:$0x1DAC0] =	vst v63  }
0x1ef: {  	_ =	swait.ge [sflag:s23], $0x100  }
0x1f0: {  	[sflag:s23] =	ssyncset.done $0x0  }
.Ltmp4:
0x1f1: {  	[sflag:s23] =	ssyncadd.s32 $0xFFFFFF00;
	(pc) =	sbr.rel @p3 .LBB2_5-.Ltmp4, $4  }
0x1f2: {  	[tilespmem:s25], [sflag:$0x1] =	stream.indirect.gather [hbm4b:s6+s24], $0x80, s4, s24, $0xb8;
	[tilespmem:$0x1DAC0] =	vst v63  }
0x1f3: {  	_ =	swait.ge [sflag:s8], $0x3C00  }
0x1f4: {  	[sflag:s8] =	ssyncset.done $0x0  }
0x1f5: {  	[sflag:s8] =	ssyncadd.s32 $0xFFFFC400  }
0x1f6: {  	[spmem:s3] =	stream.indirect.scatter.add.f32 [tilespmem:s0], [sflag:$0x4], $0x80, s9, s24, $0xb8;
	[tilespmem:$0x1DAC0] =	vst v63  }
0x1f7: {  	_ =	swait.ge [sflag:s10], $0x3C00  }
0x1f8: {  	s11 =	sld [smem:$0x7F9]  }
0x1f9: {  	[sflag:s10] =	ssyncset.done $0x0  }
0x1fa: {  	[sflag:s10] =	ssyncadd.s32 $0xFFFFC400  }
0x1fb: {  	[tilespmem:s31], [sflag:$0x5] =	stream.linear.gather [hbm4b:s11+s4], $0x100, $0x38;
	[tilespmem:$0x1DAC0] =	vst v63  }
0x1fc: {  	_ =	swait.ge [sflag:s23], $0x100  }
0x1fd: {  	[sflag:s23] =	ssyncset.done $0x0  }
0x1fe: {  	[sflag:s23] =	ssyncadd.s32 $0xFFFFFF00  }
0x1ff: {  	[tilespmem:s0], [sflag:$0x2] =	stream.indirect.gather [hbm4b:s6+s24], $0x80, s31, s24, $0xb8;
	[tilespmem:$0x1DAC0] =	vst v63  }
0x200: {  	_ =	swait.ge [sflag:s2], $0x3C00  }
0x201: {  	[sflag:s2] =	ssyncset.done $0x0  }
0x202: {  	[sflag:s2] =	ssyncadd.s32 $0xFFFFC400  }
0x203: {  	[spmem:s3] =	stream.indirect.scatter.add.f32 [tilespmem:s25], [sflag:$0x3], $0x80, s20, s24, $0xb8;
	[tilespmem:$0x1DAC0] =	vst v63  }
0x204: {  	_ =	swait.ge [sflag:s8], $0x3C00  }
0x205: {  	[sflag:s8] =	ssyncset.done $0x0  }
0x206: {  	[sflag:s8] =	ssyncadd.s32 $0xFFFFC400  }
0x207: {  	[spmem:s3] =	stream.indirect.scatter.add.f32 [tilespmem:s0], [sflag:$0x4], $0x80, s9, s24, $0xb8;
	[tilespmem:$0x1DAC0] =	vst v63  }
0x208: {  	_ =	swait.ge [sflag:s18], $0x3C00  }
0x209: {  	[sflag:s18] =	ssyncset.done $0x0  }
0x20a: {  	[sflag:s18] =	ssyncadd.s32 $0xFFFFC400  }
0x20b: {  	_ =	swait.ge [sflag:s10], $0x3C00  }
0x20c: {  	[sflag:s10] =	ssyncset.done $0x0  }
0x20d: {  	[sflag:s10] =	ssyncadd.s32 $0xFFFFC400  }
0x20e: {  	[bflag:$0x0] =	sbarrier.arrive $0xFFFF  }
0x20f: {  	s30 =	rddreg [dreg:$0x7]  }
0x210: {  	[tilespmem:s21], [sflag:$0x6] =	stream.linear.gather [spmem:s30], $0x2800, $0x38;
	[tilespmem:$0x1DAC0] =	vst v63  }
0x211: {  	_ =	swait.ge [sflag:s22], $0x2800  }
0x212: {  	s15 =	sld [smem:$0x7D2]  }
0x213: {  	[sflag:s22] =	ssyncset.done $0x0  }
0x214: {  	[sflag:s22] =	ssyncadd.s32 $0xFFFFD800  }
0x215: {  	[hbm4b:s15+s4] =	stream.linear.scatter [tilespmem:s21], [sflag:$0x5], $0x2800, $0x38;
	[tilespmem:$0x1DAC0] =	vst v63  }
0x216: {  	_ =	swait.ge [sflag:s23], $0x2800  }
0x217: {  	[sflag:s23] =	ssyncset.done $0x0  }
0x218: {  	s16 =	rddreg [dreg:$0x9];
	[sflag:s23] =	ssyncadd.s32 $0xFFFFD800  }
0x219: {  	[tilespmem:s21], [sflag:$0x6] =	stream.linear.gather [spmem:s16], $0x2800, $0x38;
	[tilespmem:$0x1DAC0] =	vst v63  }
0x21a: {  	_ =	swait.ge [sflag:s22], $0x2800  }
0x21b: {  	s17 =	sld [smem:$0x7D8]  }
0x21c: {  	[sflag:s22] =	ssyncset.done $0x0  }
0x21d: {  	[sflag:s22] =	ssyncadd.s32 $0xFFFFD800  }
0x21e: {  	[hbm4b:s17+s4] =	stream.linear.scatter [tilespmem:s21], [sflag:$0x5], $0x2800, $0x38;
	[tilespmem:$0x1DAC0] =	vst v63  }
0x21f: {  	_ =	swait.ge [sflag:s23], $0x2800  }
0x220: {  	[sflag:s23] =	ssyncset.done $0x0  }
0x221: {  	[sflag:s23] =	ssyncadd.s32 $0xFFFFD800  }
0x222: {  	[tilespmem:s21], [sflag:$0x6] =	stream.linear.gather [spmem:s13], $0x2800, $0x38;
	[tilespmem:$0x1DAC0] =	vst v63  }
0x223: {  	_ =	swait.ge [sflag:s22], $0x2800  }
0x224: {  	s19 =	sld [smem:$0x7DE]  }
0x225: {  	[sflag:s22] =	ssyncset.done $0x0  }
0x226: {  	[sflag:s22] =	ssyncadd.s32 $0xFFFFD800  }
0x227: {  	[hbm4b:s19+s4] =	stream.linear.scatter [tilespmem:s21], [sflag:$0x5], $0x2800, $0x38;
	[tilespmem:$0x1DAC0] =	vst v63  }
0x228: {  	_ =	swait.ge [sflag:s23], $0x2800  }
0x229: {  	[sflag:s23] =	ssyncset.done $0x0  }
0x22a: {  	s15 =	rddreg [dreg:$0xa];
	[sflag:s23] =	ssyncadd.s32 $0xFFFFD800  }
0x22b: {  	[tilespmem:s21], [sflag:$0x6] =	stream.linear.gather [spmem:s15], $0x2800, $0x38;
	[tilespmem:$0x1DAC0] =	vst v63  }
0x22c: {  	_ =	swait.ge [sflag:s22], $0x2800  }
0x22d: {  	s14 =	sld [smem:$0x7E4]  }
0x22e: {  	[sflag:s22] =	ssyncset.done $0x0  }
0x22f: {  	[sflag:s22] =	ssyncadd.s32 $0xFFFFD800  }
0x230: {  	[hbm4b:s14+s4] =	stream.linear.scatter [tilespmem:s21], [sflag:$0x5], $0x2800, $0x38;
	[tilespmem:$0x1DAC0] =	vst v63  }
0x231: {  	_ =	swait.ge [sflag:s23], $0x2800  }
0x232: {  	[sflag:s23] =	ssyncset.done $0x0  }
0x233: {  	s14 =	rddreg [dreg:$0x8];
	[sflag:s23] =	ssyncadd.s32 $0xFFFFD800  }
0x234: {  	[tilespmem:s21], [sflag:$0x6] =	stream.linear.gather [spmem:s14], $0x2800, $0x38;
	[tilespmem:$0x1DAC0] =	vst v63  }
0x235: {  	_ =	swait.ge [sflag:s22], $0x2800  }
0x236: {  	s29 =	smov.u32 s16;
	s16 =	sld [smem:$0x7EA]  }
0x237: {  	[sflag:s22] =	ssyncset.done $0x0  }
0x238: {  	[sflag:s22] =	ssyncadd.s32 $0xFFFFD800  }
0x239: {  	[hbm4b:s16+s4] =	stream.linear.scatter [tilespmem:s21], [sflag:$0x5], $0x2800, $0x38;
	[tilespmem:$0x1DAC0] =	vst v63  }
0x23a: {  	_ =	swait.ge [sflag:s23], $0x2800  }
0x23b: {  	[sflag:s23] =	ssyncset.done $0x0  }
0x23c: {  	[sflag:s23] =	ssyncadd.s32 $0xFFFFD800  }
0x23d: {  	[tilespmem:s21], [sflag:$0x6] =	stream.linear.gather [spmem:s12], $0x2800, $0x38;
	[tilespmem:$0x1DAC0] =	vst v63  }
0x23e: {  	_ =	swait.ge [sflag:s22], $0x2800  }
0x23f: {  	s17 =	sld [smem:$0x7F0]  }
0x240: {  	[sflag:s22] =	ssyncset.done $0x0  }
0x241: {  	[sflag:s22] =	ssyncadd.s32 $0xFFFFD800  }
0x242: {  	[hbm4b:s17+s4] =	stream.linear.scatter [tilespmem:s21], [sflag:$0x5], $0x2800, $0x38;
	[tilespmem:$0x1DAC0] =	vst v63  }
0x243: {  	_ =	swait.ge [sflag:s23], $0x2800  }
0x244: {  	[sflag:s23] =	ssyncset.done $0x0  }
0x245: {  	s17 =	rddreg [dreg:$0xd];
	[sflag:s23] =	ssyncadd.s32 $0xFFFFD800  }
0x246: {  	[tilespmem:s21], [sflag:$0x6] =	stream.linear.gather [spmem:s17], $0x2800, $0x38;
	[tilespmem:$0x1DAC0] =	vst v63  }
0x247: {  	_ =	swait.ge [sflag:s22], $0x2800  }
0x248: {  	s19 =	sld [smem:$0x7F6]  }
0x249: {  	[sflag:s22] =	ssyncset.done $0x0  }
0x24a: {  	[sflag:s22] =	ssyncadd.s32 $0xFFFFD800  }
0x24b: {  	[hbm4b:s19+s4] =	stream.linear.scatter [tilespmem:s21], [sflag:$0x5], $0x2800, $0x38;
	[tilespmem:$0x1DAC0] =	vst v63  }
.Ltmp5:
0x24c: {  	_ = 	snop;
	(pc) =	sbr.rel @p2 .LBB2_12-.Ltmp5, $4  }
.Ltmp6:
0x24d: {  	_ = 	snop;
	(pc) =	sbr.rel @!p2 .LBB2_13-.Ltmp6, $4  }
0x24e: {  	_ =	swait.ge [sflag:s23], $0x2800  }
0x24f: {  	[sflag:s23] =	ssyncset.done $0x0;
	s28 =	sld [smem:$0x7CC]  }
0x250: {  	s11 =	rddreg [dreg:$0x4];
	[sflag:s23] =	ssyncadd.s32 $0xFFFFD800  }
0x251: {  	_ = 	snop  }
.LBB2_7:
0x252: {  	s11 =	sld [smem:$0x7CD];
	_ =	sdelay $0x2  }
0x253: {  	[tilespmem:s21], [sflag:$0x6] =	stream.linear.gather [hbm4b:s11+s4], $0x2800, $0x38;
	[tilespmem:$0x1DAC0] =	vst v63  }
0x254: {  	_ =	swait.ge [sflag:s22], $0x2800  }
0x255: {  	[sflag:s22] =	ssyncset.done $0x0  }
0x256: {  	[sflag:s22] =	ssyncadd.s32 $0xFFFFD800  }
0x257: {  	[spmem:s30] =	stream.linear.scatter [tilespmem:s21], [sflag:$0x5], $0x2800, $0x38;
	[tilespmem:$0x1DAC0] =	vst v63  }
0x258: {  	_ =	swait.ge [sflag:s23], $0x2800  }
0x259: {  	s16 =	sld [smem:$0x7D3]  }
0x25a: {  	[sflag:s23] =	ssyncset.done $0x0  }
0x25b: {  	[sflag:s23] =	ssyncadd.s32 $0xFFFFD800  }
0x25c: {  	[tilespmem:s21], [sflag:$0x6] =	stream.linear.gather [hbm4b:s16+s4], $0x2800, $0x38;
	[tilespmem:$0x1DAC0] =	vst v63  }
0x25d: {  	_ =	swait.ge [sflag:s22], $0x2800  }
0x25e: {  	[sflag:s22] =	ssyncset.done $0x0  }
0x25f: {  	[sflag:s22] =	ssyncadd.s32 $0xFFFFD800  }
0x260: {  	[spmem:s29] =	stream.linear.scatter [tilespmem:s21], [sflag:$0x5], $0x2800, $0x38;
	[tilespmem:$0x1DAC0] =	vst v63  }
0x261: {  	_ =	swait.ge [sflag:s23], $0x2800  }
0x262: {  	s19 =	sld [smem:$0x7D9]  }
0x263: {  	[sflag:s23] =	ssyncset.done $0x0  }
0x264: {  	[sflag:s23] =	ssyncadd.s32 $0xFFFFD800  }
0x265: {  	[tilespmem:s21], [sflag:$0x6] =	stream.linear.gather [hbm4b:s19+s4], $0x2800, $0x38;
	[tilespmem:$0x1DAC0] =	vst v63  }
0x266: {  	_ =	swait.ge [sflag:s22], $0x2800  }
0x267: {  	[sflag:s22] =	ssyncset.done $0x0  }
0x268: {  	[sflag:s22] =	ssyncadd.s32 $0xFFFFD800  }
0x269: {  	[spmem:s13] =	stream.linear.scatter [tilespmem:s21], [sflag:$0x5], $0x2800, $0x38;
	[tilespmem:$0x1DAC0] =	vst v63  }
0x26a: {  	_ =	swait.ge [sflag:s23], $0x2800  }
0x26b: {  	s16 =	smov.u32 s29;
	s29 =	sld [smem:$0x7DF]  }
0x26c: {  	[sflag:s23] =	ssyncset.done $0x0  }
0x26d: {  	[sflag:s23] =	ssyncadd.s32 $0xFFFFD800  }
0x26e: {  	[tilespmem:s21], [sflag:$0x6] =	stream.linear.gather [hbm4b:s29+s4], $0x2800, $0x38;
	[tilespmem:$0x1DAC0] =	vst v63  }
0x26f: {  	_ =	swait.ge [sflag:s22], $0x2800  }
0x270: {  	[sflag:s22] =	ssyncset.done $0x0  }
0x271: {  	[sflag:s22] =	ssyncadd.s32 $0xFFFFD800  }
0x272: {  	[spmem:s15] =	stream.linear.scatter [tilespmem:s21], [sflag:$0x5], $0x2800, $0x38;
	[tilespmem:$0x1DAC0] =	vst v63  }
0x273: {  	_ =	swait.ge [sflag:s23], $0x2800  }
0x274: {  	s19 =	sld [smem:$0x7E5]  }
0x275: {  	[sflag:s23] =	ssyncset.done $0x0  }
0x276: {  	[sflag:s23] =	ssyncadd.s32 $0xFFFFD800  }
0x277: {  	[tilespmem:s21], [sflag:$0x6] =	stream.linear.gather [hbm4b:s19+s4], $0x2800, $0x38;
	[tilespmem:$0x1DAC0] =	vst v63  }
0x278: {  	_ =	swait.ge [sflag:s22], $0x2800  }
0x279: {  	[sflag:s22] =	ssyncset.done $0x0  }
0x27a: {  	[sflag:s22] =	ssyncadd.s32 $0xFFFFD800  }
0x27b: {  	[spmem:s14] =	stream.linear.scatter [tilespmem:s21], [sflag:$0x5], $0x2800, $0x38;
	[tilespmem:$0x1DAC0] =	vst v63  }
0x27c: {  	_ =	swait.ge [sflag:s23], $0x2800  }
0x27d: {  	s29 =	sld [smem:$0x7EB]  }
0x27e: {  	[sflag:s23] =	ssyncset.done $0x0  }
0x27f: {  	[sflag:s23] =	ssyncadd.s32 $0xFFFFD800  }
0x280: {  	[tilespmem:s21], [sflag:$0x6] =	stream.linear.gather [hbm4b:s29+s4], $0x2800, $0x38;
	[tilespmem:$0x1DAC0] =	vst v63  }
0x281: {  	_ =	swait.ge [sflag:s22], $0x2800  }
0x282: {  	[sflag:s22] =	ssyncset.done $0x0  }
0x283: {  	[sflag:s22] =	ssyncadd.s32 $0xFFFFD800  }
0x284: {  	[spmem:s12] =	stream.linear.scatter [tilespmem:s21], [sflag:$0x5], $0x2800, $0x38;
	[tilespmem:$0x1DAC0] =	vst v63  }
0x285: {  	_ =	swait.ge [sflag:s23], $0x2800  }
0x286: {  	s19 =	sld [smem:$0x7F1]  }
0x287: {  	[sflag:s23] =	ssyncset.done $0x0  }
0x288: {  	[sflag:s23] =	ssyncadd.s32 $0xFFFFD800  }
0x289: {  	[tilespmem:s21], [sflag:$0x6] =	stream.linear.gather [hbm4b:s19+s4], $0x2800, $0x38;
	[tilespmem:$0x1DAC0] =	vst v63  }
0x28a: {  	_ =	swait.ge [sflag:s22], $0x2800  }
0x28b: {  	[sflag:s22] =	ssyncset.done $0x0  }
0x28c: {  	[sflag:s22] =	ssyncadd.s32 $0xFFFFD800  }
0x28d: {  	[spmem:s17] =	stream.linear.scatter [tilespmem:s21], [sflag:$0x5], $0x2800, $0x38;
	[tilespmem:$0x1DAC0] =	vst v63  }
0x28e: {  	_ =	swait.ge [sflag:s23], $0x2800  }
0x28f: {  	s28 =	sld [smem:$0x7FA]  }
0x290: {  	[sflag:s23] =	ssyncset.done $0x0  }
0x291: {  	s11 =	simm.s32 @!p1 $0x0;
	s19 =	simm.s32 @!p1 $0x7A00;
	[sflag:s23] =	ssyncadd.s32 $0xFFFFD800  }
0x292: {  	[tilespmem:s19], [sflag:$0x6] =	stream.linear.gather @!p1 [hbm4b:s28+s11], $0x2800, $0x38;
	[tilespmem:$0x1DAC0] =	vst v63  }
0x293: {  	s11 =	simm.s32 @!p1 $0x6  }
0x294: {  	_ =	swait.ge @!p1 [sflag:s11], $0x2800  }
0x295: {  	[sflag:s11] =	ssyncset.done @!p1 $0x0  }
0x296: {  	s28 =	rddreg [dreg:$0xf];
	[sflag:s11] =	ssyncadd.s32 @!p1 $0xFFFFD800;
	s11 =	simm.s32 @!p1 $0x5  }
0x297: {  	[spmem:s28] =	stream.linear.scatter @!p1 [tilespmem:s19], [sflag:$0x5], $0x2800, $0x38;
	[tilespmem:$0x1DAC0] =	vst v63  }
0x298: {  	_ =	swait.ge @!p1 [sflag:s11], $0x2800  }
0x299: {  	[sflag:s11] =	ssyncset.done @!p1 $0x0  }
0x29a: {  	[sflag:s11] =	ssyncadd.s32 @!p1 $0xFFFFD800  }
0x29b: {  	[bflag:$0x0] =	sbarrier.arrive $0xFFFF  }
0x29c: {  	[tilespmem:s4], [sflag:$0x5] =	stream.linear.gather [hbm4b:s26+s4], $0x100, $0x38;
	[tilespmem:$0x1DAC0] =	vst v63  }
0x29d: {  	_ =	swait.ge [sflag:s23], $0x100  }
0x29e: {  	[sflag:s23] =	ssyncset.done $0x0  }
0x29f: {  	s29 =	sld [smem:$0x7F7];
	[sflag:s23] =	ssyncadd.s32 $0xFFFFFF00  }
0x2a0: {  	[tilespmem:s25], [sflag:$0x1] =	stream.indirect.gather [hbm4b:s5+s24], $0x80, s4, s24, $0xb8;
	[tilespmem:$0x1DAC0] =	vst v63  }
0x2a1: {  	_ = 	snop  }
0x2a2: {  	[tilespmem:s31], [sflag:$0x5] =	stream.linear.gather [hbm4b:s29+s4], $0x100, $0x38;
	[tilespmem:$0x1DAC0] =	vst v63  }
0x2a3: {  	_ =	swait.ge [sflag:s23], $0x100  }
0x2a4: {  	[sflag:s23] =	ssyncset.done $0x0  }
0x2a5: {  	[sflag:s23] =	ssyncadd.s32 $0xFFFFFF00  }
0x2a6: {  	[tilespmem:s0], [sflag:$0x2] =	stream.indirect.gather [hbm4b:s5+s24], $0x80, s31, s24, $0xb8;
	[tilespmem:$0x1DAC0] =	vst v63  }
0x2a7: {  	_ =	swait.ge [sflag:s2], $0x3C00  }
0x2a8: {  	[sflag:s2] =	ssyncset.done $0x0  }
0x2a9: {  	[sflag:s2] =	ssyncadd.s32 $0xFFFFC400  }
0x2aa: {  	[spmem:s3] =	stream.indirect.scatter.add.f32 [tilespmem:s25], [sflag:$0x3], $0x80, s20, s24, $0xb8;
	[tilespmem:$0x1DAC0] =	vst v63  }
0x2ab: {  	_ =	swait.ge [sflag:s18], $0x3C00  }
0x2ac: {  	s19 =	sld [smem:$0x7F8]  }
0x2ad: {  	[sflag:s18] =	ssyncset.done $0x0  }
0x2ae: {  	[sflag:s18] =	ssyncadd.s32 $0xFFFFC400  }
0x2af: {  	[tilespmem:s4], [sflag:$0x5] =	stream.linear.gather [hbm4b:s19+s4], $0x100, $0x38;
	[tilespmem:$0x1DAC0] =	vst v63  }
0x2b0: {  	_ =	swait.ge [sflag:s23], $0x100  }
0x2b1: {  	[sflag:s23] =	ssyncset.done $0x0  }
0x2b2: {  	[sflag:s23] =	ssyncadd.s32 $0xFFFFFF00  }
0x2b3: {  	[tilespmem:s25], [sflag:$0x1] =	stream.indirect.gather [hbm4b:s5+s24], $0x80, s4, s24, $0xb8;
	[tilespmem:$0x1DAC0] =	vst v63  }
0x2b4: {  	_ =	swait.ge [sflag:s8], $0x3C00  }
0x2b5: {  	[sflag:s8] =	ssyncset.done $0x0  }
0x2b6: {  	[sflag:s8] =	ssyncadd.s32 $0xFFFFC400  }
0x2b7: {  	[spmem:s3] =	stream.indirect.scatter.add.f32 [tilespmem:s0], [sflag:$0x4], $0x80, s9, s24, $0xb8;
	[tilespmem:$0x1DAC0] =	vst v63  }
0x2b8: {  	_ =	swait.ge [sflag:s10], $0x3C00  }
0x2b9: {  	s11 =	sadd.s32 $0xFFFFF600, s26;
	[sflag:s10] =	ssyncset.done $0x0  }
0x2ba: {  	s29 =	sadd.s32 $0xA60, s11;
	[sflag:s10] =	ssyncadd.s32 $0xFFFFC400  }
0x2bb: {  	[tilespmem:s31], [sflag:$0x5] =	stream.linear.gather [hbm4b:s29+s4], $0x100, $0x38;
	[tilespmem:$0x1DAC0] =	vst v63  }
0x2bc: {  	_ =	swait.ge [sflag:s23], $0x100  }
0x2bd: {  	[sflag:s23] =	ssyncset.done $0x0  }
0x2be: {  	[sflag:s23] =	ssyncadd.s32 $0xFFFFFF00  }
0x2bf: {  	[tilespmem:s0], [sflag:$0x2] =	stream.indirect.gather [hbm4b:s5+s24], $0x80, s31, s24, $0xb8;
	[tilespmem:$0x1DAC0] =	vst v63  }
0x2c0: {  	_ =	swait.ge [sflag:s2], $0x3C00  }
0x2c1: {  	[sflag:s2] =	ssyncset.done $0x0  }
0x2c2: {  	[sflag:s2] =	ssyncadd.s32 $0xFFFFC400  }
0x2c3: {  	[spmem:s3] =	stream.indirect.scatter.add.f32 [tilespmem:s25], [sflag:$0x3], $0x80, s20, s24, $0xb8;
	[tilespmem:$0x1DAC0] =	vst v63  }
0x2c4: {  	_ =	swait.ge [sflag:s18], $0x3C00  }
0x2c5: {  	[sflag:s18] =	ssyncset.done $0x0  }
0x2c6: {  	s11 =	sadd.s32 $0xA80, s11;
	[sflag:s18] =	ssyncadd.s32 $0xFFFFC400  }
0x2c7: {  	[tilespmem:s4], [sflag:$0x5] =	stream.linear.gather [hbm4b:s11+s4], $0x100, $0x38;
	[tilespmem:$0x1DAC0] =	vst v63  }
0x2c8: {  	_ =	swait.ge [sflag:s23], $0x100  }
0x2c9: {  	[sflag:s23] =	ssyncset.done $0x0  }
0x2ca: {  	[sflag:s23] =	ssyncadd.s32 $0xFFFFFF00  }
0x2cb: {  	[tilespmem:s25], [sflag:$0x1] =	stream.indirect.gather [hbm4b:s5+s24], $0x80, s4, s24, $0xb8;
	[tilespmem:$0x1DAC0] =	vst v63  }
0x2cc: {  	_ =	swait.ge [sflag:s8], $0x3C00  }
0x2cd: {  	[sflag:s8] =	ssyncset.done $0x0  }
0x2ce: {  	s11 =	simm.s32 $0xFFFFF640;
	[sflag:s8] =	ssyncadd.s32 $0xFFFFC400  }
.LBB2_8:
0x2cf: {  	[spmem:s3] =	stream.indirect.scatter.add.f32 [tilespmem:s0], [sflag:$0x4], $0x80, s9, s24, $0xb8;
	[tilespmem:$0x1DAC0] =	vst v63  }
0x2d0: {  	s19 =	smov.u32 s11  }
0x2d1: {  	p3 =	sne.s32 s11, $0xFFFFFFC0;
	s11 =	sadd.s32 $0x40, s11;
	_ =	swait.ge [sflag:s10], $0x3C00  }
0x2d2: {  	s19 =	sadd.s32 s19, s26;
	[sflag:s10] =	ssyncset.done $0x0  }
0x2d3: {  	s29 =	sadd.s32 $0xA60, s19;
	[sflag:s10] =	ssyncadd.s32 $0xFFFFC400  }
0x2d4: {  	[tilespmem:s31], [sflag:$0x5] =	stream.linear.gather [hbm4b:s29+s4], $0x100, $0x38;
	[tilespmem:$0x1DAC0] =	vst v63  }
0x2d5: {  	_ =	swait.ge [sflag:s23], $0x100  }
0x2d6: {  	[sflag:s23] =	ssyncset.done $0x0  }
0x2d7: {  	[sflag:s23] =	ssyncadd.s32 $0xFFFFFF00  }
0x2d8: {  	[tilespmem:s0], [sflag:$0x2] =	stream.indirect.gather [hbm4b:s5+s24], $0x80, s31, s24, $0xb8;
	[tilespmem:$0x1DAC0] =	vst v63  }
0x2d9: {  	_ =	swait.ge [sflag:s2], $0x3C00  }
0x2da: {  	[sflag:s2] =	ssyncset.done $0x0  }
0x2db: {  	[sflag:s2] =	ssyncadd.s32 $0xFFFFC400  }
0x2dc: {  	[spmem:s3] =	stream.indirect.scatter.add.f32 [tilespmem:s25], [sflag:$0x3], $0x80, s20, s24, $0xb8;
	[tilespmem:$0x1DAC0] =	vst v63  }
0x2dd: {  	_ =	swait.ge [sflag:s18], $0x3C00  }
0x2de: {  	[sflag:s18] =	ssyncset.done $0x0  }
0x2df: {  	s19 =	sadd.s32 $0xA80, s19;
	[sflag:s18] =	ssyncadd.s32 $0xFFFFC400  }
0x2e0: {  	[tilespmem:s4], [sflag:$0x5] =	stream.linear.gather [hbm4b:s19+s4], $0x100, $0x38;
	[tilespmem:$0x1DAC0] =	vst v63  }
0x2e1: {  	_ =	swait.ge [sflag:s23], $0x100  }
0x2e2: {  	[sflag:s23] =	ssyncset.done $0x0  }
.Ltmp7:
0x2e3: {  	[sflag:s23] =	ssyncadd.s32 $0xFFFFFF00;
	(pc) =	sbr.rel @p3 .LBB2_8-.Ltmp7, $4  }
0x2e4: {  	[tilespmem:s25], [sflag:$0x1] =	stream.indirect.gather [hbm4b:s5+s24], $0x80, s4, s24, $0xb8;
	[tilespmem:$0x1DAC0] =	vst v63  }
0x2e5: {  	_ =	swait.ge [sflag:s8], $0x3C00  }
0x2e6: {  	[sflag:s8] =	ssyncset.done $0x0  }
0x2e7: {  	[sflag:s8] =	ssyncadd.s32 $0xFFFFC400  }
0x2e8: {  	[spmem:s3] =	stream.indirect.scatter.add.f32 [tilespmem:s0], [sflag:$0x4], $0x80, s9, s24, $0xb8;
	[tilespmem:$0x1DAC0] =	vst v63  }
0x2e9: {  	_ =	swait.ge [sflag:s10], $0x3C00  }
0x2ea: {  	s11 =	sld [smem:$0x7F9]  }
0x2eb: {  	[sflag:s10] =	ssyncset.done $0x0  }
0x2ec: {  	[sflag:s10] =	ssyncadd.s32 $0xFFFFC400  }
0x2ed: {  	[tilespmem:s31], [sflag:$0x5] =	stream.linear.gather [hbm4b:s11+s4], $0x100, $0x38;
	[tilespmem:$0x1DAC0] =	vst v63  }
0x2ee: {  	_ =	swait.ge [sflag:s23], $0x100  }
0x2ef: {  	[sflag:s23] =	ssyncset.done $0x0  }
0x2f0: {  	[sflag:s23] =	ssyncadd.s32 $0xFFFFFF00  }
0x2f1: {  	[tilespmem:s0], [sflag:$0x2] =	stream.indirect.gather [hbm4b:s5+s24], $0x80, s31, s24, $0xb8;
	[tilespmem:$0x1DAC0] =	vst v63  }
0x2f2: {  	_ =	swait.ge [sflag:s2], $0x3C00  }
0x2f3: {  	[sflag:s2] =	ssyncset.done $0x0  }
0x2f4: {  	[sflag:s2] =	ssyncadd.s32 $0xFFFFC400  }
0x2f5: {  	[spmem:s3] =	stream.indirect.scatter.add.f32 [tilespmem:s25], [sflag:$0x3], $0x80, s20, s24, $0xb8;
	[tilespmem:$0x1DAC0] =	vst v63  }
0x2f6: {  	_ =	swait.ge [sflag:s8], $0x3C00  }
0x2f7: {  	[sflag:s8] =	ssyncset.done $0x0  }
0x2f8: {  	[sflag:s8] =	ssyncadd.s32 $0xFFFFC400  }
0x2f9: {  	[spmem:s3] =	stream.indirect.scatter.add.f32 [tilespmem:s0], [sflag:$0x4], $0x80, s9, s24, $0xb8;
	[tilespmem:$0x1DAC0] =	vst v63  }
0x2fa: {  	_ =	swait.ge [sflag:s18], $0x3C00  }
0x2fb: {  	[sflag:s18] =	ssyncset.done $0x0  }
0x2fc: {  	[sflag:s18] =	ssyncadd.s32 $0xFFFFC400  }
0x2fd: {  	_ =	swait.ge [sflag:s10], $0x3C00  }
0x2fe: {  	[sflag:s10] =	ssyncset.done $0x0  }
0x2ff: {  	[sflag:s10] =	ssyncadd.s32 $0xFFFFC400  }
0x300: {  	[bflag:$0x0] =	sbarrier.arrive $0xFFFF  }
0x301: {  	[tilespmem:s21], [sflag:$0x6] =	stream.linear.gather [spmem:s30], $0x2800, $0x38;
	[tilespmem:$0x1DAC0] =	vst v63  }
0x302: {  	_ =	swait.ge [sflag:s22], $0x2800  }
0x303: {  	[sflag:s22] =	ssyncset.done $0x0  }
0x304: {  	s29 =	rddreg [dreg:$0x10];
	[sflag:s22] =	ssyncadd.s32 $0xFFFFD800  }
0x305: {  	[hbm4b:s29+s4] =	stream.linear.scatter [tilespmem:s21], [sflag:$0x5], $0x2800, $0x38;
	[tilespmem:$0x1DAC0] =	vst v63  }
0x306: {  	_ =	swait.ge [sflag:s23], $0x2800  }
0x307: {  	[sflag:s23] =	ssyncset.done $0x0  }
0x308: {  	[sflag:s23] =	ssyncadd.s32 $0xFFFFD800  }
0x309: {  	[tilespmem:s21], [sflag:$0x6] =	stream.linear.gather [spmem:s16], $0x2800, $0x38;
	[tilespmem:$0x1DAC0] =	vst v63  }
0x30a: {  	_ =	swait.ge [sflag:s22], $0x2800  }
0x30b: {  	[sflag:s22] =	ssyncset.done $0x0  }
0x30c: {  	s19 =	rddreg [dreg:$0x11];
	[sflag:s22] =	ssyncadd.s32 $0xFFFFD800  }
0x30d: {  	[hbm4b:s19+s4] =	stream.linear.scatter [tilespmem:s21], [sflag:$0x5], $0x2800, $0x38;
	[tilespmem:$0x1DAC0] =	vst v63  }
0x30e: {  	_ =	swait.ge [sflag:s23], $0x2800  }
0x30f: {  	[sflag:s23] =	ssyncset.done $0x0  }
0x310: {  	[sflag:s23] =	ssyncadd.s32 $0xFFFFD800  }
0x311: {  	[tilespmem:s21], [sflag:$0x6] =	stream.linear.gather [spmem:s13], $0x2800, $0x38;
	[tilespmem:$0x1DAC0] =	vst v63  }
0x312: {  	_ =	swait.ge [sflag:s22], $0x2800  }
0x313: {  	[sflag:s22] =	ssyncset.done $0x0  }
0x314: {  	s29 =	rddreg [dreg:$0x12];
	[sflag:s22] =	ssyncadd.s32 $0xFFFFD800  }
0x315: {  	[hbm4b:s29+s4] =	stream.linear.scatter [tilespmem:s21], [sflag:$0x5], $0x2800, $0x38;
	[tilespmem:$0x1DAC0] =	vst v63  }
0x316: {  	_ =	swait.ge [sflag:s23], $0x2800  }
0x317: {  	[sflag:s23] =	ssyncset.done $0x0  }
0x318: {  	[sflag:s23] =	ssyncadd.s32 $0xFFFFD800  }
0x319: {  	[tilespmem:s21], [sflag:$0x6] =	stream.linear.gather [spmem:s15], $0x2800, $0x38;
	[tilespmem:$0x1DAC0] =	vst v63  }
0x31a: {  	_ =	swait.ge [sflag:s22], $0x2800  }
0x31b: {  	[sflag:s22] =	ssyncset.done $0x0  }
0x31c: {  	s19 =	rddreg [dreg:$0x13];
	[sflag:s22] =	ssyncadd.s32 $0xFFFFD800  }
0x31d: {  	[hbm4b:s19+s4] =	stream.linear.scatter [tilespmem:s21], [sflag:$0x5], $0x2800, $0x38;
	[tilespmem:$0x1DAC0] =	vst v63  }
0x31e: {  	_ =	swait.ge [sflag:s23], $0x2800  }
0x31f: {  	[sflag:s23] =	ssyncset.done $0x0  }
0x320: {  	[sflag:s23] =	ssyncadd.s32 $0xFFFFD800  }
0x321: {  	[tilespmem:s21], [sflag:$0x6] =	stream.linear.gather [spmem:s14], $0x2800, $0x38;
	[tilespmem:$0x1DAC0] =	vst v63  }
0x322: {  	_ =	swait.ge [sflag:s22], $0x2800  }
0x323: {  	[sflag:s22] =	ssyncset.done $0x0  }
0x324: {  	s29 =	rddreg [dreg:$0x14];
	[sflag:s22] =	ssyncadd.s32 $0xFFFFD800  }
0x325: {  	[hbm4b:s29+s4] =	stream.linear.scatter [tilespmem:s21], [sflag:$0x5], $0x2800, $0x38;
	[tilespmem:$0x1DAC0] =	vst v63  }
0x326: {  	_ =	swait.ge [sflag:s23], $0x2800  }
0x327: {  	[sflag:s23] =	ssyncset.done $0x0  }
0x328: {  	[sflag:s23] =	ssyncadd.s32 $0xFFFFD800  }
0x329: {  	[tilespmem:s21], [sflag:$0x6] =	stream.linear.gather [spmem:s12], $0x2800, $0x38;
	[tilespmem:$0x1DAC0] =	vst v63  }
0x32a: {  	_ =	swait.ge [sflag:s22], $0x2800  }
0x32b: {  	[sflag:s22] =	ssyncset.done $0x0  }
0x32c: {  	s19 =	rddreg [dreg:$0x15];
	[sflag:s22] =	ssyncadd.s32 $0xFFFFD800  }
0x32d: {  	[hbm4b:s19+s4] =	stream.linear.scatter [tilespmem:s21], [sflag:$0x5], $0x2800, $0x38;
	[tilespmem:$0x1DAC0] =	vst v63  }
0x32e: {  	_ =	swait.ge [sflag:s23], $0x2800  }
0x32f: {  	[sflag:s23] =	ssyncset.done $0x0  }
0x330: {  	[sflag:s23] =	ssyncadd.s32 $0xFFFFD800  }
0x331: {  	[tilespmem:s21], [sflag:$0x6] =	stream.linear.gather [spmem:s17], $0x2800, $0x38;
	[tilespmem:$0x1DAC0] =	vst v63  }
0x332: {  	_ =	swait.ge [sflag:s22], $0x2800  }
0x333: {  	[sflag:s22] =	ssyncset.done $0x0  }
0x334: {  	s29 =	rddreg [dreg:$0x16];
	[sflag:s22] =	ssyncadd.s32 $0xFFFFD800  }
0x335: {  	[hbm4b:s29+s4] =	stream.linear.scatter [tilespmem:s21], [sflag:$0x5], $0x2800, $0x38;
	[tilespmem:$0x1DAC0] =	vst v63  }
0x336: {  	_ =	swait.ge [sflag:s23], $0x2800  }
0x337: {  	[sflag:s23] =	ssyncset.done $0x0  }
0x338: {  	s29 =	simm.s32 @!p1 $0x7A00;
	[sflag:s23] =	ssyncadd.s32 $0xFFFFD800  }
0x339: {  	[tilespmem:s29], [sflag:$0x6] =	stream.linear.gather @!p1 [spmem:s28], $0x2800, $0x38;
	[tilespmem:$0x1DAC0] =	vst v63  }
0x33a: {  	s28 =	smov.u32 s17  }
0x33b: {  	s17 =	smov.u32 s12;
	s12 =	smov.u32 s30;
	s30 =	simm.s32 @!p1 $0x6  }
0x33c: {  	s11 =	smov.u32 s13;
	_ =	swait.ge @!p1 [sflag:s30], $0x2800  }
0x33d: {  	s13 =	smov.u32 s15;
	s15 =	smov.u32 s11;
	[sflag:s30] =	ssyncset.done @!p1 $0x0  }
0x33e: {  	s11 =	simm.s32 @!p1 $0x0;
	s19 =	rddreg [dreg:$0x17];
	[sflag:s30] =	ssyncadd.s32 @!p1 $0xFFFFD800  }
0x33f: {  	[hbm4b:s19+s11] =	stream.linear.scatter @!p1 [tilespmem:s29], [sflag:$0x5], $0x2800, $0x38;
	[tilespmem:$0x1DAC0] =	vst v63  }
0x340: {  	s19 =	simm.s32 @!p1 $0x5  }
0x341: {  	_ =	swait.ge @!p1 [sflag:s19], $0x2800  }
0x342: {  	[sflag:s19] =	ssyncset.done @!p1 $0x0  }
0x343: {  	[sflag:s19] =	ssyncadd.s32 @!p1 $0xFFFFD800  }
0x344: {  	[bflag:$0x0] =	sbarrier.arrive $0xFFFF  }
0x345: {  	s11 =	sld [smem:$0x7CE];
	_ =	sdelay $0x2  }
0x346: {  	[tilespmem:s21], [sflag:$0x6] =	stream.linear.gather [hbm4b:s11+s4], $0x2800, $0x38;
	[tilespmem:$0x1DAC0] =	vst v63  }
0x347: {  	_ =	swait.ge [sflag:s22], $0x2800  }
0x348: {  	[sflag:s22] =	ssyncset.done $0x0  }
0x349: {  	[sflag:s22] =	ssyncadd.s32 $0xFFFFD800  }
0x34a: {  	[spmem:s12] =	stream.linear.scatter [tilespmem:s21], [sflag:$0x5], $0x2800, $0x38;
	[tilespmem:$0x1DAC0] =	vst v63  }
0x34b: {  	_ =	swait.ge [sflag:s23], $0x2800  }
0x34c: {  	s12 =	sld [smem:$0x7D4]  }
0x34d: {  	[sflag:s23] =	ssyncset.done $0x0  }
0x34e: {  	[sflag:s23] =	ssyncadd.s32 $0xFFFFD800  }
0x34f: {  	[tilespmem:s21], [sflag:$0x6] =	stream.linear.gather [hbm4b:s12+s4], $0x2800, $0x38;
	[tilespmem:$0x1DAC0] =	vst v63  }
0x350: {  	_ =	swait.ge [sflag:s22], $0x2800  }
0x351: {  	[sflag:s22] =	ssyncset.done $0x0  }
0x352: {  	[sflag:s22] =	ssyncadd.s32 $0xFFFFD800  }
0x353: {  	[spmem:s16] =	stream.linear.scatter [tilespmem:s21], [sflag:$0x5], $0x2800, $0x38;
	[tilespmem:$0x1DAC0] =	vst v63  }
0x354: {  	_ =	swait.ge [sflag:s23], $0x2800  }
0x355: {  	s12 =	sld [smem:$0x7DA]  }
0x356: {  	[sflag:s23] =	ssyncset.done $0x0  }
0x357: {  	[sflag:s23] =	ssyncadd.s32 $0xFFFFD800  }
0x358: {  	[tilespmem:s21], [sflag:$0x6] =	stream.linear.gather [hbm4b:s12+s4], $0x2800, $0x38;
	[tilespmem:$0x1DAC0] =	vst v63  }
0x359: {  	_ =	swait.ge [sflag:s22], $0x2800  }
0x35a: {  	[sflag:s22] =	ssyncset.done $0x0  }
0x35b: {  	[sflag:s22] =	ssyncadd.s32 $0xFFFFD800  }
0x35c: {  	[spmem:s15] =	stream.linear.scatter [tilespmem:s21], [sflag:$0x5], $0x2800, $0x38;
	[tilespmem:$0x1DAC0] =	vst v63  }
0x35d: {  	_ =	swait.ge [sflag:s23], $0x2800  }
0x35e: {  	s15 =	sld [smem:$0x7E0]  }
0x35f: {  	[sflag:s23] =	ssyncset.done $0x0  }
0x360: {  	[sflag:s23] =	ssyncadd.s32 $0xFFFFD800  }
0x361: {  	[tilespmem:s21], [sflag:$0x6] =	stream.linear.gather [hbm4b:s15+s4], $0x2800, $0x38;
	[tilespmem:$0x1DAC0] =	vst v63  }
0x362: {  	_ =	swait.ge [sflag:s22], $0x2800  }
0x363: {  	[sflag:s22] =	ssyncset.done $0x0  }
0x364: {  	[sflag:s22] =	ssyncadd.s32 $0xFFFFD800  }
0x365: {  	[spmem:s13] =	stream.linear.scatter [tilespmem:s21], [sflag:$0x5], $0x2800, $0x38;
	[tilespmem:$0x1DAC0] =	vst v63  }
0x366: {  	_ =	swait.ge [sflag:s23], $0x2800  }
0x367: {  	s12 =	sld [smem:$0x7E6]  }
0x368: {  	[sflag:s23] =	ssyncset.done $0x0  }
0x369: {  	[sflag:s23] =	ssyncadd.s32 $0xFFFFD800  }
0x36a: {  	[tilespmem:s21], [sflag:$0x6] =	stream.linear.gather [hbm4b:s12+s4], $0x2800, $0x38;
	[tilespmem:$0x1DAC0] =	vst v63  }
0x36b: {  	_ =	swait.ge [sflag:s22], $0x2800  }
0x36c: {  	[sflag:s22] =	ssyncset.done $0x0  }
0x36d: {  	[sflag:s22] =	ssyncadd.s32 $0xFFFFD800  }
0x36e: {  	[spmem:s14] =	stream.linear.scatter [tilespmem:s21], [sflag:$0x5], $0x2800, $0x38;
	[tilespmem:$0x1DAC0] =	vst v63  }
0x36f: {  	_ =	swait.ge [sflag:s23], $0x2800  }
0x370: {  	s15 =	smov.u32 s13;
	s13 =	sld [smem:$0x7EC]  }
0x371: {  	[sflag:s23] =	ssyncset.done $0x0  }
0x372: {  	[sflag:s23] =	ssyncadd.s32 $0xFFFFD800  }
0x373: {  	[tilespmem:s21], [sflag:$0x6] =	stream.linear.gather [hbm4b:s13+s4], $0x2800, $0x38;
	[tilespmem:$0x1DAC0] =	vst v63  }
0x374: {  	_ =	swait.ge [sflag:s22], $0x2800  }
0x375: {  	[sflag:s22] =	ssyncset.done $0x0  }
0x376: {  	[sflag:s22] =	ssyncadd.s32 $0xFFFFD800  }
0x377: {  	[spmem:s17] =	stream.linear.scatter [tilespmem:s21], [sflag:$0x5], $0x2800, $0x38;
	[tilespmem:$0x1DAC0] =	vst v63  }
0x378: {  	_ =	swait.ge [sflag:s23], $0x2800  }
0x379: {  	s14 =	sld [smem:$0x7F2]  }
0x37a: {  	[sflag:s23] =	ssyncset.done $0x0  }
0x37b: {  	[sflag:s23] =	ssyncadd.s32 $0xFFFFD800  }
0x37c: {  	[tilespmem:s21], [sflag:$0x6] =	stream.linear.gather [hbm4b:s14+s4], $0x2800, $0x38;
	[tilespmem:$0x1DAC0] =	vst v63  }
0x37d: {  	_ =	swait.ge [sflag:s22], $0x2800  }
0x37e: {  	[sflag:s22] =	ssyncset.done $0x0  }
0x37f: {  	[sflag:s22] =	ssyncadd.s32 $0xFFFFD800  }
0x380: {  	[spmem:s28] =	stream.linear.scatter [tilespmem:s21], [sflag:$0x5], $0x2800, $0x38;
	[tilespmem:$0x1DAC0] =	vst v63  }
0x381: {  	_ =	swait.ge [sflag:s23], $0x2800  }
0x382: {  	s11 =	sld [smem:$0x7FB]  }
0x383: {  	[sflag:s23] =	ssyncset.done $0x0  }
0x384: {  	s13 =	simm.s32 @!p1 $0x0;
	[sflag:s23] =	ssyncadd.s32 $0xFFFFD800  }
0x385: {  	[tilespmem:s29], [sflag:$0x6] =	stream.linear.gather @!p1 [hbm4b:s11+s13], $0x2800, $0x38;
	[tilespmem:$0x1DAC0] =	vst v63  }
0x386: {  	_ =	swait.ge @!p1 [sflag:s30], $0x2800  }
0x387: {  	[sflag:s30] =	ssyncset.done @!p1 $0x0  }
0x388: {  	s11 =	rddreg [dreg:$0xf];
	[sflag:s30] =	ssyncadd.s32 @!p1 $0xFFFFD800  }
0x389: {  	[spmem:s11] =	stream.linear.scatter @!p1 [tilespmem:s29], [sflag:$0x5], $0x2800, $0x38;
	[tilespmem:$0x1DAC0] =	vst v63  }
0x38a: {  	_ =	swait.ge @!p1 [sflag:s19], $0x2800  }
0x38b: {  	[sflag:s19] =	ssyncset.done @!p1 $0x0  }
0x38c: {  	[sflag:s19] =	ssyncadd.s32 @!p1 $0xFFFFD800  }
0x38d: {  	[bflag:$0x0] =	sbarrier.arrive $0xFFFF  }
0x38e: {  	[tilespmem:s4], [sflag:$0x5] =	stream.linear.gather [hbm4b:s26+s4], $0x100, $0x38;
	[tilespmem:$0x1DAC0] =	vst v63  }
0x38f: {  	_ =	swait.ge [sflag:s23], $0x100  }
0x390: {  	[sflag:s23] =	ssyncset.done $0x0  }
0x391: {  	s17 =	sld [smem:$0x7F7];
	[sflag:s23] =	ssyncadd.s32 $0xFFFFFF00  }
0x392: {  	[tilespmem:s25], [sflag:$0x1] =	stream.indirect.gather [hbm4b:s7+s24], $0x80, s4, s24, $0xb8;
	[tilespmem:$0x1DAC0] =	vst v63  }
0x393: {  	_ = 	snop  }
0x394: {  	[tilespmem:s31], [sflag:$0x5] =	stream.linear.gather [hbm4b:s17+s4], $0x100, $0x38;
	[tilespmem:$0x1DAC0] =	vst v63  }
0x395: {  	_ =	swait.ge [sflag:s23], $0x100  }
0x396: {  	[sflag:s23] =	ssyncset.done $0x0  }
0x397: {  	[sflag:s23] =	ssyncadd.s32 $0xFFFFFF00  }
0x398: {  	[tilespmem:s0], [sflag:$0x2] =	stream.indirect.gather [hbm4b:s7+s24], $0x80, s31, s24, $0xb8;
	[tilespmem:$0x1DAC0] =	vst v63  }
0x399: {  	_ =	swait.ge [sflag:s2], $0x3C00  }
0x39a: {  	[sflag:s2] =	ssyncset.done $0x0  }
0x39b: {  	[sflag:s2] =	ssyncadd.s32 $0xFFFFC400  }
0x39c: {  	[spmem:s3] =	stream.indirect.scatter.add.f32 [tilespmem:s25], [sflag:$0x3], $0x80, s20, s24, $0xb8;
	[tilespmem:$0x1DAC0] =	vst v63  }
0x39d: {  	_ =	swait.ge [sflag:s18], $0x3C00  }
0x39e: {  	s19 =	sld [smem:$0x7F8]  }
0x39f: {  	[sflag:s18] =	ssyncset.done $0x0  }
0x3a0: {  	[sflag:s18] =	ssyncadd.s32 $0xFFFFC400  }
0x3a1: {  	[tilespmem:s4], [sflag:$0x5] =	stream.linear.gather [hbm4b:s19+s4], $0x100, $0x38;
	[tilespmem:$0x1DAC0] =	vst v63  }
0x3a2: {  	_ =	swait.ge [sflag:s23], $0x100  }
0x3a3: {  	[sflag:s23] =	ssyncset.done $0x0  }
0x3a4: {  	[sflag:s23] =	ssyncadd.s32 $0xFFFFFF00  }
0x3a5: {  	[tilespmem:s25], [sflag:$0x1] =	stream.indirect.gather [hbm4b:s7+s24], $0x80, s4, s24, $0xb8;
	[tilespmem:$0x1DAC0] =	vst v63  }
0x3a6: {  	_ =	swait.ge [sflag:s8], $0x3C00  }
0x3a7: {  	[sflag:s8] =	ssyncset.done $0x0  }
0x3a8: {  	[sflag:s8] =	ssyncadd.s32 $0xFFFFC400  }
0x3a9: {  	[spmem:s3] =	stream.indirect.scatter.add.f32 [tilespmem:s0], [sflag:$0x4], $0x80, s9, s24, $0xb8;
	[tilespmem:$0x1DAC0] =	vst v63  }
0x3aa: {  	_ =	swait.ge [sflag:s10], $0x3C00  }
0x3ab: {  	s29 =	sadd.s32 $0xFFFFF600, s26;
	[sflag:s10] =	ssyncset.done $0x0  }
0x3ac: {  	s30 =	sadd.s32 $0xA60, s29;
	[sflag:s10] =	ssyncadd.s32 $0xFFFFC400  }
0x3ad: {  	[tilespmem:s31], [sflag:$0x5] =	stream.linear.gather [hbm4b:s30+s4], $0x100, $0x38;
	[tilespmem:$0x1DAC0] =	vst v63  }
0x3ae: {  	_ =	swait.ge [sflag:s23], $0x100  }
0x3af: {  	[sflag:s23] =	ssyncset.done $0x0  }
0x3b0: {  	[sflag:s23] =	ssyncadd.s32 $0xFFFFFF00  }
0x3b1: {  	[tilespmem:s0], [sflag:$0x2] =	stream.indirect.gather [hbm4b:s7+s24], $0x80, s31, s24, $0xb8;
	[tilespmem:$0x1DAC0] =	vst v63  }
0x3b2: {  	_ =	swait.ge [sflag:s2], $0x3C00  }
0x3b3: {  	[sflag:s2] =	ssyncset.done $0x0  }
0x3b4: {  	[sflag:s2] =	ssyncadd.s32 $0xFFFFC400  }
0x3b5: {  	[spmem:s3] =	stream.indirect.scatter.add.f32 [tilespmem:s25], [sflag:$0x3], $0x80, s20, s24, $0xb8;
	[tilespmem:$0x1DAC0] =	vst v63  }
0x3b6: {  	_ =	swait.ge [sflag:s18], $0x3C00  }
0x3b7: {  	[sflag:s18] =	ssyncset.done $0x0  }
0x3b8: {  	s11 =	sadd.s32 $0xA80, s29;
	[sflag:s18] =	ssyncadd.s32 $0xFFFFC400  }
0x3b9: {  	[tilespmem:s4], [sflag:$0x5] =	stream.linear.gather [hbm4b:s11+s4], $0x100, $0x38;
	[tilespmem:$0x1DAC0] =	vst v63  }
0x3ba: {  	_ =	swait.ge [sflag:s23], $0x100  }
0x3bb: {  	[sflag:s23] =	ssyncset.done $0x0  }
0x3bc: {  	[sflag:s23] =	ssyncadd.s32 $0xFFFFFF00  }
0x3bd: {  	[tilespmem:s25], [sflag:$0x1] =	stream.indirect.gather [hbm4b:s7+s24], $0x80, s4, s24, $0xb8;
	[tilespmem:$0x1DAC0] =	vst v63  }
0x3be: {  	_ =	swait.ge [sflag:s8], $0x3C00  }
0x3bf: {  	[sflag:s8] =	ssyncset.done $0x0  }
0x3c0: {  	s17 =	smov.u32 s28;
	s11 =	simm.s32 $0xFFFFF640;
	[sflag:s8] =	ssyncadd.s32 $0xFFFFC400  }
.LBB2_10:
0x3c1: {  	[spmem:s3] =	stream.indirect.scatter.add.f32 [tilespmem:s0], [sflag:$0x4], $0x80, s9, s24, $0xb8;
	[tilespmem:$0x1DAC0] =	vst v63  }
0x3c2: {  	s19 =	smov.u32 s11  }
0x3c3: {  	p3 =	sne.s32 s11, $0xFFFFFFC0;
	s11 =	sadd.s32 $0x40, s11;
	_ =	swait.ge [sflag:s10], $0x3C00  }
0x3c4: {  	s19 =	sadd.s32 s19, s26;
	[sflag:s10] =	ssyncset.done $0x0  }
0x3c5: {  	s29 =	sadd.s32 $0xA60, s19;
	[sflag:s10] =	ssyncadd.s32 $0xFFFFC400  }
0x3c6: {  	[tilespmem:s31], [sflag:$0x5] =	stream.linear.gather [hbm4b:s29+s4], $0x100, $0x38;
	[tilespmem:$0x1DAC0] =	vst v63  }
0x3c7: {  	_ =	swait.ge [sflag:s23], $0x100  }
0x3c8: {  	[sflag:s23] =	ssyncset.done $0x0  }
0x3c9: {  	[sflag:s23] =	ssyncadd.s32 $0xFFFFFF00  }
0x3ca: {  	[tilespmem:s0], [sflag:$0x2] =	stream.indirect.gather [hbm4b:s7+s24], $0x80, s31, s24, $0xb8;
	[tilespmem:$0x1DAC0] =	vst v63  }
0x3cb: {  	_ =	swait.ge [sflag:s2], $0x3C00  }
0x3cc: {  	[sflag:s2] =	ssyncset.done $0x0  }
0x3cd: {  	[sflag:s2] =	ssyncadd.s32 $0xFFFFC400  }
0x3ce: {  	[spmem:s3] =	stream.indirect.scatter.add.f32 [tilespmem:s25], [sflag:$0x3], $0x80, s20, s24, $0xb8;
	[tilespmem:$0x1DAC0] =	vst v63  }
0x3cf: {  	_ =	swait.ge [sflag:s18], $0x3C00  }
0x3d0: {  	[sflag:s18] =	ssyncset.done $0x0  }
0x3d1: {  	s19 =	sadd.s32 $0xA80, s19;
	[sflag:s18] =	ssyncadd.s32 $0xFFFFC400  }
0x3d2: {  	[tilespmem:s4], [sflag:$0x5] =	stream.linear.gather [hbm4b:s19+s4], $0x100, $0x38;
	[tilespmem:$0x1DAC0] =	vst v63  }
0x3d3: {  	_ =	swait.ge [sflag:s23], $0x100  }
0x3d4: {  	[sflag:s23] =	ssyncset.done $0x0  }
.Ltmp8:
0x3d5: {  	[sflag:s23] =	ssyncadd.s32 $0xFFFFFF00;
	(pc) =	sbr.rel @p3 .LBB2_10-.Ltmp8, $4  }
0x3d6: {  	[tilespmem:s25], [sflag:$0x1] =	stream.indirect.gather [hbm4b:s7+s24], $0x80, s4, s24, $0xb8;
	[tilespmem:$0x1DAC0] =	vst v63  }
0x3d7: {  	_ =	swait.ge [sflag:s8], $0x3C00  }
0x3d8: {  	[sflag:s8] =	ssyncset.done $0x0  }
0x3d9: {  	[sflag:s8] =	ssyncadd.s32 $0xFFFFC400  }
0x3da: {  	[spmem:s3] =	stream.indirect.scatter.add.f32 [tilespmem:s0], [sflag:$0x4], $0x80, s9, s24, $0xb8;
	[tilespmem:$0x1DAC0] =	vst v63  }
0x3db: {  	_ =	swait.ge [sflag:s10], $0x3C00  }
0x3dc: {  	s11 =	sld [smem:$0x7F9]  }
0x3dd: {  	[sflag:s10] =	ssyncset.done $0x0  }
0x3de: {  	[sflag:s10] =	ssyncadd.s32 $0xFFFFC400  }
0x3df: {  	[tilespmem:s31], [sflag:$0x5] =	stream.linear.gather [hbm4b:s11+s4], $0x100, $0x38;
	[tilespmem:$0x1DAC0] =	vst v63  }
0x3e0: {  	_ =	swait.ge [sflag:s23], $0x100  }
0x3e1: {  	[sflag:s23] =	ssyncset.done $0x0  }
0x3e2: {  	[sflag:s23] =	ssyncadd.s32 $0xFFFFFF00  }
0x3e3: {  	[tilespmem:s0], [sflag:$0x2] =	stream.indirect.gather [hbm4b:s7+s24], $0x80, s31, s24, $0xb8;
	[tilespmem:$0x1DAC0] =	vst v63  }
0x3e4: {  	_ =	swait.ge [sflag:s2], $0x3C00  }
0x3e5: {  	[sflag:s2] =	ssyncset.done $0x0  }
0x3e6: {  	[sflag:s2] =	ssyncadd.s32 $0xFFFFC400  }
0x3e7: {  	[spmem:s3] =	stream.indirect.scatter.add.f32 [tilespmem:s25], [sflag:$0x3], $0x80, s20, s24, $0xb8;
	[tilespmem:$0x1DAC0] =	vst v63  }
0x3e8: {  	_ =	swait.ge [sflag:s8], $0x3C00  }
0x3e9: {  	[sflag:s8] =	ssyncset.done $0x0  }
0x3ea: {  	[sflag:s8] =	ssyncadd.s32 $0xFFFFC400  }
0x3eb: {  	[spmem:s3] =	stream.indirect.scatter.add.f32 [tilespmem:s0], [sflag:$0x4], $0x80, s9, s24, $0xb8;
	[tilespmem:$0x1DAC0] =	vst v63  }
0x3ec: {  	_ =	swait.ge [sflag:s18], $0x3C00  }
0x3ed: {  	[sflag:s18] =	ssyncset.done $0x0  }
0x3ee: {  	[sflag:s18] =	ssyncadd.s32 $0xFFFFC400  }
0x3ef: {  	_ =	swait.ge [sflag:s10], $0x3C00  }
0x3f0: {  	[sflag:s10] =	ssyncset.done $0x0  }
0x3f1: {  	[sflag:s10] =	ssyncadd.s32 $0xFFFFC400  }
0x3f2: {  	[bflag:$0x0] =	sbarrier.arrive $0xFFFF  }
0x3f3: {  	s30 =	rddreg [dreg:$0x7]  }
0x3f4: {  	[tilespmem:s21], [sflag:$0x6] =	stream.linear.gather [spmem:s30], $0x2800, $0x38;
	[tilespmem:$0x1DAC0] =	vst v63  }
0x3f5: {  	_ =	swait.ge [sflag:s22], $0x2800  }
0x3f6: {  	s13 =	sld [smem:$0x7CF]  }
0x3f7: {  	[sflag:s22] =	ssyncset.done $0x0  }
0x3f8: {  	[sflag:s22] =	ssyncadd.s32 $0xFFFFD800  }
0x3f9: {  	[hbm4b:s13+s4] =	stream.linear.scatter [tilespmem:s21], [sflag:$0x5], $0x2800, $0x38;
	[tilespmem:$0x1DAC0] =	vst v63  }
0x3fa: {  	_ =	swait.ge [sflag:s23], $0x2800  }
0x3fb: {  	[sflag:s23] =	ssyncset.done $0x0  }
0x3fc: {  	[sflag:s23] =	ssyncadd.s32 $0xFFFFD800  }
0x3fd: {  	[tilespmem:s21], [sflag:$0x6] =	stream.linear.gather [spmem:s16], $0x2800, $0x38;
	[tilespmem:$0x1DAC0] =	vst v63  }
0x3fe: {  	_ =	swait.ge [sflag:s22], $0x2800  }
0x3ff: {  	s14 =	sld [smem:$0x7D5]  }
0x400: {  	[sflag:s22] =	ssyncset.done $0x0  }
0x401: {  	[sflag:s22] =	ssyncadd.s32 $0xFFFFD800  }
0x402: {  	[hbm4b:s14+s4] =	stream.linear.scatter [tilespmem:s21], [sflag:$0x5], $0x2800, $0x38;
	[tilespmem:$0x1DAC0] =	vst v63  }
0x403: {  	_ =	swait.ge [sflag:s23], $0x2800  }
0x404: {  	[sflag:s23] =	ssyncset.done $0x0  }
0x405: {  	s13 =	rddreg [dreg:$0xc];
	[sflag:s23] =	ssyncadd.s32 $0xFFFFD800  }
0x406: {  	[tilespmem:s21], [sflag:$0x6] =	stream.linear.gather [spmem:s13], $0x2800, $0x38;
	[tilespmem:$0x1DAC0] =	vst v63  }
0x407: {  	_ =	swait.ge [sflag:s22], $0x2800  }
0x408: {  	s29 =	smov.u32 s16;
	s16 =	sld [smem:$0x7DB]  }
0x409: {  	[sflag:s22] =	ssyncset.done $0x0  }
0x40a: {  	[sflag:s22] =	ssyncadd.s32 $0xFFFFD800  }
0x40b: {  	[hbm4b:s16+s4] =	stream.linear.scatter [tilespmem:s21], [sflag:$0x5], $0x2800, $0x38;
	[tilespmem:$0x1DAC0] =	vst v63  }
0x40c: {  	_ =	swait.ge [sflag:s23], $0x2800  }
0x40d: {  	[sflag:s23] =	ssyncset.done $0x0  }
0x40e: {  	[sflag:s23] =	ssyncadd.s32 $0xFFFFD800  }
0x40f: {  	[tilespmem:s21], [sflag:$0x6] =	stream.linear.gather [spmem:s15], $0x2800, $0x38;
	[tilespmem:$0x1DAC0] =	vst v63  }
0x410: {  	_ =	swait.ge [sflag:s22], $0x2800  }
0x411: {  	s19 =	sld [smem:$0x7E1]  }
0x412: {  	[sflag:s22] =	ssyncset.done $0x0  }
0x413: {  	[sflag:s22] =	ssyncadd.s32 $0xFFFFD800  }
0x414: {  	[hbm4b:s19+s4] =	stream.linear.scatter [tilespmem:s21], [sflag:$0x5], $0x2800, $0x38;
	[tilespmem:$0x1DAC0] =	vst v63  }
0x415: {  	_ =	swait.ge [sflag:s23], $0x2800  }
0x416: {  	[sflag:s23] =	ssyncset.done $0x0  }
0x417: {  	s14 =	rddreg [dreg:$0x8];
	[sflag:s23] =	ssyncadd.s32 $0xFFFFD800  }
0x418: {  	[tilespmem:s21], [sflag:$0x6] =	stream.linear.gather [spmem:s14], $0x2800, $0x38;
	[tilespmem:$0x1DAC0] =	vst v63  }
0x419: {  	_ =	swait.ge [sflag:s22], $0x2800  }
0x41a: {  	s12 =	sld [smem:$0x7E7]  }
0x41b: {  	[sflag:s22] =	ssyncset.done $0x0  }
0x41c: {  	[sflag:s22] =	ssyncadd.s32 $0xFFFFD800  }
0x41d: {  	[hbm4b:s12+s4] =	stream.linear.scatter [tilespmem:s21], [sflag:$0x5], $0x2800, $0x38;
	[tilespmem:$0x1DAC0] =	vst v63  }
0x41e: {  	_ =	swait.ge [sflag:s23], $0x2800  }
0x41f: {  	[sflag:s23] =	ssyncset.done $0x0  }
0x420: {  	s12 =	rddreg [dreg:$0xb];
	[sflag:s23] =	ssyncadd.s32 $0xFFFFD800  }
0x421: {  	[tilespmem:s21], [sflag:$0x6] =	stream.linear.gather [spmem:s12], $0x2800, $0x38;
	[tilespmem:$0x1DAC0] =	vst v63  }
0x422: {  	_ =	swait.ge [sflag:s22], $0x2800  }
0x423: {  	s16 =	sld [smem:$0x7ED]  }
0x424: {  	[sflag:s22] =	ssyncset.done $0x0  }
0x425: {  	[sflag:s22] =	ssyncadd.s32 $0xFFFFD800  }
0x426: {  	[hbm4b:s16+s4] =	stream.linear.scatter [tilespmem:s21], [sflag:$0x5], $0x2800, $0x38;
	[tilespmem:$0x1DAC0] =	vst v63  }
0x427: {  	_ =	swait.ge [sflag:s23], $0x2800  }
0x428: {  	[sflag:s23] =	ssyncset.done $0x0  }
0x429: {  	[sflag:s23] =	ssyncadd.s32 $0xFFFFD800  }
0x42a: {  	[tilespmem:s21], [sflag:$0x6] =	stream.linear.gather [spmem:s17], $0x2800, $0x38;
	[tilespmem:$0x1DAC0] =	vst v63  }
0x42b: {  	_ =	swait.ge [sflag:s22], $0x2800  }
0x42c: {  	s19 =	sld [smem:$0x7F3]  }
0x42d: {  	[sflag:s22] =	ssyncset.done $0x0  }
0x42e: {  	[sflag:s22] =	ssyncadd.s32 $0xFFFFD800  }
0x42f: {  	[hbm4b:s19+s4] =	stream.linear.scatter [tilespmem:s21], [sflag:$0x5], $0x2800, $0x38;
	[tilespmem:$0x1DAC0] =	vst v63  }
.Ltmp9:
0x430: {  	_ = 	snop;
	(pc) =	sbr.rel @p1 .LBB2_13-.Ltmp9, $4  }
.Ltmp10:
0x431: {  	_ = 	snop;
	(pc) =	sbr.rel @!p1 .LBB2_12-.Ltmp10, $4  }
0x432: {  	_ =	swait.ge [sflag:s23], $0x2800  }
0x433: {  	[sflag:s23] =	ssyncset.done $0x0;
	s28 =	sld [smem:$0x7CC]  }
0x434: {  	s11 =	rddreg [dreg:$0x5];
	[sflag:s23] =	ssyncadd.s32 $0xFFFFD800  }
0x435: {  	_ = 	snop  }
.LBB2_14:
0x436: {  	_ =	sfence.sel $0x180000  }
0x437: {  	[bflag:$0x0] =	sbarrier.arrive $0xFFFF  }
0x438: {  	_ =	strace $0x9000004D  }
0x439: {  	s0 =	stileid.u32;
	[bflag:$0x2] =	sbarrier.arrive $0xFFFF  }
0x43a: {  	p0 =	sne.s32 s0, $0x0;
	s0 =	rddreg [dreg:$0x3]  }
0x43b: {  	s0 =	sadd.s32 @!p0 $0x100000, s0  }
0x43c: {  	[sflag:s0] =	ssyncadd.tile.s32 @!p0 $0x1;
	_ =	shalt  }
.Lfunc_end2:
_tile_overlayer_lowered:
.L_overlay_start_2:
0x43d: {  	(tag) =	ssettag $0x2  }
0x43e: {  	s0 =	rddreg [dreg:$0x0];
	s2 =	stileid.u32  }
0x43f: {  	s1 =	rddreg [dreg:$0x1];
	p0 =	sne.s32 s2, $0x0  }
0x440: {  	s3 =	rddreg [dreg:$0x2];
	[bflag:$0x3] =	sbarrier.arrive $0xFFFF;
	s2 =	simm.s32 @!p0 $0x1C05  }
0x441: {  	[timem:s3], [sflag:s2] =	dma.local @!p0 [hbm:s0], s1  }
0x442: {  	s0 =	simm.s32 @!p0 $0x5  }
0x443: {  	_ =	swait.ge @!p0 [sflag:s0], s1  }
0x444: {  	s1 =	ssub.s32 @!p0 $0x0, s1;
	[sflag:s0] =	ssyncset.done @!p0 $0x0  }
0x445: {  	[sflag:s0] =	ssyncadd.s32 @!p0 s1  }
0x446: {  	[bflag:$0x3] =	sbarrier.arrive $0xFFFF  }
0x447: {  	_ =	shalt  }

// kernel: kernel.20.cloned.1.call-start
scs
__scs_entry_jumppad:
0x0: {  	(pc) =	sbr.rel $0x88, $3  }
0x1: {  	(tag) =	ssettag $0x0;
	lr =	simm.s32 $0x1  }
0x2: {  	[smem:$0x3F99] =	sst lr;
	_ =	strace $0xD0000000  }
0x3: {  	_ = 	snop  }
0x4: {  	_ = 	snop  }
0x5: {  	_ = 	snop  }
0x6: {  	_ = 	snop  }
0x7: {  	_ = 	snop  }
__scs_overlays_trampoline_lowered:
0x8: {  	[smem:$0x3FA8] =	sst s0  }
0x9: {  	[smem:$0x3FA9] =	sst s1  }
0xa: {  	[smem:$0x3FAA] =	sst s2  }
0xb: {  	[smem:$0x3FAB] =	sst s3  }
0xc: {  	[smem:$0x3FAC] =	sst s4  }
0xd: {  	[smem:$0x3FAD] =	sst s5  }
0xe: {  	[smem:$0x3FAE] =	sst s6  }
0xf: {  	[smem:$0x3FAF] =	sst s7  }
0x10: {  	[smem:$0x3FB0] =	sst s8  }
0x11: {  	[smem:$0x3FB1] =	sst s9;
	s0 =	simm.s32 @!p0 $0x0  }
0x12: {  	s1 =	sld [smem:$0x3F97];
	s0 =	simm.s32 @p0 $0x1  }
0x13: {  	[smem:$0x3FB2] =	sst s0;
	s0 =	simm.s32 @!p1 $0x0  }
0x14: {  	s2 =	sld [smem:$0x3F96];
	s0 =	simm.s32 @p1 $0x1  }
0x15: {  	[smem:$0x3FB3] =	sst s0;
	s0 =	simm.s32 @!p2 $0x0  }
0x16: {  	s3 =	sld [smem:$0x3FDB];
	s0 =	simm.s32 @p2 $0x1  }
0x17: {  	s4 =	simm.s32 $0x1BF5;
	[smem:$0x3FB5] =	sst s0  }
0x18: {  	s0 =	sld [smem:$0x3F98];
	_ =	swait.ge [sflag:s4], $0x0  }
0x19: {  	s7 =	sld [smem:$0x3F99]  }
0x1a: {  	s8 =	sadd.s32 $0xFFFFE003, lr  }
0x1b: {  	s9 =	sadd.s32 $0xFFFFFEF7, lr;
	s5 =	simm.s32 $0xFFFFFFFF;
	p2 =	slt.u32 s8, $0xFFFFF086  }
0x1c: {  	p1 =	slt.u32 s9, $0xF7A;
	s5 =	simm.s32 @!p2 $0x0  }
0x1d: {  	s5 =	simm.s32 @p1 $0x1;
	p0 =	seq.s32 s7, s2  }
0x1e: {  	s7 =	smul.u32 @!p0 $0xF7A, s2;
	p2 =	seq.s32 @!p0 s5, $0x0  }
0x1f: {  	s9 =	smul.u32 $0xF7A, s1;
	s8 =	simm.s32 @!p0 $0x1BF5;
	p2 =	por !p2, p0  }
0x20: {  	[sflag:s8] =	ssyncset.s32 @!p0 $0xFFFFF086;
	s6 =	sadd.s32 @!p0 s3, s7;
	s7 =	simm.s32 @!p0 $0x108  }
0x21: {  	s3 =	sadd.s32 s3, s9;
	s6 =	sadd.s32 @!p0 $0x88, s6;
	s7 =	simm.s32 @p2 $0x1082  }
0x22: {  	[simem:s7], [sflag:s8] =	dma.local @!p0 [hbm:s6], $0xF7A  }
0x23: {  	s9 =	sor.u32 $0xD0000000, s2;
	s6 =	simm.s32 $0x108;
	_ =	swait.ge @!p0 [sflag:s8], $0x0  }
0x24: {  	s3 =	sadd.s32 $0x88, s3;
	s6 =	simm.s32 @!p1 $0x1082;
	[sflag:s4] =	ssyncset.s32 $0xFFFFF086  }
0x25: {  	[simem:s6], [sflag:s4] =	dma.local [hbm:s3], $0xF7A  }
0x26: {  	[smem:$0x3F99] =	sst s1;
	(tag) =	ssettag s2;
	_ =	strace s9  }
0x27: {  	s1 =	sld [smem:$0x3FA9]  }
0x28: {  	s2 =	sld [smem:$0x3FAA]  }
0x29: {  	s4 =	sld [smem:$0x3FAC]  }
0x2a: {  	p0 =	seq.s32 s5, $0x0;
	s5 =	sld [smem:$0x3FAD]  }
0x2b: {  	s6 =	sld [smem:$0x3FAE]  }
0x2c: {  	s7 =	sld [smem:$0x3FAF]  }
0x2d: {  	s3 =	simm.s32 $0x108;
	s8 =	sld [smem:$0x3FB0]  }
0x2e: {  	s3 =	simm.s32 @!p0 $0x1082;
	s9 =	sld [smem:$0x3FB1]  }
0x2f: {  	lr =	sadd.s32 s0, s3;
	s0 =	sld [smem:$0x3FA8]  }
0x30: {  	s3 =	sld [smem:$0x3FAB]  }
0x31: {  	[smem:$0x3FB4] =	sst s10  }
0x32: {  	s10 =	sld [smem:$0x3FB2];
	_ =	sdelay $0x3  }
0x33: {  	p0 =	seq.s32 s10, $0x1;
	s10 =	sld [smem:$0x3FB4];
	_ =	sdelay $0x3  }
0x34: {  	[smem:$0x3FB4] =	sst s10  }
0x35: {  	s10 =	sld [smem:$0x3FB3];
	_ =	sdelay $0x3  }
0x36: {  	p1 =	seq.s32 s10, $0x1;
	s10 =	sld [smem:$0x3FB4];
	_ =	sdelay $0x3  }
0x37: {  	[smem:$0x3FB4] =	sst s10  }
0x38: {  	s10 =	sld [smem:$0x3FB5]  }
0x39: {  	_ = 	snop;
	(pc) =	sbr.ind lr, $3  }
0x3a: {  	_ = 	snop  }
0x3b: {  	_ = 	snop  }
0x3c: {  	p2 =	seq.s32 s10, $0x1;
	s10 =	sld [smem:$0x3FB4]  }
0x3d: {  	_ =	shalt  }
0x3e: {  	_ =	shalt  }
0x3f: {  	_ =	shalt  }
0x40: {  	_ =	shalt  }
0x41: {  	_ =	shalt  }
0x42: {  	_ =	shalt  }
0x43: {  	_ =	shalt  }
0x44: {  	_ =	shalt  }
0x45: {  	_ =	shalt  }
0x46: {  	_ =	shalt  }
0x47: {  	_ =	shalt  }
0x48: {  	_ =	shalt  }
0x49: {  	_ =	shalt  }
0x4a: {  	_ =	shalt  }
0x4b: {  	_ =	shalt  }
0x4c: {  	_ =	shalt  }
0x4d: {  	_ =	shalt  }
0x4e: {  	_ =	shalt  }
0x4f: {  	_ =	shalt  }
0x50: {  	_ =	shalt  }
0x51: {  	_ =	shalt  }
0x52: {  	_ =	shalt  }
0x53: {  	_ =	shalt  }
0x54: {  	_ =	shalt  }
0x55: {  	_ =	shalt  }
0x56: {  	_ =	shalt  }
0x57: {  	_ =	shalt  }
0x58: {  	_ =	shalt  }
0x59: {  	_ =	shalt  }
0x5a: {  	_ =	shalt  }
0x5b: {  	_ =	shalt  }
0x5c: {  	_ =	shalt  }
0x5d: {  	_ =	shalt  }
0x5e: {  	_ =	shalt  }
0x5f: {  	_ =	shalt  }
0x60: {  	_ =	shalt  }
0x61: {  	_ =	shalt  }
0x62: {  	_ =	shalt  }
0x63: {  	_ =	shalt  }
0x64: {  	_ =	shalt  }
0x65: {  	_ =	shalt  }
0x66: {  	_ =	shalt  }
0x67: {  	_ =	shalt  }
0x68: {  	_ =	shalt  }
0x69: {  	_ =	shalt  }
0x6a: {  	_ =	shalt  }
0x6b: {  	_ =	shalt  }
0x6c: {  	_ =	shalt  }
0x6d: {  	_ =	shalt  }
0x6e: {  	_ =	shalt  }
0x6f: {  	_ =	shalt  }
0x70: {  	_ =	shalt  }
0x71: {  	_ =	shalt  }
0x72: {  	_ =	shalt  }
0x73: {  	_ =	shalt  }
0x74: {  	_ =	shalt  }
0x75: {  	_ =	shalt  }
0x76: {  	_ =	shalt  }
0x77: {  	_ =	shalt  }
0x78: {  	_ =	shalt  }
0x79: {  	_ =	shalt  }
0x7a: {  	_ =	shalt  }
0x7b: {  	_ =	shalt  }
0x7c: {  	_ =	shalt  }
0x7d: {  	_ =	shalt  }
0x7e: {  	_ =	shalt  }
0x7f: {  	_ =	shalt  }
0x80: {  	_ =	shalt  }
0x81: {  	_ =	shalt  }
0x82: {  	_ =	shalt  }
0x83: {  	_ =	shalt  }
0x84: {  	_ =	shalt  }
0x85: {  	_ =	shalt  }
0x86: {  	_ =	shalt  }
0x87: {  	_ =	shalt  }
.Lfunc_end0:
.L_simem_size_0:
called_computation.3_lowered:
.L_overlay_start_0:
0x88: {  	s2 =	sld [smem:$0x3FD9]  }
0x89: {  	s3 =	sld [smem:$0x3FFE];
	_ =	sdelay $0x1  }
0x8a: {  	s1 =	srdreg.scid  }
0x8b: {  	s0 =	sand.u32 $0x1, s1  }
0x8c: {  	s17 =	sshll.u32 s0, $0xA;
	s2 =	sadd.s32 s3, s2  }
0x8d: {  	s2 =	sadd.s32 s2, s17  }
0x8e: {  	[smem:$0x3FC0] =	sst s2  }
0x8f: {  	_ = 	snop  }
0x90: {  	s2 =	sld [smem:$0x3FD0];
	(tm) =	ssettm $0x1  }
0x91: {  	s18 =	sld [smem:$0x3FFB];
	_ =	sdelay $0x3  }
0x92: {  	_ =	strace s18  }
0x93: {  	s3 =	sld [smem:$0x3FFC];
	_ =	sdelay $0x3  }
0x94: {  	_ =	strace s3  }
0x95: {  	s3 =	sld [smem:$0x3FFD];
	_ =	sdelay $0x3  }
0x96: {  	_ =	strace s3  }
0x97: {  	_ =	strace $0x8FFFFFFF  }
0x98: {  	s19 =	sld [smem:$0x3FDB];
	_ =	sdelay $0x1  }
0x99: {  	s4 =	simm.s32 $_scs_section_size  }
0x9a: {  	s5 =	simm.s32 $_size__tile_overlayer_lowered;
	s6 =	simm.s32 $_tile_overlayer_lowered  }
0x9b: {  	s22 =	simm.s32 $0x1BFF;
	s21 =	sshll.u32 s6, $0x1;
	s3 =	sadd.s32 s4, s19  }
0x9c: {  	s7 =	simm.s32 $0x0;
	s20 =	sshll.u32 s5, $0x1;
	s5 =	sadd.s32 s21, s3  }
0x9d: {  	[timem:s7], [sflag:s22] =	dma.local [hbm:s5], s20  }
0x9e: {  	_ =	swait.ge [sflag:s22], s20  }
0x9f: {  	s4 =	ssub.s32 $0x0, s20;
	[sflag:s22] =	ssyncset.done $0x0  }
0xa0: {  	[sflag:s22] =	ssyncadd.s32 s4;
	_ =	sdelay $0x1  }
0xa1: {  	s23 =	simm.s32 $0x1B8B  }
0xa2: {  	_ =	swait.ge [sflag:s23], $0x1  }
0xa3: {  	[sflag:s23] =	ssyncset.done $0x0  }
0xa4: {  	s25 =	simm.s32 $0x1B8E;
	s24 =	sld [smem:$0x3FFE];
	[sflag:s23] =	ssyncadd.s32 $0xFFFFFFFF  }
0xa5: {  	s26 =	simm.s32 $execute0_lowered;
	[smem:$0x3FD2] =	sst s25  }
0xa6: {  	s5 =	sshll.u32 s26, $0x1;
	_ =	strace $0x8000004F;
	[dreg:$0x1] =	wrdreg $0xFFFFFFFF  }
0xa7: {  	s28 =	simm.s32 $_size_execute0_lowered;
	s3 =	sadd.s32 s3, s5;
	[dreg:$0x0] =	wrdreg $0x0  }
0xa8: {  	s5 =	sshll.u32 s28, $0x1;
	[dreg:$0x2] =	wrdreg s3  }
0xa9: {  	[dreg:$0x3] =	wrdreg s5  }
0xaa: {  	[dreg:$0x4] =	wrdreg $0xC0  }
0xab: {  	_ =	task [dreg:s7], $0x5FFFF  }
0xac: {  	[dreg:$0x1] =	wrdreg $0xFFFFFFFF  }
0xad: {  	[dreg:$0x0] =	wrdreg $0x60  }
0xae: {  	[dreg:$0x2] =	wrdreg s2  }
0xaf: {  	[dreg:$0x3] =	wrdreg s24  }
0xb0: {  	[dreg:$0x4] =	wrdreg $0xA2000  }
0xb1: {  	[dreg:$0x5] =	wrdreg $0x9  }
0xb2: {  	_ =	task.clear_ibuf [dreg:s7], $0x6FFFF;
	_ =	strace $0x9000004F  }
0xb3: {  	s29 =	simm.s32 $0x9;
	_ =	strace $0x80000051  }
0xb4: {  	_ =	swait.ge [sflag:s29], $0x1  }
0xb5: {  	[sflag:s29] =	ssyncadd.s32 $0xFFFFFFFF  }
0xb6: {  	_ =	strace $0x90000051  }
0xb7: {  	_ =	sfence  }
0xb8: {  	s30 =	sld [smem:$0x0];
	_ =	sdelay $0x2  }
0xb9: {  	s31 =	sshll.u32 s1, $0xD;
	s1 =	sshrl.u32 s1, $0x2  }
0xba: {  	s3 =	sand.u32 $0x4000, s31;
	s1 =	sadd.s32 s1, s30  }
0xbb: {  	s0 =	sor.u32 s3, s0;
	s1 =	sshll.u32 s1, $0x11  }
0xbc: {  	s0 =	sor.u32 s1, s0  }
0xbd: {  	s0 =	sadd.s32 $0x8F2B, s0  }
0xbe: {  	[sflag:s0] =	ssyncadd.remote.s32 $0x1  }
0xbf: {  	_ =	sfence.sel $0xFFFF  }
0xc0: {  	[dreg:$0x0] =	wrdreg $0xFFFFFFFF;
	(pc) =	sbr.abs _section_cstart, $3  }
0xc1: {  	[dreg:$0x1] =	wrdreg $0xFFFFFFFF  }
0xc2: {  	_ =	task.clear_ibuf [dreg:s7], $0x2FFFF;
	_ =	strace $0x9FFFFFFF  }
0xc3: {  	(tm) =	ssettm $0x7FFFFFFF  }
tec
execute0_lowered:
.L_overlay_start_1:
0x0: {  	(tag) =	ssettag $0x1  }
0x1: {  	s1 =	rddreg [dreg:$0x0]  }
0x2: {  	s0 =	rddreg [dreg:$0x1];
	s20 =	stileid.u32  }
0x3: {  	s3 =	rddreg [dreg:$0x2];
	s2 =	smul.u32 $0xA80, s20  }
0x4: {  	s4 =	simm.s32 $0x0;
	s24 =	srdreg.scid;
	s7 =	smul.u32 $0x500, s20  }
0x5: {  	[smem:$0x7FF] =	sst s4;
	s8 =	smul.u32 $0xA000, s20;
	s9 =	sor.u32 $0x10, s20  }
0x6: {  	s5 =	sadd.s32 $0x5200, s0;
	s22 =	sadd.s32 $0x62E00, s0;
	s16 =	smul.u32 $0x500, s9  }
0x7: {  	s12 =	sor.u32 $0x20, s20;
	s23 =	sadd.s32 $0x8A000, s0;
	s9 =	smul.u32 $0xA000, s9  }
0x8: {  	_ =	strace $0x80000050;
	s18 =	smul.u32 $0x500, s12;
	[dreg:$0x4] =	wrdreg s22  }
0x9: {  	s13 =	sor.u32 $0x40, s20;
	s26 =	smul.u32 $0xA000, s12;
	[dreg:$0x5] =	wrdreg s23  }
0xa: {  	s6 =	sadd.s32 s2, s0;
	s2 =	sand.u32 $0x1, s24;
	s12 =	sshrl.u32 s8, $0x2  }
0xb: {  	s10 =	ssub.s32 $0x2, s2;
	p0 =	seq.s32 s2, $0x1;
	s14 =	sshrl.u32 s9, $0x2  }
0xc: {  	s9 =	sadd.s32 s12, s3;
	s2 =	sshrl.u32 s26, $0x2;
	s26 =	sadd.s32 s1, s7  }
0xd: {  	s11 =	sshrl.u32 s10, $0x1;
	[dreg:$0x8] =	wrdreg s26;
	s26 =	sadd.s32 s1, s16  }
0xe: {  	s25 =	ssub.s32 s10, s11;
	s11 =	sor.u32 $0x30, s20;
	s10 =	sadd.s32 s14, s3  }
0xf: {  	s14 =	sor.u32 $0x50, s20;
	[dreg:$0xc] =	wrdreg s26;
	s8 =	smul.u32 $0x500, s11  }
0x10: {  	s26 =	sadd.s32 s1, s18;
	s0 =	smax.u32 s25, $0x1;
	s15 =	smul.u32 $0xA000, s11  }
0x11: {  	s11 =	sadd.s32 s2, s3;
	s21 =	smul.u32 $0xA000, s14;
	[dreg:$0x10] =	wrdreg s26  }
0x12: {  	s19 =	smul.u32 $0x500, s14;
	[dreg:$0x6] =	wrdreg s0;
	s17 =	sshrl.u32 s15, $0x2  }
0x13: {  	s15 =	sor.u32 $0x60, s20;
	s20 =	sor.u32 $0x70, s20;
	s2 =	sshrl.u32 s21, $0x2  }
0x14: {  	s26 =	sadd.s32 s22, s8;
	s12 =	sadd.s32 s17, s3;
	s17 =	smul.u32 $0xA000, s15  }
0x15: {  	s21 =	smul.u32 $0xA000, s20;
	p1 =	sgt.u32 s20, $0x7C;
	p2 =	slt.u32 s20, $0x7D  }
0x16: {  	s20 =	smul.u32 $0x500, s20;
	[dreg:$0x15] =	wrdreg s26;
	s26 =	sadd.s32 s1, s19  }
0x17: {  	s14 =	sadd.s32 s2, s3;
	s2 =	smul.u32 $0x500, s15;
	[dreg:$0x1c] =	wrdreg s26  }
0x18: {  	s25 =	sshrl.u32 s21, $0x2;
	s21 =	sadd.s32 s22, s16;
	[dreg:$0x7] =	wrdreg s20  }
0x19: {  	s24 =	sshrl.u32 s17, $0x2;
	s26 =	sadd.s32 s5, s20;
	[dreg:$0xd] =	wrdreg s21  }
0x1a: {  	s15 =	sadd.s32 s24, s3;
	s24 =	sadd.s32 s22, s7;
	[smem:$0x7FD] =	sst s26  }
0x1b: {  	s17 =	sadd.s32 s25, s3;
	s25 =	sadd.s32 s5, s7;
	[dreg:$0x9] =	wrdreg s24  }
0x1c: {  	s7 =	sadd.s32 s23, s7;
	[dreg:$0xa] =	wrdreg s25  }
0x1d: {  	s21 =	sadd.s32 s5, s18;
	[dreg:$0xb] =	wrdreg s7  }
0x1e: {  	s24 =	sadd.s32 s5, s16;
	[dreg:$0x12] =	wrdreg s21  }
0x1f: {  	s0 =	smul.u32 $0x500, s13;
	s25 =	sadd.s32 s23, s16;
	[dreg:$0xe] =	wrdreg s24  }
0x20: {  	s16 =	sadd.s32 s22, s18;
	[dreg:$0xf] =	wrdreg s25  }
0x21: {  	s21 =	sadd.s32 s1, s0;
	[dreg:$0x11] =	wrdreg s16  }
0x22: {  	s7 =	sadd.s32 s22, s19;
	[dreg:$0x18] =	wrdreg s21  }
0x23: {  	s24 =	sadd.s32 s23, s18;
	[dreg:$0x1d] =	wrdreg s7  }
0x24: {  	s25 =	sadd.s32 s1, s8;
	[dreg:$0x13] =	wrdreg s24  }
0x25: {  	s16 =	sadd.s32 s5, s8;
	[dreg:$0x14] =	wrdreg s25  }
0x26: {  	s18 =	sadd.s32 s23, s8;
	[dreg:$0x16] =	wrdreg s16  }
0x27: {  	s28 =	simm.s32 $0x100;
	s8 =	sadd.s32 s5, s19;
	[dreg:$0x17] =	wrdreg s18  }
0x28: {  	s29 =	simm.s32 $0x3E00;
	s21 =	sadd.s32 s5, s2;
	[dreg:$0x1e] =	wrdreg s8  }
0x29: {  	s30 =	simm.s32 $0x1;
	s24 =	sadd.s32 s22, s0;
	[smem:$0x7F8] =	sst s21  }
0x2a: {  	s13 =	smul.u32 $0xA000, s13;
	s25 =	sadd.s32 s5, s0;
	[dreg:$0x19] =	wrdreg s24  }
0x2b: {  	s31 =	simm.s32 $0x80;
	s0 =	sadd.s32 s23, s0;
	[dreg:$0x1a] =	wrdreg s25  }
0x2c: {  	s13 =	sshrl.u32 s13, $0x2;
	s16 =	sadd.s32 s23, s19;
	[dreg:$0x1b] =	wrdreg s0  }
0x2d: {  	s13 =	sadd.s32 s13, s3;
	s18 =	sadd.s32 s1, s2;
	[dreg:$0x1f] =	wrdreg s16  }
0x2e: {  	s26 =	simm.s32 $0x200;
	s19 =	sadd.s32 s22, s2;
	[smem:$0x7F6] =	sst s18  }
0x2f: {  	s7 =	simm.s32 $0x0;
	s22 =	sadd.s32 s23, s2;
	[smem:$0x7F7] =	sst s19  }
0x30: {  	s23 =	sadd.s32 $0x58620, s6;
	s21 =	simm.s32 $0x2;
	[smem:$0x7F9] =	sst s22  }
.Ltmp0:
0x31: {  	s0 =	sadd.s32 $0x58600, s6;
	[smem:$0x7FA] =	sst s23;
	(pc) =	sbr.rel .LBB2_1-.Ltmp0, $4  }
0x32: {  	s24 =	sadd.s32 $0x58640, s6;
	s19 =	sadd.s32 $0x59060, s6;
	s25 =	sadd.s32 s1, s20  }
0x33: {  	s22 =	simm.s32 $0x7A00;
	s23 =	simm.s32 $0x6;
	s20 =	simm.s32 $0x3  }
0x34: {  	s16 =	simm.s32 $0x180;
	s6 =	simm.s32 $0x4;
	[smem:$0x7FB] =	sst s24  }
0x35: {  	[smem:$0x7FC] =	sst s25;
	s24 =	simm.s32 $0x5;
	s25 =	simm.s32 $0x78  }
.LBB2_8:
0x36: {  	[tilespmem:s22], [sflag:$0x6] =	stream.linear.gather [spmem:s17], $0x2800, $0x38;
	[tilespmem:$0x1DAC0] =	vst v63  }
0x37: {  	_ =	swait.ge [sflag:s23], $0x2800  }
0x38: {  	[sflag:s23] =	ssyncset.done $0x0;
	s2 =	rddreg [dreg:$0x7]  }
0x39: {  	s2 =	sadd.s32 s8, s2;
	[sflag:s23] =	ssyncadd.s32 $0xFFFFD800  }
0x3a: {  	[hbm4b:s2+s4] =	stream.linear.scatter [tilespmem:s22], [sflag:$0x5], $0x2800, $0x38;
	[tilespmem:$0x1DAC0] =	vst v63  }
0x3b: {  	_ =	swait.ge [sflag:s24], $0x2800  }
0x3c: {  	[sflag:s24] =	ssyncset.done $0x0  }
0x3d: {  	[sflag:s24] =	ssyncadd.s32 $0xFFFFD800  }
.LBB2_9:
0x3e: {  	s7 =	sadd.s32 $0x1, s7;
	s2 =	rddreg [dreg:$0x6]  }
0x3f: {  	p3 =	sne.s32 s7, s2  }
.Ltmp1:
0x40: {  	_ = 	snop;
	(pc) =	sbr.rel @!p3 .LBB2_10-.Ltmp1, $2  }
0x41: {  	_ =	sdelay $0x1  }
0x42: {  	[bflag:$0x0] =	sbarrier.arrive $0xFFFF;
	_ =	sdelay $0x1  }
.LBB2_1:
.Ltmp2:
0x43: {  	(pc) =	sbr.rel @!p0 .LBB2_2-.Ltmp2, $1  }
0x44: {  	_ =	sdelay $0x3  }
0x45: {  	s2 =	rddreg [dreg:$0xa]  }
0x46: {  	[tilespmem:s22], [sflag:$0x6] =	stream.linear.gather [hbm4b:s2+s4], $0x2800, $0x38;
	[tilespmem:$0x1DAC0] =	vst v63  }
0x47: {  	_ =	swait.ge [sflag:s23], $0x2800  }
0x48: {  	[sflag:s23] =	ssyncset.done $0x0  }
0x49: {  	[sflag:s23] =	ssyncadd.s32 $0xFFFFD800  }
0x4a: {  	[spmem:s9] =	stream.linear.scatter [tilespmem:s22], [sflag:$0x5], $0x2800, $0x38;
	[tilespmem:$0x1DAC0] =	vst v63  }
0x4b: {  	_ =	swait.ge [sflag:s24], $0x2800  }
0x4c: {  	[sflag:s24] =	ssyncset.done $0x0  }
0x4d: {  	s18 =	rddreg [dreg:$0xe];
	[sflag:s24] =	ssyncadd.s32 $0xFFFFD800  }
0x4e: {  	[tilespmem:s22], [sflag:$0x6] =	stream.linear.gather [hbm4b:s18+s4], $0x2800, $0x38;
	[tilespmem:$0x1DAC0] =	vst v63  }
0x4f: {  	_ =	swait.ge [sflag:s23], $0x2800  }
0x50: {  	[sflag:s23] =	ssyncset.done $0x0  }
0x51: {  	[sflag:s23] =	ssyncadd.s32 $0xFFFFD800  }
0x52: {  	[spmem:s10] =	stream.linear.scatter [tilespmem:s22], [sflag:$0x5], $0x2800, $0x38;
	[tilespmem:$0x1DAC0] =	vst v63  }
0x53: {  	_ =	swait.ge [sflag:s24], $0x2800  }
0x54: {  	[sflag:s24] =	ssyncset.done $0x0  }
0x55: {  	s8 =	rddreg [dreg:$0x12];
	[sflag:s24] =	ssyncadd.s32 $0xFFFFD800  }
0x56: {  	[tilespmem:s22], [sflag:$0x6] =	stream.linear.gather [hbm4b:s8+s4], $0x2800, $0x38;
	[tilespmem:$0x1DAC0] =	vst v63  }
0x57: {  	_ =	swait.ge [sflag:s23], $0x2800  }
0x58: {  	[sflag:s23] =	ssyncset.done $0x0  }
0x59: {  	[sflag:s23] =	ssyncadd.s32 $0xFFFFD800  }
0x5a: {  	[spmem:s11] =	stream.linear.scatter [tilespmem:s22], [sflag:$0x5], $0x2800, $0x38;
	[tilespmem:$0x1DAC0] =	vst v63  }
0x5b: {  	_ =	swait.ge [sflag:s24], $0x2800  }
0x5c: {  	[sflag:s24] =	ssyncset.done $0x0  }
0x5d: {  	s18 =	rddreg [dreg:$0x16];
	[sflag:s24] =	ssyncadd.s32 $0xFFFFD800  }
0x5e: {  	[tilespmem:s22], [sflag:$0x6] =	stream.linear.gather [hbm4b:s18+s4], $0x2800, $0x38;
	[tilespmem:$0x1DAC0] =	vst v63  }
0x5f: {  	_ =	swait.ge [sflag:s23], $0x2800  }
0x60: {  	[sflag:s23] =	ssyncset.done $0x0  }
0x61: {  	[sflag:s23] =	ssyncadd.s32 $0xFFFFD800  }
0x62: {  	[spmem:s12] =	stream.linear.scatter [tilespmem:s22], [sflag:$0x5], $0x2800, $0x38;
	[tilespmem:$0x1DAC0] =	vst v63  }
0x63: {  	_ =	swait.ge [sflag:s24], $0x2800  }
0x64: {  	[sflag:s24] =	ssyncset.done $0x0  }
0x65: {  	s8 =	rddreg [dreg:$0x1a];
	[sflag:s24] =	ssyncadd.s32 $0xFFFFD800  }
0x66: {  	[tilespmem:s22], [sflag:$0x6] =	stream.linear.gather [hbm4b:s8+s4], $0x2800, $0x38;
	[tilespmem:$0x1DAC0] =	vst v63  }
0x67: {  	_ =	swait.ge [sflag:s23], $0x2800  }
0x68: {  	[sflag:s23] =	ssyncset.done $0x0  }
0x69: {  	[sflag:s23] =	ssyncadd.s32 $0xFFFFD800  }
0x6a: {  	[spmem:s13] =	stream.linear.scatter [tilespmem:s22], [sflag:$0x5], $0x2800, $0x38;
	[tilespmem:$0x1DAC0] =	vst v63  }
0x6b: {  	_ =	swait.ge [sflag:s24], $0x2800  }
0x6c: {  	[sflag:s24] =	ssyncset.done $0x0  }
0x6d: {  	s18 =	rddreg [dreg:$0x1e];
	[sflag:s24] =	ssyncadd.s32 $0xFFFFD800  }
0x6e: {  	[tilespmem:s22], [sflag:$0x6] =	stream.linear.gather [hbm4b:s18+s4], $0x2800, $0x38;
	[tilespmem:$0x1DAC0] =	vst v63  }
0x6f: {  	_ =	swait.ge [sflag:s23], $0x2800  }
0x70: {  	[sflag:s23] =	ssyncset.done $0x0  }
0x71: {  	[sflag:s23] =	ssyncadd.s32 $0xFFFFD800  }
0x72: {  	[spmem:s14] =	stream.linear.scatter [tilespmem:s22], [sflag:$0x5], $0x2800, $0x38;
	[tilespmem:$0x1DAC0] =	vst v63  }
0x73: {  	_ =	swait.ge [sflag:s24], $0x2800  }
0x74: {  	s8 =	sld [smem:$0x7F8]  }
0x75: {  	[sflag:s24] =	ssyncset.done $0x0  }
0x76: {  	[sflag:s24] =	ssyncadd.s32 $0xFFFFD800  }
0x77: {  	[tilespmem:s22], [sflag:$0x6] =	stream.linear.gather [hbm4b:s8+s4], $0x2800, $0x38;
	[tilespmem:$0x1DAC0] =	vst v63  }
0x78: {  	_ =	swait.ge [sflag:s23], $0x2800  }
0x79: {  	[sflag:s23] =	ssyncset.done $0x0  }
0x7a: {  	[sflag:s23] =	ssyncadd.s32 $0xFFFFD800  }
0x7b: {  	[spmem:s15] =	stream.linear.scatter [tilespmem:s22], [sflag:$0x5], $0x2800, $0x38;
	[tilespmem:$0x1DAC0] =	vst v63  }
0x7c: {  	_ =	swait.ge [sflag:s24], $0x2800  }
0x7d: {  	s18 =	sld [smem:$0x7FD]  }
0x7e: {  	[sflag:s24] =	ssyncset.done $0x0  }
0x7f: {  	s2 =	simm.s32 @!p1 $0x0;
	s8 =	simm.s32 @!p1 $0x7A00;
	[sflag:s24] =	ssyncadd.s32 $0xFFFFD800  }
0x80: {  	[tilespmem:s8], [sflag:$0x6] =	stream.linear.gather @!p1 [hbm4b:s18+s2], $0x2800, $0x38;
	[tilespmem:$0x1DAC0] =	vst v63  }
0x81: {  	s2 =	simm.s32 @!p1 $0x6  }
0x82: {  	_ =	swait.ge @!p1 [sflag:s2], $0x2800  }
0x83: {  	[sflag:s2] =	ssyncset.done @!p1 $0x0  }
0x84: {  	[sflag:s2] =	ssyncadd.s32 @!p1 $0xFFFFD800;
	s2 =	simm.s32 @!p1 $0x5  }
0x85: {  	[spmem:s17] =	stream.linear.scatter @!p1 [tilespmem:s8], [sflag:$0x5], $0x2800, $0x38;
	[tilespmem:$0x1DAC0] =	vst v63  }
0x86: {  	_ =	swait.ge @!p1 [sflag:s2], $0x2800  }
0x87: {  	[sflag:s2] =	ssyncset.done @!p1 $0x0  }
0x88: {  	[sflag:s2] =	ssyncadd.s32 @!p1 $0xFFFFD800  }
0x89: {  	[bflag:$0x0] =	sbarrier.arrive $0xFFFF  }
0x8a: {  	[tilespmem:s4], [sflag:$0x5] =	stream.linear.gather [hbm4b:s0+s4], $0x100, $0x38;
	[tilespmem:$0x1DAC0] =	vst v63  }
0x8b: {  	_ =	swait.ge [sflag:s24], $0x100  }
0x8c: {  	[sflag:s24] =	ssyncset.done $0x0  }
0x8d: {  	s18 =	sld [smem:$0x7FA];
	[sflag:s24] =	ssyncadd.s32 $0xFFFFFF00  }
0x8e: {  	[tilespmem:s26], [sflag:$0x1] =	stream.indirect.gather [hbm4b:s5+s25], $0x80, s4, s25, $0xb8;
	[tilespmem:$0x1DAC0] =	vst v63  }
0x8f: {  	_ = 	snop  }
0x90: {  	[tilespmem:s28], [sflag:$0x5] =	stream.linear.gather [hbm4b:s18+s4], $0x100, $0x38;
	[tilespmem:$0x1DAC0] =	vst v63  }
0x91: {  	_ =	swait.ge [sflag:s24], $0x100  }
0x92: {  	[sflag:s24] =	ssyncset.done $0x0  }
0x93: {  	[sflag:s24] =	ssyncadd.s32 $0xFFFFFF00  }
0x94: {  	[tilespmem:s29], [sflag:$0x2] =	stream.indirect.gather [hbm4b:s5+s25], $0x80, s28, s25, $0xb8;
	[tilespmem:$0x1DAC0] =	vst v63  }
0x95: {  	_ =	swait.ge [sflag:s30], $0x3C00  }
0x96: {  	[sflag:s30] =	ssyncset.done $0x0  }
0x97: {  	[sflag:s30] =	ssyncadd.s32 $0xFFFFC400  }
0x98: {  	[spmem:s3] =	stream.indirect.scatter.add.f32 [tilespmem:s26], [sflag:$0x3], $0x80, s31, s25, $0xb8;
	[tilespmem:$0x1DAC0] =	vst v63  }
0x99: {  	_ =	swait.ge [sflag:s20], $0x3C00  }
0x9a: {  	s8 =	sld [smem:$0x7FB]  }
0x9b: {  	[sflag:s20] =	ssyncset.done $0x0  }
0x9c: {  	[sflag:s20] =	ssyncadd.s32 $0xFFFFC400  }
0x9d: {  	[tilespmem:s4], [sflag:$0x5] =	stream.linear.gather [hbm4b:s8+s4], $0x100, $0x38;
	[tilespmem:$0x1DAC0] =	vst v63  }
0x9e: {  	_ =	swait.ge [sflag:s24], $0x100  }
0x9f: {  	[sflag:s24] =	ssyncset.done $0x0  }
0xa0: {  	[sflag:s24] =	ssyncadd.s32 $0xFFFFFF00  }
0xa1: {  	[tilespmem:s26], [sflag:$0x1] =	stream.indirect.gather [hbm4b:s5+s25], $0x80, s4, s25, $0xb8;
	[tilespmem:$0x1DAC0] =	vst v63  }
0xa2: {  	_ =	swait.ge [sflag:s21], $0x3C00  }
0xa3: {  	[sflag:s21] =	ssyncset.done $0x0  }
0xa4: {  	[sflag:s21] =	ssyncadd.s32 $0xFFFFC400  }
0xa5: {  	[spmem:s3] =	stream.indirect.scatter.add.f32 [tilespmem:s29], [sflag:$0x4], $0x80, s16, s25, $0xb8;
	[tilespmem:$0x1DAC0] =	vst v63  }
0xa6: {  	_ =	swait.ge [sflag:s6], $0x3C00  }
0xa7: {  	s2 =	sadd.s32 $0xFFFFF600, s0;
	[sflag:s6] =	ssyncset.done $0x0  }
0xa8: {  	s18 =	sadd.s32 $0xA60, s2;
	[sflag:s6] =	ssyncadd.s32 $0xFFFFC400  }
0xa9: {  	[tilespmem:s28], [sflag:$0x5] =	stream.linear.gather [hbm4b:s18+s4], $0x100, $0x38;
	[tilespmem:$0x1DAC0] =	vst v63  }
0xaa: {  	_ =	swait.ge [sflag:s24], $0x100  }
0xab: {  	[sflag:s24] =	ssyncset.done $0x0  }
0xac: {  	[sflag:s24] =	ssyncadd.s32 $0xFFFFFF00  }
0xad: {  	[tilespmem:s29], [sflag:$0x2] =	stream.indirect.gather [hbm4b:s5+s25], $0x80, s28, s25, $0xb8;
	[tilespmem:$0x1DAC0] =	vst v63  }
0xae: {  	_ =	swait.ge [sflag:s30], $0x3C00  }
0xaf: {  	[sflag:s30] =	ssyncset.done $0x0  }
0xb0: {  	[sflag:s30] =	ssyncadd.s32 $0xFFFFC400  }
0xb1: {  	[spmem:s3] =	stream.indirect.scatter.add.f32 [tilespmem:s26], [sflag:$0x3], $0x80, s31, s25, $0xb8;
	[tilespmem:$0x1DAC0] =	vst v63  }
0xb2: {  	_ =	swait.ge [sflag:s20], $0x3C00  }
0xb3: {  	[sflag:s20] =	ssyncset.done $0x0  }
0xb4: {  	s2 =	sadd.s32 $0xA80, s2;
	[sflag:s20] =	ssyncadd.s32 $0xFFFFC400  }
0xb5: {  	[tilespmem:s4], [sflag:$0x5] =	stream.linear.gather [hbm4b:s2+s4], $0x100, $0x38;
	[tilespmem:$0x1DAC0] =	vst v63  }
0xb6: {  	_ =	swait.ge [sflag:s24], $0x100  }
0xb7: {  	[sflag:s24] =	ssyncset.done $0x0  }
0xb8: {  	[sflag:s24] =	ssyncadd.s32 $0xFFFFFF00  }
0xb9: {  	[tilespmem:s26], [sflag:$0x1] =	stream.indirect.gather [hbm4b:s5+s25], $0x80, s4, s25, $0xb8;
	[tilespmem:$0x1DAC0] =	vst v63  }
0xba: {  	_ =	swait.ge [sflag:s21], $0x3C00  }
0xbb: {  	[sflag:s21] =	ssyncset.done $0x0  }
0xbc: {  	s8 =	simm.s32 $0xFFFFF640;
	[sflag:s21] =	ssyncadd.s32 $0xFFFFC400  }
.LBB2_6:
0xbd: {  	[spmem:s3] =	stream.indirect.scatter.add.f32 [tilespmem:s29], [sflag:$0x4], $0x80, s16, s25, $0xb8;
	[tilespmem:$0x1DAC0] =	vst v63  }
0xbe: {  	s2 =	smov.u32 s8  }
0xbf: {  	p3 =	sne.s32 s8, $0xFFFFFFC0;
	s8 =	sadd.s32 $0x40, s8;
	_ =	swait.ge [sflag:s6], $0x3C00  }
0xc0: {  	s2 =	sadd.s32 s2, s0;
	[sflag:s6] =	ssyncset.done $0x0  }
0xc1: {  	s18 =	sadd.s32 $0xA60, s2;
	[sflag:s6] =	ssyncadd.s32 $0xFFFFC400  }
0xc2: {  	[tilespmem:s28], [sflag:$0x5] =	stream.linear.gather [hbm4b:s18+s4], $0x100, $0x38;
	[tilespmem:$0x1DAC0] =	vst v63  }
0xc3: {  	_ =	swait.ge [sflag:s24], $0x100  }
0xc4: {  	[sflag:s24] =	ssyncset.done $0x0  }
0xc5: {  	[sflag:s24] =	ssyncadd.s32 $0xFFFFFF00  }
0xc6: {  	[tilespmem:s29], [sflag:$0x2] =	stream.indirect.gather [hbm4b:s5+s25], $0x80, s28, s25, $0xb8;
	[tilespmem:$0x1DAC0] =	vst v63  }
0xc7: {  	_ =	swait.ge [sflag:s30], $0x3C00  }
0xc8: {  	[sflag:s30] =	ssyncset.done $0x0  }
0xc9: {  	[sflag:s30] =	ssyncadd.s32 $0xFFFFC400  }
0xca: {  	[spmem:s3] =	stream.indirect.scatter.add.f32 [tilespmem:s26], [sflag:$0x3], $0x80, s31, s25, $0xb8;
	[tilespmem:$0x1DAC0] =	vst v63  }
0xcb: {  	_ =	swait.ge [sflag:s20], $0x3C00  }
0xcc: {  	[sflag:s20] =	ssyncset.done $0x0  }
0xcd: {  	s2 =	sadd.s32 $0xA80, s2;
	[sflag:s20] =	ssyncadd.s32 $0xFFFFC400  }
0xce: {  	[tilespmem:s4], [sflag:$0x5] =	stream.linear.gather [hbm4b:s2+s4], $0x100, $0x38;
	[tilespmem:$0x1DAC0] =	vst v63  }
0xcf: {  	_ =	swait.ge [sflag:s24], $0x100  }
0xd0: {  	[sflag:s24] =	ssyncset.done $0x0  }
.Ltmp3:
0xd1: {  	[sflag:s24] =	ssyncadd.s32 $0xFFFFFF00;
	(pc) =	sbr.rel @p3 .LBB2_6-.Ltmp3, $4  }
0xd2: {  	[tilespmem:s26], [sflag:$0x1] =	stream.indirect.gather [hbm4b:s5+s25], $0x80, s4, s25, $0xb8;
	[tilespmem:$0x1DAC0] =	vst v63  }
0xd3: {  	_ =	swait.ge [sflag:s21], $0x3C00  }
0xd4: {  	[sflag:s21] =	ssyncset.done $0x0  }
0xd5: {  	[sflag:s21] =	ssyncadd.s32 $0xFFFFC400  }
0xd6: {  	[spmem:s3] =	stream.indirect.scatter.add.f32 [tilespmem:s29], [sflag:$0x4], $0x80, s16, s25, $0xb8;
	[tilespmem:$0x1DAC0] =	vst v63  }
0xd7: {  	_ =	swait.ge [sflag:s6], $0x3C00  }
0xd8: {  	[sflag:s6] =	ssyncset.done $0x0  }
0xd9: {  	[sflag:s6] =	ssyncadd.s32 $0xFFFFC400  }
0xda: {  	[tilespmem:s28], [sflag:$0x5] =	stream.linear.gather [hbm4b:s19+s4], $0x100, $0x38;
	[tilespmem:$0x1DAC0] =	vst v63  }
0xdb: {  	_ =	swait.ge [sflag:s24], $0x100  }
0xdc: {  	[sflag:s24] =	ssyncset.done $0x0  }
0xdd: {  	[sflag:s24] =	ssyncadd.s32 $0xFFFFFF00  }
0xde: {  	[tilespmem:s29], [sflag:$0x2] =	stream.indirect.gather [hbm4b:s5+s25], $0x80, s28, s25, $0xb8;
	[tilespmem:$0x1DAC0] =	vst v63  }
0xdf: {  	_ =	swait.ge [sflag:s30], $0x3C00  }
0xe0: {  	[sflag:s30] =	ssyncset.done $0x0  }
0xe1: {  	[sflag:s30] =	ssyncadd.s32 $0xFFFFC400  }
0xe2: {  	[spmem:s3] =	stream.indirect.scatter.add.f32 [tilespmem:s26], [sflag:$0x3], $0x80, s31, s25, $0xb8;
	[tilespmem:$0x1DAC0] =	vst v63  }
0xe3: {  	_ =	swait.ge [sflag:s21], $0x3C00  }
0xe4: {  	[sflag:s21] =	ssyncset.done $0x0  }
0xe5: {  	[sflag:s21] =	ssyncadd.s32 $0xFFFFC400  }
0xe6: {  	[spmem:s3] =	stream.indirect.scatter.add.f32 [tilespmem:s29], [sflag:$0x4], $0x80, s16, s25, $0xb8;
	[tilespmem:$0x1DAC0] =	vst v63  }
0xe7: {  	_ =	swait.ge [sflag:s20], $0x3C00  }
0xe8: {  	[sflag:s20] =	ssyncset.done $0x0  }
0xe9: {  	[sflag:s20] =	ssyncadd.s32 $0xFFFFC400  }
0xea: {  	_ =	swait.ge [sflag:s6], $0x3C00  }
0xeb: {  	[sflag:s6] =	ssyncset.done $0x0  }
0xec: {  	[sflag:s6] =	ssyncadd.s32 $0xFFFFC400  }
0xed: {  	[bflag:$0x0] =	sbarrier.arrive $0xFFFF  }
0xee: {  	[tilespmem:s22], [sflag:$0x6] =	stream.linear.gather [spmem:s9], $0x2800, $0x38;
	[tilespmem:$0x1DAC0] =	vst v63  }
0xef: {  	_ =	swait.ge [sflag:s23], $0x2800  }
0xf0: {  	[sflag:s23] =	ssyncset.done $0x0  }
0xf1: {  	s2 =	rddreg [dreg:$0xb];
	[sflag:s23] =	ssyncadd.s32 $0xFFFFD800  }
0xf2: {  	[hbm4b:s2+s4] =	stream.linear.scatter [tilespmem:s22], [sflag:$0x5], $0x2800, $0x38;
	[tilespmem:$0x1DAC0] =	vst v63  }
0xf3: {  	_ =	swait.ge [sflag:s24], $0x2800  }
0xf4: {  	[sflag:s24] =	ssyncset.done $0x0  }
0xf5: {  	[sflag:s24] =	ssyncadd.s32 $0xFFFFD800  }
0xf6: {  	[tilespmem:s22], [sflag:$0x6] =	stream.linear.gather [spmem:s10], $0x2800, $0x38;
	[tilespmem:$0x1DAC0] =	vst v63  }
0xf7: {  	_ =	swait.ge [sflag:s23], $0x2800  }
0xf8: {  	[sflag:s23] =	ssyncset.done $0x0  }
0xf9: {  	s8 =	rddreg [dreg:$0xf];
	[sflag:s23] =	ssyncadd.s32 $0xFFFFD800  }
0xfa: {  	[hbm4b:s8+s4] =	stream.linear.scatter [tilespmem:s22], [sflag:$0x5], $0x2800, $0x38;
	[tilespmem:$0x1DAC0] =	vst v63  }
0xfb: {  	_ =	swait.ge [sflag:s24], $0x2800  }
0xfc: {  	[sflag:s24] =	ssyncset.done $0x0  }
0xfd: {  	[sflag:s24] =	ssyncadd.s32 $0xFFFFD800  }
0xfe: {  	[tilespmem:s22], [sflag:$0x6] =	stream.linear.gather [spmem:s11], $0x2800, $0x38;
	[tilespmem:$0x1DAC0] =	vst v63  }
0xff: {  	_ =	swait.ge [sflag:s23], $0x2800  }
0x100: {  	[sflag:s23] =	ssyncset.done $0x0  }
0x101: {  	s18 =	rddreg [dreg:$0x13];
	[sflag:s23] =	ssyncadd.s32 $0xFFFFD800  }
0x102: {  	[hbm4b:s18+s4] =	stream.linear.scatter [tilespmem:s22], [sflag:$0x5], $0x2800, $0x38;
	[tilespmem:$0x1DAC0] =	vst v63  }
0x103: {  	_ =	swait.ge [sflag:s24], $0x2800  }
0x104: {  	[sflag:s24] =	ssyncset.done $0x0  }
0x105: {  	[sflag:s24] =	ssyncadd.s32 $0xFFFFD800  }
0x106: {  	[tilespmem:s22], [sflag:$0x6] =	stream.linear.gather [spmem:s12], $0x2800, $0x38;
	[tilespmem:$0x1DAC0] =	vst v63  }
0x107: {  	_ =	swait.ge [sflag:s23], $0x2800  }
0x108: {  	[sflag:s23] =	ssyncset.done $0x0  }
0x109: {  	s8 =	rddreg [dreg:$0x17];
	[sflag:s23] =	ssyncadd.s32 $0xFFFFD800  }
0x10a: {  	[hbm4b:s8+s4] =	stream.linear.scatter [tilespmem:s22], [sflag:$0x5], $0x2800, $0x38;
	[tilespmem:$0x1DAC0] =	vst v63  }
0x10b: {  	_ =	swait.ge [sflag:s24], $0x2800  }
0x10c: {  	[sflag:s24] =	ssyncset.done $0x0  }
0x10d: {  	[sflag:s24] =	ssyncadd.s32 $0xFFFFD800  }
0x10e: {  	[tilespmem:s22], [sflag:$0x6] =	stream.linear.gather [spmem:s13], $0x2800, $0x38;
	[tilespmem:$0x1DAC0] =	vst v63  }
0x10f: {  	_ =	swait.ge [sflag:s23], $0x2800  }
0x110: {  	[sflag:s23] =	ssyncset.done $0x0  }
0x111: {  	s18 =	rddreg [dreg:$0x1b];
	[sflag:s23] =	ssyncadd.s32 $0xFFFFD800  }
0x112: {  	[hbm4b:s18+s4] =	stream.linear.scatter [tilespmem:s22], [sflag:$0x5], $0x2800, $0x38;
	[tilespmem:$0x1DAC0] =	vst v63  }
0x113: {  	_ =	swait.ge [sflag:s24], $0x2800  }
0x114: {  	[sflag:s24] =	ssyncset.done $0x0  }
0x115: {  	[sflag:s24] =	ssyncadd.s32 $0xFFFFD800  }
0x116: {  	[tilespmem:s22], [sflag:$0x6] =	stream.linear.gather [spmem:s14], $0x2800, $0x38;
	[tilespmem:$0x1DAC0] =	vst v63  }
0x117: {  	_ =	swait.ge [sflag:s23], $0x2800  }
0x118: {  	[sflag:s23] =	ssyncset.done $0x0  }
0x119: {  	s8 =	rddreg [dreg:$0x1f];
	[sflag:s23] =	ssyncadd.s32 $0xFFFFD800  }
0x11a: {  	[hbm4b:s8+s4] =	stream.linear.scatter [tilespmem:s22], [sflag:$0x5], $0x2800, $0x38;
	[tilespmem:$0x1DAC0] =	vst v63  }
0x11b: {  	_ =	swait.ge [sflag:s24], $0x2800  }
0x11c: {  	[sflag:s24] =	ssyncset.done $0x0  }
0x11d: {  	[sflag:s24] =	ssyncadd.s32 $0xFFFFD800  }
0x11e: {  	[tilespmem:s22], [sflag:$0x6] =	stream.linear.gather [spmem:s15], $0x2800, $0x38;
	[tilespmem:$0x1DAC0] =	vst v63  }
0x11f: {  	_ =	swait.ge [sflag:s23], $0x2800  }
0x120: {  	s18 =	sld [smem:$0x7F9]  }
0x121: {  	[sflag:s23] =	ssyncset.done $0x0  }
0x122: {  	[sflag:s23] =	ssyncadd.s32 $0xFFFFD800  }
0x123: {  	[hbm4b:s18+s4] =	stream.linear.scatter [tilespmem:s22], [sflag:$0x5], $0x2800, $0x38;
	[tilespmem:$0x1DAC0] =	vst v63  }
.Ltmp4:
0x124: {  	_ = 	snop;
	(pc) =	sbr.rel @p1 .LBB2_9-.Ltmp4, $4  }
.Ltmp5:
0x125: {  	_ = 	snop;
	(pc) =	sbr.rel @!p1 .LBB2_8-.Ltmp5, $4  }
0x126: {  	_ =	swait.ge [sflag:s24], $0x2800  }
0x127: {  	[sflag:s24] =	ssyncset.done $0x0  }
0x128: {  	s8 =	rddreg [dreg:$0x5];
	[sflag:s24] =	ssyncadd.s32 $0xFFFFD800  }
0x129: {  	_ = 	snop  }
.LBB2_2:
0x12a: {  	s2 =	rddreg [dreg:$0x8]  }
0x12b: {  	[tilespmem:s22], [sflag:$0x6] =	stream.linear.gather [hbm4b:s2+s4], $0x2800, $0x38;
	[tilespmem:$0x1DAC0] =	vst v63  }
0x12c: {  	_ =	swait.ge [sflag:s23], $0x2800  }
0x12d: {  	[sflag:s23] =	ssyncset.done $0x0  }
0x12e: {  	[sflag:s23] =	ssyncadd.s32 $0xFFFFD800  }
0x12f: {  	[spmem:s9] =	stream.linear.scatter [tilespmem:s22], [sflag:$0x5], $0x2800, $0x38;
	[tilespmem:$0x1DAC0] =	vst v63  }
0x130: {  	_ =	swait.ge [sflag:s24], $0x2800  }
0x131: {  	[sflag:s24] =	ssyncset.done $0x0  }
0x132: {  	s18 =	rddreg [dreg:$0xc];
	[sflag:s24] =	ssyncadd.s32 $0xFFFFD800  }
0x133: {  	[tilespmem:s22], [sflag:$0x6] =	stream.linear.gather [hbm4b:s18+s4], $0x2800, $0x38;
	[tilespmem:$0x1DAC0] =	vst v63  }
0x134: {  	_ =	swait.ge [sflag:s23], $0x2800  }
0x135: {  	[sflag:s23] =	ssyncset.done $0x0  }
0x136: {  	[sflag:s23] =	ssyncadd.s32 $0xFFFFD800  }
0x137: {  	[spmem:s10] =	stream.linear.scatter [tilespmem:s22], [sflag:$0x5], $0x2800, $0x38;
	[tilespmem:$0x1DAC0] =	vst v63  }
0x138: {  	_ =	swait.ge [sflag:s24], $0x2800  }
0x139: {  	[sflag:s24] =	ssyncset.done $0x0  }
0x13a: {  	s8 =	rddreg [dreg:$0x10];
	[sflag:s24] =	ssyncadd.s32 $0xFFFFD800  }
0x13b: {  	[tilespmem:s22], [sflag:$0x6] =	stream.linear.gather [hbm4b:s8+s4], $0x2800, $0x38;
	[tilespmem:$0x1DAC0] =	vst v63  }
0x13c: {  	_ =	swait.ge [sflag:s23], $0x2800  }
0x13d: {  	[sflag:s23] =	ssyncset.done $0x0  }
0x13e: {  	[sflag:s23] =	ssyncadd.s32 $0xFFFFD800  }
0x13f: {  	[spmem:s11] =	stream.linear.scatter [tilespmem:s22], [sflag:$0x5], $0x2800, $0x38;
	[tilespmem:$0x1DAC0] =	vst v63  }
0x140: {  	_ =	swait.ge [sflag:s24], $0x2800  }
0x141: {  	[sflag:s24] =	ssyncset.done $0x0  }
0x142: {  	s18 =	rddreg [dreg:$0x14];
	[sflag:s24] =	ssyncadd.s32 $0xFFFFD800  }
0x143: {  	[tilespmem:s22], [sflag:$0x6] =	stream.linear.gather [hbm4b:s18+s4], $0x2800, $0x38;
	[tilespmem:$0x1DAC0] =	vst v63  }
0x144: {  	_ =	swait.ge [sflag:s23], $0x2800  }
0x145: {  	[sflag:s23] =	ssyncset.done $0x0  }
0x146: {  	[sflag:s23] =	ssyncadd.s32 $0xFFFFD800  }
0x147: {  	[spmem:s12] =	stream.linear.scatter [tilespmem:s22], [sflag:$0x5], $0x2800, $0x38;
	[tilespmem:$0x1DAC0] =	vst v63  }
0x148: {  	_ =	swait.ge [sflag:s24], $0x2800  }
0x149: {  	[sflag:s24] =	ssyncset.done $0x0  }
0x14a: {  	s8 =	rddreg [dreg:$0x18];
	[sflag:s24] =	ssyncadd.s32 $0xFFFFD800  }
0x14b: {  	[tilespmem:s22], [sflag:$0x6] =	stream.linear.gather [hbm4b:s8+s4], $0x2800, $0x38;
	[tilespmem:$0x1DAC0] =	vst v63  }
0x14c: {  	_ =	swait.ge [sflag:s23], $0x2800  }
0x14d: {  	[sflag:s23] =	ssyncset.done $0x0  }
0x14e: {  	[sflag:s23] =	ssyncadd.s32 $0xFFFFD800  }
0x14f: {  	[spmem:s13] =	stream.linear.scatter [tilespmem:s22], [sflag:$0x5], $0x2800, $0x38;
	[tilespmem:$0x1DAC0] =	vst v63  }
0x150: {  	_ =	swait.ge [sflag:s24], $0x2800  }
0x151: {  	[sflag:s24] =	ssyncset.done $0x0  }
0x152: {  	s18 =	rddreg [dreg:$0x1c];
	[sflag:s24] =	ssyncadd.s32 $0xFFFFD800  }
0x153: {  	[tilespmem:s22], [sflag:$0x6] =	stream.linear.gather [hbm4b:s18+s4], $0x2800, $0x38;
	[tilespmem:$0x1DAC0] =	vst v63  }
0x154: {  	_ =	swait.ge [sflag:s23], $0x2800  }
0x155: {  	[sflag:s23] =	ssyncset.done $0x0  }
0x156: {  	[sflag:s23] =	ssyncadd.s32 $0xFFFFD800  }
0x157: {  	[spmem:s14] =	stream.linear.scatter [tilespmem:s22], [sflag:$0x5], $0x2800, $0x38;
	[tilespmem:$0x1DAC0] =	vst v63  }
0x158: {  	_ =	swait.ge [sflag:s24], $0x2800  }
0x159: {  	s8 =	sld [smem:$0x7F6]  }
0x15a: {  	[sflag:s24] =	ssyncset.done $0x0  }
0x15b: {  	[sflag:s24] =	ssyncadd.s32 $0xFFFFD800  }
0x15c: {  	[tilespmem:s22], [sflag:$0x6] =	stream.linear.gather [hbm4b:s8+s4], $0x2800, $0x38;
	[tilespmem:$0x1DAC0] =	vst v63  }
0x15d: {  	_ =	swait.ge [sflag:s23], $0x2800  }
0x15e: {  	[sflag:s23] =	ssyncset.done $0x0  }
0x15f: {  	[sflag:s23] =	ssyncadd.s32 $0xFFFFD800  }
0x160: {  	[spmem:s15] =	stream.linear.scatter [tilespmem:s22], [sflag:$0x5], $0x2800, $0x38;
	[tilespmem:$0x1DAC0] =	vst v63  }
0x161: {  	_ =	swait.ge [sflag:s24], $0x2800  }
0x162: {  	s18 =	sld [smem:$0x7FC]  }
0x163: {  	[sflag:s24] =	ssyncset.done $0x0  }
0x164: {  	s2 =	simm.s32 @!p1 $0x7A00;
	s8 =	simm.s32 @!p1 $0x0;
	[sflag:s24] =	ssyncadd.s32 $0xFFFFD800  }
0x165: {  	[tilespmem:s2], [sflag:$0x6] =	stream.linear.gather @!p1 [hbm4b:s18+s8], $0x2800, $0x38;
	[tilespmem:$0x1DAC0] =	vst v63  }
0x166: {  	s8 =	simm.s32 @!p1 $0x6  }
0x167: {  	_ =	swait.ge @!p1 [sflag:s8], $0x2800  }
0x168: {  	[sflag:s8] =	ssyncset.done @!p1 $0x0  }
0x169: {  	[sflag:s8] =	ssyncadd.s32 @!p1 $0xFFFFD800  }
0x16a: {  	[spmem:s17] =	stream.linear.scatter @!p1 [tilespmem:s2], [sflag:$0x5], $0x2800, $0x38;
	[tilespmem:$0x1DAC0] =	vst v63  }
0x16b: {  	s2 =	simm.s32 @!p1 $0x5  }
0x16c: {  	_ =	swait.ge @!p1 [sflag:s2], $0x2800  }
0x16d: {  	[sflag:s2] =	ssyncset.done @!p1 $0x0  }
0x16e: {  	[sflag:s2] =	ssyncadd.s32 @!p1 $0xFFFFD800  }
0x16f: {  	[bflag:$0x0] =	sbarrier.arrive $0xFFFF  }
0x170: {  	[tilespmem:s4], [sflag:$0x5] =	stream.linear.gather [hbm4b:s0+s4], $0x100, $0x38;
	[tilespmem:$0x1DAC0] =	vst v63  }
0x171: {  	_ =	swait.ge [sflag:s24], $0x100  }
0x172: {  	[sflag:s24] =	ssyncset.done $0x0  }
0x173: {  	s18 =	sld [smem:$0x7FA];
	[sflag:s24] =	ssyncadd.s32 $0xFFFFFF00  }
0x174: {  	[tilespmem:s26], [sflag:$0x1] =	stream.indirect.gather [hbm4b:s1+s25], $0x80, s4, s25, $0xb8;
	[tilespmem:$0x1DAC0] =	vst v63  }
0x175: {  	_ = 	snop  }
0x176: {  	[tilespmem:s28], [sflag:$0x5] =	stream.linear.gather [hbm4b:s18+s4], $0x100, $0x38;
	[tilespmem:$0x1DAC0] =	vst v63  }
0x177: {  	_ =	swait.ge [sflag:s24], $0x100  }
0x178: {  	[sflag:s24] =	ssyncset.done $0x0  }
0x179: {  	[sflag:s24] =	ssyncadd.s32 $0xFFFFFF00  }
0x17a: {  	[tilespmem:s29], [sflag:$0x2] =	stream.indirect.gather [hbm4b:s1+s25], $0x80, s28, s25, $0xb8;
	[tilespmem:$0x1DAC0] =	vst v63  }
0x17b: {  	_ =	swait.ge [sflag:s30], $0x3C00  }
0x17c: {  	[sflag:s30] =	ssyncset.done $0x0  }
0x17d: {  	[sflag:s30] =	ssyncadd.s32 $0xFFFFC400  }
0x17e: {  	[spmem:s3] =	stream.indirect.scatter.add.f32 [tilespmem:s26], [sflag:$0x3], $0x80, s31, s25, $0xb8;
	[tilespmem:$0x1DAC0] =	vst v63  }
0x17f: {  	_ =	swait.ge [sflag:s20], $0x3C00  }
0x180: {  	s8 =	sld [smem:$0x7FB]  }
0x181: {  	[sflag:s20] =	ssyncset.done $0x0  }
0x182: {  	[sflag:s20] =	ssyncadd.s32 $0xFFFFC400  }
0x183: {  	[tilespmem:s4], [sflag:$0x5] =	stream.linear.gather [hbm4b:s8+s4], $0x100, $0x38;
	[tilespmem:$0x1DAC0] =	vst v63  }
0x184: {  	_ =	swait.ge [sflag:s24], $0x100  }
0x185: {  	[sflag:s24] =	ssyncset.done $0x0  }
0x186: {  	[sflag:s24] =	ssyncadd.s32 $0xFFFFFF00  }
0x187: {  	[tilespmem:s26], [sflag:$0x1] =	stream.indirect.gather [hbm4b:s1+s25], $0x80, s4, s25, $0xb8;
	[tilespmem:$0x1DAC0] =	vst v63  }
0x188: {  	_ =	swait.ge [sflag:s21], $0x3C00  }
0x189: {  	[sflag:s21] =	ssyncset.done $0x0  }
0x18a: {  	[sflag:s21] =	ssyncadd.s32 $0xFFFFC400  }
0x18b: {  	[spmem:s3] =	stream.indirect.scatter.add.f32 [tilespmem:s29], [sflag:$0x4], $0x80, s16, s25, $0xb8;
	[tilespmem:$0x1DAC0] =	vst v63  }
0x18c: {  	_ =	swait.ge [sflag:s6], $0x3C00  }
0x18d: {  	s2 =	sadd.s32 $0xFFFFF600, s0;
	[sflag:s6] =	ssyncset.done $0x0  }
0x18e: {  	s18 =	sadd.s32 $0xA60, s2;
	[sflag:s6] =	ssyncadd.s32 $0xFFFFC400  }
0x18f: {  	[tilespmem:s28], [sflag:$0x5] =	stream.linear.gather [hbm4b:s18+s4], $0x100, $0x38;
	[tilespmem:$0x1DAC0] =	vst v63  }
0x190: {  	_ =	swait.ge [sflag:s24], $0x100  }
0x191: {  	[sflag:s24] =	ssyncset.done $0x0  }
0x192: {  	[sflag:s24] =	ssyncadd.s32 $0xFFFFFF00  }
0x193: {  	[tilespmem:s29], [sflag:$0x2] =	stream.indirect.gather [hbm4b:s1+s25], $0x80, s28, s25, $0xb8;
	[tilespmem:$0x1DAC0] =	vst v63  }
0x194: {  	_ =	swait.ge [sflag:s30], $0x3C00  }
0x195: {  	[sflag:s30] =	ssyncset.done $0x0  }
0x196: {  	[sflag:s30] =	ssyncadd.s32 $0xFFFFC400  }
0x197: {  	[spmem:s3] =	stream.indirect.scatter.add.f32 [tilespmem:s26], [sflag:$0x3], $0x80, s31, s25, $0xb8;
	[tilespmem:$0x1DAC0] =	vst v63  }
0x198: {  	_ =	swait.ge [sflag:s20], $0x3C00  }
0x199: {  	[sflag:s20] =	ssyncset.done $0x0  }
0x19a: {  	s2 =	sadd.s32 $0xA80, s2;
	[sflag:s20] =	ssyncadd.s32 $0xFFFFC400  }
0x19b: {  	[tilespmem:s4], [sflag:$0x5] =	stream.linear.gather [hbm4b:s2+s4], $0x100, $0x38;
	[tilespmem:$0x1DAC0] =	vst v63  }
0x19c: {  	_ =	swait.ge [sflag:s24], $0x100  }
0x19d: {  	[sflag:s24] =	ssyncset.done $0x0  }
0x19e: {  	[sflag:s24] =	ssyncadd.s32 $0xFFFFFF00  }
0x19f: {  	[tilespmem:s26], [sflag:$0x1] =	stream.indirect.gather [hbm4b:s1+s25], $0x80, s4, s25, $0xb8;
	[tilespmem:$0x1DAC0] =	vst v63  }
0x1a0: {  	_ =	swait.ge [sflag:s21], $0x3C00  }
0x1a1: {  	[sflag:s21] =	ssyncset.done $0x0  }
0x1a2: {  	s8 =	simm.s32 $0xFFFFF640;
	[sflag:s21] =	ssyncadd.s32 $0xFFFFC400  }
.LBB2_3:
0x1a3: {  	[spmem:s3] =	stream.indirect.scatter.add.f32 [tilespmem:s29], [sflag:$0x4], $0x80, s16, s25, $0xb8;
	[tilespmem:$0x1DAC0] =	vst v63  }
0x1a4: {  	s2 =	smov.u32 s8  }
0x1a5: {  	p3 =	sne.s32 s8, $0xFFFFFFC0;
	s8 =	sadd.s32 $0x40, s8;
	_ =	swait.ge [sflag:s6], $0x3C00  }
0x1a6: {  	s2 =	sadd.s32 s2, s0;
	[sflag:s6] =	ssyncset.done $0x0  }
0x1a7: {  	s18 =	sadd.s32 $0xA60, s2;
	[sflag:s6] =	ssyncadd.s32 $0xFFFFC400  }
0x1a8: {  	[tilespmem:s28], [sflag:$0x5] =	stream.linear.gather [hbm4b:s18+s4], $0x100, $0x38;
	[tilespmem:$0x1DAC0] =	vst v63  }
0x1a9: {  	_ =	swait.ge [sflag:s24], $0x100  }
0x1aa: {  	[sflag:s24] =	ssyncset.done $0x0  }
0x1ab: {  	[sflag:s24] =	ssyncadd.s32 $0xFFFFFF00  }
0x1ac: {  	[tilespmem:s29], [sflag:$0x2] =	stream.indirect.gather [hbm4b:s1+s25], $0x80, s28, s25, $0xb8;
	[tilespmem:$0x1DAC0] =	vst v63  }
0x1ad: {  	_ =	swait.ge [sflag:s30], $0x3C00  }
0x1ae: {  	[sflag:s30] =	ssyncset.done $0x0  }
0x1af: {  	[sflag:s30] =	ssyncadd.s32 $0xFFFFC400  }
0x1b0: {  	[spmem:s3] =	stream.indirect.scatter.add.f32 [tilespmem:s26], [sflag:$0x3], $0x80, s31, s25, $0xb8;
	[tilespmem:$0x1DAC0] =	vst v63  }
0x1b1: {  	_ =	swait.ge [sflag:s20], $0x3C00  }
0x1b2: {  	[sflag:s20] =	ssyncset.done $0x0  }
0x1b3: {  	s2 =	sadd.s32 $0xA80, s2;
	[sflag:s20] =	ssyncadd.s32 $0xFFFFC400  }
0x1b4: {  	[tilespmem:s4], [sflag:$0x5] =	stream.linear.gather [hbm4b:s2+s4], $0x100, $0x38;
	[tilespmem:$0x1DAC0] =	vst v63  }
0x1b5: {  	_ =	swait.ge [sflag:s24], $0x100  }
0x1b6: {  	[sflag:s24] =	ssyncset.done $0x0  }
.Ltmp6:
0x1b7: {  	[sflag:s24] =	ssyncadd.s32 $0xFFFFFF00;
	(pc) =	sbr.rel @p3 .LBB2_3-.Ltmp6, $4  }
0x1b8: {  	[tilespmem:s26], [sflag:$0x1] =	stream.indirect.gather [hbm4b:s1+s25], $0x80, s4, s25, $0xb8;
	[tilespmem:$0x1DAC0] =	vst v63  }
0x1b9: {  	_ =	swait.ge [sflag:s21], $0x3C00  }
0x1ba: {  	[sflag:s21] =	ssyncset.done $0x0  }
0x1bb: {  	[sflag:s21] =	ssyncadd.s32 $0xFFFFC400  }
0x1bc: {  	[spmem:s3] =	stream.indirect.scatter.add.f32 [tilespmem:s29], [sflag:$0x4], $0x80, s16, s25, $0xb8;
	[tilespmem:$0x1DAC0] =	vst v63  }
0x1bd: {  	_ =	swait.ge [sflag:s6], $0x3C00  }
0x1be: {  	[sflag:s6] =	ssyncset.done $0x0  }
0x1bf: {  	[sflag:s6] =	ssyncadd.s32 $0xFFFFC400  }
0x1c0: {  	[tilespmem:s28], [sflag:$0x5] =	stream.linear.gather [hbm4b:s19+s4], $0x100, $0x38;
	[tilespmem:$0x1DAC0] =	vst v63  }
0x1c1: {  	_ =	swait.ge [sflag:s24], $0x100  }
0x1c2: {  	[sflag:s24] =	ssyncset.done $0x0  }
0x1c3: {  	[sflag:s24] =	ssyncadd.s32 $0xFFFFFF00  }
0x1c4: {  	[tilespmem:s29], [sflag:$0x2] =	stream.indirect.gather [hbm4b:s1+s25], $0x80, s28, s25, $0xb8;
	[tilespmem:$0x1DAC0] =	vst v63  }
0x1c5: {  	_ =	swait.ge [sflag:s30], $0x3C00  }
0x1c6: {  	[sflag:s30] =	ssyncset.done $0x0  }
0x1c7: {  	[sflag:s30] =	ssyncadd.s32 $0xFFFFC400  }
0x1c8: {  	[spmem:s3] =	stream.indirect.scatter.add.f32 [tilespmem:s26], [sflag:$0x3], $0x80, s31, s25, $0xb8;
	[tilespmem:$0x1DAC0] =	vst v63  }
0x1c9: {  	_ =	swait.ge [sflag:s21], $0x3C00  }
0x1ca: {  	[sflag:s21] =	ssyncset.done $0x0  }
0x1cb: {  	[sflag:s21] =	ssyncadd.s32 $0xFFFFC400  }
0x1cc: {  	[spmem:s3] =	stream.indirect.scatter.add.f32 [tilespmem:s29], [sflag:$0x4], $0x80, s16, s25, $0xb8;
	[tilespmem:$0x1DAC0] =	vst v63  }
0x1cd: {  	_ =	swait.ge [sflag:s20], $0x3C00  }
0x1ce: {  	[sflag:s20] =	ssyncset.done $0x0  }
0x1cf: {  	[sflag:s20] =	ssyncadd.s32 $0xFFFFC400  }
0x1d0: {  	_ =	swait.ge [sflag:s6], $0x3C00  }
0x1d1: {  	[sflag:s6] =	ssyncset.done $0x0  }
0x1d2: {  	[sflag:s6] =	ssyncadd.s32 $0xFFFFC400  }
0x1d3: {  	[bflag:$0x0] =	sbarrier.arrive $0xFFFF  }
0x1d4: {  	[tilespmem:s22], [sflag:$0x6] =	stream.linear.gather [spmem:s9], $0x2800, $0x38;
	[tilespmem:$0x1DAC0] =	vst v63  }
0x1d5: {  	_ =	swait.ge [sflag:s23], $0x2800  }
0x1d6: {  	[sflag:s23] =	ssyncset.done $0x0  }
0x1d7: {  	s2 =	rddreg [dreg:$0x9];
	[sflag:s23] =	ssyncadd.s32 $0xFFFFD800  }
0x1d8: {  	[hbm4b:s2+s4] =	stream.linear.scatter [tilespmem:s22], [sflag:$0x5], $0x2800, $0x38;
	[tilespmem:$0x1DAC0] =	vst v63  }
0x1d9: {  	_ =	swait.ge [sflag:s24], $0x2800  }
0x1da: {  	[sflag:s24] =	ssyncset.done $0x0  }
0x1db: {  	[sflag:s24] =	ssyncadd.s32 $0xFFFFD800  }
0x1dc: {  	[tilespmem:s22], [sflag:$0x6] =	stream.linear.gather [spmem:s10], $0x2800, $0x38;
	[tilespmem:$0x1DAC0] =	vst v63  }
0x1dd: {  	_ =	swait.ge [sflag:s23], $0x2800  }
0x1de: {  	[sflag:s23] =	ssyncset.done $0x0  }
0x1df: {  	s8 =	rddreg [dreg:$0xd];
	[sflag:s23] =	ssyncadd.s32 $0xFFFFD800  }
0x1e0: {  	[hbm4b:s8+s4] =	stream.linear.scatter [tilespmem:s22], [sflag:$0x5], $0x2800, $0x38;
	[tilespmem:$0x1DAC0] =	vst v63  }
0x1e1: {  	_ =	swait.ge [sflag:s24], $0x2800  }
0x1e2: {  	[sflag:s24] =	ssyncset.done $0x0  }
0x1e3: {  	[sflag:s24] =	ssyncadd.s32 $0xFFFFD800  }
0x1e4: {  	[tilespmem:s22], [sflag:$0x6] =	stream.linear.gather [spmem:s11], $0x2800, $0x38;
	[tilespmem:$0x1DAC0] =	vst v63  }
0x1e5: {  	_ =	swait.ge [sflag:s23], $0x2800  }
0x1e6: {  	[sflag:s23] =	ssyncset.done $0x0  }
0x1e7: {  	s18 =	rddreg [dreg:$0x11];
	[sflag:s23] =	ssyncadd.s32 $0xFFFFD800  }
0x1e8: {  	[hbm4b:s18+s4] =	stream.linear.scatter [tilespmem:s22], [sflag:$0x5], $0x2800, $0x38;
	[tilespmem:$0x1DAC0] =	vst v63  }
0x1e9: {  	_ =	swait.ge [sflag:s24], $0x2800  }
0x1ea: {  	[sflag:s24] =	ssyncset.done $0x0  }
0x1eb: {  	[sflag:s24] =	ssyncadd.s32 $0xFFFFD800  }
0x1ec: {  	[tilespmem:s22], [sflag:$0x6] =	stream.linear.gather [spmem:s12], $0x2800, $0x38;
	[tilespmem:$0x1DAC0] =	vst v63  }
0x1ed: {  	_ =	swait.ge [sflag:s23], $0x2800  }
0x1ee: {  	[sflag:s23] =	ssyncset.done $0x0  }
0x1ef: {  	s8 =	rddreg [dreg:$0x15];
	[sflag:s23] =	ssyncadd.s32 $0xFFFFD800  }
0x1f0: {  	[hbm4b:s8+s4] =	stream.linear.scatter [tilespmem:s22], [sflag:$0x5], $0x2800, $0x38;
	[tilespmem:$0x1DAC0] =	vst v63  }
0x1f1: {  	_ =	swait.ge [sflag:s24], $0x2800  }
0x1f2: {  	[sflag:s24] =	ssyncset.done $0x0  }
0x1f3: {  	[sflag:s24] =	ssyncadd.s32 $0xFFFFD800  }
0x1f4: {  	[tilespmem:s22], [sflag:$0x6] =	stream.linear.gather [spmem:s13], $0x2800, $0x38;
	[tilespmem:$0x1DAC0] =	vst v63  }
0x1f5: {  	_ =	swait.ge [sflag:s23], $0x2800  }
0x1f6: {  	[sflag:s23] =	ssyncset.done $0x0  }
0x1f7: {  	s18 =	rddreg [dreg:$0x19];
	[sflag:s23] =	ssyncadd.s32 $0xFFFFD800  }
0x1f8: {  	[hbm4b:s18+s4] =	stream.linear.scatter [tilespmem:s22], [sflag:$0x5], $0x2800, $0x38;
	[tilespmem:$0x1DAC0] =	vst v63  }
0x1f9: {  	_ =	swait.ge [sflag:s24], $0x2800  }
0x1fa: {  	[sflag:s24] =	ssyncset.done $0x0  }
0x1fb: {  	[sflag:s24] =	ssyncadd.s32 $0xFFFFD800  }
0x1fc: {  	[tilespmem:s22], [sflag:$0x6] =	stream.linear.gather [spmem:s14], $0x2800, $0x38;
	[tilespmem:$0x1DAC0] =	vst v63  }
0x1fd: {  	_ =	swait.ge [sflag:s23], $0x2800  }
0x1fe: {  	[sflag:s23] =	ssyncset.done $0x0  }
0x1ff: {  	s8 =	rddreg [dreg:$0x1d];
	[sflag:s23] =	ssyncadd.s32 $0xFFFFD800  }
0x200: {  	[hbm4b:s8+s4] =	stream.linear.scatter [tilespmem:s22], [sflag:$0x5], $0x2800, $0x38;
	[tilespmem:$0x1DAC0] =	vst v63  }
0x201: {  	_ =	swait.ge [sflag:s24], $0x2800  }
0x202: {  	[sflag:s24] =	ssyncset.done $0x0  }
0x203: {  	[sflag:s24] =	ssyncadd.s32 $0xFFFFD800  }
0x204: {  	[tilespmem:s22], [sflag:$0x6] =	stream.linear.gather [spmem:s15], $0x2800, $0x38;
	[tilespmem:$0x1DAC0] =	vst v63  }
0x205: {  	_ =	swait.ge [sflag:s23], $0x2800  }
0x206: {  	s18 =	sld [smem:$0x7F7]  }
0x207: {  	[sflag:s23] =	ssyncset.done $0x0  }
0x208: {  	[sflag:s23] =	ssyncadd.s32 $0xFFFFD800  }
0x209: {  	[hbm4b:s18+s4] =	stream.linear.scatter [tilespmem:s22], [sflag:$0x5], $0x2800, $0x38;
	[tilespmem:$0x1DAC0] =	vst v63  }
.Ltmp7:
0x20a: {  	_ = 	snop;
	(pc) =	sbr.rel @p2 .LBB2_8-.Ltmp7, $4  }
.Ltmp8:
0x20b: {  	_ = 	snop;
	(pc) =	sbr.rel @!p2 .LBB2_9-.Ltmp8, $4  }
0x20c: {  	_ =	swait.ge [sflag:s24], $0x2800  }
0x20d: {  	[sflag:s24] =	ssyncset.done $0x0  }
0x20e: {  	s8 =	rddreg [dreg:$0x4];
	[sflag:s24] =	ssyncadd.s32 $0xFFFFD800  }
0x20f: {  	_ = 	snop  }
.LBB2_10:
0x210: {  	_ =	sfence.sel $0x180000  }
0x211: {  	[bflag:$0x0] =	sbarrier.arrive $0xFFFF  }
0x212: {  	_ =	strace $0x90000050  }
0x213: {  	s0 =	stileid.u32;
	[bflag:$0x2] =	sbarrier.arrive $0xFFFF  }
0x214: {  	p0 =	sne.s32 s0, $0x0;
	s0 =	rddreg [dreg:$0x3]  }
0x215: {  	s0 =	sadd.s32 @!p0 $0x100000, s0  }
0x216: {  	[sflag:s0] =	ssyncadd.tile.s32 @!p0 $0x1;
	_ =	shalt  }
.Lfunc_end2:
_tile_overlayer_lowered:
.L_overlay_start_2:
0x217: {  	(tag) =	ssettag $0x2  }
0x218: {  	s0 =	rddreg [dreg:$0x0];
	s2 =	stileid.u32  }
0x219: {  	s1 =	rddreg [dreg:$0x1];
	p0 =	sne.s32 s2, $0x0  }
0x21a: {  	s3 =	rddreg [dreg:$0x2];
	[bflag:$0x3] =	sbarrier.arrive $0xFFFF;
	s2 =	simm.s32 @!p0 $0x1C05  }
0x21b: {  	[timem:s3], [sflag:s2] =	dma.local @!p0 [hbm:s0], s1  }
0x21c: {  	s0 =	simm.s32 @!p0 $0x5  }
0x21d: {  	_ =	swait.ge @!p0 [sflag:s0], s1  }
0x21e: {  	s1 =	ssub.s32 @!p0 $0x0, s1;
	[sflag:s0] =	ssyncset.done @!p0 $0x0  }
0x21f: {  	[sflag:s0] =	ssyncadd.s32 @!p0 s1  }
0x220: {  	[bflag:$0x3] =	sbarrier.arrive $0xFFFF  }
0x221: {  	_ =	shalt  }

</sc_bundles>
